<compile_context>
chip_gen: v7x
topology: tpu7x:2x2x1
jax: 0.10.2.dev20260603
libtpu: 0.0.44.dev20260713+nightly
codegen_flags: <defaults>
</compile_context>

<pallas_src>
import functools

import jax
import jax.numpy as jnp
from jax.experimental import pallas as pl

DIM = 192
WS = 8
RATIO = 0.5



def _conv2d(x, w, b=None, stride=1, padding=0, groups=1, dilation=1):
    out = jax.lax.conv_general_dilated(
        x, w, (stride, stride), [(padding, padding), (padding, padding)],
        rhs_dilation=(dilation, dilation), feature_group_count=groups,
        dimension_numbers=('NCHW', 'OIHW', 'NCHW'))
    if b is not None:
        out = out + b[None, :, None, None]
    return out


def _layernorm_cf(x, w, b, eps=1e-6):
    u = jnp.mean(x, axis=1, keepdims=True)
    s = jnp.mean((x - u) ** 2, axis=1, keepdims=True)
    xn = (x - u) / jnp.sqrt(s + eps)
    return w[None, :, None, None] * xn + b[None, :, None, None]


def _flow_warp(x, flow):
    n, c, h, w = x.shape
    gy, gx = jnp.meshgrid(jnp.arange(h, dtype=x.dtype), jnp.arange(w, dtype=x.dtype), indexing='ij')
    vx = gx[None] + flow[..., 0]
    vy = gy[None] + flow[..., 1]
    x0 = jnp.floor(vx); y0 = jnp.floor(vy)
    wx = (vx - x0)[..., None]; wy = (vy - y0)[..., None]
    xh = jnp.transpose(x, (0, 2, 3, 1))
    bidx = jnp.arange(n)[:, None, None]
    def gat(yi, xi):
        yi = jnp.clip(yi, 0, h - 1).astype(jnp.int32)
        xi = jnp.clip(xi, 0, w - 1).astype(jnp.int32)
        return xh[bidx, yi, xi]
    v00 = gat(y0, x0); v01 = gat(y0, x0 + 1)
    v10 = gat(y0 + 1, x0); v11 = gat(y0 + 1, x0 + 1)
    out = v00 * (1 - wx) * (1 - wy) + v01 * wx * (1 - wy) + v10 * (1 - wx) * wy + v11 * wx * wy
    return jnp.transpose(out, (0, 3, 1, 2))


def _predictor(p, cond):
    x = _conv2d(cond, p['p_in_w'], p['p_in_b'])
    x = _layernorm_cf(x, p['p_ln_w'], p['p_ln_b'])
    x = jax.nn.leaky_relu(x, 0.1)
    off = jax.nn.leaky_relu(_conv2d(x, p['p_off1_w'], p['p_off1_b']), 0.1)
    offsets = jnp.tanh(_conv2d(off, p['p_off2_w'], p['p_off2_b'])) * 8.0
    x3 = _conv2d(x, p['p_conv_w'], p['p_conv_b'])
    x1, x2 = jnp.split(x3, 2, axis=1)
    ca = jax.nn.sigmoid(_conv2d(jnp.mean(x1, axis=(2, 3), keepdims=True), p['p_ca_w'], p['p_ca_b']))
    sa = jax.nn.sigmoid(_conv2d(x2, p['p_sa_w'], p['p_sa_b'], padding=1))
    xm = jnp.mean(x, axis=1, keepdims=True)
    B, _, H, W = xm.shape
    h, w = H // WS, W // WS
    xm = xm.reshape(B, 1, h, WS, w, WS).transpose(0, 3, 5, 1, 2, 4).reshape(B, WS * WS, h, w)
    ps = _conv2d(xm, p['p_mask1_w'], p['p_mask1_b'])
    ps = _conv2d(ps, p['p_mask2_w'], p['p_mask2_b'])
    ps = jax.nn.softmax(ps, axis=-1)
    pred_score = ps.reshape(B, h * w, 2)
    return offsets, ca, sa, pred_score


def _keep_mask(pred_score, Nw):
    key = jax.random.key(42)
    g = jax.random.gumbel(key, pred_score.shape, dtype=pred_score.dtype)
    y = jax.nn.softmax(pred_score + g, axis=2)
    mask = (y[:, :, 0:1] >= y[:, :, 1:2]).astype(pred_score.dtype)
    r = jnp.mean(mask).astype(jnp.float32)
    scale = jnp.float32(Nw * 2 * RATIO)
    rb = jax.lax.bitcast_convert_type(r, jnp.uint32)
    rh = jax.lax.bitcast_convert_type(rb & jnp.uint32(0xFFFFF000), jnp.float32)
    rl = r - rh
    a_hi = scale * rh
    a_lo = scale * rl
    fa = jnp.floor(a_hi)
    frac = a_hi - fa
    carry = ((frac - jnp.float32(1.0)) + a_lo) >= 0
    nk = fa + jnp.where(carry, jnp.float32(1.0), jnp.float32(0.0))
    num_keep = jnp.minimum(nk, jnp.float32(Nw)).astype(jnp.int32)
    idx = jnp.argsort(-pred_score[:, :, 0], axis=1)
    rank = jnp.argsort(idx, axis=1)
    keep = rank < num_keep
    return keep



def _attn_kernel(nwin, x_ref, k_ref, v_ref, wq_ref, bq_ref, wk_ref, bk_ref,
                 o_ref):
    C = x_ref.shape[-1]
    ws = WS
    xb = x_ref[0]
    kb = k_ref[0]
    vb = v_ref[0]
    W = xb.shape[1]
    x2 = xb.reshape(ws * W, C)
    k2 = kb.reshape(ws * W, C)
    q = jnp.dot(x2, wq_ref[...], preferred_element_type=jnp.float32) + bq_ref[...]
    kk = jnp.dot(k2, wk_ref[...], preferred_element_type=jnp.float32) + bk_ref[...]
    q = q.reshape(ws, W, C)
    kk = kk.reshape(ws, W, C)
    for wi in range(nwin):
        sl = slice(wi * ws, (wi + 1) * ws)
        qw = q[:, sl, :].reshape(ws * ws, C)
        kw = kk[:, sl, :].reshape(ws * ws, C)
        vw = vb[:, sl, :].reshape(ws * ws, C)
        aw = jax.lax.dot_general(qw, kw, (((1,), (1,)), ((), ())),
                                 preferred_element_type=jnp.float32)
        aw = jax.nn.softmax(aw, axis=-1)
        fw = jnp.dot(aw, vw, preferred_element_type=jnp.float32)
        o_ref[0, :, sl, :] = fw.reshape(ws, ws, C)


def _window_attention(x_cl, k_cl, v_cl, wqT, bq, wkT, bk):
    N, H, W, C = x_cl.shape
    h = H // WS
    kern = functools.partial(_attn_kernel, W // WS)
    return pl.pallas_call(
        kern,
        grid=(N, h),
        in_specs=[
            pl.BlockSpec((1, WS, W, C), lambda n, i: (n, i, 0, 0)),
            pl.BlockSpec((1, WS, W, C), lambda n, i: (n, i, 0, 0)),
            pl.BlockSpec((1, WS, W, C), lambda n, i: (n, i, 0, 0)),
            pl.BlockSpec((C, C), lambda n, i: (0, 0)),
            pl.BlockSpec((1, C), lambda n, i: (0, 0)),
            pl.BlockSpec((C, C), lambda n, i: (0, 0)),
            pl.BlockSpec((1, C), lambda n, i: (0, 0)),
        ],
        out_specs=pl.BlockSpec((1, WS, W, C), lambda n, i: (n, i, 0, 0)),
        out_shape=jax.ShapeDtypeStruct((N, H, W, C), jnp.float32),
    )(x_cl, k_cl, v_cl, wqT, bq.reshape(1, C), wkT, bk.reshape(1, C))



def kernel(x, condition_global, params):
    p = params
    N, C, H, W = x.shape
    h, w = H // WS, W // WS
    Nw = h * w

    v = _conv2d(x, p['Wv'], p['bv'])

    ls = jnp.linspace(-1.0, 1.0, WS)
    ga, gb = jnp.meshgrid(ls, ls, indexing='ij')
    cw = jnp.tile(jnp.stack([ga, gb])[None], (N, 1, h, w)).astype(x.dtype)
    cond = jnp.concatenate([v, condition_global, cw], axis=1)
    offsets, ca, sa, pred_score = _predictor(p, cond)

    keep = _keep_mask(pred_score, Nw)

    k = x + _flow_warp(x, jnp.transpose(offsets, (0, 2, 3, 1)))

    x_cl = jnp.transpose(x, (0, 2, 3, 1))
    k_cl = jnp.transpose(k, (0, 2, 3, 1))
    v_cl = jnp.transpose(v, (0, 2, 3, 1))
    f_cl = _window_attention(x_cl, k_cl, v_cl,
                             p['Wq'].T, p['bq'], p['Wk'].T, p['bk'])
    f_attn = f_cl.reshape(N, h, WS, w, WS, C).transpose(0, 1, 3, 2, 4, 5) \
                 .reshape(N, Nw, WS * WS * C)

    sca = sa * ca
    vs = v * sca
    def to_win(t):
        B, Cc = t.shape[0], t.shape[1]
        return t.reshape(B, Cc, h, WS, w, WS).transpose(0, 2, 4, 3, 5, 1).reshape(B, h * w, WS * WS * Cc)
    vsw = to_win(vs)
    out_w = jnp.where(keep[..., None], f_attn, vsw)
    out = out_w.reshape(N, h, w, WS, WS, C).transpose(0, 5, 1, 3, 2, 4).reshape(N, C, H, W)
    cs = _conv2d(out, p['Wcs1'], p['bcs1'], padding=1, groups=C)
    cs = _conv2d(cs, p['Wcs2'], p['bcs2'], padding=2, groups=C, dilation=2)
    out = jax.nn.gelu(cs, approximate=False) * ca + out
    out = _conv2d(out, p['Wout'], p['bout'])
    return out

# --- scband reference (transcript-rebuilt; emitter-appended) ---
"""Pipeline reference for scband-camm-18820546691539 (READ-ONLY COPY).

The authoritative reference and input builder live on the scoring server;
editing this copy changes nothing except your own understanding.
"""

import jax, jax.numpy as jnp
import numpy as np

DIM = 192
WS = 8
RATIO = 0.5

def conv2d(x, w, b=None, stride=1, padding=0, groups=1, dilation=1):
    out = jax.lax.conv_general_dilated(
        x, w, (stride, stride), [(padding, padding), (padding, padding)],
        rhs_dilation=(dilation, dilation), feature_group_count=groups,
        dimension_numbers=('NCHW', 'OIHW', 'NCHW'))
    if b is not None:
        out = out + b[None, :, None, None]
    return out

def layernorm_cf(x, w, b, eps=1e-6):
    u = jnp.mean(x, axis=1, keepdims=True)
    s = jnp.mean((x - u) ** 2, axis=1, keepdims=True)
    xn = (x - u) / jnp.sqrt(s + eps)
    return w[None, :, None, None] * xn + b[None, :, None, None]

def flow_warp(x, flow):
    n, c, h, w = x.shape
    gy, gx = jnp.meshgrid(jnp.arange(h, dtype=x.dtype), jnp.arange(w, dtype=x.dtype), indexing='ij')
    vx = gx[None] + flow[..., 0]
    vy = gy[None] + flow[..., 1]
    x0 = jnp.floor(vx); y0 = jnp.floor(vy)
    wx = (vx - x0)[..., None]; wy = (vy - y0)[..., None]
    xh = jnp.transpose(x, (0, 2, 3, 1))
    bidx = jnp.arange(n)[:, None, None]
    def gat(yi, xi):
        yi = jnp.clip(yi, 0, h - 1).astype(jnp.int32)
        xi = jnp.clip(xi, 0, w - 1).astype(jnp.int32)
        return xh[bidx, yi, xi]
    v00 = gat(y0, x0); v01 = gat(y0, x0 + 1)
    v10 = gat(y0 + 1, x0); v11 = gat(y0 + 1, x0 + 1)
    out = v00 * (1 - wx) * (1 - wy) + v01 * wx * (1 - wy) + v10 * (1 - wx) * wy + v11 * wx * wy
    return jnp.transpose(out, (0, 3, 1, 2))

def predictor(p, cond):
    x = conv2d(cond, p['p_in_w'], p['p_in_b'])
    x = layernorm_cf(x, p['p_ln_w'], p['p_ln_b'])
    x = jax.nn.leaky_relu(x, 0.1)
    off = jax.nn.leaky_relu(conv2d(x, p['p_off1_w'], p['p_off1_b']), 0.1)
    offsets = jnp.tanh(conv2d(off, p['p_off2_w'], p['p_off2_b'])) * 8.0
    x3 = conv2d(x, p['p_conv_w'], p['p_conv_b'])
    x1, x2 = jnp.split(x3, 2, axis=1)
    ca = jax.nn.sigmoid(conv2d(jnp.mean(x1, axis=(2, 3), keepdims=True), p['p_ca_w'], p['p_ca_b']))
    sa = jax.nn.sigmoid(conv2d(x2, p['p_sa_w'], p['p_sa_b'], padding=1))
    xm = jnp.mean(x, axis=1, keepdims=True)
    B, _, H, W = xm.shape
    h, w = H // WS, W // WS
    xm = xm.reshape(B, 1, h, WS, w, WS).transpose(0, 3, 5, 1, 2, 4).reshape(B, WS * WS, h, w)
    ps = conv2d(xm, p['p_mask1_w'], p['p_mask1_b'])
    ps = conv2d(ps, p['p_mask2_w'], p['p_mask2_b'])
    ps = jax.nn.softmax(ps, axis=-1)
    pred_score = ps.reshape(B, h * w, 2)
    return offsets, ca, sa, pred_score

def _build_cond(p, x, cg, v):
    N, C, H, W = x.shape
    h, w = H // WS, W // WS
    ls = jnp.linspace(-1.0, 1.0, WS)
    ga, gb = jnp.meshgrid(ls, ls, indexing='ij')
    cw = jnp.tile(jnp.stack([ga, gb])[None], (N, 1, h, w)).astype(x.dtype)
    return jnp.concatenate([v, cg, cw], axis=1)

def camm_forward(p, x, cg, idx_pair=None):
    N, C, H, W = x.shape
    h, w = H // WS, W // WS
    v = conv2d(x, p['Wv'], p['bv'])
    cond = _build_cond(p, x, cg, v)
    offsets, ca, sa, pred_score = predictor(p, cond)
    Nw = pred_score.shape[1]
    if idx_pair is None:
        key = jax.random.key(42)
        g = jax.random.gumbel(key, pred_score.shape, dtype=pred_score.dtype)
        y = jax.nn.softmax(pred_score + g, axis=2)
        mask = (y[:, :, 0:1] >= y[:, :, 1:2]).astype(pred_score.dtype)
        r = jnp.mean(mask).astype(jnp.float32)
        scale = jnp.float32(Nw * 2 * RATIO)
        rb = jax.lax.bitcast_convert_type(r, jnp.uint32)
        rh = jax.lax.bitcast_convert_type(rb & jnp.uint32(0xFFFFF000), jnp.float32)
        rl = r - rh
        a_hi = scale * rh
        a_lo = scale * rl
        fa = jnp.floor(a_hi)
        frac = a_hi - fa
        carry = ((frac - jnp.float32(1.0)) + a_lo) >= 0
        nk = fa + jnp.where(carry, jnp.float32(1.0), jnp.float32(0.0))
        num_keep = jnp.minimum(nk, jnp.float32(Nw)).astype(jnp.int32)
        idx = jnp.argsort(-pred_score[:, :, 0], axis=1)
        rank = jnp.argsort(idx, axis=1)
        keep = rank < num_keep
    else:
        idx1, idx2 = idx_pair
        keep = jnp.zeros((N, Nw), dtype=bool).at[jnp.arange(N)[:, None], idx1].set(True)
    k = x + flow_warp(x, jnp.transpose(offsets, (0, 2, 3, 1)))
    qk = jnp.concatenate([x, k], axis=1)
    sca = sa * ca
    vs = v * sca
    def to_win(t):
        B, Cc = t.shape[0], t.shape[1]
        return t.reshape(B, Cc, h, WS, w, WS).transpose(0, 2, 4, 3, 5, 1).reshape(B, h * w, WS * WS * Cc)
    vw, vsw, qkw = to_win(v), to_win(vs), to_win(qk)
    qk1 = qkw.reshape(N, Nw * WS * WS, 2 * C)
    q1, k1 = jnp.split(qk1, 2, axis=2)
    q1 = q1 @ p['Wq'].T + p['bq']
    k1 = k1 @ p['Wk'].T + p['bk']
    q1 = q1.reshape(N * Nw, WS * WS, C)
    k1 = k1.reshape(N * Nw, WS * WS, C)
    v1 = vw.reshape(N * Nw, WS * WS, C)
    attn = jax.nn.softmax(q1 @ jnp.swapaxes(k1, -1, -2), axis=-1)
    f_attn = (attn @ v1).reshape(N, Nw, WS * WS * C)
    out_w = jnp.where(keep[..., None], f_attn, vsw)
    out = out_w.reshape(N, h, w, WS, WS, C).transpose(0, 5, 1, 3, 2, 4).reshape(N, C, H, W)
    cs = conv2d(out, p['Wcs1'], p['bcs1'], padding=1, groups=C)
    cs = conv2d(cs, p['Wcs2'], p['bcs2'], padding=2, groups=C, dilation=2)
    out = jax.nn.gelu(cs, approximate=False) * ca + out
    out = conv2d(out, p['Wout'], p['bout'])
    return out

def _make_params():
    base = jax.random.key(1)
    def nrm(i, shape, scale=0.02):
        return jax.random.normal(jax.random.fold_in(base, i), shape, dtype=jnp.float32) * scale
    dim = DIM; cdim = dim + 4; c4 = cdim // 4; c8 = cdim // 8; emb = WS * WS
    p = {}
    p['Wv'] = nrm(0, (dim, dim, 1, 1)); p['bv'] = jnp.zeros((dim,), jnp.float32)
    p['Wq'] = nrm(1, (dim, dim)); p['bq'] = jnp.zeros((dim,), jnp.float32)
    p['Wk'] = nrm(2, (dim, dim)); p['bk'] = jnp.zeros((dim,), jnp.float32)
    p['Wcs1'] = nrm(3, (dim, 1, 3, 3)); p['bcs1'] = jnp.zeros((dim,), jnp.float32)
    p['Wcs2'] = nrm(4, (dim, 1, 3, 3)); p['bcs2'] = jnp.zeros((dim,), jnp.float32)
    p['Wout'] = nrm(5, (dim, dim, 1, 1)); p['bout'] = jnp.zeros((dim,), jnp.float32)
    p['p_in_w'] = nrm(6, (c4, cdim, 1, 1)); p['p_in_b'] = jnp.zeros((c4,), jnp.float32)
    p['p_ln_w'] = jnp.ones((c4,), jnp.float32); p['p_ln_b'] = jnp.zeros((c4,), jnp.float32)
    p['p_off1_w'] = nrm(7, (c8, c4, 1, 1)); p['p_off1_b'] = jnp.zeros((c8,), jnp.float32)
    p['p_off2_w'] = nrm(8, (2, c8, 1, 1)); p['p_off2_b'] = jnp.zeros((2,), jnp.float32)
    p['p_mask1_w'] = nrm(9, (emb // 16, emb, 1, 1)); p['p_mask1_b'] = jnp.zeros((emb // 16,), jnp.float32)
    p['p_mask2_w'] = nrm(10, (2, emb // 16, 1, 1)); p['p_mask2_b'] = jnp.zeros((2,), jnp.float32)
    p['p_ca_w'] = nrm(11, (dim, c4, 1, 1)); p['p_ca_b'] = jnp.zeros((dim,), jnp.float32)
    p['p_sa_w'] = nrm(12, (1, c4, 3, 3)); p['p_sa_b'] = jnp.zeros((1,), jnp.float32)
    p['p_conv_w'] = nrm(13, (cdim // 2, c4, 1, 1)); p['p_conv_b'] = jnp.zeros((cdim // 2,), jnp.float32)
    return p

def setup_inputs(seed: int = 0):
    key = jax.random.key(seed)
    k1, k2 = jax.random.split(key)
    x = jax.random.normal(k1, (2, DIM, 224, 224), dtype=jnp.float32)
    condition_global = jax.random.normal(k2, (2, 2, 224, 224), dtype=jnp.float32)
    return {'x': x, 'condition_global': condition_global, 'params': _make_params()}

def reference(x, condition_global, params):
    return camm_forward(params, x, condition_global)

if __name__ == "__main__":
    import jax
    _d = setup_inputs()
    print(jax.jit(kernel)(*tuple(_d.values())))

</pallas_src>

<mosaic_0001>
module attributes {stable_mosaic.version = 14 : i64} {
  func.func @_attn_kernel(%arg0: i32, %arg1: i32, %arg2: memref<1x8x224x192xf32, #tpu.memory_space<vmem>>, %arg3: memref<1x8x224x192xf32, #tpu.memory_space<vmem>>, %arg4: memref<1x8x224x192xf32, #tpu.memory_space<vmem>>, %arg5: memref<192x192xf32, #tpu.memory_space<vmem>>, %arg6: memref<1x192xf32, #tpu.memory_space<vmem>>, %arg7: memref<192x192xf32, #tpu.memory_space<vmem>>, %arg8: memref<1x192xf32, #tpu.memory_space<vmem>>, %arg9: memref<1x8x224x192xf32, #tpu.memory_space<vmem>>) attributes {dimension_semantics = [#tpu.dimension_semantics<arbitrary>, #tpu.dimension_semantics<arbitrary>], iteration_bounds = array<i64: 2, 28>, scalar_prefetch = 0 : i64, scratch_operands = 0 : i64, tpu.core_type = #tpu.core_type<tc>, window_params = [{transform_indices = @transform_0, window_bounds = array<i64: 1, 8, 224, 192>}, {transform_indices = @transform_1, window_bounds = array<i64: 1, 8, 224, 192>}, {transform_indices = @transform_2, window_bounds = array<i64: 1, 8, 224, 192>}, {pipeline_mode = #tpu.pipeline_mode<synchronous>, transform_indices = @transform_3, window_bounds = array<i64: 192, 192>}, {pipeline_mode = #tpu.pipeline_mode<synchronous>, transform_indices = @transform_4, window_bounds = array<i64: 1, 192>}, {pipeline_mode = #tpu.pipeline_mode<synchronous>, transform_indices = @transform_5, window_bounds = array<i64: 192, 192>}, {pipeline_mode = #tpu.pipeline_mode<synchronous>, transform_indices = @transform_6, window_bounds = array<i64: 1, 192>}, {transform_indices = @transform_7, window_bounds = array<i64: 1, 8, 224, 192>}]} {
    %get3A = arith.constant 0 : index
    %get3A_0 = arith.constant 0 : index
    %get3A_1 = arith.constant 0 : index
    %get3A_2 = arith.constant 0 : index
    %get3A_3 = vector.load %arg2[%get3A, %get3A_0, %get3A_1, %get3A_2] : memref<1x8x224x192xf32, #tpu.memory_space<vmem>>, vector<1x8x224x192xf32>
    %get3A_4 = vector.shape_cast %get3A_3 : vector<1x8x224x192xf32> to vector<8x224x192xf32>
    %get3A_5 = arith.constant 0 : index
    %get3A_6 = arith.constant 0 : index
    %get3A_7 = arith.constant 0 : index
    %get3A_8 = arith.constant 0 : index
    %get3A_9 = vector.load %arg3[%get3A_5, %get3A_6, %get3A_7, %get3A_8] : memref<1x8x224x192xf32, #tpu.memory_space<vmem>>, vector<1x8x224x192xf32>
    %get3A_10 = vector.shape_cast %get3A_9 : vector<1x8x224x192xf32> to vector<8x224x192xf32>
    %get3A_11 = arith.constant 0 : index
    %get3A_12 = arith.constant 0 : index
    %get3A_13 = arith.constant 0 : index
    %get3A_14 = arith.constant 0 : index
    %get3A_15 = vector.load %arg4[%get3A_11, %get3A_12, %get3A_13, %get3A_14] : memref<1x8x224x192xf32, #tpu.memory_space<vmem>>, vector<1x8x224x192xf32>
    %get3A_16 = vector.shape_cast %get3A_15 : vector<1x8x224x192xf32> to vector<8x224x192xf32>
    %reshape3A = vector.shape_cast %get3A_4 : vector<8x224x192xf32> to vector<1792x192xf32>
    %reshape3A_17 = vector.shape_cast %get3A_10 : vector<8x224x192xf32> to vector<1792x192xf32>
    %get3A_18 = arith.constant 0 : index
    %get3A_19 = arith.constant 0 : index
    %get3A_20 = vector.load %arg5[%get3A_18, %get3A_19] : memref<192x192xf32, #tpu.memory_space<vmem>>, vector<192x192xf32>
    %dot_general3A = arith.constant dense<0.000000e+00> : vector<1792x192xf32>
    %dot_general3A_21 = tpu.matmul %reshape3A, %get3A_20, %dot_general3A {dimension_numbers = #tpu.dot_dimension_numbers<[1], [0], [0], [1], [0, 0, 1, 1], [], []>, transpose_lhs_hint = false} : vector<1792x192xf32>, vector<192x192xf32>, vector<1792x192xf32> -> vector<1792x192xf32>
    %get3A_22 = arith.constant 0 : index
    %get3A_23 = arith.constant 0 : index
    %get3A_24 = vector.load %arg6[%get3A_22, %get3A_23] : memref<1x192xf32, #tpu.memory_space<vmem>>, vector<1x192xf32>
    %add3A = vector.broadcast %get3A_24 : vector<1x192xf32> to vector<1792x192xf32>
    %add3A_25 = arith.addf %dot_general3A_21, %add3A : vector<1792x192xf32>
    %get3A_26 = arith.constant 0 : index
    %get3A_27 = arith.constant 0 : index
    %get3A_28 = vector.load %arg7[%get3A_26, %get3A_27] : memref<192x192xf32, #tpu.memory_space<vmem>>, vector<192x192xf32>
    %dot_general3A_29 = arith.constant dense<0.000000e+00> : vector<1792x192xf32>
    %dot_general3A_30 = tpu.matmul %reshape3A_17, %get3A_28, %dot_general3A_29 {dimension_numbers = #tpu.dot_dimension_numbers<[1], [0], [0], [1], [0, 0, 1, 1], [], []>, transpose_lhs_hint = false} : vector<1792x192xf32>, vector<192x192xf32>, vector<1792x192xf32> -> vector<1792x192xf32>
    %get3A_31 = arith.constant 0 : index
    %get3A_32 = arith.constant 0 : index
    %get3A_33 = vector.load %arg8[%get3A_31, %get3A_32] : memref<1x192xf32, #tpu.memory_space<vmem>>, vector<1x192xf32>
    %add3A_34 = vector.broadcast %get3A_33 : vector<1x192xf32> to vector<1792x192xf32>
    %add3A_35 = arith.addf %dot_general3A_30, %add3A_34 : vector<1792x192xf32>
    %reshape3A_36 = vector.shape_cast %add3A_25 : vector<1792x192xf32> to vector<8x224x192xf32>
    %reshape3A_37 = vector.shape_cast %add3A_35 : vector<1792x192xf32> to vector<8x224x192xf32>
    %slice3A = vector.extract_strided_slice %reshape3A_36 {offsets = [0, 0, 0], sizes = [8, 8, 192], strides = [1, 1, 1]} : vector<8x224x192xf32> to vector<8x8x192xf32>
    %reshape3A_38 = vector.shape_cast %slice3A : vector<8x8x192xf32> to vector<64x192xf32>
    %slice3A_39 = vector.extract_strided_slice %reshape3A_37 {offsets = [0, 0, 0], sizes = [8, 8, 192], strides = [1, 1, 1]} : vector<8x224x192xf32> to vector<8x8x192xf32>
    %reshape3A_40 = vector.shape_cast %slice3A_39 : vector<8x8x192xf32> to vector<64x192xf32>
    %slice3A_41 = vector.extract_strided_slice %get3A_16 {offsets = [0, 0, 0], sizes = [8, 8, 192], strides = [1, 1, 1]} : vector<8x224x192xf32> to vector<8x8x192xf32>
    %reshape3A_42 = vector.shape_cast %slice3A_41 : vector<8x8x192xf32> to vector<64x192xf32>
    %dot_general3A_43 = arith.constant dense<0.000000e+00> : vector<64x64xf32>
    %dot_general3A_44 = tpu.matmul %reshape3A_38, %reshape3A_40, %dot_general3A_43 {dimension_numbers = #tpu.dot_dimension_numbers<[1], [1], [0], [0], [0, 0, 1, 0], [], []>, transpose_lhs_hint = false} : vector<64x192xf32>, vector<64x192xf32>, vector<64x64xf32> -> vector<64x64xf32>
    %reduce_max3A = arith.constant dense<0xFF800000> : vector<64xf32>
    %reduce_max3A_45 = vector.multi_reduction <maximumf>, %dot_general3A_44, %reduce_max3A [1] : vector<64x64xf32> to vector<64xf32>
    %max3A = arith.constant 0xFF800000 : f32
    %max3A_46 = vector.broadcast %max3A : f32 to vector<64xf32>
    %max3A_47 = arith.maximumf %max3A_46, %reduce_max3A_45 : vector<64xf32>
    %broadcast_in_dim3A = vector.shape_cast %max3A_47 : vector<64xf32> to vector<64x1xf32>
    %sub3A = vector.broadcast %broadcast_in_dim3A : vector<64x1xf32> to vector<64x64xf32>
    %sub3A_48 = arith.subf %dot_general3A_44, %sub3A : vector<64x64xf32>
    %exp3A = math.exp %sub3A_48 : vector<64x64xf32>
    %reduce_sum3A = arith.constant dense<0.000000e+00> : vector<64xf32>
    %reduce_sum3A_49 = vector.multi_reduction <add>, %exp3A, %reduce_sum3A [1] : vector<64x64xf32> to vector<64xf32>
    %broadcast_in_dim3A_50 = vector.shape_cast %reduce_sum3A_49 : vector<64xf32> to vector<64x1xf32>
    %div3A = vector.broadcast %broadcast_in_dim3A_50 : vector<64x1xf32> to vector<64x64xf32>
    %div3A_51 = arith.divf %exp3A, %div3A : vector<64x64xf32>
    %dot_general3A_52 = arith.constant dense<0.000000e+00> : vector<64x192xf32>
    %dot_general3A_53 = tpu.matmul %div3A_51, %reshape3A_42, %dot_general3A_52 {dimension_numbers = #tpu.dot_dimension_numbers<[1], [0], [0], [1], [0, 0, 1, 1], [], []>, transpose_lhs_hint = false} : vector<64x64xf32>, vector<64x192xf32>, vector<64x192xf32> -> vector<64x192xf32>
    %reshape3A_54 = vector.shape_cast %dot_general3A_53 : vector<64x192xf32> to vector<8x8x192xf32>
    %swap3A = arith.constant 0 : index
    %swap3A_55 = arith.constant 0 : index
    %swap3A_56 = arith.constant 0 : index
    %swap3A_57 = arith.constant 0 : index
    %swap3A_58 = vector.load %arg9[%swap3A, %swap3A_55, %swap3A_56, %swap3A_57] : memref<1x8x224x192xf32, #tpu.memory_space<vmem>>, vector<1x8x8x192xf32>
    %swap3A_59 = vector.shape_cast %swap3A_58 : vector<1x8x8x192xf32> to vector<8x8x192xf32>
    %swap3A_60 = vector.shape_cast %reshape3A_54 : vector<8x8x192xf32> to vector<1x8x8x192xf32>
    tpu.vector_store %arg9[%swap3A, %swap3A_55, %swap3A_56, %swap3A_57], %swap3A_60 {strides = array<i32>} : memref<1x8x224x192xf32, #tpu.memory_space<vmem>>, vector<1x8x8x192xf32>,
    %slice3A_61 = vector.extract_strided_slice %reshape3A_36 {offsets = [0, 8, 0], sizes = [8, 8, 192], strides = [1, 1, 1]} : vector<8x224x192xf32> to vector<8x8x192xf32>
    %reshape3A_62 = vector.shape_cast %slice3A_61 : vector<8x8x192xf32> to vector<64x192xf32>
    %slice3A_63 = vector.extract_strided_slice %reshape3A_37 {offsets = [0, 8, 0], sizes = [8, 8, 192], strides = [1, 1, 1]} : vector<8x224x192xf32> to vector<8x8x192xf32>
    %reshape3A_64 = vector.shape_cast %slice3A_63 : vector<8x8x192xf32> to vector<64x192xf32>
    %slice3A_65 = vector.extract_strided_slice %get3A_16 {offsets = [0, 8, 0], sizes = [8, 8, 192], strides = [1, 1, 1]} : vector<8x224x192xf32> to vector<8x8x192xf32>
    %reshape3A_66 = vector.shape_cast %slice3A_65 : vector<8x8x192xf32> to vector<64x192xf32>
    %dot_general3A_67 = arith.constant dense<0.000000e+00> : vector<64x64xf32>
    %dot_general3A_68 = tpu.matmul %reshape3A_62, %reshape3A_64, %dot_general3A_67 {dimension_numbers = #tpu.dot_dimension_numbers<[1], [1], [0], [0], [0, 0, 1, 0], [], []>, transpose_lhs_hint = false} : vector<64x192xf32>, vector<64x192xf32>, vector<64x64xf32> -> vector<64x64xf32>
    %reduce_max3A_69 = arith.constant dense<0xFF800000> : vector<64xf32>
    %reduce_max3A_70 = vector.multi_reduction <maximumf>, %dot_general3A_68, %reduce_max3A_69 [1] : vector<64x64xf32> to vector<64xf32>
    %max3A_71 = arith.constant 0xFF800000 : f32
    %max3A_72 = vector.broadcast %max3A_71 : f32 to vector<64xf32>
    %max3A_73 = arith.maximumf %max3A_72, %reduce_max3A_70 : vector<64xf32>
    %broadcast_in_dim3A_74 = vector.shape_cast %max3A_73 : vector<64xf32> to vector<64x1xf32>
    %sub3A_75 = vector.broadcast %broadcast_in_dim3A_74 : vector<64x1xf32> to vector<64x64xf32>
    %sub3A_76 = arith.subf %dot_general3A_68, %sub3A_75 : vector<64x64xf32>
    %exp3A_77 = math.exp %sub3A_76 : vector<64x64xf32>
    %reduce_sum3A_78 = arith.constant dense<0.000000e+00> : vector<64xf32>
    %reduce_sum3A_79 = vector.multi_reduction <add>, %exp3A_77, %reduce_sum3A_78 [1] : vector<64x64xf32> to vector<64xf32>
    %broadcast_in_dim3A_80 = vector.shape_cast %reduce_sum3A_79 : vector<64xf32> to vector<64x1xf32>
    %div3A_81 = vector.broadcast %broadcast_in_dim3A_80 : vector<64x1xf32> to vector<64x64xf32>
    %div3A_82 = arith.divf %exp3A_77, %div3A_81 : vector<64x64xf32>
    %dot_general3A_83 = arith.constant dense<0.000000e+00> : vector<64x192xf32>
    %dot_general3A_84 = tpu.matmul %div3A_82, %reshape3A_66, %dot_general3A_83 {dimension_numbers = #tpu.dot_dimension_numbers<[1], [0], [0], [1], [0, 0, 1, 1], [], []>, transpose_lhs_hint = false} : vector<64x64xf32>, vector<64x192xf32>, vector<64x192xf32> -> vector<64x192xf32>
    %reshape3A_85 = vector.shape_cast %dot_general3A_84 : vector<64x192xf32> to vector<8x8x192xf32>
    %swap3A_86 = arith.constant 0 : index
    %swap3A_87 = arith.constant 0 : index
    %swap3A_88 = arith.constant 8 : index
    %swap3A_89 = arith.constant 0 : index
    %swap3A_90 = vector.load %arg9[%swap3A_86, %swap3A_87, %swap3A_88, %swap3A_89] : memref<1x8x224x192xf32, #tpu.memory_space<vmem>>, vector<1x8x8x192xf32>
    %swap3A_91 = vector.shape_cast %swap3A_90 : vector<1x8x8x192xf32> to vector<8x8x192xf32>
    %swap3A_92 = vector.shape_cast %reshape3A_85 : vector<8x8x192xf32> to vector<1x8x8x192xf32>
    tpu.vector_store %arg9[%swap3A_86, %swap3A_87, %swap3A_88, %swap3A_89], %swap3A_92 {strides = array<i32>} : memref<1x8x224x192xf32, #tpu.memory_space<vmem>>, vector<1x8x8x192xf32>,
    %slice3A_93 = vector.extract_strided_slice %reshape3A_36 {offsets = [0, 16, 0], sizes = [8, 8, 192], strides = [1, 1, 1]} : vector<8x224x192xf32> to vector<8x8x192xf32>
    %reshape3A_94 = vector.shape_cast %slice3A_93 : vector<8x8x192xf32> to vector<64x192xf32>
    %slice3A_95 = vector.extract_strided_slice %reshape3A_37 {offsets = [0, 16, 0], sizes = [8, 8, 192], strides = [1, 1, 1]} : vector<8x224x192xf32> to vector<8x8x192xf32>
    %reshape3A_96 = vector.shape_cast %slice3A_95 : vector<8x8x192xf32> to vector<64x192xf32>
    %slice3A_97 = vector.extract_strided_slice %get3A_16 {offsets = [0, 16, 0], sizes = [8, 8, 192], strides = [1, 1, 1]} : vector<8x224x192xf32> to vector<8x8x192xf32>
    %reshape3A_98 = vector.shape_cast %slice3A_97 : vector<8x8x192xf32> to vector<64x192xf32>
    %dot_general3A_99 = arith.constant dense<0.000000e+00> : vector<64x64xf32>
    %dot_general3A_100 = tpu.matmul %reshape3A_94, %reshape3A_96, %dot_general3A_99 {dimension_numbers = #tpu.dot_dimension_numbers<[1], [1], [0], [0], [0, 0, 1, 0], [], []>, transpose_lhs_hint = false} : vector<64x192xf32>, vector<64x192xf32>, vector<64x64xf32> -> vector<64x64xf32>
    %reduce_max3A_101 = arith.constant dense<0xFF800000> : vector<64xf32>
    %reduce_max3A_102 = vector.multi_reduction <maximumf>, %dot_general3A_100, %reduce_max3A_101 [1] : vector<64x64xf32> to vector<64xf32>
    %max3A_103 = arith.constant 0xFF800000 : f32
    %max3A_104 = vector.broadcast %max3A_103 : f32 to vector<64xf32>
    %max3A_105 = arith.maximumf %max3A_104, %reduce_max3A_102 : vector<64xf32>
    %broadcast_in_dim3A_106 = vector.shape_cast %max3A_105 : vector<64xf32> to vector<64x1xf32>
    %sub3A_107 = vector.broadcast %broadcast_in_dim3A_106 : vector<64x1xf32> to vector<64x64xf32>
    %sub3A_108 = arith.subf %dot_general3A_100, %sub3A_107 : vector<64x64xf32>
    %exp3A_109 = math.exp %sub3A_108 : vector<64x64xf32>
    %reduce_sum3A_110 = arith.constant dense<0.000000e+00> : vector<64xf32>
    %reduce_sum3A_111 = vector.multi_reduction <add>, %exp3A_109, %reduce_sum3A_110 [1] : vector<64x64xf32> to vector<64xf32>
    %broadcast_in_dim3A_112 = vector.shape_cast %reduce_sum3A_111 : vector<64xf32> to vector<64x1xf32>
    %div3A_113 = vector.broadcast %broadcast_in_dim3A_112 : vector<64x1xf32> to vector<64x64xf32>
    %div3A_114 = arith.divf %exp3A_109, %div3A_113 : vector<64x64xf32>
    %dot_general3A_115 = arith.constant dense<0.000000e+00> : vector<64x192xf32>
    %dot_general3A_116 = tpu.matmul %div3A_114, %reshape3A_98, %dot_general3A_115 {dimension_numbers = #tpu.dot_dimension_numbers<[1], [0], [0], [1], [0, 0, 1, 1], [], []>, transpose_lhs_hint = false} : vector<64x64xf32>, vector<64x192xf32>, vector<64x192xf32> -> vector<64x192xf32>
    %reshape3A_117 = vector.shape_cast %dot_general3A_116 : vector<64x192xf32> to vector<8x8x192xf32>
    %swap3A_118 = arith.constant 0 : index
    %swap3A_119 = arith.constant 0 : index
    %swap3A_120 = arith.constant 16 : index
    %swap3A_121 = arith.constant 0 : index
    %swap3A_122 = vector.load %arg9[%swap3A_118, %swap3A_119, %swap3A_120, %swap3A_121] : memref<1x8x224x192xf32, #tpu.memory_space<vmem>>, vector<1x8x8x192xf32>
    %swap3A_123 = vector.shape_cast %swap3A_122 : vector<1x8x8x192xf32> to vector<8x8x192xf32>
    %swap3A_124 = vector.shape_cast %reshape3A_117 : vector<8x8x192xf32> to vector<1x8x8x192xf32>
    tpu.vector_store %arg9[%swap3A_118, %swap3A_119, %swap3A_120, %swap3A_121], %swap3A_124 {strides = array<i32>} : memref<1x8x224x192xf32, #tpu.memory_space<vmem>>, vector<1x8x8x192xf32>,
    %slice3A_125 = vector.extract_strided_slice %reshape3A_36 {offsets = [0, 24, 0], sizes = [8, 8, 192], strides = [1, 1, 1]} : vector<8x224x192xf32> to vector<8x8x192xf32>
    %reshape3A_126 = vector.shape_cast %slice3A_125 : vector<8x8x192xf32> to vector<64x192xf32>
    %slice3A_127 = vector.extract_strided_slice %reshape3A_37 {offsets = [0, 24, 0], sizes = [8, 8, 192], strides = [1, 1, 1]} : vector<8x224x192xf32> to vector<8x8x192xf32>
    %reshape3A_128 = vector.shape_cast %slice3A_127 : vector<8x8x192xf32> to vector<64x192xf32>
    %slice3A_129 = vector.extract_strided_slice %get3A_16 {offsets = [0, 24, 0], sizes = [8, 8, 192], strides = [1, 1, 1]} : vector<8x224x192xf32> to vector<8x8x192xf32>
    %reshape3A_130 = vector.shape_cast %slice3A_129 : vector<8x8x192xf32> to vector<64x192xf32>
    %dot_general3A_131 = arith.constant dense<0.000000e+00> : vector<64x64xf32>
    %dot_general3A_132 = tpu.matmul %reshape3A_126, %reshape3A_128, %dot_general3A_131 {dimension_numbers = #tpu.dot_dimension_numbers<[1], [1], [0], [0], [0, 0, 1, 0], [], []>, transpose_lhs_hint = false} : vector<64x192xf32>, vector<64x192xf32>, vector<64x64xf32> -> vector<64x64xf32>
    %reduce_max3A_133 = arith.constant dense<0xFF800000> : vector<64xf32>
    %reduce_max3A_134 = vector.multi_reduction <maximumf>, %dot_general3A_132, %reduce_max3A_133 [1] : vector<64x64xf32> to vector<64xf32>
    %max3A_135 = arith.constant 0xFF800000 : f32
    %max3A_136 = vector.broadcast %max3A_135 : f32 to vector<64xf32>
    %max3A_137 = arith.maximumf %max3A_136, %reduce_max3A_134 : vector<64xf32>
    %broadcast_in_dim3A_138 = vector.shape_cast %max3A_137 : vector<64xf32> to vector<64x1xf32>
    %sub3A_139 = vector.broadcast %broadcast_in_dim3A_138 : vector<64x1xf32> to vector<64x64xf32>
    %sub3A_140 = arith.subf %dot_general3A_132, %sub3A_139 : vector<64x64xf32>
    %exp3A_141 = math.exp %sub3A_140 : vector<64x64xf32>
    %reduce_sum3A_142 = arith.constant dense<0.000000e+00> : vector<64xf32>
    %reduce_sum3A_143 = vector.multi_reduction <add>, %exp3A_141, %reduce_sum3A_142 [1] : vector<64x64xf32> to vector<64xf32>
    %broadcast_in_dim3A_144 = vector.shape_cast %reduce_sum3A_143 : vector<64xf32> to vector<64x1xf32>
    %div3A_145 = vector.broadcast %broadcast_in_dim3A_144 : vector<64x1xf32> to vector<64x64xf32>
    %div3A_146 = arith.divf %exp3A_141, %div3A_145 : vector<64x64xf32>
    %dot_general3A_147 = arith.constant dense<0.000000e+00> : vector<64x192xf32>
    %dot_general3A_148 = tpu.matmul %div3A_146, %reshape3A_130, %dot_general3A_147 {dimension_numbers = #tpu.dot_dimension_numbers<[1], [0], [0], [1], [0, 0, 1, 1], [], []>, transpose_lhs_hint = false} : vector<64x64xf32>, vector<64x192xf32>, vector<64x192xf32> -> vector<64x192xf32>
    %reshape3A_149 = vector.shape_cast %dot_general3A_148 : vector<64x192xf32> to vector<8x8x192xf32>
    %swap3A_150 = arith.constant 0 : index
    %swap3A_151 = arith.constant 0 : index
    %swap3A_152 = arith.constant 24 : index
    %swap3A_153 = arith.constant 0 : index
    %swap3A_154 = vector.load %arg9[%swap3A_150, %swap3A_151, %swap3A_152, %swap3A_153] : memref<1x8x224x192xf32, #tpu.memory_space<vmem>>, vector<1x8x8x192xf32>
    %swap3A_155 = vector.shape_cast %swap3A_154 : vector<1x8x8x192xf32> to vector<8x8x192xf32>
    %swap3A_156 = vector.shape_cast %reshape3A_149 : vector<8x8x192xf32> to vector<1x8x8x192xf32>
    tpu.vector_store %arg9[%swap3A_150, %swap3A_151, %swap3A_152, %swap3A_153], %swap3A_156 {strides = array<i32>} : memref<1x8x224x192xf32, #tpu.memory_space<vmem>>, vector<1x8x8x192xf32>,
    %slice3A_157 = vector.extract_strided_slice %reshape3A_36 {offsets = [0, 32, 0], sizes = [8, 8, 192], strides = [1, 1, 1]} : vector<8x224x192xf32> to vector<8x8x192xf32>
    %reshape3A_158 = vector.shape_cast %slice3A_157 : vector<8x8x192xf32> to vector<64x192xf32>
    %slice3A_159 = vector.extract_strided_slice %reshape3A_37 {offsets = [0, 32, 0], sizes = [8, 8, 192], strides = [1, 1, 1]} : vector<8x224x192xf32> to vector<8x8x192xf32>
    %reshape3A_160 = vector.shape_cast %slice3A_159 : vector<8x8x192xf32> to vector<64x192xf32>
    %slice3A_161 = vector.extract_strided_slice %get3A_16 {offsets = [0, 32, 0], sizes = [8, 8, 192], strides = [1, 1, 1]} : vector<8x224x192xf32> to vector<8x8x192xf32>
    %reshape3A_162 = vector.shape_cast %slice3A_161 : vector<8x8x192xf32> to vector<64x192xf32>
    %dot_general3A_163 = arith.constant dense<0.000000e+00> : vector<64x64xf32>
    %dot_general3A_164 = tpu.matmul %reshape3A_158, %reshape3A_160, %dot_general3A_163 {dimension_numbers = #tpu.dot_dimension_numbers<[1], [1], [0], [0], [0, 0, 1, 0], [], []>, transpose_lhs_hint = false} : vector<64x192xf32>, vector<64x192xf32>, vector<64x64xf32> -> vector<64x64xf32>
    %reduce_max3A_165 = arith.constant dense<0xFF800000> : vector<64xf32>
    %reduce_max3A_166 = vector.multi_reduction <maximumf>, %dot_general3A_164, %reduce_max3A_165 [1] : vector<64x64xf32> to vector<64xf32>
    %max3A_167 = arith.constant 0xFF800000 : f32
    %max3A_168 = vector.broadcast %max3A_167 : f32 to vector<64xf32>
    %max3A_169 = arith.maximumf %max3A_168, %reduce_max3A_166 : vector<64xf32>
    %broadcast_in_dim3A_170 = vector.shape_cast %max3A_169 : vector<64xf32> to vector<64x1xf32>
    %sub3A_171 = vector.broadcast %broadcast_in_dim3A_170 : vector<64x1xf32> to vector<64x64xf32>
    %sub3A_172 = arith.subf %dot_general3A_164, %sub3A_171 : vector<64x64xf32>
    %exp3A_173 = math.exp %sub3A_172 : vector<64x64xf32>
    %reduce_sum3A_174 = arith.constant dense<0.000000e+00> : vector<64xf32>
    %reduce_sum3A_175 = vector.multi_reduction <add>, %exp3A_173, %reduce_sum3A_174 [1] : vector<64x64xf32> to vector<64xf32>
    %broadcast_in_dim3A_176 = vector.shape_cast %reduce_sum3A_175 : vector<64xf32> to vector<64x1xf32>
    %div3A_177 = vector.broadcast %broadcast_in_dim3A_176 : vector<64x1xf32> to vector<64x64xf32>
    %div3A_178 = arith.divf %exp3A_173, %div3A_177 : vector<64x64xf32>
    %dot_general3A_179 = arith.constant dense<0.000000e+00> : vector<64x192xf32>
    %dot_general3A_180 = tpu.matmul %div3A_178, %reshape3A_162, %dot_general3A_179 {dimension_numbers = #tpu.dot_dimension_numbers<[1], [0], [0], [1], [0, 0, 1, 1], [], []>, transpose_lhs_hint = false} : vector<64x64xf32>, vector<64x192xf32>, vector<64x192xf32> -> vector<64x192xf32>
    %reshape3A_181 = vector.shape_cast %dot_general3A_180 : vector<64x192xf32> to vector<8x8x192xf32>
    %swap3A_182 = arith.constant 0 : index
    %swap3A_183 = arith.constant 0 : index
    %swap3A_184 = arith.constant 32 : index
    %swap3A_185 = arith.constant 0 : index
    %swap3A_186 = vector.load %arg9[%swap3A_182, %swap3A_183, %swap3A_184, %swap3A_185] : memref<1x8x224x192xf32, #tpu.memory_space<vmem>>, vector<1x8x8x192xf32>
    %swap3A_187 = vector.shape_cast %swap3A_186 : vector<1x8x8x192xf32> to vector<8x8x192xf32>
    %swap3A_188 = vector.shape_cast %reshape3A_181 : vector<8x8x192xf32> to vector<1x8x8x192xf32>
    tpu.vector_store %arg9[%swap3A_182, %swap3A_183, %swap3A_184, %swap3A_185], %swap3A_188 {strides = array<i32>} : memref<1x8x224x192xf32, #tpu.memory_space<vmem>>, vector<1x8x8x192xf32>,
    %slice3A_189 = vector.extract_strided_slice %reshape3A_36 {offsets = [0, 40, 0], sizes = [8, 8, 192], strides = [1, 1, 1]} : vector<8x224x192xf32> to vector<8x8x192xf32>
    %reshape3A_190 = vector.shape_cast %slice3A_189 : vector<8x8x192xf32> to vector<64x192xf32>
    %slice3A_191 = vector.extract_strided_slice %reshape3A_37 {offsets = [0, 40, 0], sizes = [8, 8, 192], strides = [1, 1, 1]} : vector<8x224x192xf32> to vector<8x8x192xf32>
    %reshape3A_192 = vector.shape_cast %slice3A_191 : vector<8x8x192xf32> to vector<64x192xf32>
    %slice3A_193 = vector.extract_strided_slice %get3A_16 {offsets = [0, 40, 0], sizes = [8, 8, 192], strides = [1, 1, 1]} : vector<8x224x192xf32> to vector<8x8x192xf32>
    %reshape3A_194 = vector.shape_cast %slice3A_193 : vector<8x8x192xf32> to vector<64x192xf32>
    %dot_general3A_195 = arith.constant dense<0.000000e+00> : vector<64x64xf32>
    %dot_general3A_196 = tpu.matmul %reshape3A_190, %reshape3A_192, %dot_general3A_195 {dimension_numbers = #tpu.dot_dimension_numbers<[1], [1], [0], [0], [0, 0, 1, 0], [], []>, transpose_lhs_hint = false} : vector<64x192xf32>, vector<64x192xf32>, vector<64x64xf32> -> vector<64x64xf32>
    %reduce_max3A_197 = arith.constant dense<0xFF800000> : vector<64xf32>
    %reduce_max3A_198 = vector.multi_reduction <maximumf>, %dot_general3A_196, %reduce_max3A_197 [1] : vector<64x64xf32> to vector<64xf32>
    %max3A_199 = arith.constant 0xFF800000 : f32
    %max3A_200 = vector.broadcast %max3A_199 : f32 to vector<64xf32>
    %max3A_201 = arith.maximumf %max3A_200, %reduce_max3A_198 : vector<64xf32>
    %broadcast_in_dim3A_202 = vector.shape_cast %max3A_201 : vector<64xf32> to vector<64x1xf32>
    %sub3A_203 = vector.broadcast %broadcast_in_dim3A_202 : vector<64x1xf32> to vector<64x64xf32>
    %sub3A_204 = arith.subf %dot_general3A_196, %sub3A_203 : vector<64x64xf32>
    %exp3A_205 = math.exp %sub3A_204 : vector<64x64xf32>
    %reduce_sum3A_206 = arith.constant dense<0.000000e+00> : vector<64xf32>
    %reduce_sum3A_207 = vector.multi_reduction <add>, %exp3A_205, %reduce_sum3A_206 [1] : vector<64x64xf32> to vector<64xf32>
    %broadcast_in_dim3A_208 = vector.shape_cast %reduce_sum3A_207 : vector<64xf32> to vector<64x1xf32>
    %div3A_209 = vector.broadcast %broadcast_in_dim3A_208 : vector<64x1xf32> to vector<64x64xf32>
    %div3A_210 = arith.divf %exp3A_205, %div3A_209 : vector<64x64xf32>
    %dot_general3A_211 = arith.constant dense<0.000000e+00> : vector<64x192xf32>
    %dot_general3A_212 = tpu.matmul %div3A_210, %reshape3A_194, %dot_general3A_211 {dimension_numbers = #tpu.dot_dimension_numbers<[1], [0], [0], [1], [0, 0, 1, 1], [], []>, transpose_lhs_hint = false} : vector<64x64xf32>, vector<64x192xf32>, vector<64x192xf32> -> vector<64x192xf32>
    %reshape3A_213 = vector.shape_cast %dot_general3A_212 : vector<64x192xf32> to vector<8x8x192xf32>
    %swap3A_214 = arith.constant 0 : index
    %swap3A_215 = arith.constant 0 : index
    %swap3A_216 = arith.constant 40 : index
    %swap3A_217 = arith.constant 0 : index
    %swap3A_218 = vector.load %arg9[%swap3A_214, %swap3A_215, %swap3A_216, %swap3A_217] : memref<1x8x224x192xf32, #tpu.memory_space<vmem>>, vector<1x8x8x192xf32>
    %swap3A_219 = vector.shape_cast %swap3A_218 : vector<1x8x8x192xf32> to vector<8x8x192xf32>
    %swap3A_220 = vector.shape_cast %reshape3A_213 : vector<8x8x192xf32> to vector<1x8x8x192xf32>
    tpu.vector_store %arg9[%swap3A_214, %swap3A_215, %swap3A_216, %swap3A_217], %swap3A_220 {strides = array<i32>} : memref<1x8x224x192xf32, #tpu.memory_space<vmem>>, vector<1x8x8x192xf32>,
    %slice3A_221 = vector.extract_strided_slice %reshape3A_36 {offsets = [0, 48, 0], sizes = [8, 8, 192], strides = [1, 1, 1]} : vector<8x224x192xf32> to vector<8x8x192xf32>
    %reshape3A_222 = vector.shape_cast %slice3A_221 : vector<8x8x192xf32> to vector<64x192xf32>
    %slice3A_223 = vector.extract_strided_slice %reshape3A_37 {offsets = [0, 48, 0], sizes = [8, 8, 192], strides = [1, 1, 1]} : vector<8x224x192xf32> to vector<8x8x192xf32>
    %reshape3A_224 = vector.shape_cast %slice3A_223 : vector<8x8x192xf32> to vector<64x192xf32>
    %slice3A_225 = vector.extract_strided_slice %get3A_16 {offsets = [0, 48, 0], sizes = [8, 8, 192], strides = [1, 1, 1]} : vector<8x224x192xf32> to vector<8x8x192xf32>
    %reshape3A_226 = vector.shape_cast %slice3A_225 : vector<8x8x192xf32> to vector<64x192xf32>
    %dot_general3A_227 = arith.constant dense<0.000000e+00> : vector<64x64xf32>
    %dot_general3A_228 = tpu.matmul %reshape3A_222, %reshape3A_224, %dot_general3A_227 {dimension_numbers = #tpu.dot_dimension_numbers<[1], [1], [0], [0], [0, 0, 1, 0], [], []>, transpose_lhs_hint = false} : vector<64x192xf32>, vector<64x192xf32>, vector<64x64xf32> -> vector<64x64xf32>
    %reduce_max3A_229 = arith.constant dense<0xFF800000> : vector<64xf32>
    %reduce_max3A_230 = vector.multi_reduction <maximumf>, %dot_general3A_228, %reduce_max3A_229 [1] : vector<64x64xf32> to vector<64xf32>
    %max3A_231 = arith.constant 0xFF800000 : f32
    %max3A_232 = vector.broadcast %max3A_231 : f32 to vector<64xf32>
    %max3A_233 = arith.maximumf %max3A_232, %reduce_max3A_230 : vector<64xf32>
    %broadcast_in_dim3A_234 = vector.shape_cast %max3A_233 : vector<64xf32> to vector<64x1xf32>
    %sub3A_235 = vector.broadcast %broadcast_in_dim3A_234 : vector<64x1xf32> to vector<64x64xf32>
    %sub3A_236 = arith.subf %dot_general3A_228, %sub3A_235 : vector<64x64xf32>
    %exp3A_237 = math.exp %sub3A_236 : vector<64x64xf32>
    %reduce_sum3A_238 = arith.constant dense<0.000000e+00> : vector<64xf32>
    %reduce_sum3A_239 = vector.multi_reduction <add>, %exp3A_237, %reduce_sum3A_238 [1] : vector<64x64xf32> to vector<64xf32>
    %broadcast_in_dim3A_240 = vector.shape_cast %reduce_sum3A_239 : vector<64xf32> to vector<64x1xf32>
    %div3A_241 = vector.broadcast %broadcast_in_dim3A_240 : vector<64x1xf32> to vector<64x64xf32>
    %div3A_242 = arith.divf %exp3A_237, %div3A_241 : vector<64x64xf32>
    %dot_general3A_243 = arith.constant dense<0.000000e+00> : vector<64x192xf32>
    %dot_general3A_244 = tpu.matmul %div3A_242, %reshape3A_226, %dot_general3A_243 {dimension_numbers = #tpu.dot_dimension_numbers<[1], [0], [0], [1], [0, 0, 1, 1], [], []>, transpose_lhs_hint = false} : vector<64x64xf32>, vector<64x192xf32>, vector<64x192xf32> -> vector<64x192xf32>
    %reshape3A_245 = vector.shape_cast %dot_general3A_244 : vector<64x192xf32> to vector<8x8x192xf32>
    %swap3A_246 = arith.constant 0 : index
    %swap3A_247 = arith.constant 0 : index
    %swap3A_248 = arith.constant 48 : index
    %swap3A_249 = arith.constant 0 : index
    %swap3A_250 = vector.load %arg9[%swap3A_246, %swap3A_247, %swap3A_248, %swap3A_249] : memref<1x8x224x192xf32, #tpu.memory_space<vmem>>, vector<1x8x8x192xf32>
    %swap3A_251 = vector.shape_cast %swap3A_250 : vector<1x8x8x192xf32> to vector<8x8x192xf32>
    %swap3A_252 = vector.shape_cast %reshape3A_245 : vector<8x8x192xf32> to vector<1x8x8x192xf32>
    tpu.vector_store %arg9[%swap3A_246, %swap3A_247, %swap3A_248, %swap3A_249], %swap3A_252 {strides = array<i32>} : memref<1x8x224x192xf32, #tpu.memory_space<vmem>>, vector<1x8x8x192xf32>,
    %slice3A_253 = vector.extract_strided_slice %reshape3A_36 {offsets = [0, 56, 0], sizes = [8, 8, 192], strides = [1, 1, 1]} : vector<8x224x192xf32> to vector<8x8x192xf32>
    %reshape3A_254 = vector.shape_cast %slice3A_253 : vector<8x8x192xf32> to vector<64x192xf32>
    %slice3A_255 = vector.extract_strided_slice %reshape3A_37 {offsets = [0, 56, 0], sizes = [8, 8, 192], strides = [1, 1, 1]} : vector<8x224x192xf32> to vector<8x8x192xf32>
    %reshape3A_256 = vector.shape_cast %slice3A_255 : vector<8x8x192xf32> to vector<64x192xf32>
    %slice3A_257 = vector.extract_strided_slice %get3A_16 {offsets = [0, 56, 0], sizes = [8, 8, 192], strides = [1, 1, 1]} : vector<8x224x192xf32> to vector<8x8x192xf32>
    %reshape3A_258 = vector.shape_cast %slice3A_257 : vector<8x8x192xf32> to vector<64x192xf32>
    %dot_general3A_259 = arith.constant dense<0.000000e+00> : vector<64x64xf32>
    %dot_general3A_260 = tpu.matmul %reshape3A_254, %reshape3A_256, %dot_general3A_259 {dimension_numbers = #tpu.dot_dimension_numbers<[1], [1], [0], [0], [0, 0, 1, 0], [], []>, transpose_lhs_hint = false} : vector<64x192xf32>, vector<64x192xf32>, vector<64x64xf32> -> vector<64x64xf32>
    %reduce_max3A_261 = arith.constant dense<0xFF800000> : vector<64xf32>
    %reduce_max3A_262 = vector.multi_reduction <maximumf>, %dot_general3A_260, %reduce_max3A_261 [1] : vector<64x64xf32> to vector<64xf32>
    %max3A_263 = arith.constant 0xFF800000 : f32
    %max3A_264 = vector.broadcast %max3A_263 : f32 to vector<64xf32>
    %max3A_265 = arith.maximumf %max3A_264, %reduce_max3A_262 : vector<64xf32>
    %broadcast_in_dim3A_266 = vector.shape_cast %max3A_265 : vector<64xf32> to vector<64x1xf32>
    %sub3A_267 = vector.broadcast %broadcast_in_dim3A_266 : vector<64x1xf32> to vector<64x64xf32>
    %sub3A_268 = arith.subf %dot_general3A_260, %sub3A_267 : vector<64x64xf32>
    %exp3A_269 = math.exp %sub3A_268 : vector<64x64xf32>
    %reduce_sum3A_270 = arith.constant dense<0.000000e+00> : vector<64xf32>
    %reduce_sum3A_271 = vector.multi_reduction <add>, %exp3A_269, %reduce_sum3A_270 [1] : vector<64x64xf32> to vector<64xf32>
    %broadcast_in_dim3A_272 = vector.shape_cast %reduce_sum3A_271 : vector<64xf32> to vector<64x1xf32>
    %div3A_273 = vector.broadcast %broadcast_in_dim3A_272 : vector<64x1xf32> to vector<64x64xf32>
    %div3A_274 = arith.divf %exp3A_269, %div3A_273 : vector<64x64xf32>
    %dot_general3A_275 = arith.constant dense<0.000000e+00> : vector<64x192xf32>
    %dot_general3A_276 = tpu.matmul %div3A_274, %reshape3A_258, %dot_general3A_275 {dimension_numbers = #tpu.dot_dimension_numbers<[1], [0], [0], [1], [0, 0, 1, 1], [], []>, transpose_lhs_hint = false} : vector<64x64xf32>, vector<64x192xf32>, vector<64x192xf32> -> vector<64x192xf32>
    %reshape3A_277 = vector.shape_cast %dot_general3A_276 : vector<64x192xf32> to vector<8x8x192xf32>
    %swap3A_278 = arith.constant 0 : index
    %swap3A_279 = arith.constant 0 : index
    %swap3A_280 = arith.constant 56 : index
    %swap3A_281 = arith.constant 0 : index
    %swap3A_282 = vector.load %arg9[%swap3A_278, %swap3A_279, %swap3A_280, %swap3A_281] : memref<1x8x224x192xf32, #tpu.memory_space<vmem>>, vector<1x8x8x192xf32>
    %swap3A_283 = vector.shape_cast %swap3A_282 : vector<1x8x8x192xf32> to vector<8x8x192xf32>
    %swap3A_284 = vector.shape_cast %reshape3A_277 : vector<8x8x192xf32> to vector<1x8x8x192xf32>
    tpu.vector_store %arg9[%swap3A_278, %swap3A_279, %swap3A_280, %swap3A_281], %swap3A_284 {strides = array<i32>} : memref<1x8x224x192xf32, #tpu.memory_space<vmem>>, vector<1x8x8x192xf32>,
    %slice3A_285 = vector.extract_strided_slice %reshape3A_36 {offsets = [0, 64, 0], sizes = [8, 8, 192], strides = [1, 1, 1]} : vector<8x224x192xf32> to vector<8x8x192xf32>
    %reshape3A_286 = vector.shape_cast %slice3A_285 : vector<8x8x192xf32> to vector<64x192xf32>
    %slice3A_287 = vector.extract_strided_slice %reshape3A_37 {offsets = [0, 64, 0], sizes = [8, 8, 192], strides = [1, 1, 1]} : vector<8x224x192xf32> to vector<8x8x192xf32>
    %reshape3A_288 = vector.shape_cast %slice3A_287 : vector<8x8x192xf32> to vector<64x192xf32>
    %slice3A_289 = vector.extract_strided_slice %get3A_16 {offsets = [0, 64, 0], sizes = [8, 8, 192], strides = [1, 1, 1]} : vector<8x224x192xf32> to vector<8x8x192xf32>
    %reshape3A_290 = vector.shape_cast %slice3A_289 : vector<8x8x192xf32> to vector<64x192xf32>
    %dot_general3A_291 = arith.constant dense<0.000000e+00> : vector<64x64xf32>
    %dot_general3A_292 = tpu.matmul %reshape3A_286, %reshape3A_288, %dot_general3A_291 {dimension_numbers = #tpu.dot_dimension_numbers<[1], [1], [0], [0], [0, 0, 1, 0], [], []>, transpose_lhs_hint = false} : vector<64x192xf32>, vector<64x192xf32>, vector<64x64xf32> -> vector<64x64xf32>
    %reduce_max3A_293 = arith.constant dense<0xFF800000> : vector<64xf32>
    %reduce_max3A_294 = vector.multi_reduction <maximumf>, %dot_general3A_292, %reduce_max3A_293 [1] : vector<64x64xf32> to vector<64xf32>
    %max3A_295 = arith.constant 0xFF800000 : f32
    %max3A_296 = vector.broadcast %max3A_295 : f32 to vector<64xf32>
    %max3A_297 = arith.maximumf %max3A_296, %reduce_max3A_294 : vector<64xf32>
    %broadcast_in_dim3A_298 = vector.shape_cast %max3A_297 : vector<64xf32> to vector<64x1xf32>
    %sub3A_299 = vector.broadcast %broadcast_in_dim3A_298 : vector<64x1xf32> to vector<64x64xf32>
    %sub3A_300 = arith.subf %dot_general3A_292, %sub3A_299 : vector<64x64xf32>
    %exp3A_301 = math.exp %sub3A_300 : vector<64x64xf32>
    %reduce_sum3A_302 = arith.constant dense<0.000000e+00> : vector<64xf32>
    %reduce_sum3A_303 = vector.multi_reduction <add>, %exp3A_301, %reduce_sum3A_302 [1] : vector<64x64xf32> to vector<64xf32>
    %broadcast_in_dim3A_304 = vector.shape_cast %reduce_sum3A_303 : vector<64xf32> to vector<64x1xf32>
    %div3A_305 = vector.broadcast %broadcast_in_dim3A_304 : vector<64x1xf32> to vector<64x64xf32>
    %div3A_306 = arith.divf %exp3A_301, %div3A_305 : vector<64x64xf32>
    %dot_general3A_307 = arith.constant dense<0.000000e+00> : vector<64x192xf32>
    %dot_general3A_308 = tpu.matmul %div3A_306, %reshape3A_290, %dot_general3A_307 {dimension_numbers = #tpu.dot_dimension_numbers<[1], [0], [0], [1], [0, 0, 1, 1], [], []>, transpose_lhs_hint = false} : vector<64x64xf32>, vector<64x192xf32>, vector<64x192xf32> -> vector<64x192xf32>
    %reshape3A_309 = vector.shape_cast %dot_general3A_308 : vector<64x192xf32> to vector<8x8x192xf32>
    %swap3A_310 = arith.constant 0 : index
    %swap3A_311 = arith.constant 0 : index
    %swap3A_312 = arith.constant 64 : index
    %swap3A_313 = arith.constant 0 : index
    %swap3A_314 = vector.load %arg9[%swap3A_310, %swap3A_311, %swap3A_312, %swap3A_313] : memref<1x8x224x192xf32, #tpu.memory_space<vmem>>, vector<1x8x8x192xf32>
    %swap3A_315 = vector.shape_cast %swap3A_314 : vector<1x8x8x192xf32> to vector<8x8x192xf32>
    %swap3A_316 = vector.shape_cast %reshape3A_309 : vector<8x8x192xf32> to vector<1x8x8x192xf32>
    tpu.vector_store %arg9[%swap3A_310, %swap3A_311, %swap3A_312, %swap3A_313], %swap3A_316 {strides = array<i32>} : memref<1x8x224x192xf32, #tpu.memory_space<vmem>>, vector<1x8x8x192xf32>,
    %slice3A_317 = vector.extract_strided_slice %reshape3A_36 {offsets = [0, 72, 0], sizes = [8, 8, 192], strides = [1, 1, 1]} : vector<8x224x192xf32> to vector<8x8x192xf32>
    %reshape3A_318 = vector.shape_cast %slice3A_317 : vector<8x8x192xf32> to vector<64x192xf32>
    %slice3A_319 = vector.extract_strided_slice %reshape3A_37 {offsets = [0, 72, 0], sizes = [8, 8, 192], strides = [1, 1, 1]} : vector<8x224x192xf32> to vector<8x8x192xf32>
    %reshape3A_320 = vector.shape_cast %slice3A_319 : vector<8x8x192xf32> to vector<64x192xf32>
    %slice3A_321 = vector.extract_strided_slice %get3A_16 {offsets = [0, 72, 0], sizes = [8, 8, 192], strides = [1, 1, 1]} : vector<8x224x192xf32> to vector<8x8x192xf32>
    %reshape3A_322 = vector.shape_cast %slice3A_321 : vector<8x8x192xf32> to vector<64x192xf32>
    %dot_general3A_323 = arith.constant dense<0.000000e+00> : vector<64x64xf32>
    %dot_general3A_324 = tpu.matmul %reshape3A_318, %reshape3A_320, %dot_general3A_323 {dimension_numbers = #tpu.dot_dimension_numbers<[1], [1], [0], [0], [0, 0, 1, 0], [], []>, transpose_lhs_hint = false} : vector<64x192xf32>, vector<64x192xf32>, vector<64x64xf32> -> vector<64x64xf32>
    %reduce_max3A_325 = arith.constant dense<0xFF800000> : vector<64xf32>
    %reduce_max3A_326 = vector.multi_reduction <maximumf>, %dot_general3A_324, %reduce_max3A_325 [1] : vector<64x64xf32> to vector<64xf32>
    %max3A_327 = arith.constant 0xFF800000 : f32
    %max3A_328 = vector.broadcast %max3A_327 : f32 to vector<64xf32>
    %max3A_329 = arith.maximumf %max3A_328, %reduce_max3A_326 : vector<64xf32>
    %broadcast_in_dim3A_330 = vector.shape_cast %max3A_329 : vector<64xf32> to vector<64x1xf32>
    %sub3A_331 = vector.broadcast %broadcast_in_dim3A_330 : vector<64x1xf32> to vector<64x64xf32>
    %sub3A_332 = arith.subf %dot_general3A_324, %sub3A_331 : vector<64x64xf32>
    %exp3A_333 = math.exp %sub3A_332 : vector<64x64xf32>
    %reduce_sum3A_334 = arith.constant dense<0.000000e+00> : vector<64xf32>
    %reduce_sum3A_335 = vector.multi_reduction <add>, %exp3A_333, %reduce_sum3A_334 [1] : vector<64x64xf32> to vector<64xf32>
    %broadcast_in_dim3A_336 = vector.shape_cast %reduce_sum3A_335 : vector<64xf32> to vector<64x1xf32>
    %div3A_337 = vector.broadcast %broadcast_in_dim3A_336 : vector<64x1xf32> to vector<64x64xf32>
    %div3A_338 = arith.divf %exp3A_333, %div3A_337 : vector<64x64xf32>
    %dot_general3A_339 = arith.constant dense<0.000000e+00> : vector<64x192xf32>
    %dot_general3A_340 = tpu.matmul %div3A_338, %reshape3A_322, %dot_general3A_339 {dimension_numbers = #tpu.dot_dimension_numbers<[1], [0], [0], [1], [0, 0, 1, 1], [], []>, transpose_lhs_hint = false} : vector<64x64xf32>, vector<64x192xf32>, vector<64x192xf32> -> vector<64x192xf32>
    %reshape3A_341 = vector.shape_cast %dot_general3A_340 : vector<64x192xf32> to vector<8x8x192xf32>
    %swap3A_342 = arith.constant 0 : index
    %swap3A_343 = arith.constant 0 : index
    %swap3A_344 = arith.constant 72 : index
    %swap3A_345 = arith.constant 0 : index
    %swap3A_346 = vector.load %arg9[%swap3A_342, %swap3A_343, %swap3A_344, %swap3A_345] : memref<1x8x224x192xf32, #tpu.memory_space<vmem>>, vector<1x8x8x192xf32>
    %swap3A_347 = vector.shape_cast %swap3A_346 : vector<1x8x8x192xf32> to vector<8x8x192xf32>
    %swap3A_348 = vector.shape_cast %reshape3A_341 : vector<8x8x192xf32> to vector<1x8x8x192xf32>
    tpu.vector_store %arg9[%swap3A_342, %swap3A_343, %swap3A_344, %swap3A_345], %swap3A_348 {strides = array<i32>} : memref<1x8x224x192xf32, #tpu.memory_space<vmem>>, vector<1x8x8x192xf32>,
    %slice3A_349 = vector.extract_strided_slice %reshape3A_36 {offsets = [0, 80, 0], sizes = [8, 8, 192], strides = [1, 1, 1]} : vector<8x224x192xf32> to vector<8x8x192xf32>
    %reshape3A_350 = vector.shape_cast %slice3A_349 : vector<8x8x192xf32> to vector<64x192xf32>
    %slice3A_351 = vector.extract_strided_slice %reshape3A_37 {offsets = [0, 80, 0], sizes = [8, 8, 192], strides = [1, 1, 1]} : vector<8x224x192xf32> to vector<8x8x192xf32>
    %reshape3A_352 = vector.shape_cast %slice3A_351 : vector<8x8x192xf32> to vector<64x192xf32>
    %slice3A_353 = vector.extract_strided_slice %get3A_16 {offsets = [0, 80, 0], sizes = [8, 8, 192], strides = [1, 1, 1]} : vector<8x224x192xf32> to vector<8x8x192xf32>
    %reshape3A_354 = vector.shape_cast %slice3A_353 : vector<8x8x192xf32> to vector<64x192xf32>
    %dot_general3A_355 = arith.constant dense<0.000000e+00> : vector<64x64xf32>
    %dot_general3A_356 = tpu.matmul %reshape3A_350, %reshape3A_352, %dot_general3A_355 {dimension_numbers = #tpu.dot_dimension_numbers<[1], [1], [0], [0], [0, 0, 1, 0], [], []>, transpose_lhs_hint = false} : vector<64x192xf32>, vector<64x192xf32>, vector<64x64xf32> -> vector<64x64xf32>
    %reduce_max3A_357 = arith.constant dense<0xFF800000> : vector<64xf32>
    %reduce_max3A_358 = vector.multi_reduction <maximumf>, %dot_general3A_356, %reduce_max3A_357 [1] : vector<64x64xf32> to vector<64xf32>
    %max3A_359 = arith.constant 0xFF800000 : f32
    %max3A_360 = vector.broadcast %max3A_359 : f32 to vector<64xf32>
    %max3A_361 = arith.maximumf %max3A_360, %reduce_max3A_358 : vector<64xf32>
    %broadcast_in_dim3A_362 = vector.shape_cast %max3A_361 : vector<64xf32> to vector<64x1xf32>
    %sub3A_363 = vector.broadcast %broadcast_in_dim3A_362 : vector<64x1xf32> to vector<64x64xf32>
    %sub3A_364 = arith.subf %dot_general3A_356, %sub3A_363 : vector<64x64xf32>
    %exp3A_365 = math.exp %sub3A_364 : vector<64x64xf32>
    %reduce_sum3A_366 = arith.constant dense<0.000000e+00> : vector<64xf32>
    %reduce_sum3A_367 = vector.multi_reduction <add>, %exp3A_365, %reduce_sum3A_366 [1] : vector<64x64xf32> to vector<64xf32>
    %broadcast_in_dim3A_368 = vector.shape_cast %reduce_sum3A_367 : vector<64xf32> to vector<64x1xf32>
    %div3A_369 = vector.broadcast %broadcast_in_dim3A_368 : vector<64x1xf32> to vector<64x64xf32>
    %div3A_370 = arith.divf %exp3A_365, %div3A_369 : vector<64x64xf32>
    %dot_general3A_371 = arith.constant dense<0.000000e+00> : vector<64x192xf32>
    %dot_general3A_372 = tpu.matmul %div3A_370, %reshape3A_354, %dot_general3A_371 {dimension_numbers = #tpu.dot_dimension_numbers<[1], [0], [0], [1], [0, 0, 1, 1], [], []>, transpose_lhs_hint = false} : vector<64x64xf32>, vector<64x192xf32>, vector<64x192xf32> -> vector<64x192xf32>
    %reshape3A_373 = vector.shape_cast %dot_general3A_372 : vector<64x192xf32> to vector<8x8x192xf32>
    %swap3A_374 = arith.constant 0 : index
    %swap3A_375 = arith.constant 0 : index
    %swap3A_376 = arith.constant 80 : index
    %swap3A_377 = arith.constant 0 : index
    %swap3A_378 = vector.load %arg9[%swap3A_374, %swap3A_375, %swap3A_376, %swap3A_377] : memref<1x8x224x192xf32, #tpu.memory_space<vmem>>, vector<1x8x8x192xf32>
    %swap3A_379 = vector.shape_cast %swap3A_378 : vector<1x8x8x192xf32> to vector<8x8x192xf32>
    %swap3A_380 = vector.shape_cast %reshape3A_373 : vector<8x8x192xf32> to vector<1x8x8x192xf32>
    tpu.vector_store %arg9[%swap3A_374, %swap3A_375, %swap3A_376, %swap3A_377], %swap3A_380 {strides = array<i32>} : memref<1x8x224x192xf32, #tpu.memory_space<vmem>>, vector<1x8x8x192xf32>,
    %slice3A_381 = vector.extract_strided_slice %reshape3A_36 {offsets = [0, 88, 0], sizes = [8, 8, 192], strides = [1, 1, 1]} : vector<8x224x192xf32> to vector<8x8x192xf32>
    %reshape3A_382 = vector.shape_cast %slice3A_381 : vector<8x8x192xf32> to vector<64x192xf32>
    %slice3A_383 = vector.extract_strided_slice %reshape3A_37 {offsets = [0, 88, 0], sizes = [8, 8, 192], strides = [1, 1, 1]} : vector<8x224x192xf32> to vector<8x8x192xf32>
    %reshape3A_384 = vector.shape_cast %slice3A_383 : vector<8x8x192xf32> to vector<64x192xf32>
    %slice3A_385 = vector.extract_strided_slice %get3A_16 {offsets = [0, 88, 0], sizes = [8, 8, 192], strides = [1, 1, 1]} : vector<8x224x192xf32> to vector<8x8x192xf32>
    %reshape3A_386 = vector.shape_cast %slice3A_385 : vector<8x8x192xf32> to vector<64x192xf32>
    %dot_general3A_387 = arith.constant dense<0.000000e+00> : vector<64x64xf32>
    %dot_general3A_388 = tpu.matmul %reshape3A_382, %reshape3A_384, %dot_general3A_387 {dimension_numbers = #tpu.dot_dimension_numbers<[1], [1], [0], [0], [0, 0, 1, 0], [], []>, transpose_lhs_hint = false} : vector<64x192xf32>, vector<64x192xf32>, vector<64x64xf32> -> vector<64x64xf32>
    %reduce_max3A_389 = arith.constant dense<0xFF800000> : vector<64xf32>
    %reduce_max3A_390 = vector.multi_reduction <maximumf>, %dot_general3A_388, %reduce_max3A_389 [1] : vector<64x64xf32> to vector<64xf32>
    %max3A_391 = arith.constant 0xFF800000 : f32
    %max3A_392 = vector.broadcast %max3A_391 : f32 to vector<64xf32>
    %max3A_393 = arith.maximumf %max3A_392, %reduce_max3A_390 : vector<64xf32>
    %broadcast_in_dim3A_394 = vector.shape_cast %max3A_393 : vector<64xf32> to vector<64x1xf32>
    %sub3A_395 = vector.broadcast %broadcast_in_dim3A_394 : vector<64x1xf32> to vector<64x64xf32>
    %sub3A_396 = arith.subf %dot_general3A_388, %sub3A_395 : vector<64x64xf32>
    %exp3A_397 = math.exp %sub3A_396 : vector<64x64xf32>
    %reduce_sum3A_398 = arith.constant dense<0.000000e+00> : vector<64xf32>
    %reduce_sum3A_399 = vector.multi_reduction <add>, %exp3A_397, %reduce_sum3A_398 [1] : vector<64x64xf32> to vector<64xf32>
    %broadcast_in_dim3A_400 = vector.shape_cast %reduce_sum3A_399 : vector<64xf32> to vector<64x1xf32>
    %div3A_401 = vector.broadcast %broadcast_in_dim3A_400 : vector<64x1xf32> to vector<64x64xf32>
    %div3A_402 = arith.divf %exp3A_397, %div3A_401 : vector<64x64xf32>
    %dot_general3A_403 = arith.constant dense<0.000000e+00> : vector<64x192xf32>
    %dot_general3A_404 = tpu.matmul %div3A_402, %reshape3A_386, %dot_general3A_403 {dimension_numbers = #tpu.dot_dimension_numbers<[1], [0], [0], [1], [0, 0, 1, 1], [], []>, transpose_lhs_hint = false} : vector<64x64xf32>, vector<64x192xf32>, vector<64x192xf32> -> vector<64x192xf32>
    %reshape3A_405 = vector.shape_cast %dot_general3A_404 : vector<64x192xf32> to vector<8x8x192xf32>
    %swap3A_406 = arith.constant 0 : index
    %swap3A_407 = arith.constant 0 : index
    %swap3A_408 = arith.constant 88 : index
    %swap3A_409 = arith.constant 0 : index
    %swap3A_410 = vector.load %arg9[%swap3A_406, %swap3A_407, %swap3A_408, %swap3A_409] : memref<1x8x224x192xf32, #tpu.memory_space<vmem>>, vector<1x8x8x192xf32>
    %swap3A_411 = vector.shape_cast %swap3A_410 : vector<1x8x8x192xf32> to vector<8x8x192xf32>
    %swap3A_412 = vector.shape_cast %reshape3A_405 : vector<8x8x192xf32> to vector<1x8x8x192xf32>
    tpu.vector_store %arg9[%swap3A_406, %swap3A_407, %swap3A_408, %swap3A_409], %swap3A_412 {strides = array<i32>} : memref<1x8x224x192xf32, #tpu.memory_space<vmem>>, vector<1x8x8x192xf32>,
    %slice3A_413 = vector.extract_strided_slice %reshape3A_36 {offsets = [0, 96, 0], sizes = [8, 8, 192], strides = [1, 1, 1]} : vector<8x224x192xf32> to vector<8x8x192xf32>
    %reshape3A_414 = vector.shape_cast %slice3A_413 : vector<8x8x192xf32> to vector<64x192xf32>
    %slice3A_415 = vector.extract_strided_slice %reshape3A_37 {offsets = [0, 96, 0], sizes = [8, 8, 192], strides = [1, 1, 1]} : vector<8x224x192xf32> to vector<8x8x192xf32>
    %reshape3A_416 = vector.shape_cast %slice3A_415 : vector<8x8x192xf32> to vector<64x192xf32>
    %slice3A_417 = vector.extract_strided_slice %get3A_16 {offsets = [0, 96, 0], sizes = [8, 8, 192], strides = [1, 1, 1]} : vector<8x224x192xf32> to vector<8x8x192xf32>
    %reshape3A_418 = vector.shape_cast %slice3A_417 : vector<8x8x192xf32> to vector<64x192xf32>
    %dot_general3A_419 = arith.constant dense<0.000000e+00> : vector<64x64xf32>
    %dot_general3A_420 = tpu.matmul %reshape3A_414, %reshape3A_416, %dot_general3A_419 {dimension_numbers = #tpu.dot_dimension_numbers<[1], [1], [0], [0], [0, 0, 1, 0], [], []>, transpose_lhs_hint = false} : vector<64x192xf32>, vector<64x192xf32>, vector<64x64xf32> -> vector<64x64xf32>
    %reduce_max3A_421 = arith.constant dense<0xFF800000> : vector<64xf32>
    %reduce_max3A_422 = vector.multi_reduction <maximumf>, %dot_general3A_420, %reduce_max3A_421 [1] : vector<64x64xf32> to vector<64xf32>
    %max3A_423 = arith.constant 0xFF800000 : f32
    %max3A_424 = vector.broadcast %max3A_423 : f32 to vector<64xf32>
    %max3A_425 = arith.maximumf %max3A_424, %reduce_max3A_422 : vector<64xf32>
    %broadcast_in_dim3A_426 = vector.shape_cast %max3A_425 : vector<64xf32> to vector<64x1xf32>
    %sub3A_427 = vector.broadcast %broadcast_in_dim3A_426 : vector<64x1xf32> to vector<64x64xf32>
    %sub3A_428 = arith.subf %dot_general3A_420, %sub3A_427 : vector<64x64xf32>
    %exp3A_429 = math.exp %sub3A_428 : vector<64x64xf32>
    %reduce_sum3A_430 = arith.constant dense<0.000000e+00> : vector<64xf32>
    %reduce_sum3A_431 = vector.multi_reduction <add>, %exp3A_429, %reduce_sum3A_430 [1] : vector<64x64xf32> to vector<64xf32>
    %broadcast_in_dim3A_432 = vector.shape_cast %reduce_sum3A_431 : vector<64xf32> to vector<64x1xf32>
    %div3A_433 = vector.broadcast %broadcast_in_dim3A_432 : vector<64x1xf32> to vector<64x64xf32>
    %div3A_434 = arith.divf %exp3A_429, %div3A_433 : vector<64x64xf32>
    %dot_general3A_435 = arith.constant dense<0.000000e+00> : vector<64x192xf32>
    %dot_general3A_436 = tpu.matmul %div3A_434, %reshape3A_418, %dot_general3A_435 {dimension_numbers = #tpu.dot_dimension_numbers<[1], [0], [0], [1], [0, 0, 1, 1], [], []>, transpose_lhs_hint = false} : vector<64x64xf32>, vector<64x192xf32>, vector<64x192xf32> -> vector<64x192xf32>
    %reshape3A_437 = vector.shape_cast %dot_general3A_436 : vector<64x192xf32> to vector<8x8x192xf32>
    %swap3A_438 = arith.constant 0 : index
    %swap3A_439 = arith.constant 0 : index
    %swap3A_440 = arith.constant 96 : index
    %swap3A_441 = arith.constant 0 : index
    %swap3A_442 = vector.load %arg9[%swap3A_438, %swap3A_439, %swap3A_440, %swap3A_441] : memref<1x8x224x192xf32, #tpu.memory_space<vmem>>, vector<1x8x8x192xf32>
    %swap3A_443 = vector.shape_cast %swap3A_442 : vector<1x8x8x192xf32> to vector<8x8x192xf32>
    %swap3A_444 = vector.shape_cast %reshape3A_437 : vector<8x8x192xf32> to vector<1x8x8x192xf32>
    tpu.vector_store %arg9[%swap3A_438, %swap3A_439, %swap3A_440, %swap3A_441], %swap3A_444 {strides = array<i32>} : memref<1x8x224x192xf32, #tpu.memory_space<vmem>>, vector<1x8x8x192xf32>,
    %slice3A_445 = vector.extract_strided_slice %reshape3A_36 {offsets = [0, 104, 0], sizes = [8, 8, 192], strides = [1, 1, 1]} : vector<8x224x192xf32> to vector<8x8x192xf32>
    %reshape3A_446 = vector.shape_cast %slice3A_445 : vector<8x8x192xf32> to vector<64x192xf32>
    %slice3A_447 = vector.extract_strided_slice %reshape3A_37 {offsets = [0, 104, 0], sizes = [8, 8, 192], strides = [1, 1, 1]} : vector<8x224x192xf32> to vector<8x8x192xf32>
    %reshape3A_448 = vector.shape_cast %slice3A_447 : vector<8x8x192xf32> to vector<64x192xf32>
    %slice3A_449 = vector.extract_strided_slice %get3A_16 {offsets = [0, 104, 0], sizes = [8, 8, 192], strides = [1, 1, 1]} : vector<8x224x192xf32> to vector<8x8x192xf32>
    %reshape3A_450 = vector.shape_cast %slice3A_449 : vector<8x8x192xf32> to vector<64x192xf32>
    %dot_general3A_451 = arith.constant dense<0.000000e+00> : vector<64x64xf32>
    %dot_general3A_452 = tpu.matmul %reshape3A_446, %reshape3A_448, %dot_general3A_451 {dimension_numbers = #tpu.dot_dimension_numbers<[1], [1], [0], [0], [0, 0, 1, 0], [], []>, transpose_lhs_hint = false} : vector<64x192xf32>, vector<64x192xf32>, vector<64x64xf32> -> vector<64x64xf32>
    %reduce_max3A_453 = arith.constant dense<0xFF800000> : vector<64xf32>
    %reduce_max3A_454 = vector.multi_reduction <maximumf>, %dot_general3A_452, %reduce_max3A_453 [1] : vector<64x64xf32> to vector<64xf32>
    %max3A_455 = arith.constant 0xFF800000 : f32
    %max3A_456 = vector.broadcast %max3A_455 : f32 to vector<64xf32>
    %max3A_457 = arith.maximumf %max3A_456, %reduce_max3A_454 : vector<64xf32>
    %broadcast_in_dim3A_458 = vector.shape_cast %max3A_457 : vector<64xf32> to vector<64x1xf32>
    %sub3A_459 = vector.broadcast %broadcast_in_dim3A_458 : vector<64x1xf32> to vector<64x64xf32>
    %sub3A_460 = arith.subf %dot_general3A_452, %sub3A_459 : vector<64x64xf32>
    %exp3A_461 = math.exp %sub3A_460 : vector<64x64xf32>
    %reduce_sum3A_462 = arith.constant dense<0.000000e+00> : vector<64xf32>
    %reduce_sum3A_463 = vector.multi_reduction <add>, %exp3A_461, %reduce_sum3A_462 [1] : vector<64x64xf32> to vector<64xf32>
    %broadcast_in_dim3A_464 = vector.shape_cast %reduce_sum3A_463 : vector<64xf32> to vector<64x1xf32>
    %div3A_465 = vector.broadcast %broadcast_in_dim3A_464 : vector<64x1xf32> to vector<64x64xf32>
    %div3A_466 = arith.divf %exp3A_461, %div3A_465 : vector<64x64xf32>
    %dot_general3A_467 = arith.constant dense<0.000000e+00> : vector<64x192xf32>
    %dot_general3A_468 = tpu.matmul %div3A_466, %reshape3A_450, %dot_general3A_467 {dimension_numbers = #tpu.dot_dimension_numbers<[1], [0], [0], [1], [0, 0, 1, 1], [], []>, transpose_lhs_hint = false} : vector<64x64xf32>, vector<64x192xf32>, vector<64x192xf32> -> vector<64x192xf32>
    %reshape3A_469 = vector.shape_cast %dot_general3A_468 : vector<64x192xf32> to vector<8x8x192xf32>
    %swap3A_470 = arith.constant 0 : index
    %swap3A_471 = arith.constant 0 : index
    %swap3A_472 = arith.constant 104 : index
    %swap3A_473 = arith.constant 0 : index
    %swap3A_474 = vector.load %arg9[%swap3A_470, %swap3A_471, %swap3A_472, %swap3A_473] : memref<1x8x224x192xf32, #tpu.memory_space<vmem>>, vector<1x8x8x192xf32>
    %swap3A_475 = vector.shape_cast %swap3A_474 : vector<1x8x8x192xf32> to vector<8x8x192xf32>
    %swap3A_476 = vector.shape_cast %reshape3A_469 : vector<8x8x192xf32> to vector<1x8x8x192xf32>
    tpu.vector_store %arg9[%swap3A_470, %swap3A_471, %swap3A_472, %swap3A_473], %swap3A_476 {strides = array<i32>} : memref<1x8x224x192xf32, #tpu.memory_space<vmem>>, vector<1x8x8x192xf32>,
    %slice3A_477 = vector.extract_strided_slice %reshape3A_36 {offsets = [0, 112, 0], sizes = [8, 8, 192], strides = [1, 1, 1]} : vector<8x224x192xf32> to vector<8x8x192xf32>
    %reshape3A_478 = vector.shape_cast %slice3A_477 : vector<8x8x192xf32> to vector<64x192xf32>
    %slice3A_479 = vector.extract_strided_slice %reshape3A_37 {offsets = [0, 112, 0], sizes = [8, 8, 192], strides = [1, 1, 1]} : vector<8x224x192xf32> to vector<8x8x192xf32>
    %reshape3A_480 = vector.shape_cast %slice3A_479 : vector<8x8x192xf32> to vector<64x192xf32>
    %slice3A_481 = vector.extract_strided_slice %get3A_16 {offsets = [0, 112, 0], sizes = [8, 8, 192], strides = [1, 1, 1]} : vector<8x224x192xf32> to vector<8x8x192xf32>
    %reshape3A_482 = vector.shape_cast %slice3A_481 : vector<8x8x192xf32> to vector<64x192xf32>
    %dot_general3A_483 = arith.constant dense<0.000000e+00> : vector<64x64xf32>
    %dot_general3A_484 = tpu.matmul %reshape3A_478, %reshape3A_480, %dot_general3A_483 {dimension_numbers = #tpu.dot_dimension_numbers<[1], [1], [0], [0], [0, 0, 1, 0], [], []>, transpose_lhs_hint = false} : vector<64x192xf32>, vector<64x192xf32>, vector<64x64xf32> -> vector<64x64xf32>
    %reduce_max3A_485 = arith.constant dense<0xFF800000> : vector<64xf32>
    %reduce_max3A_486 = vector.multi_reduction <maximumf>, %dot_general3A_484, %reduce_max3A_485 [1] : vector<64x64xf32> to vector<64xf32>
    %max3A_487 = arith.constant 0xFF800000 : f32
    %max3A_488 = vector.broadcast %max3A_487 : f32 to vector<64xf32>
    %max3A_489 = arith.maximumf %max3A_488, %reduce_max3A_486 : vector<64xf32>
    %broadcast_in_dim3A_490 = vector.shape_cast %max3A_489 : vector<64xf32> to vector<64x1xf32>
    %sub3A_491 = vector.broadcast %broadcast_in_dim3A_490 : vector<64x1xf32> to vector<64x64xf32>
    %sub3A_492 = arith.subf %dot_general3A_484, %sub3A_491 : vector<64x64xf32>
    %exp3A_493 = math.exp %sub3A_492 : vector<64x64xf32>
    %reduce_sum3A_494 = arith.constant dense<0.000000e+00> : vector<64xf32>
    %reduce_sum3A_495 = vector.multi_reduction <add>, %exp3A_493, %reduce_sum3A_494 [1] : vector<64x64xf32> to vector<64xf32>
    %broadcast_in_dim3A_496 = vector.shape_cast %reduce_sum3A_495 : vector<64xf32> to vector<64x1xf32>
    %div3A_497 = vector.broadcast %broadcast_in_dim3A_496 : vector<64x1xf32> to vector<64x64xf32>
    %div3A_498 = arith.divf %exp3A_493, %div3A_497 : vector<64x64xf32>
    %dot_general3A_499 = arith.constant dense<0.000000e+00> : vector<64x192xf32>
    %dot_general3A_500 = tpu.matmul %div3A_498, %reshape3A_482, %dot_general3A_499 {dimension_numbers = #tpu.dot_dimension_numbers<[1], [0], [0], [1], [0, 0, 1, 1], [], []>, transpose_lhs_hint = false} : vector<64x64xf32>, vector<64x192xf32>, vector<64x192xf32> -> vector<64x192xf32>
    %reshape3A_501 = vector.shape_cast %dot_general3A_500 : vector<64x192xf32> to vector<8x8x192xf32>
    %swap3A_502 = arith.constant 0 : index
    %swap3A_503 = arith.constant 0 : index
    %swap3A_504 = arith.constant 112 : index
    %swap3A_505 = arith.constant 0 : index
    %swap3A_506 = vector.load %arg9[%swap3A_502, %swap3A_503, %swap3A_504, %swap3A_505] : memref<1x8x224x192xf32, #tpu.memory_space<vmem>>, vector<1x8x8x192xf32>
    %swap3A_507 = vector.shape_cast %swap3A_506 : vector<1x8x8x192xf32> to vector<8x8x192xf32>
    %swap3A_508 = vector.shape_cast %reshape3A_501 : vector<8x8x192xf32> to vector<1x8x8x192xf32>
    tpu.vector_store %arg9[%swap3A_502, %swap3A_503, %swap3A_504, %swap3A_505], %swap3A_508 {strides = array<i32>} : memref<1x8x224x192xf32, #tpu.memory_space<vmem>>, vector<1x8x8x192xf32>,
    %slice3A_509 = vector.extract_strided_slice %reshape3A_36 {offsets = [0, 120, 0], sizes = [8, 8, 192], strides = [1, 1, 1]} : vector<8x224x192xf32> to vector<8x8x192xf32>
    %reshape3A_510 = vector.shape_cast %slice3A_509 : vector<8x8x192xf32> to vector<64x192xf32>
    %slice3A_511 = vector.extract_strided_slice %reshape3A_37 {offsets = [0, 120, 0], sizes = [8, 8, 192], strides = [1, 1, 1]} : vector<8x224x192xf32> to vector<8x8x192xf32>
    %reshape3A_512 = vector.shape_cast %slice3A_511 : vector<8x8x192xf32> to vector<64x192xf32>
    %slice3A_513 = vector.extract_strided_slice %get3A_16 {offsets = [0, 120, 0], sizes = [8, 8, 192], strides = [1, 1, 1]} : vector<8x224x192xf32> to vector<8x8x192xf32>
    %reshape3A_514 = vector.shape_cast %slice3A_513 : vector<8x8x192xf32> to vector<64x192xf32>
    %dot_general3A_515 = arith.constant dense<0.000000e+00> : vector<64x64xf32>
    %dot_general3A_516 = tpu.matmul %reshape3A_510, %reshape3A_512, %dot_general3A_515 {dimension_numbers = #tpu.dot_dimension_numbers<[1], [1], [0], [0], [0, 0, 1, 0], [], []>, transpose_lhs_hint = false} : vector<64x192xf32>, vector<64x192xf32>, vector<64x64xf32> -> vector<64x64xf32>
    %reduce_max3A_517 = arith.constant dense<0xFF800000> : vector<64xf32>
    %reduce_max3A_518 = vector.multi_reduction <maximumf>, %dot_general3A_516, %reduce_max3A_517 [1] : vector<64x64xf32> to vector<64xf32>
    %max3A_519 = arith.constant 0xFF800000 : f32
    %max3A_520 = vector.broadcast %max3A_519 : f32 to vector<64xf32>
    %max3A_521 = arith.maximumf %max3A_520, %reduce_max3A_518 : vector<64xf32>
    %broadcast_in_dim3A_522 = vector.shape_cast %max3A_521 : vector<64xf32> to vector<64x1xf32>
    %sub3A_523 = vector.broadcast %broadcast_in_dim3A_522 : vector<64x1xf32> to vector<64x64xf32>
    %sub3A_524 = arith.subf %dot_general3A_516, %sub3A_523 : vector<64x64xf32>
    %exp3A_525 = math.exp %sub3A_524 : vector<64x64xf32>
    %reduce_sum3A_526 = arith.constant dense<0.000000e+00> : vector<64xf32>
    %reduce_sum3A_527 = vector.multi_reduction <add>, %exp3A_525, %reduce_sum3A_526 [1] : vector<64x64xf32> to vector<64xf32>
    %broadcast_in_dim3A_528 = vector.shape_cast %reduce_sum3A_527 : vector<64xf32> to vector<64x1xf32>
    %div3A_529 = vector.broadcast %broadcast_in_dim3A_528 : vector<64x1xf32> to vector<64x64xf32>
    %div3A_530 = arith.divf %exp3A_525, %div3A_529 : vector<64x64xf32>
    %dot_general3A_531 = arith.constant dense<0.000000e+00> : vector<64x192xf32>
    %dot_general3A_532 = tpu.matmul %div3A_530, %reshape3A_514, %dot_general3A_531 {dimension_numbers = #tpu.dot_dimension_numbers<[1], [0], [0], [1], [0, 0, 1, 1], [], []>, transpose_lhs_hint = false} : vector<64x64xf32>, vector<64x192xf32>, vector<64x192xf32> -> vector<64x192xf32>
    %reshape3A_533 = vector.shape_cast %dot_general3A_532 : vector<64x192xf32> to vector<8x8x192xf32>
    %swap3A_534 = arith.constant 0 : index
    %swap3A_535 = arith.constant 0 : index
    %swap3A_536 = arith.constant 120 : index
    %swap3A_537 = arith.constant 0 : index
    %swap3A_538 = vector.load %arg9[%swap3A_534, %swap3A_535, %swap3A_536, %swap3A_537] : memref<1x8x224x192xf32, #tpu.memory_space<vmem>>, vector<1x8x8x192xf32>
    %swap3A_539 = vector.shape_cast %swap3A_538 : vector<1x8x8x192xf32> to vector<8x8x192xf32>
    %swap3A_540 = vector.shape_cast %reshape3A_533 : vector<8x8x192xf32> to vector<1x8x8x192xf32>
    tpu.vector_store %arg9[%swap3A_534, %swap3A_535, %swap3A_536, %swap3A_537], %swap3A_540 {strides = array<i32>} : memref<1x8x224x192xf32, #tpu.memory_space<vmem>>, vector<1x8x8x192xf32>,
    %slice3A_541 = vector.extract_strided_slice %reshape3A_36 {offsets = [0, 128, 0], sizes = [8, 8, 192], strides = [1, 1, 1]} : vector<8x224x192xf32> to vector<8x8x192xf32>
    %reshape3A_542 = vector.shape_cast %slice3A_541 : vector<8x8x192xf32> to vector<64x192xf32>
    %slice3A_543 = vector.extract_strided_slice %reshape3A_37 {offsets = [0, 128, 0], sizes = [8, 8, 192], strides = [1, 1, 1]} : vector<8x224x192xf32> to vector<8x8x192xf32>
    %reshape3A_544 = vector.shape_cast %slice3A_543 : vector<8x8x192xf32> to vector<64x192xf32>
    %slice3A_545 = vector.extract_strided_slice %get3A_16 {offsets = [0, 128, 0], sizes = [8, 8, 192], strides = [1, 1, 1]} : vector<8x224x192xf32> to vector<8x8x192xf32>
    %reshape3A_546 = vector.shape_cast %slice3A_545 : vector<8x8x192xf32> to vector<64x192xf32>
    %dot_general3A_547 = arith.constant dense<0.000000e+00> : vector<64x64xf32>
    %dot_general3A_548 = tpu.matmul %reshape3A_542, %reshape3A_544, %dot_general3A_547 {dimension_numbers = #tpu.dot_dimension_numbers<[1], [1], [0], [0], [0, 0, 1, 0], [], []>, transpose_lhs_hint = false} : vector<64x192xf32>, vector<64x192xf32>, vector<64x64xf32> -> vector<64x64xf32>
    %reduce_max3A_549 = arith.constant dense<0xFF800000> : vector<64xf32>
    %reduce_max3A_550 = vector.multi_reduction <maximumf>, %dot_general3A_548, %reduce_max3A_549 [1] : vector<64x64xf32> to vector<64xf32>
    %max3A_551 = arith.constant 0xFF800000 : f32
    %max3A_552 = vector.broadcast %max3A_551 : f32 to vector<64xf32>
    %max3A_553 = arith.maximumf %max3A_552, %reduce_max3A_550 : vector<64xf32>
    %broadcast_in_dim3A_554 = vector.shape_cast %max3A_553 : vector<64xf32> to vector<64x1xf32>
    %sub3A_555 = vector.broadcast %broadcast_in_dim3A_554 : vector<64x1xf32> to vector<64x64xf32>
    %sub3A_556 = arith.subf %dot_general3A_548, %sub3A_555 : vector<64x64xf32>
    %exp3A_557 = math.exp %sub3A_556 : vector<64x64xf32>
    %reduce_sum3A_558 = arith.constant dense<0.000000e+00> : vector<64xf32>
    %reduce_sum3A_559 = vector.multi_reduction <add>, %exp3A_557, %reduce_sum3A_558 [1] : vector<64x64xf32> to vector<64xf32>
    %broadcast_in_dim3A_560 = vector.shape_cast %reduce_sum3A_559 : vector<64xf32> to vector<64x1xf32>
    %div3A_561 = vector.broadcast %broadcast_in_dim3A_560 : vector<64x1xf32> to vector<64x64xf32>
    %div3A_562 = arith.divf %exp3A_557, %div3A_561 : vector<64x64xf32>
    %dot_general3A_563 = arith.constant dense<0.000000e+00> : vector<64x192xf32>
    %dot_general3A_564 = tpu.matmul %div3A_562, %reshape3A_546, %dot_general3A_563 {dimension_numbers = #tpu.dot_dimension_numbers<[1], [0], [0], [1], [0, 0, 1, 1], [], []>, transpose_lhs_hint = false} : vector<64x64xf32>, vector<64x192xf32>, vector<64x192xf32> -> vector<64x192xf32>
    %reshape3A_565 = vector.shape_cast %dot_general3A_564 : vector<64x192xf32> to vector<8x8x192xf32>
    %swap3A_566 = arith.constant 0 : index
    %swap3A_567 = arith.constant 0 : index
    %swap3A_568 = arith.constant 128 : index
    %swap3A_569 = arith.constant 0 : index
    %swap3A_570 = vector.load %arg9[%swap3A_566, %swap3A_567, %swap3A_568, %swap3A_569] : memref<1x8x224x192xf32, #tpu.memory_space<vmem>>, vector<1x8x8x192xf32>
    %swap3A_571 = vector.shape_cast %swap3A_570 : vector<1x8x8x192xf32> to vector<8x8x192xf32>
    %swap3A_572 = vector.shape_cast %reshape3A_565 : vector<8x8x192xf32> to vector<1x8x8x192xf32>
    tpu.vector_store %arg9[%swap3A_566, %swap3A_567, %swap3A_568, %swap3A_569], %swap3A_572 {strides = array<i32>} : memref<1x8x224x192xf32, #tpu.memory_space<vmem>>, vector<1x8x8x192xf32>,
    %slice3A_573 = vector.extract_strided_slice %reshape3A_36 {offsets = [0, 136, 0], sizes = [8, 8, 192], strides = [1, 1, 1]} : vector<8x224x192xf32> to vector<8x8x192xf32>
    %reshape3A_574 = vector.shape_cast %slice3A_573 : vector<8x8x192xf32> to vector<64x192xf32>
    %slice3A_575 = vector.extract_strided_slice %reshape3A_37 {offsets = [0, 136, 0], sizes = [8, 8, 192], strides = [1, 1, 1]} : vector<8x224x192xf32> to vector<8x8x192xf32>
    %reshape3A_576 = vector.shape_cast %slice3A_575 : vector<8x8x192xf32> to vector<64x192xf32>
    %slice3A_577 = vector.extract_strided_slice %get3A_16 {offsets = [0, 136, 0], sizes = [8, 8, 192], strides = [1, 1, 1]} : vector<8x224x192xf32> to vector<8x8x192xf32>
    %reshape3A_578 = vector.shape_cast %slice3A_577 : vector<8x8x192xf32> to vector<64x192xf32>
    %dot_general3A_579 = arith.constant dense<0.000000e+00> : vector<64x64xf32>
    %dot_general3A_580 = tpu.matmul %reshape3A_574, %reshape3A_576, %dot_general3A_579 {dimension_numbers = #tpu.dot_dimension_numbers<[1], [1], [0], [0], [0, 0, 1, 0], [], []>, transpose_lhs_hint = false} : vector<64x192xf32>, vector<64x192xf32>, vector<64x64xf32> -> vector<64x64xf32>
    %reduce_max3A_581 = arith.constant dense<0xFF800000> : vector<64xf32>
    %reduce_max3A_582 = vector.multi_reduction <maximumf>, %dot_general3A_580, %reduce_max3A_581 [1] : vector<64x64xf32> to vector<64xf32>
    %max3A_583 = arith.constant 0xFF800000 : f32
    %max3A_584 = vector.broadcast %max3A_583 : f32 to vector<64xf32>
    %max3A_585 = arith.maximumf %max3A_584, %reduce_max3A_582 : vector<64xf32>
    %broadcast_in_dim3A_586 = vector.shape_cast %max3A_585 : vector<64xf32> to vector<64x1xf32>
    %sub3A_587 = vector.broadcast %broadcast_in_dim3A_586 : vector<64x1xf32> to vector<64x64xf32>
    %sub3A_588 = arith.subf %dot_general3A_580, %sub3A_587 : vector<64x64xf32>
    %exp3A_589 = math.exp %sub3A_588 : vector<64x64xf32>
    %reduce_sum3A_590 = arith.constant dense<0.000000e+00> : vector<64xf32>
    %reduce_sum3A_591 = vector.multi_reduction <add>, %exp3A_589, %reduce_sum3A_590 [1] : vector<64x64xf32> to vector<64xf32>
    %broadcast_in_dim3A_592 = vector.shape_cast %reduce_sum3A_591 : vector<64xf32> to vector<64x1xf32>
    %div3A_593 = vector.broadcast %broadcast_in_dim3A_592 : vector<64x1xf32> to vector<64x64xf32>
    %div3A_594 = arith.divf %exp3A_589, %div3A_593 : vector<64x64xf32>
    %dot_general3A_595 = arith.constant dense<0.000000e+00> : vector<64x192xf32>
    %dot_general3A_596 = tpu.matmul %div3A_594, %reshape3A_578, %dot_general3A_595 {dimension_numbers = #tpu.dot_dimension_numbers<[1], [0], [0], [1], [0, 0, 1, 1], [], []>, transpose_lhs_hint = false} : vector<64x64xf32>, vector<64x192xf32>, vector<64x192xf32> -> vector<64x192xf32>
    %reshape3A_597 = vector.shape_cast %dot_general3A_596 : vector<64x192xf32> to vector<8x8x192xf32>
    %swap3A_598 = arith.constant 0 : index
    %swap3A_599 = arith.constant 0 : index
    %swap3A_600 = arith.constant 136 : index
    %swap3A_601 = arith.constant 0 : index
    %swap3A_602 = vector.load %arg9[%swap3A_598, %swap3A_599, %swap3A_600, %swap3A_601] : memref<1x8x224x192xf32, #tpu.memory_space<vmem>>, vector<1x8x8x192xf32>
    %swap3A_603 = vector.shape_cast %swap3A_602 : vector<1x8x8x192xf32> to vector<8x8x192xf32>
    %swap3A_604 = vector.shape_cast %reshape3A_597 : vector<8x8x192xf32> to vector<1x8x8x192xf32>
    tpu.vector_store %arg9[%swap3A_598, %swap3A_599, %swap3A_600, %swap3A_601], %swap3A_604 {strides = array<i32>} : memref<1x8x224x192xf32, #tpu.memory_space<vmem>>, vector<1x8x8x192xf32>,
    %slice3A_605 = vector.extract_strided_slice %reshape3A_36 {offsets = [0, 144, 0], sizes = [8, 8, 192], strides = [1, 1, 1]} : vector<8x224x192xf32> to vector<8x8x192xf32>
    %reshape3A_606 = vector.shape_cast %slice3A_605 : vector<8x8x192xf32> to vector<64x192xf32>
    %slice3A_607 = vector.extract_strided_slice %reshape3A_37 {offsets = [0, 144, 0], sizes = [8, 8, 192], strides = [1, 1, 1]} : vector<8x224x192xf32> to vector<8x8x192xf32>
    %reshape3A_608 = vector.shape_cast %slice3A_607 : vector<8x8x192xf32> to vector<64x192xf32>
    %slice3A_609 = vector.extract_strided_slice %get3A_16 {offsets = [0, 144, 0], sizes = [8, 8, 192], strides = [1, 1, 1]} : vector<8x224x192xf32> to vector<8x8x192xf32>
    %reshape3A_610 = vector.shape_cast %slice3A_609 : vector<8x8x192xf32> to vector<64x192xf32>
    %dot_general3A_611 = arith.constant dense<0.000000e+00> : vector<64x64xf32>
    %dot_general3A_612 = tpu.matmul %reshape3A_606, %reshape3A_608, %dot_general3A_611 {dimension_numbers = #tpu.dot_dimension_numbers<[1], [1], [0], [0], [0, 0, 1, 0], [], []>, transpose_lhs_hint = false} : vector<64x192xf32>, vector<64x192xf32>, vector<64x64xf32> -> vector<64x64xf32>
    %reduce_max3A_613 = arith.constant dense<0xFF800000> : vector<64xf32>
    %reduce_max3A_614 = vector.multi_reduction <maximumf>, %dot_general3A_612, %reduce_max3A_613 [1] : vector<64x64xf32> to vector<64xf32>
    %max3A_615 = arith.constant 0xFF800000 : f32
    %max3A_616 = vector.broadcast %max3A_615 : f32 to vector<64xf32>
    %max3A_617 = arith.maximumf %max3A_616, %reduce_max3A_614 : vector<64xf32>
    %broadcast_in_dim3A_618 = vector.shape_cast %max3A_617 : vector<64xf32> to vector<64x1xf32>
    %sub3A_619 = vector.broadcast %broadcast_in_dim3A_618 : vector<64x1xf32> to vector<64x64xf32>
    %sub3A_620 = arith.subf %dot_general3A_612, %sub3A_619 : vector<64x64xf32>
    %exp3A_621 = math.exp %sub3A_620 : vector<64x64xf32>
    %reduce_sum3A_622 = arith.constant dense<0.000000e+00> : vector<64xf32>
    %reduce_sum3A_623 = vector.multi_reduction <add>, %exp3A_621, %reduce_sum3A_622 [1] : vector<64x64xf32> to vector<64xf32>
    %broadcast_in_dim3A_624 = vector.shape_cast %reduce_sum3A_623 : vector<64xf32> to vector<64x1xf32>
    %div3A_625 = vector.broadcast %broadcast_in_dim3A_624 : vector<64x1xf32> to vector<64x64xf32>
    %div3A_626 = arith.divf %exp3A_621, %div3A_625 : vector<64x64xf32>
    %dot_general3A_627 = arith.constant dense<0.000000e+00> : vector<64x192xf32>
    %dot_general3A_628 = tpu.matmul %div3A_626, %reshape3A_610, %dot_general3A_627 {dimension_numbers = #tpu.dot_dimension_numbers<[1], [0], [0], [1], [0, 0, 1, 1], [], []>, transpose_lhs_hint = false} : vector<64x64xf32>, vector<64x192xf32>, vector<64x192xf32> -> vector<64x192xf32>
    %reshape3A_629 = vector.shape_cast %dot_general3A_628 : vector<64x192xf32> to vector<8x8x192xf32>
    %swap3A_630 = arith.constant 0 : index
    %swap3A_631 = arith.constant 0 : index
    %swap3A_632 = arith.constant 144 : index
    %swap3A_633 = arith.constant 0 : index
    %swap3A_634 = vector.load %arg9[%swap3A_630, %swap3A_631, %swap3A_632, %swap3A_633] : memref<1x8x224x192xf32, #tpu.memory_space<vmem>>, vector<1x8x8x192xf32>
    %swap3A_635 = vector.shape_cast %swap3A_634 : vector<1x8x8x192xf32> to vector<8x8x192xf32>
    %swap3A_636 = vector.shape_cast %reshape3A_629 : vector<8x8x192xf32> to vector<1x8x8x192xf32>
    tpu.vector_store %arg9[%swap3A_630, %swap3A_631, %swap3A_632, %swap3A_633], %swap3A_636 {strides = array<i32>} : memref<1x8x224x192xf32, #tpu.memory_space<vmem>>, vector<1x8x8x192xf32>,
    %slice3A_637 = vector.extract_strided_slice %reshape3A_36 {offsets = [0, 152, 0], sizes = [8, 8, 192], strides = [1, 1, 1]} : vector<8x224x192xf32> to vector<8x8x192xf32>
    %reshape3A_638 = vector.shape_cast %slice3A_637 : vector<8x8x192xf32> to vector<64x192xf32>
    %slice3A_639 = vector.extract_strided_slice %reshape3A_37 {offsets = [0, 152, 0], sizes = [8, 8, 192], strides = [1, 1, 1]} : vector<8x224x192xf32> to vector<8x8x192xf32>
    %reshape3A_640 = vector.shape_cast %slice3A_639 : vector<8x8x192xf32> to vector<64x192xf32>
    %slice3A_641 = vector.extract_strided_slice %get3A_16 {offsets = [0, 152, 0], sizes = [8, 8, 192], strides = [1, 1, 1]} : vector<8x224x192xf32> to vector<8x8x192xf32>
    %reshape3A_642 = vector.shape_cast %slice3A_641 : vector<8x8x192xf32> to vector<64x192xf32>
    %dot_general3A_643 = arith.constant dense<0.000000e+00> : vector<64x64xf32>
    %dot_general3A_644 = tpu.matmul %reshape3A_638, %reshape3A_640, %dot_general3A_643 {dimension_numbers = #tpu.dot_dimension_numbers<[1], [1], [0], [0], [0, 0, 1, 0], [], []>, transpose_lhs_hint = false} : vector<64x192xf32>, vector<64x192xf32>, vector<64x64xf32> -> vector<64x64xf32>
    %reduce_max3A_645 = arith.constant dense<0xFF800000> : vector<64xf32>
    %reduce_max3A_646 = vector.multi_reduction <maximumf>, %dot_general3A_644, %reduce_max3A_645 [1] : vector<64x64xf32> to vector<64xf32>
    %max3A_647 = arith.constant 0xFF800000 : f32
    %max3A_648 = vector.broadcast %max3A_647 : f32 to vector<64xf32>
    %max3A_649 = arith.maximumf %max3A_648, %reduce_max3A_646 : vector<64xf32>
    %broadcast_in_dim3A_650 = vector.shape_cast %max3A_649 : vector<64xf32> to vector<64x1xf32>
    %sub3A_651 = vector.broadcast %broadcast_in_dim3A_650 : vector<64x1xf32> to vector<64x64xf32>
    %sub3A_652 = arith.subf %dot_general3A_644, %sub3A_651 : vector<64x64xf32>
    %exp3A_653 = math.exp %sub3A_652 : vector<64x64xf32>
    %reduce_sum3A_654 = arith.constant dense<0.000000e+00> : vector<64xf32>
    %reduce_sum3A_655 = vector.multi_reduction <add>, %exp3A_653, %reduce_sum3A_654 [1] : vector<64x64xf32> to vector<64xf32>
    %broadcast_in_dim3A_656 = vector.shape_cast %reduce_sum3A_655 : vector<64xf32> to vector<64x1xf32>
    %div3A_657 = vector.broadcast %broadcast_in_dim3A_656 : vector<64x1xf32> to vector<64x64xf32>
    %div3A_658 = arith.divf %exp3A_653, %div3A_657 : vector<64x64xf32>
    %dot_general3A_659 = arith.constant dense<0.000000e+00> : vector<64x192xf32>
    %dot_general3A_660 = tpu.matmul %div3A_658, %reshape3A_642, %dot_general3A_659 {dimension_numbers = #tpu.dot_dimension_numbers<[1], [0], [0], [1], [0, 0, 1, 1], [], []>, transpose_lhs_hint = false} : vector<64x64xf32>, vector<64x192xf32>, vector<64x192xf32> -> vector<64x192xf32>
    %reshape3A_661 = vector.shape_cast %dot_general3A_660 : vector<64x192xf32> to vector<8x8x192xf32>
    %swap3A_662 = arith.constant 0 : index
    %swap3A_663 = arith.constant 0 : index
    %swap3A_664 = arith.constant 152 : index
    %swap3A_665 = arith.constant 0 : index
    %swap3A_666 = vector.load %arg9[%swap3A_662, %swap3A_663, %swap3A_664, %swap3A_665] : memref<1x8x224x192xf32, #tpu.memory_space<vmem>>, vector<1x8x8x192xf32>
    %swap3A_667 = vector.shape_cast %swap3A_666 : vector<1x8x8x192xf32> to vector<8x8x192xf32>
    %swap3A_668 = vector.shape_cast %reshape3A_661 : vector<8x8x192xf32> to vector<1x8x8x192xf32>
    tpu.vector_store %arg9[%swap3A_662, %swap3A_663, %swap3A_664, %swap3A_665], %swap3A_668 {strides = array<i32>} : memref<1x8x224x192xf32, #tpu.memory_space<vmem>>, vector<1x8x8x192xf32>,
    %slice3A_669 = vector.extract_strided_slice %reshape3A_36 {offsets = [0, 160, 0], sizes = [8, 8, 192], strides = [1, 1, 1]} : vector<8x224x192xf32> to vector<8x8x192xf32>
    %reshape3A_670 = vector.shape_cast %slice3A_669 : vector<8x8x192xf32> to vector<64x192xf32>
    %slice3A_671 = vector.extract_strided_slice %reshape3A_37 {offsets = [0, 160, 0], sizes = [8, 8, 192], strides = [1, 1, 1]} : vector<8x224x192xf32> to vector<8x8x192xf32>
    %reshape3A_672 = vector.shape_cast %slice3A_671 : vector<8x8x192xf32> to vector<64x192xf32>
    %slice3A_673 = vector.extract_strided_slice %get3A_16 {offsets = [0, 160, 0], sizes = [8, 8, 192], strides = [1, 1, 1]} : vector<8x224x192xf32> to vector<8x8x192xf32>
    %reshape3A_674 = vector.shape_cast %slice3A_673 : vector<8x8x192xf32> to vector<64x192xf32>
    %dot_general3A_675 = arith.constant dense<0.000000e+00> : vector<64x64xf32>
    %dot_general3A_676 = tpu.matmul %reshape3A_670, %reshape3A_672, %dot_general3A_675 {dimension_numbers = #tpu.dot_dimension_numbers<[1], [1], [0], [0], [0, 0, 1, 0], [], []>, transpose_lhs_hint = false} : vector<64x192xf32>, vector<64x192xf32>, vector<64x64xf32> -> vector<64x64xf32>
    %reduce_max3A_677 = arith.constant dense<0xFF800000> : vector<64xf32>
    %reduce_max3A_678 = vector.multi_reduction <maximumf>, %dot_general3A_676, %reduce_max3A_677 [1] : vector<64x64xf32> to vector<64xf32>
    %max3A_679 = arith.constant 0xFF800000 : f32
    %max3A_680 = vector.broadcast %max3A_679 : f32 to vector<64xf32>
    %max3A_681 = arith.maximumf %max3A_680, %reduce_max3A_678 : vector<64xf32>
    %broadcast_in_dim3A_682 = vector.shape_cast %max3A_681 : vector<64xf32> to vector<64x1xf32>
    %sub3A_683 = vector.broadcast %broadcast_in_dim3A_682 : vector<64x1xf32> to vector<64x64xf32>
    %sub3A_684 = arith.subf %dot_general3A_676, %sub3A_683 : vector<64x64xf32>
    %exp3A_685 = math.exp %sub3A_684 : vector<64x64xf32>
    %reduce_sum3A_686 = arith.constant dense<0.000000e+00> : vector<64xf32>
    %reduce_sum3A_687 = vector.multi_reduction <add>, %exp3A_685, %reduce_sum3A_686 [1] : vector<64x64xf32> to vector<64xf32>
    %broadcast_in_dim3A_688 = vector.shape_cast %reduce_sum3A_687 : vector<64xf32> to vector<64x1xf32>
    %div3A_689 = vector.broadcast %broadcast_in_dim3A_688 : vector<64x1xf32> to vector<64x64xf32>
    %div3A_690 = arith.divf %exp3A_685, %div3A_689 : vector<64x64xf32>
    %dot_general3A_691 = arith.constant dense<0.000000e+00> : vector<64x192xf32>
    %dot_general3A_692 = tpu.matmul %div3A_690, %reshape3A_674, %dot_general3A_691 {dimension_numbers = #tpu.dot_dimension_numbers<[1], [0], [0], [1], [0, 0, 1, 1], [], []>, transpose_lhs_hint = false} : vector<64x64xf32>, vector<64x192xf32>, vector<64x192xf32> -> vector<64x192xf32>
    %reshape3A_693 = vector.shape_cast %dot_general3A_692 : vector<64x192xf32> to vector<8x8x192xf32>
    %swap3A_694 = arith.constant 0 : index
    %swap3A_695 = arith.constant 0 : index
    %swap3A_696 = arith.constant 160 : index
    %swap3A_697 = arith.constant 0 : index
    %swap3A_698 = vector.load %arg9[%swap3A_694, %swap3A_695, %swap3A_696, %swap3A_697] : memref<1x8x224x192xf32, #tpu.memory_space<vmem>>, vector<1x8x8x192xf32>
    %swap3A_699 = vector.shape_cast %swap3A_698 : vector<1x8x8x192xf32> to vector<8x8x192xf32>
    %swap3A_700 = vector.shape_cast %reshape3A_693 : vector<8x8x192xf32> to vector<1x8x8x192xf32>
    tpu.vector_store %arg9[%swap3A_694, %swap3A_695, %swap3A_696, %swap3A_697], %swap3A_700 {strides = array<i32>} : memref<1x8x224x192xf32, #tpu.memory_space<vmem>>, vector<1x8x8x192xf32>,
    %slice3A_701 = vector.extract_strided_slice %reshape3A_36 {offsets = [0, 168, 0], sizes = [8, 8, 192], strides = [1, 1, 1]} : vector<8x224x192xf32> to vector<8x8x192xf32>
    %reshape3A_702 = vector.shape_cast %slice3A_701 : vector<8x8x192xf32> to vector<64x192xf32>
    %slice3A_703 = vector.extract_strided_slice %reshape3A_37 {offsets = [0, 168, 0], sizes = [8, 8, 192], strides = [1, 1, 1]} : vector<8x224x192xf32> to vector<8x8x192xf32>
    %reshape3A_704 = vector.shape_cast %slice3A_703 : vector<8x8x192xf32> to vector<64x192xf32>
    %slice3A_705 = vector.extract_strided_slice %get3A_16 {offsets = [0, 168, 0], sizes = [8, 8, 192], strides = [1, 1, 1]} : vector<8x224x192xf32> to vector<8x8x192xf32>
    %reshape3A_706 = vector.shape_cast %slice3A_705 : vector<8x8x192xf32> to vector<64x192xf32>
    %dot_general3A_707 = arith.constant dense<0.000000e+00> : vector<64x64xf32>
    %dot_general3A_708 = tpu.matmul %reshape3A_702, %reshape3A_704, %dot_general3A_707 {dimension_numbers = #tpu.dot_dimension_numbers<[1], [1], [0], [0], [0, 0, 1, 0], [], []>, transpose_lhs_hint = false} : vector<64x192xf32>, vector<64x192xf32>, vector<64x64xf32> -> vector<64x64xf32>
    %reduce_max3A_709 = arith.constant dense<0xFF800000> : vector<64xf32>
    %reduce_max3A_710 = vector.multi_reduction <maximumf>, %dot_general3A_708, %reduce_max3A_709 [1] : vector<64x64xf32> to vector<64xf32>
    %max3A_711 = arith.constant 0xFF800000 : f32
    %max3A_712 = vector.broadcast %max3A_711 : f32 to vector<64xf32>
    %max3A_713 = arith.maximumf %max3A_712, %reduce_max3A_710 : vector<64xf32>
    %broadcast_in_dim3A_714 = vector.shape_cast %max3A_713 : vector<64xf32> to vector<64x1xf32>
    %sub3A_715 = vector.broadcast %broadcast_in_dim3A_714 : vector<64x1xf32> to vector<64x64xf32>
    %sub3A_716 = arith.subf %dot_general3A_708, %sub3A_715 : vector<64x64xf32>
    %exp3A_717 = math.exp %sub3A_716 : vector<64x64xf32>
    %reduce_sum3A_718 = arith.constant dense<0.000000e+00> : vector<64xf32>
    %reduce_sum3A_719 = vector.multi_reduction <add>, %exp3A_717, %reduce_sum3A_718 [1] : vector<64x64xf32> to vector<64xf32>
    %broadcast_in_dim3A_720 = vector.shape_cast %reduce_sum3A_719 : vector<64xf32> to vector<64x1xf32>
    %div3A_721 = vector.broadcast %broadcast_in_dim3A_720 : vector<64x1xf32> to vector<64x64xf32>
    %div3A_722 = arith.divf %exp3A_717, %div3A_721 : vector<64x64xf32>
    %dot_general3A_723 = arith.constant dense<0.000000e+00> : vector<64x192xf32>
    %dot_general3A_724 = tpu.matmul %div3A_722, %reshape3A_706, %dot_general3A_723 {dimension_numbers = #tpu.dot_dimension_numbers<[1], [0], [0], [1], [0, 0, 1, 1], [], []>, transpose_lhs_hint = false} : vector<64x64xf32>, vector<64x192xf32>, vector<64x192xf32> -> vector<64x192xf32>
    %reshape3A_725 = vector.shape_cast %dot_general3A_724 : vector<64x192xf32> to vector<8x8x192xf32>
    %swap3A_726 = arith.constant 0 : index
    %swap3A_727 = arith.constant 0 : index
    %swap3A_728 = arith.constant 168 : index
    %swap3A_729 = arith.constant 0 : index
    %swap3A_730 = vector.load %arg9[%swap3A_726, %swap3A_727, %swap3A_728, %swap3A_729] : memref<1x8x224x192xf32, #tpu.memory_space<vmem>>, vector<1x8x8x192xf32>
    %swap3A_731 = vector.shape_cast %swap3A_730 : vector<1x8x8x192xf32> to vector<8x8x192xf32>
    %swap3A_732 = vector.shape_cast %reshape3A_725 : vector<8x8x192xf32> to vector<1x8x8x192xf32>
    tpu.vector_store %arg9[%swap3A_726, %swap3A_727, %swap3A_728, %swap3A_729], %swap3A_732 {strides = array<i32>} : memref<1x8x224x192xf32, #tpu.memory_space<vmem>>, vector<1x8x8x192xf32>,
    %slice3A_733 = vector.extract_strided_slice %reshape3A_36 {offsets = [0, 176, 0], sizes = [8, 8, 192], strides = [1, 1, 1]} : vector<8x224x192xf32> to vector<8x8x192xf32>
    %reshape3A_734 = vector.shape_cast %slice3A_733 : vector<8x8x192xf32> to vector<64x192xf32>
    %slice3A_735 = vector.extract_strided_slice %reshape3A_37 {offsets = [0, 176, 0], sizes = [8, 8, 192], strides = [1, 1, 1]} : vector<8x224x192xf32> to vector<8x8x192xf32>
    %reshape3A_736 = vector.shape_cast %slice3A_735 : vector<8x8x192xf32> to vector<64x192xf32>
    %slice3A_737 = vector.extract_strided_slice %get3A_16 {offsets = [0, 176, 0], sizes = [8, 8, 192], strides = [1, 1, 1]} : vector<8x224x192xf32> to vector<8x8x192xf32>
    %reshape3A_738 = vector.shape_cast %slice3A_737 : vector<8x8x192xf32> to vector<64x192xf32>
    %dot_general3A_739 = arith.constant dense<0.000000e+00> : vector<64x64xf32>
    %dot_general3A_740 = tpu.matmul %reshape3A_734, %reshape3A_736, %dot_general3A_739 {dimension_numbers = #tpu.dot_dimension_numbers<[1], [1], [0], [0], [0, 0, 1, 0], [], []>, transpose_lhs_hint = false} : vector<64x192xf32>, vector<64x192xf32>, vector<64x64xf32> -> vector<64x64xf32>
    %reduce_max3A_741 = arith.constant dense<0xFF800000> : vector<64xf32>
    %reduce_max3A_742 = vector.multi_reduction <maximumf>, %dot_general3A_740, %reduce_max3A_741 [1] : vector<64x64xf32> to vector<64xf32>
    %max3A_743 = arith.constant 0xFF800000 : f32
    %max3A_744 = vector.broadcast %max3A_743 : f32 to vector<64xf32>
    %max3A_745 = arith.maximumf %max3A_744, %reduce_max3A_742 : vector<64xf32>
    %broadcast_in_dim3A_746 = vector.shape_cast %max3A_745 : vector<64xf32> to vector<64x1xf32>
    %sub3A_747 = vector.broadcast %broadcast_in_dim3A_746 : vector<64x1xf32> to vector<64x64xf32>
    %sub3A_748 = arith.subf %dot_general3A_740, %sub3A_747 : vector<64x64xf32>
    %exp3A_749 = math.exp %sub3A_748 : vector<64x64xf32>
    %reduce_sum3A_750 = arith.constant dense<0.000000e+00> : vector<64xf32>
    %reduce_sum3A_751 = vector.multi_reduction <add>, %exp3A_749, %reduce_sum3A_750 [1] : vector<64x64xf32> to vector<64xf32>
    %broadcast_in_dim3A_752 = vector.shape_cast %reduce_sum3A_751 : vector<64xf32> to vector<64x1xf32>
    %div3A_753 = vector.broadcast %broadcast_in_dim3A_752 : vector<64x1xf32> to vector<64x64xf32>
    %div3A_754 = arith.divf %exp3A_749, %div3A_753 : vector<64x64xf32>
    %dot_general3A_755 = arith.constant dense<0.000000e+00> : vector<64x192xf32>
    %dot_general3A_756 = tpu.matmul %div3A_754, %reshape3A_738, %dot_general3A_755 {dimension_numbers = #tpu.dot_dimension_numbers<[1], [0], [0], [1], [0, 0, 1, 1], [], []>, transpose_lhs_hint = false} : vector<64x64xf32>, vector<64x192xf32>, vector<64x192xf32> -> vector<64x192xf32>
    %reshape3A_757 = vector.shape_cast %dot_general3A_756 : vector<64x192xf32> to vector<8x8x192xf32>
    %swap3A_758 = arith.constant 0 : index
    %swap3A_759 = arith.constant 0 : index
    %swap3A_760 = arith.constant 176 : index
    %swap3A_761 = arith.constant 0 : index
    %swap3A_762 = vector.load %arg9[%swap3A_758, %swap3A_759, %swap3A_760, %swap3A_761] : memref<1x8x224x192xf32, #tpu.memory_space<vmem>>, vector<1x8x8x192xf32>
    %swap3A_763 = vector.shape_cast %swap3A_762 : vector<1x8x8x192xf32> to vector<8x8x192xf32>
    %swap3A_764 = vector.shape_cast %reshape3A_757 : vector<8x8x192xf32> to vector<1x8x8x192xf32>
    tpu.vector_store %arg9[%swap3A_758, %swap3A_759, %swap3A_760, %swap3A_761], %swap3A_764 {strides = array<i32>} : memref<1x8x224x192xf32, #tpu.memory_space<vmem>>, vector<1x8x8x192xf32>,
    %slice3A_765 = vector.extract_strided_slice %reshape3A_36 {offsets = [0, 184, 0], sizes = [8, 8, 192], strides = [1, 1, 1]} : vector<8x224x192xf32> to vector<8x8x192xf32>
    %reshape3A_766 = vector.shape_cast %slice3A_765 : vector<8x8x192xf32> to vector<64x192xf32>
    %slice3A_767 = vector.extract_strided_slice %reshape3A_37 {offsets = [0, 184, 0], sizes = [8, 8, 192], strides = [1, 1, 1]} : vector<8x224x192xf32> to vector<8x8x192xf32>
    %reshape3A_768 = vector.shape_cast %slice3A_767 : vector<8x8x192xf32> to vector<64x192xf32>
    %slice3A_769 = vector.extract_strided_slice %get3A_16 {offsets = [0, 184, 0], sizes = [8, 8, 192], strides = [1, 1, 1]} : vector<8x224x192xf32> to vector<8x8x192xf32>
    %reshape3A_770 = vector.shape_cast %slice3A_769 : vector<8x8x192xf32> to vector<64x192xf32>
    %dot_general3A_771 = arith.constant dense<0.000000e+00> : vector<64x64xf32>
    %dot_general3A_772 = tpu.matmul %reshape3A_766, %reshape3A_768, %dot_general3A_771 {dimension_numbers = #tpu.dot_dimension_numbers<[1], [1], [0], [0], [0, 0, 1, 0], [], []>, transpose_lhs_hint = false} : vector<64x192xf32>, vector<64x192xf32>, vector<64x64xf32> -> vector<64x64xf32>
    %reduce_max3A_773 = arith.constant dense<0xFF800000> : vector<64xf32>
    %reduce_max3A_774 = vector.multi_reduction <maximumf>, %dot_general3A_772, %reduce_max3A_773 [1] : vector<64x64xf32> to vector<64xf32>
    %max3A_775 = arith.constant 0xFF800000 : f32
    %max3A_776 = vector.broadcast %max3A_775 : f32 to vector<64xf32>
    %max3A_777 = arith.maximumf %max3A_776, %reduce_max3A_774 : vector<64xf32>
    %broadcast_in_dim3A_778 = vector.shape_cast %max3A_777 : vector<64xf32> to vector<64x1xf32>
    %sub3A_779 = vector.broadcast %broadcast_in_dim3A_778 : vector<64x1xf32> to vector<64x64xf32>
    %sub3A_780 = arith.subf %dot_general3A_772, %sub3A_779 : vector<64x64xf32>
    %exp3A_781 = math.exp %sub3A_780 : vector<64x64xf32>
    %reduce_sum3A_782 = arith.constant dense<0.000000e+00> : vector<64xf32>
    %reduce_sum3A_783 = vector.multi_reduction <add>, %exp3A_781, %reduce_sum3A_782 [1] : vector<64x64xf32> to vector<64xf32>
    %broadcast_in_dim3A_784 = vector.shape_cast %reduce_sum3A_783 : vector<64xf32> to vector<64x1xf32>
    %div3A_785 = vector.broadcast %broadcast_in_dim3A_784 : vector<64x1xf32> to vector<64x64xf32>
    %div3A_786 = arith.divf %exp3A_781, %div3A_785 : vector<64x64xf32>
    %dot_general3A_787 = arith.constant dense<0.000000e+00> : vector<64x192xf32>
    %dot_general3A_788 = tpu.matmul %div3A_786, %reshape3A_770, %dot_general3A_787 {dimension_numbers = #tpu.dot_dimension_numbers<[1], [0], [0], [1], [0, 0, 1, 1], [], []>, transpose_lhs_hint = false} : vector<64x64xf32>, vector<64x192xf32>, vector<64x192xf32> -> vector<64x192xf32>
    %reshape3A_789 = vector.shape_cast %dot_general3A_788 : vector<64x192xf32> to vector<8x8x192xf32>
    %swap3A_790 = arith.constant 0 : index
    %swap3A_791 = arith.constant 0 : index
    %swap3A_792 = arith.constant 184 : index
    %swap3A_793 = arith.constant 0 : index
    %swap3A_794 = vector.load %arg9[%swap3A_790, %swap3A_791, %swap3A_792, %swap3A_793] : memref<1x8x224x192xf32, #tpu.memory_space<vmem>>, vector<1x8x8x192xf32>
    %swap3A_795 = vector.shape_cast %swap3A_794 : vector<1x8x8x192xf32> to vector<8x8x192xf32>
    %swap3A_796 = vector.shape_cast %reshape3A_789 : vector<8x8x192xf32> to vector<1x8x8x192xf32>
    tpu.vector_store %arg9[%swap3A_790, %swap3A_791, %swap3A_792, %swap3A_793], %swap3A_796 {strides = array<i32>} : memref<1x8x224x192xf32, #tpu.memory_space<vmem>>, vector<1x8x8x192xf32>,
    %slice3A_797 = vector.extract_strided_slice %reshape3A_36 {offsets = [0, 192, 0], sizes = [8, 8, 192], strides = [1, 1, 1]} : vector<8x224x192xf32> to vector<8x8x192xf32>
    %reshape3A_798 = vector.shape_cast %slice3A_797 : vector<8x8x192xf32> to vector<64x192xf32>
    %slice3A_799 = vector.extract_strided_slice %reshape3A_37 {offsets = [0, 192, 0], sizes = [8, 8, 192], strides = [1, 1, 1]} : vector<8x224x192xf32> to vector<8x8x192xf32>
    %reshape3A_800 = vector.shape_cast %slice3A_799 : vector<8x8x192xf32> to vector<64x192xf32>
    %slice3A_801 = vector.extract_strided_slice %get3A_16 {offsets = [0, 192, 0], sizes = [8, 8, 192], strides = [1, 1, 1]} : vector<8x224x192xf32> to vector<8x8x192xf32>
    %reshape3A_802 = vector.shape_cast %slice3A_801 : vector<8x8x192xf32> to vector<64x192xf32>
    %dot_general3A_803 = arith.constant dense<0.000000e+00> : vector<64x64xf32>
    %dot_general3A_804 = tpu.matmul %reshape3A_798, %reshape3A_800, %dot_general3A_803 {dimension_numbers = #tpu.dot_dimension_numbers<[1], [1], [0], [0], [0, 0, 1, 0], [], []>, transpose_lhs_hint = false} : vector<64x192xf32>, vector<64x192xf32>, vector<64x64xf32> -> vector<64x64xf32>
    %reduce_max3A_805 = arith.constant dense<0xFF800000> : vector<64xf32>
    %reduce_max3A_806 = vector.multi_reduction <maximumf>, %dot_general3A_804, %reduce_max3A_805 [1] : vector<64x64xf32> to vector<64xf32>
    %max3A_807 = arith.constant 0xFF800000 : f32
    %max3A_808 = vector.broadcast %max3A_807 : f32 to vector<64xf32>
    %max3A_809 = arith.maximumf %max3A_808, %reduce_max3A_806 : vector<64xf32>
    %broadcast_in_dim3A_810 = vector.shape_cast %max3A_809 : vector<64xf32> to vector<64x1xf32>
    %sub3A_811 = vector.broadcast %broadcast_in_dim3A_810 : vector<64x1xf32> to vector<64x64xf32>
    %sub3A_812 = arith.subf %dot_general3A_804, %sub3A_811 : vector<64x64xf32>
    %exp3A_813 = math.exp %sub3A_812 : vector<64x64xf32>
    %reduce_sum3A_814 = arith.constant dense<0.000000e+00> : vector<64xf32>
    %reduce_sum3A_815 = vector.multi_reduction <add>, %exp3A_813, %reduce_sum3A_814 [1] : vector<64x64xf32> to vector<64xf32>
    %broadcast_in_dim3A_816 = vector.shape_cast %reduce_sum3A_815 : vector<64xf32> to vector<64x1xf32>
    %div3A_817 = vector.broadcast %broadcast_in_dim3A_816 : vector<64x1xf32> to vector<64x64xf32>
    %div3A_818 = arith.divf %exp3A_813, %div3A_817 : vector<64x64xf32>
    %dot_general3A_819 = arith.constant dense<0.000000e+00> : vector<64x192xf32>
    %dot_general3A_820 = tpu.matmul %div3A_818, %reshape3A_802, %dot_general3A_819 {dimension_numbers = #tpu.dot_dimension_numbers<[1], [0], [0], [1], [0, 0, 1, 1], [], []>, transpose_lhs_hint = false} : vector<64x64xf32>, vector<64x192xf32>, vector<64x192xf32> -> vector<64x192xf32>
    %reshape3A_821 = vector.shape_cast %dot_general3A_820 : vector<64x192xf32> to vector<8x8x192xf32>
    %swap3A_822 = arith.constant 0 : index
    %swap3A_823 = arith.constant 0 : index
    %swap3A_824 = arith.constant 192 : index
    %swap3A_825 = arith.constant 0 : index
    %swap3A_826 = vector.load %arg9[%swap3A_822, %swap3A_823, %swap3A_824, %swap3A_825] : memref<1x8x224x192xf32, #tpu.memory_space<vmem>>, vector<1x8x8x192xf32>
    %swap3A_827 = vector.shape_cast %swap3A_826 : vector<1x8x8x192xf32> to vector<8x8x192xf32>
    %swap3A_828 = vector.shape_cast %reshape3A_821 : vector<8x8x192xf32> to vector<1x8x8x192xf32>
    tpu.vector_store %arg9[%swap3A_822, %swap3A_823, %swap3A_824, %swap3A_825], %swap3A_828 {strides = array<i32>} : memref<1x8x224x192xf32, #tpu.memory_space<vmem>>, vector<1x8x8x192xf32>,
    %slice3A_829 = vector.extract_strided_slice %reshape3A_36 {offsets = [0, 200, 0], sizes = [8, 8, 192], strides = [1, 1, 1]} : vector<8x224x192xf32> to vector<8x8x192xf32>
    %reshape3A_830 = vector.shape_cast %slice3A_829 : vector<8x8x192xf32> to vector<64x192xf32>
    %slice3A_831 = vector.extract_strided_slice %reshape3A_37 {offsets = [0, 200, 0], sizes = [8, 8, 192], strides = [1, 1, 1]} : vector<8x224x192xf32> to vector<8x8x192xf32>
    %reshape3A_832 = vector.shape_cast %slice3A_831 : vector<8x8x192xf32> to vector<64x192xf32>
    %slice3A_833 = vector.extract_strided_slice %get3A_16 {offsets = [0, 200, 0], sizes = [8, 8, 192], strides = [1, 1, 1]} : vector<8x224x192xf32> to vector<8x8x192xf32>
    %reshape3A_834 = vector.shape_cast %slice3A_833 : vector<8x8x192xf32> to vector<64x192xf32>
    %dot_general3A_835 = arith.constant dense<0.000000e+00> : vector<64x64xf32>
    %dot_general3A_836 = tpu.matmul %reshape3A_830, %reshape3A_832, %dot_general3A_835 {dimension_numbers = #tpu.dot_dimension_numbers<[1], [1], [0], [0], [0, 0, 1, 0], [], []>, transpose_lhs_hint = false} : vector<64x192xf32>, vector<64x192xf32>, vector<64x64xf32> -> vector<64x64xf32>
    %reduce_max3A_837 = arith.constant dense<0xFF800000> : vector<64xf32>
    %reduce_max3A_838 = vector.multi_reduction <maximumf>, %dot_general3A_836, %reduce_max3A_837 [1] : vector<64x64xf32> to vector<64xf32>
    %max3A_839 = arith.constant 0xFF800000 : f32
    %max3A_840 = vector.broadcast %max3A_839 : f32 to vector<64xf32>
    %max3A_841 = arith.maximumf %max3A_840, %reduce_max3A_838 : vector<64xf32>
    %broadcast_in_dim3A_842 = vector.shape_cast %max3A_841 : vector<64xf32> to vector<64x1xf32>
    %sub3A_843 = vector.broadcast %broadcast_in_dim3A_842 : vector<64x1xf32> to vector<64x64xf32>
    %sub3A_844 = arith.subf %dot_general3A_836, %sub3A_843 : vector<64x64xf32>
    %exp3A_845 = math.exp %sub3A_844 : vector<64x64xf32>
    %reduce_sum3A_846 = arith.constant dense<0.000000e+00> : vector<64xf32>
    %reduce_sum3A_847 = vector.multi_reduction <add>, %exp3A_845, %reduce_sum3A_846 [1] : vector<64x64xf32> to vector<64xf32>
    %broadcast_in_dim3A_848 = vector.shape_cast %reduce_sum3A_847 : vector<64xf32> to vector<64x1xf32>
    %div3A_849 = vector.broadcast %broadcast_in_dim3A_848 : vector<64x1xf32> to vector<64x64xf32>
    %div3A_850 = arith.divf %exp3A_845, %div3A_849 : vector<64x64xf32>
    %dot_general3A_851 = arith.constant dense<0.000000e+00> : vector<64x192xf32>
    %dot_general3A_852 = tpu.matmul %div3A_850, %reshape3A_834, %dot_general3A_851 {dimension_numbers = #tpu.dot_dimension_numbers<[1], [0], [0], [1], [0, 0, 1, 1], [], []>, transpose_lhs_hint = false} : vector<64x64xf32>, vector<64x192xf32>, vector<64x192xf32> -> vector<64x192xf32>
    %reshape3A_853 = vector.shape_cast %dot_general3A_852 : vector<64x192xf32> to vector<8x8x192xf32>
    %swap3A_854 = arith.constant 0 : index
    %swap3A_855 = arith.constant 0 : index
    %swap3A_856 = arith.constant 200 : index
    %swap3A_857 = arith.constant 0 : index
    %swap3A_858 = vector.load %arg9[%swap3A_854, %swap3A_855, %swap3A_856, %swap3A_857] : memref<1x8x224x192xf32, #tpu.memory_space<vmem>>, vector<1x8x8x192xf32>
    %swap3A_859 = vector.shape_cast %swap3A_858 : vector<1x8x8x192xf32> to vector<8x8x192xf32>
    %swap3A_860 = vector.shape_cast %reshape3A_853 : vector<8x8x192xf32> to vector<1x8x8x192xf32>
    tpu.vector_store %arg9[%swap3A_854, %swap3A_855, %swap3A_856, %swap3A_857], %swap3A_860 {strides = array<i32>} : memref<1x8x224x192xf32, #tpu.memory_space<vmem>>, vector<1x8x8x192xf32>,
    %slice3A_861 = vector.extract_strided_slice %reshape3A_36 {offsets = [0, 208, 0], sizes = [8, 8, 192], strides = [1, 1, 1]} : vector<8x224x192xf32> to vector<8x8x192xf32>
    %reshape3A_862 = vector.shape_cast %slice3A_861 : vector<8x8x192xf32> to vector<64x192xf32>
    %slice3A_863 = vector.extract_strided_slice %reshape3A_37 {offsets = [0, 208, 0], sizes = [8, 8, 192], strides = [1, 1, 1]} : vector<8x224x192xf32> to vector<8x8x192xf32>
    %reshape3A_864 = vector.shape_cast %slice3A_863 : vector<8x8x192xf32> to vector<64x192xf32>
    %slice3A_865 = vector.extract_strided_slice %get3A_16 {offsets = [0, 208, 0], sizes = [8, 8, 192], strides = [1, 1, 1]} : vector<8x224x192xf32> to vector<8x8x192xf32>
    %reshape3A_866 = vector.shape_cast %slice3A_865 : vector<8x8x192xf32> to vector<64x192xf32>
    %dot_general3A_867 = arith.constant dense<0.000000e+00> : vector<64x64xf32>
    %dot_general3A_868 = tpu.matmul %reshape3A_862, %reshape3A_864, %dot_general3A_867 {dimension_numbers = #tpu.dot_dimension_numbers<[1], [1], [0], [0], [0, 0, 1, 0], [], []>, transpose_lhs_hint = false} : vector<64x192xf32>, vector<64x192xf32>, vector<64x64xf32> -> vector<64x64xf32>
    %reduce_max3A_869 = arith.constant dense<0xFF800000> : vector<64xf32>
    %reduce_max3A_870 = vector.multi_reduction <maximumf>, %dot_general3A_868, %reduce_max3A_869 [1] : vector<64x64xf32> to vector<64xf32>
    %max3A_871 = arith.constant 0xFF800000 : f32
    %max3A_872 = vector.broadcast %max3A_871 : f32 to vector<64xf32>
    %max3A_873 = arith.maximumf %max3A_872, %reduce_max3A_870 : vector<64xf32>
    %broadcast_in_dim3A_874 = vector.shape_cast %max3A_873 : vector<64xf32> to vector<64x1xf32>
    %sub3A_875 = vector.broadcast %broadcast_in_dim3A_874 : vector<64x1xf32> to vector<64x64xf32>
    %sub3A_876 = arith.subf %dot_general3A_868, %sub3A_875 : vector<64x64xf32>
    %exp3A_877 = math.exp %sub3A_876 : vector<64x64xf32>
    %reduce_sum3A_878 = arith.constant dense<0.000000e+00> : vector<64xf32>
    %reduce_sum3A_879 = vector.multi_reduction <add>, %exp3A_877, %reduce_sum3A_878 [1] : vector<64x64xf32> to vector<64xf32>
    %broadcast_in_dim3A_880 = vector.shape_cast %reduce_sum3A_879 : vector<64xf32> to vector<64x1xf32>
    %div3A_881 = vector.broadcast %broadcast_in_dim3A_880 : vector<64x1xf32> to vector<64x64xf32>
    %div3A_882 = arith.divf %exp3A_877, %div3A_881 : vector<64x64xf32>
    %dot_general3A_883 = arith.constant dense<0.000000e+00> : vector<64x192xf32>
    %dot_general3A_884 = tpu.matmul %div3A_882, %reshape3A_866, %dot_general3A_883 {dimension_numbers = #tpu.dot_dimension_numbers<[1], [0], [0], [1], [0, 0, 1, 1], [], []>, transpose_lhs_hint = false} : vector<64x64xf32>, vector<64x192xf32>, vector<64x192xf32> -> vector<64x192xf32>
    %reshape3A_885 = vector.shape_cast %dot_general3A_884 : vector<64x192xf32> to vector<8x8x192xf32>
    %swap3A_886 = arith.constant 0 : index
    %swap3A_887 = arith.constant 0 : index
    %swap3A_888 = arith.constant 208 : index
    %swap3A_889 = arith.constant 0 : index
    %swap3A_890 = vector.load %arg9[%swap3A_886, %swap3A_887, %swap3A_888, %swap3A_889] : memref<1x8x224x192xf32, #tpu.memory_space<vmem>>, vector<1x8x8x192xf32>
    %swap3A_891 = vector.shape_cast %swap3A_890 : vector<1x8x8x192xf32> to vector<8x8x192xf32>
    %swap3A_892 = vector.shape_cast %reshape3A_885 : vector<8x8x192xf32> to vector<1x8x8x192xf32>
    tpu.vector_store %arg9[%swap3A_886, %swap3A_887, %swap3A_888, %swap3A_889], %swap3A_892 {strides = array<i32>} : memref<1x8x224x192xf32, #tpu.memory_space<vmem>>, vector<1x8x8x192xf32>,
    %slice3A_893 = vector.extract_strided_slice %reshape3A_36 {offsets = [0, 216, 0], sizes = [8, 8, 192], strides = [1, 1, 1]} : vector<8x224x192xf32> to vector<8x8x192xf32>
    %reshape3A_894 = vector.shape_cast %slice3A_893 : vector<8x8x192xf32> to vector<64x192xf32>
    %slice3A_895 = vector.extract_strided_slice %reshape3A_37 {offsets = [0, 216, 0], sizes = [8, 8, 192], strides = [1, 1, 1]} : vector<8x224x192xf32> to vector<8x8x192xf32>
    %reshape3A_896 = vector.shape_cast %slice3A_895 : vector<8x8x192xf32> to vector<64x192xf32>
    %slice3A_897 = vector.extract_strided_slice %get3A_16 {offsets = [0, 216, 0], sizes = [8, 8, 192], strides = [1, 1, 1]} : vector<8x224x192xf32> to vector<8x8x192xf32>
    %reshape3A_898 = vector.shape_cast %slice3A_897 : vector<8x8x192xf32> to vector<64x192xf32>
    %dot_general3A_899 = arith.constant dense<0.000000e+00> : vector<64x64xf32>
    %dot_general3A_900 = tpu.matmul %reshape3A_894, %reshape3A_896, %dot_general3A_899 {dimension_numbers = #tpu.dot_dimension_numbers<[1], [1], [0], [0], [0, 0, 1, 0], [], []>, transpose_lhs_hint = false} : vector<64x192xf32>, vector<64x192xf32>, vector<64x64xf32> -> vector<64x64xf32>
    %reduce_max3A_901 = arith.constant dense<0xFF800000> : vector<64xf32>
    %reduce_max3A_902 = vector.multi_reduction <maximumf>, %dot_general3A_900, %reduce_max3A_901 [1] : vector<64x64xf32> to vector<64xf32>
    %max3A_903 = arith.constant 0xFF800000 : f32
    %max3A_904 = vector.broadcast %max3A_903 : f32 to vector<64xf32>
    %max3A_905 = arith.maximumf %max3A_904, %reduce_max3A_902 : vector<64xf32>
    %broadcast_in_dim3A_906 = vector.shape_cast %max3A_905 : vector<64xf32> to vector<64x1xf32>
    %sub3A_907 = vector.broadcast %broadcast_in_dim3A_906 : vector<64x1xf32> to vector<64x64xf32>
    %sub3A_908 = arith.subf %dot_general3A_900, %sub3A_907 : vector<64x64xf32>
    %exp3A_909 = math.exp %sub3A_908 : vector<64x64xf32>
    %reduce_sum3A_910 = arith.constant dense<0.000000e+00> : vector<64xf32>
    %reduce_sum3A_911 = vector.multi_reduction <add>, %exp3A_909, %reduce_sum3A_910 [1] : vector<64x64xf32> to vector<64xf32>
    %broadcast_in_dim3A_912 = vector.shape_cast %reduce_sum3A_911 : vector<64xf32> to vector<64x1xf32>
    %div3A_913 = vector.broadcast %broadcast_in_dim3A_912 : vector<64x1xf32> to vector<64x64xf32>
    %div3A_914 = arith.divf %exp3A_909, %div3A_913 : vector<64x64xf32>
    %dot_general3A_915 = arith.constant dense<0.000000e+00> : vector<64x192xf32>
    %dot_general3A_916 = tpu.matmul %div3A_914, %reshape3A_898, %dot_general3A_915 {dimension_numbers = #tpu.dot_dimension_numbers<[1], [0], [0], [1], [0, 0, 1, 1], [], []>, transpose_lhs_hint = false} : vector<64x64xf32>, vector<64x192xf32>, vector<64x192xf32> -> vector<64x192xf32>
    %reshape3A_917 = vector.shape_cast %dot_general3A_916 : vector<64x192xf32> to vector<8x8x192xf32>
    %swap3A_918 = arith.constant 0 : index
    %swap3A_919 = arith.constant 0 : index
    %swap3A_920 = arith.constant 216 : index
    %swap3A_921 = arith.constant 0 : index
    %swap3A_922 = vector.load %arg9[%swap3A_918, %swap3A_919, %swap3A_920, %swap3A_921] : memref<1x8x224x192xf32, #tpu.memory_space<vmem>>, vector<1x8x8x192xf32>
    %swap3A_923 = vector.shape_cast %swap3A_922 : vector<1x8x8x192xf32> to vector<8x8x192xf32>
    %swap3A_924 = vector.shape_cast %reshape3A_917 : vector<8x8x192xf32> to vector<1x8x8x192xf32>
    tpu.vector_store %arg9[%swap3A_918, %swap3A_919, %swap3A_920, %swap3A_921], %swap3A_924 {strides = array<i32>} : memref<1x8x224x192xf32, #tpu.memory_space<vmem>>, vector<1x8x8x192xf32>,
    return
  }
  func.func @transform_0(%arg0: i32, %arg1: i32) -> (i32, i32, i32, i32) {
    %c0_i32 = arith.constant 0 : i32
    %c0_i32_0 = arith.constant 0 : i32
    %c0_i32_1 = arith.constant 0 : i32
    return %arg0, %arg1, %c0_i32, %c0_i32_0 : i32, i32, i32, i32
  }
  func.func @transform_1(%arg0: i32, %arg1: i32) -> (i32, i32, i32, i32) {
    %c0_i32 = arith.constant 0 : i32
    %c0_i32_0 = arith.constant 0 : i32
    %c0_i32_1 = arith.constant 0 : i32
    return %arg0, %arg1, %c0_i32, %c0_i32_0 : i32, i32, i32, i32
  }
  func.func @transform_2(%arg0: i32, %arg1: i32) -> (i32, i32, i32, i32) {
    %c0_i32 = arith.constant 0 : i32
    %c0_i32_0 = arith.constant 0 : i32
    %c0_i32_1 = arith.constant 0 : i32
    return %arg0, %arg1, %c0_i32, %c0_i32_0 : i32, i32, i32, i32
  }
  func.func @transform_3(%arg0: i32, %arg1: i32) -> (i32, i32) {
    %c0_i32 = arith.constant 0 : i32
    %c0_i32_0 = arith.constant 0 : i32
    %c0_i32_1 = arith.constant 0 : i32
    return %c0_i32, %c0_i32_0 : i32, i32
  }
  func.func @transform_4(%arg0: i32, %arg1: i32) -> (i32, i32) {
    %c0_i32 = arith.constant 0 : i32
    %c0_i32_0 = arith.constant 0 : i32
    %c0_i32_1 = arith.constant 0 : i32
    return %c0_i32, %c0_i32_0 : i32, i32
  }
  func.func @transform_5(%arg0: i32, %arg1: i32) -> (i32, i32) {
    %c0_i32 = arith.constant 0 : i32
    %c0_i32_0 = arith.constant 0 : i32
    %c0_i32_1 = arith.constant 0 : i32
    return %c0_i32, %c0_i32_0 : i32, i32
  }
  func.func @transform_6(%arg0: i32, %arg1: i32) -> (i32, i32) {
    %c0_i32 = arith.constant 0 : i32
    %c0_i32_0 = arith.constant 0 : i32
    %c0_i32_1 = arith.constant 0 : i32
    return %c0_i32, %c0_i32_0 : i32, i32
  }
  func.func @transform_7(%arg0: i32, %arg1: i32) -> (i32, i32, i32, i32) {
    %c0_i32 = arith.constant 0 : i32
    %c0_i32_0 = arith.constant 0 : i32
    %c0_i32_1 = arith.constant 0 : i32
    return %arg0, %arg1, %c0_i32, %c0_i32_0 : i32, i32, i32, i32
  }
}

</mosaic_0001>

<sc_bundles>
// kernel: gather_offload_async_start.1
scs
__scs_entry_jumppad:
0x0: {  	(pc) =	sbr.rel $0x88, $3  }
0x1: {  	(tag) =	ssettag $0x0;
	lr =	simm.s32 $0x1  }
0x2: {  	[smem:$0x3F81] =	sst lr;
	_ =	strace $0xD0000000  }
0x3: {  	_ = 	snop  }
0x4: {  	_ = 	snop  }
0x5: {  	_ = 	snop  }
0x6: {  	_ = 	snop  }
0x7: {  	_ = 	snop  }
__scs_overlays_trampoline_lowered:
0x8: {  	[smem:$0x3F90] =	sst s0  }
0x9: {  	[smem:$0x3F91] =	sst s1  }
0xa: {  	[smem:$0x3F92] =	sst s2  }
0xb: {  	[smem:$0x3F93] =	sst s3  }
0xc: {  	[smem:$0x3F94] =	sst s4  }
0xd: {  	[smem:$0x3F95] =	sst s5  }
0xe: {  	[smem:$0x3F96] =	sst s6  }
0xf: {  	[smem:$0x3F97] =	sst s7  }
0x10: {  	[smem:$0x3F98] =	sst s8  }
0x11: {  	[smem:$0x3F99] =	sst s9;
	s0 =	simm.s32 @!p0 $0x0  }
0x12: {  	s1 =	sld [smem:$0x3F7F];
	s0 =	simm.s32 @p0 $0x1  }
0x13: {  	[smem:$0x3F9A] =	sst s0;
	s0 =	simm.s32 @!p1 $0x0  }
0x14: {  	s2 =	sld [smem:$0x3F7E];
	s0 =	simm.s32 @p1 $0x1  }
0x15: {  	[smem:$0x3F9B] =	sst s0;
	s0 =	simm.s32 @!p2 $0x0  }
0x16: {  	s3 =	sld [smem:$0x3FDB];
	s0 =	simm.s32 @p2 $0x1  }
0x17: {  	s4 =	simm.s32 $0x1BF5;
	[smem:$0x3F9D] =	sst s0  }
0x18: {  	s0 =	sld [smem:$0x3F80];
	_ =	swait.ge [sflag:s4], $0x0  }
0x19: {  	s7 =	sld [smem:$0x3F81]  }
0x1a: {  	s8 =	sadd.s32 $0xFFFFE003, lr  }
0x1b: {  	s9 =	sadd.s32 $0xFFFFFEF7, lr;
	s5 =	simm.s32 $0xFFFFFFFF;
	p2 =	slt.u32 s8, $0xFFFFF086  }
0x1c: {  	p1 =	slt.u32 s9, $0xF7A;
	s5 =	simm.s32 @!p2 $0x0  }
0x1d: {  	s5 =	simm.s32 @p1 $0x1;
	p0 =	seq.s32 s7, s2  }
0x1e: {  	s7 =	smul.u32 @!p0 $0xF7A, s2;
	p2 =	seq.s32 @!p0 s5, $0x0  }
0x1f: {  	s9 =	smul.u32 $0xF7A, s1;
	s8 =	simm.s32 @!p0 $0x1BF5;
	p2 =	por !p2, p0  }
0x20: {  	[sflag:s8] =	ssyncset.s32 @!p0 $0xFFFFF086;
	s6 =	sadd.s32 @!p0 s3, s7;
	s7 =	simm.s32 @!p0 $0x108  }
0x21: {  	s3 =	sadd.s32 s3, s9;
	s6 =	sadd.s32 @!p0 $0x88, s6;
	s7 =	simm.s32 @p2 $0x1082  }
0x22: {  	[simem:s7], [sflag:s8] =	dma.local @!p0 [hbm:s6], $0xF7A  }
0x23: {  	s9 =	sor.u32 $0xD0000000, s2;
	s6 =	simm.s32 $0x108;
	_ =	swait.ge @!p0 [sflag:s8], $0x0  }
0x24: {  	s3 =	sadd.s32 $0x88, s3;
	s6 =	simm.s32 @!p1 $0x1082;
	[sflag:s4] =	ssyncset.s32 $0xFFFFF086  }
0x25: {  	[simem:s6], [sflag:s4] =	dma.local [hbm:s3], $0xF7A  }
0x26: {  	[smem:$0x3F81] =	sst s1;
	(tag) =	ssettag s2;
	_ =	strace s9  }
0x27: {  	s1 =	sld [smem:$0x3F91]  }
0x28: {  	s2 =	sld [smem:$0x3F92]  }
0x29: {  	s4 =	sld [smem:$0x3F94]  }
0x2a: {  	p0 =	seq.s32 s5, $0x0;
	s5 =	sld [smem:$0x3F95]  }
0x2b: {  	s6 =	sld [smem:$0x3F96]  }
0x2c: {  	s7 =	sld [smem:$0x3F97]  }
0x2d: {  	s3 =	simm.s32 $0x108;
	s8 =	sld [smem:$0x3F98]  }
0x2e: {  	s3 =	simm.s32 @!p0 $0x1082;
	s9 =	sld [smem:$0x3F99]  }
0x2f: {  	lr =	sadd.s32 s0, s3;
	s0 =	sld [smem:$0x3F90]  }
0x30: {  	s3 =	sld [smem:$0x3F93]  }
0x31: {  	[smem:$0x3F9C] =	sst s10  }
0x32: {  	s10 =	sld [smem:$0x3F9A];
	_ =	sdelay $0x3  }
0x33: {  	p0 =	seq.s32 s10, $0x1;
	s10 =	sld [smem:$0x3F9C];
	_ =	sdelay $0x3  }
0x34: {  	[smem:$0x3F9C] =	sst s10  }
0x35: {  	s10 =	sld [smem:$0x3F9B];
	_ =	sdelay $0x3  }
0x36: {  	p1 =	seq.s32 s10, $0x1;
	s10 =	sld [smem:$0x3F9C];
	_ =	sdelay $0x3  }
0x37: {  	[smem:$0x3F9C] =	sst s10  }
0x38: {  	s10 =	sld [smem:$0x3F9D]  }
0x39: {  	_ = 	snop;
	(pc) =	sbr.ind lr, $3  }
0x3a: {  	_ = 	snop  }
0x3b: {  	_ = 	snop  }
0x3c: {  	p2 =	seq.s32 s10, $0x1;
	s10 =	sld [smem:$0x3F9C]  }
0x3d: {  	_ =	shalt  }
0x3e: {  	_ =	shalt  }
0x3f: {  	_ =	shalt  }
0x40: {  	_ =	shalt  }
0x41: {  	_ =	shalt  }
0x42: {  	_ =	shalt  }
0x43: {  	_ =	shalt  }
0x44: {  	_ =	shalt  }
0x45: {  	_ =	shalt  }
0x46: {  	_ =	shalt  }
0x47: {  	_ =	shalt  }
0x48: {  	_ =	shalt  }
0x49: {  	_ =	shalt  }
0x4a: {  	_ =	shalt  }
0x4b: {  	_ =	shalt  }
0x4c: {  	_ =	shalt  }
0x4d: {  	_ =	shalt  }
0x4e: {  	_ =	shalt  }
0x4f: {  	_ =	shalt  }
0x50: {  	_ =	shalt  }
0x51: {  	_ =	shalt  }
0x52: {  	_ =	shalt  }
0x53: {  	_ =	shalt  }
0x54: {  	_ =	shalt  }
0x55: {  	_ =	shalt  }
0x56: {  	_ =	shalt  }
0x57: {  	_ =	shalt  }
0x58: {  	_ =	shalt  }
0x59: {  	_ =	shalt  }
0x5a: {  	_ =	shalt  }
0x5b: {  	_ =	shalt  }
0x5c: {  	_ =	shalt  }
0x5d: {  	_ =	shalt  }
0x5e: {  	_ =	shalt  }
0x5f: {  	_ =	shalt  }
0x60: {  	_ =	shalt  }
0x61: {  	_ =	shalt  }
0x62: {  	_ =	shalt  }
0x63: {  	_ =	shalt  }
0x64: {  	_ =	shalt  }
0x65: {  	_ =	shalt  }
0x66: {  	_ =	shalt  }
0x67: {  	_ =	shalt  }
0x68: {  	_ =	shalt  }
0x69: {  	_ =	shalt  }
0x6a: {  	_ =	shalt  }
0x6b: {  	_ =	shalt  }
0x6c: {  	_ =	shalt  }
0x6d: {  	_ =	shalt  }
0x6e: {  	_ =	shalt  }
0x6f: {  	_ =	shalt  }
0x70: {  	_ =	shalt  }
0x71: {  	_ =	shalt  }
0x72: {  	_ =	shalt  }
0x73: {  	_ =	shalt  }
0x74: {  	_ =	shalt  }
0x75: {  	_ =	shalt  }
0x76: {  	_ =	shalt  }
0x77: {  	_ =	shalt  }
0x78: {  	_ =	shalt  }
0x79: {  	_ =	shalt  }
0x7a: {  	_ =	shalt  }
0x7b: {  	_ =	shalt  }
0x7c: {  	_ =	shalt  }
0x7d: {  	_ =	shalt  }
0x7e: {  	_ =	shalt  }
0x7f: {  	_ =	shalt  }
0x80: {  	_ =	shalt  }
0x81: {  	_ =	shalt  }
0x82: {  	_ =	shalt  }
0x83: {  	_ =	shalt  }
0x84: {  	_ =	shalt  }
0x85: {  	_ =	shalt  }
0x86: {  	_ =	shalt  }
0x87: {  	_ =	shalt  }
.Lfunc_end0:
.L_simem_size_0:
called_computation.9_lowered:
.L_overlay_start_0:
0x88: {  	s2 =	sld [smem:$0x3FD9]  }
0x89: {  	s3 =	sld [smem:$0x3FFE];
	_ =	sdelay $0x1  }
0x8a: {  	s1 =	srdreg.scid  }
0x8b: {  	s0 =	sand.u32 $0x1, s1  }
0x8c: {  	s17 =	sshll.u32 s0, $0xA;
	s2 =	sadd.s32 s3, s2  }
0x8d: {  	s2 =	sadd.s32 s2, s17  }
0x8e: {  	[smem:$0x3FA8] =	sst s2  }
0x8f: {  	_ = 	snop  }
0x90: {  	(tm) =	ssettm $0x1  }
0x91: {  	s18 =	sld [smem:$0x3FFB];
	_ =	sdelay $0x3  }
0x92: {  	_ =	strace s18  }
0x93: {  	s2 =	sld [smem:$0x3FFC];
	_ =	sdelay $0x3  }
0x94: {  	_ =	strace s2  }
0x95: {  	s2 =	sld [smem:$0x3FFD];
	_ =	sdelay $0x3  }
0x96: {  	_ =	strace s2  }
0x97: {  	_ =	strace $0x8FFFFFFF  }
0x98: {  	s19 =	sld [smem:$0x3FDB];
	_ =	sdelay $0x1  }
0x99: {  	s20 =	simm.s32 $_scs_section_size  }
0x9a: {  	s4 =	simm.s32 $_size__tile_overlayer_lowered;
	s5 =	simm.s32 $_tile_overlayer_lowered  }
0x9b: {  	s6 =	simm.s32 $0x1BFF;
	s21 =	sshll.u32 s5, $0x1;
	s3 =	sadd.s32 s20, s19  }
0x9c: {  	s22 =	simm.s32 $0x0;
	s4 =	sshll.u32 s4, $0x1;
	s5 =	sadd.s32 s21, s3  }
0x9d: {  	[timem:s22], [sflag:s6] =	dma.local [hbm:s5], s4  }
0x9e: {  	_ =	swait.ge [sflag:s6], s4  }
0x9f: {  	s4 =	ssub.s32 $0x0, s4;
	[sflag:s6] =	ssyncset.done $0x0  }
0xa0: {  	[sflag:s6] =	ssyncadd.s32 s4;
	_ =	sdelay $0x1  }
0xa1: {  	s23 =	simm.s32 $0x1B8B  }
0xa2: {  	_ =	swait.ge [sflag:s23], $0x1  }
0xa3: {  	[sflag:s23] =	ssyncset.done $0x0  }
0xa4: {  	[sflag:s23] =	ssyncadd.s32 $0xFFFFFFFF  }
0xa5: {  	s4 =	sld [smem:$0x0]  }
0xa6: {  	s5 =	sand.u32 $0xFFFFFFFE, s1  }
0xa7: {  	p0 =	sne.s32 s1, s5  }
0xa8: {  	s5 =	sshll.u32 @p0 s5, $0xE  }
0xa9: {  	s5 =	sadd.s32 @p0 $0x11B8D, s5;
	s6 =	sshll.u32 @p0 s4, $0x11  }
0xaa: {  	s5 =	sor.u32 @p0 s6, s5  }
0xab: {  	[sflag:s5] =	ssyncadd.remote.s32 @p0 $0x1;
	_ =	sdelay $0x1  }
0xac: {  	s5 =	simm.s32 @p0 $0x1B8D  }
0xad: {  	_ =	swait.eq @p0 [sflag:s5], $0x1  }
0xae: {  	[sflag:s5] =	ssyncadd.s32 @p0 $0xFFFFFFFF  }
0xaf: {  	s6 =	sshll.u32 @!p0 s1, $0xE  }
0xb0: {  	s6 =	sor.u32 @!p0 $0x4000, s6;
	s5 =	simm.s32 @!p0 $0x1B8D  }
0xb1: {  	s4 =	sshll.u32 @!p0 s4, $0x11;
	s6 =	sadd.s32 @!p0 $0x11B8D, s6;
	_ =	swait.eq @!p0 [sflag:s5], $0x1  }
0xb2: {  	s4 =	sor.u32 @!p0 s4, s6;
	[sflag:s5] =	ssyncadd.s32 @!p0 $0xFFFFFFFF  }
0xb3: {  	s25 =	simm.s32 $0x1B8E;
	s24 =	sld [smem:$0x3FFE];
	[sflag:s4] =	ssyncadd.remote.s32 @!p0 $0x1  }
0xb4: {  	s26 =	simm.s32 $execute0_lowered;
	[smem:$0x3FD2] =	sst s25  }
0xb5: {  	s5 =	sshll.u32 s26, $0x1;
	_ =	strace $0x8000004C;
	[dreg:$0x1] =	wrdreg $0xFFFFFFFF  }
0xb6: {  	s28 =	simm.s32 $_size_execute0_lowered;
	s3 =	sadd.s32 s3, s5;
	[dreg:$0x0] =	wrdreg $0x0  }
0xb7: {  	s5 =	sshll.u32 s28, $0x1;
	[dreg:$0x2] =	wrdreg s3  }
0xb8: {  	[dreg:$0x3] =	wrdreg s5  }
0xb9: {  	[dreg:$0x4] =	wrdreg $0xC0  }
0xba: {  	_ =	task [dreg:s22], $0x5FFFF  }
0xbb: {  	[dreg:$0x1] =	wrdreg $0xFFFFFFFF  }
0xbc: {  	[dreg:$0x0] =	wrdreg $0x60  }
0xbd: {  	[dreg:$0x2] =	wrdreg s24  }
0xbe: {  	[dreg:$0x3] =	wrdreg $0xA  }
0xbf: {  	_ =	task.clear_ibuf [dreg:s22], $0x4FFFF;
	_ =	strace $0x9000004C  }
0xc0: {  	s29 =	simm.s32 $0xA;
	_ =	strace $0x8000004E  }
0xc1: {  	_ =	swait.ge [sflag:s29], $0x1  }
0xc2: {  	[sflag:s29] =	ssyncadd.s32 $0xFFFFFFFF  }
0xc3: {  	_ =	strace $0x9000004E  }
0xc4: {  	_ =	sfence  }
0xc5: {  	s30 =	sld [smem:$0x0];
	_ =	sdelay $0x2  }
0xc6: {  	s31 =	sshll.u32 s1, $0xD;
	s1 =	sshrl.u32 s1, $0x2  }
0xc7: {  	s4 =	sand.u32 $0x4000, s31;
	s1 =	sadd.s32 s1, s30  }
0xc8: {  	s0 =	sor.u32 s4, s0;
	s1 =	sshll.u32 s1, $0x11  }
0xc9: {  	s0 =	sor.u32 s1, s0  }
0xca: {  	s0 =	sadd.s32 $0x8F2B, s0  }
0xcb: {  	[sflag:s0] =	ssyncadd.remote.s32 $0x1  }
0xcc: {  	_ =	sfence.sel $0xFFFF  }
0xcd: {  	[dreg:$0x0] =	wrdreg $0xFFFFFFFF;
	(pc) =	sbr.abs _section_cstart, $3  }
0xce: {  	[dreg:$0x1] =	wrdreg $0xFFFFFFFF  }
0xcf: {  	_ =	task.clear_ibuf [dreg:s22], $0x2FFFF;
	_ =	strace $0x9FFFFFFF  }
0xd0: {  	(tm) =	ssettm $0x7FFFFFFF  }
0xd1: {  	_ =	shalt  }
tec
execute0_lowered:
.L_overlay_start_1:
0x0: {  	(tag) =	ssettag $0x1  }
0x1: {  	s7 =	rddreg [dreg:$0x0]  }
0x2: {  	s1 =	srdreg.scid;
	s0 =	rddreg [dreg:$0x1]  }
0x3: {  	_ =	strace $0x8000004D;
	s3 =	simm.s32 $0x1;
	s5 =	simm.s32 $0x2  }
0x4: {  	s9 =	simm.s32 $0x3;
	s11 =	simm.s32 $0x0;
	s2 =	sshll.u32 s1, $0x4  }
.Ltmp0:
0x5: {  	s1 =	stileid.u32;
	s4 =	sand.u32 $0x10, s2;
	(pc) =	sbr.rel .LBB2_1-.Ltmp0, $4  }
0x6: {  	p0 =	por $0x0, $0x0;
	[sflag:s3] =	ssyncpa.u1 $0x0;
	s4 =	sor.u32 s1, s4  }
0x7: {  	s6 =	sadd.s32 $0xA03800, s7;
	[sflag:s5] =	ssyncpa.u1 $0x0;
	s4 =	smul.u32 $0xC40, s4  }
0x8: {  	s2 =	sadd.s32 $0x5600, s7;
	s7 =	sadd.s32 $0x6E9600, s7;
	[sflag:s9] =	ssyncpa.u1 $0x0  }
0x9: {  	v0 =	vimm.s32 $0x0;
	vm0 =	vmmov $0xff;
	vm1 =	vcmask $0x3F20;
	s9 =	simm.s32 $0x0;
	s8 =	sadd.s32 $0xC40, s4;
	s10 =	smov.u32 s4  }
.LBB2_8:
0xa: {  	[hbm:s15] =	stream.linear.scatter [tilespmem:s12], [sflag:$0x3], $0x800, $0x38;
	[tilespmem:$0x1C1C0] =	vst v63  }
.LBB2_9:
0xb: {  	p1 =	slt.u32 s9, $0x2;
	s11 =	sadd.s32 $0xE0, s10  }
0xc: {  	s13 =	smov.u32 s4;
	s9 =	sadd.s32 $0x1, s9;
	p2 =	slt.s32 s11, s8  }
0xd: {  	s13 =	smov.u32 @p2 s11;
	p2 =	sne.s32 s9, $0x10  }
.Ltmp1:
0xe: {  	_ = 	snop;
	(pc) =	sbr.rel @!p2 .LBB2_10-.Ltmp1, $4  }
0xf: {  	s12 =	simm.s32 @!p1 $0x3  }
0x10: {  	_ =	swait.ge @!p1 [sflag:s12], $0xE000  }
0x11: {  	p0 =	por !p0, !p0;
	[sflag:s12] =	ssyncset.done @!p1 $0x0  }
0x12: {  	s11 =	smov.u32 s10;
	s10 =	smov.u32 s13;
	[sflag:s12] =	ssyncadd.s32 @!p1 $0xFFFF2000  }
.LBB2_1:
0x13: {  	p1 =	sgt.u32 s9, $0xD  }
0x14: {  	s12 =	sxor.u32 @!p1 $0xFFFFFFFF, s9  }
0x15: {  	s12 =	sand.u32 @!p1 $0x1, s12  }
0x16: {  	s12 =	smul.u32 @!p1 $0x380, s12  }
0x17: {  	s31 =	sadd.s32 $0xFFFFFFFF, s9;
	s13 =	sshrl.u32 @!p1 s10, $0x3  }
0x18: {  	s14 =	sand.u32 @!p1 $0x7, s10;
	s13 =	sadd.s32 @!p1 s6, s13;
	s12 =	sshrl.u32 @!p1 s12, $0x2  }
0x19: {  	[tilespmem:s12], [sflag:$0x2] =	stream.linear.gather @!p1 [hbm4b:s13+s14], $0xE0, $0x38;
	[tilespmem:$0x1C1C0] =	vst v63  }
0x1a: {  	p1 =	sgt.u32 s31, $0xD  }
.Ltmp2:
0x1b: {  	_ = 	snop;
	(pc) =	sbr.rel @p1 .LBB2_9-.Ltmp2, $1  }
0x1c: {  	_ =	sdelay $0x3  }
0x1d: {  	s12 =	simm.s32 $0x1;
	s13 =	sand.u32 $0x1, s9  }
0x1e: {  	s12 =	simm.s32 @!p0 $0x0;
	s14 =	smul.u32 $0x38000, s13  }
0x1f: {  	_ =	swait.ge [sflag:s5], $0xE0;
	s12 =	smul.u32 $0x38000, s12  }
0x20: {  	s15 =	simm.s32 $0x0;
	[sflag:s5] =	ssyncset.done $0x0;
	s13 =	smul.u32 $0x380, s13  }
0x21: {  	[sflag:s5] =	ssyncadd.s32 $0xFFFFFF20;
	s14 =	sshrl.u32 s14, $0x2;
	s12 =	sshrl.u32 s12, $0x2  }
0x22: {  	s13 =	sshrl.u32 s13, $0x2;
	s14 =	sor.u32 $0x1C0, s14;
	s12 =	sor.u32 $0x1C0, s12  }
.LBB2_3:
0x23: {  	s16 =	sshll.u32 s15, $0x4  }
0x24: {  	s16 =	sand.u32 $0x3FFFFFF0, s16  }
0x25: {  	s16 =	sadd.s32 s16, s13  }
0x26: {  	v1 =	vld.msk [tilespmem:s16+$0x0 ss:$0x1], $0xffff;
	_ =	sdelay $0x4  }
0x27: {  	vm2 =	veq.s32 v1, $0x80000000;
	v2 =	vshrl.u32 v1, $0x1  }
0x28: {  	v3 =	vshrl.u32 v1, $0x9;
	v1 =	vand.u32 $0x1, v1;
	v2 =	vand.u32 $0xFF, v2  }
0x29: {  	v3 =	vand.u32 $0xFF, v3;
	vm3 =	veq.s32 v1, $0x1;
	v1 =	vmul.u32 $0xE000, v2  }
0x2a: {  	v2 =	vsel vm2, $0xFFFFFFFF, v3;
	v3 =	vsel vm3, $0xC40000, v0  }
0x2b: {  	v1 =	vadd.s32 v3, v1;
	v3 =	vshll.u32 v2, $0x8  }
0x2c: {  	v2 =	vshll.u32 v2, $0x7;
	v1 =	vsel vm2, $0xFF3B2000, v1;
	v3 =	vand.u32 $0xFFFFF800, v3  }
0x2d: {  	s31 =	sshll.u32 s15, $0xC;
	v2 =	vand.u32 $0x380, v2;
	v1 =	vadd.s32 v3, v1  }
0x2e: {  	s16 =	sand.u32 $0x3FFFF000, s31;
	v1 =	vor.u32 v2, v1  }
0x2f: {  	p1 =	por $0x1, $0x1;
	s17 =	simm.s32 $0x0;
	s16 =	sadd.s32 s16, s14;
	v1 =	vshrl.u32 v1, $0x3  }
.LBB2_4:
0x30: {  	_ =	sdelay $0x1  }
0x31: {  	s17 =	sshra.s32 s17, $0x2;
	p2 =	por p1, p1  }
.Ltmp3:
0x32: {  	s17 =	sadd.s32 s17, s16;
	(pc) =	sbr.rel @p2 .LBB2_4-.Ltmp3, $4  }
0x33: {  	[tilespmem:s17], [sflag:$0x1] =	stream.indirect_vreg.gather [hbm:s2], $0x80, v1, vm0, $0x38;
	[tilespmem:$0x1C1C0] =	vst v63  }
0x34: {  	s17 =	sadd.s32 $0x800, s17  }
0x35: {  	[tilespmem:s17], [sflag:$0x1] =	stream.indirect_vreg.gather [hbm:s2], $0x80, v1, vm1, $0x38;
	[tilespmem:$0x1C1C0] =	vst v63  }
0x36: {  	p1 =	por $0x0, $0x0;
	v1 =	vadd.s32 $0x80, v1;
	s17 =	simm.s32 $0x1000  }
0x37: {  	s15 =	sadd.s32 $0x1, s15  }
0x38: {  	p1 =	sne.s32 s15, $0xE  }
.Ltmp4:
0x39: {  	_ = 	snop;
	(pc) =	sbr.rel @p1 .LBB2_3-.Ltmp4, $1  }
0x3a: {  	_ =	sdelay $0x3  }
0x3b: {  	s13 =	sshll.u32 s11, $0x5  }
0x3c: {  	s31 =	sshll.u32 s11, $0x4;
	s13 =	sand.u32 $0xFFFFFF00, s13  }
0x3d: {  	_ =	swait.ge [sflag:s3], $0xE000;
	s11 =	sand.u32 $0x70, s31;
	s13 =	sadd.s32 s13, s7  }
0x3e: {  	s14 =	sadd.s32 $0x800, s12;
	[sflag:s3] =	ssyncset.done $0x0;
	s11 =	sadd.s32 s11, s13  }
0x3f: {  	[sflag:s3] =	ssyncadd.s32 $0xFFFF2000;
	s13 =	simm.s32 $0x100;
	s15 =	sadd.s32 $0x0, s11  }
.LBB2_7:
0x40: {  	[hbm:s15] =	stream.linear.scatter [tilespmem:s12], [sflag:$0x3], $0x800, $0x38;
	[tilespmem:$0x1C1C0] =	vst v63  }
0x41: {  	s15 =	smov.u32 s13;
	s12 =	smov.u32 s14;
	p1 =	sne.s32 s13, $0x1B00  }
.Ltmp5:
0x42: {  	s13 =	sadd.s32 $0x100, s13;
	(pc) =	sbr.rel @p1 .LBB2_7-.Ltmp5, $2  }
0x43: {  	_ =	sdelay $0x2  }
0x44: {  	s14 =	sadd.s32 $0x800, s14;
	s15 =	sadd.s32 s15, s11  }
.Ltmp6:
0x45: {  	_ = 	snop;
	(pc) =	sbr.rel .LBB2_8-.Ltmp6, $1  }
0x46: {  	_ =	sdelay $0x3  }
.LBB2_10:
0x47: {  	_ =	sfence.sel $0x180000  }
0x48: {  	s2 =	simm.s32 $0x2;
	[bflag:$0x0] =	sbarrier.arrive $0xFFFF  }
0x49: {  	s30 =	simm.s32 $0x3;
	[sflag:s2] =	ssyncpa.u1 $0x1  }
0x4a: {  	s31 =	simm.s32 $0x1;
	[sflag:s30] =	ssyncpa.u1 $0x1  }
0x4b: {  	[sflag:s31] =	ssyncpa.u1 $0x1  }
0x4c: {  	p0 =	sne.s32 s1, $0x0;
	_ =	strace $0x9000004D  }
0x4d: {  	s0 =	sadd.s32 @!p0 $0x100000, s0;
	[bflag:$0x2] =	sbarrier.arrive $0xFFFF  }
0x4e: {  	[sflag:s0] =	ssyncadd.tile.s32 @!p0 $0x1;
	_ =	shalt  }
.Lfunc_end2:
_tile_overlayer_lowered:
.L_overlay_start_2:
0x4f: {  	(tag) =	ssettag $0x2  }
0x50: {  	s0 =	rddreg [dreg:$0x0];
	s2 =	stileid.u32  }
0x51: {  	s1 =	rddreg [dreg:$0x1];
	p0 =	sne.s32 s2, $0x0  }
0x52: {  	s3 =	rddreg [dreg:$0x2];
	[bflag:$0x3] =	sbarrier.arrive $0xFFFF;
	s2 =	simm.s32 @!p0 $0x1C01  }
0x53: {  	[timem:s3], [sflag:s2] =	dma.local @!p0 [hbm:s0], s1  }
0x54: {  	s0 =	simm.s32 @!p0 $0x1  }
0x55: {  	_ =	swait.ge @!p0 [sflag:s0], s1  }
0x56: {  	s1 =	ssub.s32 @!p0 $0x0, s1;
	[sflag:s0] =	ssyncset.done @!p0 $0x0  }
0x57: {  	[sflag:s0] =	ssyncadd.s32 @!p0 s1  }
0x58: {  	[bflag:$0x3] =	sbarrier.arrive $0xFFFF  }
0x59: {  	_ =	shalt  }

// kernel: gather_offload_async_start.2
scs
__scs_entry_jumppad:
0x0: {  	(pc) =	sbr.rel $0x88, $3  }
0x1: {  	(tag) =	ssettag $0x0;
	lr =	simm.s32 $0x1  }
0x2: {  	[smem:$0x3F81] =	sst lr;
	_ =	strace $0xD0000000  }
0x3: {  	_ = 	snop  }
0x4: {  	_ = 	snop  }
0x5: {  	_ = 	snop  }
0x6: {  	_ = 	snop  }
0x7: {  	_ = 	snop  }
__scs_overlays_trampoline_lowered:
0x8: {  	[smem:$0x3F90] =	sst s0  }
0x9: {  	[smem:$0x3F91] =	sst s1  }
0xa: {  	[smem:$0x3F92] =	sst s2  }
0xb: {  	[smem:$0x3F93] =	sst s3  }
0xc: {  	[smem:$0x3F94] =	sst s4  }
0xd: {  	[smem:$0x3F95] =	sst s5  }
0xe: {  	[smem:$0x3F96] =	sst s6  }
0xf: {  	[smem:$0x3F97] =	sst s7  }
0x10: {  	[smem:$0x3F98] =	sst s8  }
0x11: {  	[smem:$0x3F99] =	sst s9;
	s0 =	simm.s32 @!p0 $0x0  }
0x12: {  	s1 =	sld [smem:$0x3F7F];
	s0 =	simm.s32 @p0 $0x1  }
0x13: {  	[smem:$0x3F9A] =	sst s0;
	s0 =	simm.s32 @!p1 $0x0  }
0x14: {  	s2 =	sld [smem:$0x3F7E];
	s0 =	simm.s32 @p1 $0x1  }
0x15: {  	[smem:$0x3F9B] =	sst s0;
	s0 =	simm.s32 @!p2 $0x0  }
0x16: {  	s3 =	sld [smem:$0x3FDB];
	s0 =	simm.s32 @p2 $0x1  }
0x17: {  	s4 =	simm.s32 $0x1BF5;
	[smem:$0x3F9D] =	sst s0  }
0x18: {  	s0 =	sld [smem:$0x3F80];
	_ =	swait.ge [sflag:s4], $0x0  }
0x19: {  	s7 =	sld [smem:$0x3F81]  }
0x1a: {  	s8 =	sadd.s32 $0xFFFFE003, lr  }
0x1b: {  	s9 =	sadd.s32 $0xFFFFFEF7, lr;
	s5 =	simm.s32 $0xFFFFFFFF;
	p2 =	slt.u32 s8, $0xFFFFF086  }
0x1c: {  	p1 =	slt.u32 s9, $0xF7A;
	s5 =	simm.s32 @!p2 $0x0  }
0x1d: {  	s5 =	simm.s32 @p1 $0x1;
	p0 =	seq.s32 s7, s2  }
0x1e: {  	s7 =	smul.u32 @!p0 $0xF7A, s2;
	p2 =	seq.s32 @!p0 s5, $0x0  }
0x1f: {  	s9 =	smul.u32 $0xF7A, s1;
	s8 =	simm.s32 @!p0 $0x1BF5;
	p2 =	por !p2, p0  }
0x20: {  	[sflag:s8] =	ssyncset.s32 @!p0 $0xFFFFF086;
	s6 =	sadd.s32 @!p0 s3, s7;
	s7 =	simm.s32 @!p0 $0x108  }
0x21: {  	s3 =	sadd.s32 s3, s9;
	s6 =	sadd.s32 @!p0 $0x88, s6;
	s7 =	simm.s32 @p2 $0x1082  }
0x22: {  	[simem:s7], [sflag:s8] =	dma.local @!p0 [hbm:s6], $0xF7A  }
0x23: {  	s9 =	sor.u32 $0xD0000000, s2;
	s6 =	simm.s32 $0x108;
	_ =	swait.ge @!p0 [sflag:s8], $0x0  }
0x24: {  	s3 =	sadd.s32 $0x88, s3;
	s6 =	simm.s32 @!p1 $0x1082;
	[sflag:s4] =	ssyncset.s32 $0xFFFFF086  }
0x25: {  	[simem:s6], [sflag:s4] =	dma.local [hbm:s3], $0xF7A  }
0x26: {  	[smem:$0x3F81] =	sst s1;
	(tag) =	ssettag s2;
	_ =	strace s9  }
0x27: {  	s1 =	sld [smem:$0x3F91]  }
0x28: {  	s2 =	sld [smem:$0x3F92]  }
0x29: {  	s4 =	sld [smem:$0x3F94]  }
0x2a: {  	p0 =	seq.s32 s5, $0x0;
	s5 =	sld [smem:$0x3F95]  }
0x2b: {  	s6 =	sld [smem:$0x3F96]  }
0x2c: {  	s7 =	sld [smem:$0x3F97]  }
0x2d: {  	s3 =	simm.s32 $0x108;
	s8 =	sld [smem:$0x3F98]  }
0x2e: {  	s3 =	simm.s32 @!p0 $0x1082;
	s9 =	sld [smem:$0x3F99]  }
0x2f: {  	lr =	sadd.s32 s0, s3;
	s0 =	sld [smem:$0x3F90]  }
0x30: {  	s3 =	sld [smem:$0x3F93]  }
0x31: {  	[smem:$0x3F9C] =	sst s10  }
0x32: {  	s10 =	sld [smem:$0x3F9A];
	_ =	sdelay $0x3  }
0x33: {  	p0 =	seq.s32 s10, $0x1;
	s10 =	sld [smem:$0x3F9C];
	_ =	sdelay $0x3  }
0x34: {  	[smem:$0x3F9C] =	sst s10  }
0x35: {  	s10 =	sld [smem:$0x3F9B];
	_ =	sdelay $0x3  }
0x36: {  	p1 =	seq.s32 s10, $0x1;
	s10 =	sld [smem:$0x3F9C];
	_ =	sdelay $0x3  }
0x37: {  	[smem:$0x3F9C] =	sst s10  }
0x38: {  	s10 =	sld [smem:$0x3F9D]  }
0x39: {  	_ = 	snop;
	(pc) =	sbr.ind lr, $3  }
0x3a: {  	_ = 	snop  }
0x3b: {  	_ = 	snop  }
0x3c: {  	p2 =	seq.s32 s10, $0x1;
	s10 =	sld [smem:$0x3F9C]  }
0x3d: {  	_ =	shalt  }
0x3e: {  	_ =	shalt  }
0x3f: {  	_ =	shalt  }
0x40: {  	_ =	shalt  }
0x41: {  	_ =	shalt  }
0x42: {  	_ =	shalt  }
0x43: {  	_ =	shalt  }
0x44: {  	_ =	shalt  }
0x45: {  	_ =	shalt  }
0x46: {  	_ =	shalt  }
0x47: {  	_ =	shalt  }
0x48: {  	_ =	shalt  }
0x49: {  	_ =	shalt  }
0x4a: {  	_ =	shalt  }
0x4b: {  	_ =	shalt  }
0x4c: {  	_ =	shalt  }
0x4d: {  	_ =	shalt  }
0x4e: {  	_ =	shalt  }
0x4f: {  	_ =	shalt  }
0x50: {  	_ =	shalt  }
0x51: {  	_ =	shalt  }
0x52: {  	_ =	shalt  }
0x53: {  	_ =	shalt  }
0x54: {  	_ =	shalt  }
0x55: {  	_ =	shalt  }
0x56: {  	_ =	shalt  }
0x57: {  	_ =	shalt  }
0x58: {  	_ =	shalt  }
0x59: {  	_ =	shalt  }
0x5a: {  	_ =	shalt  }
0x5b: {  	_ =	shalt  }
0x5c: {  	_ =	shalt  }
0x5d: {  	_ =	shalt  }
0x5e: {  	_ =	shalt  }
0x5f: {  	_ =	shalt  }
0x60: {  	_ =	shalt  }
0x61: {  	_ =	shalt  }
0x62: {  	_ =	shalt  }
0x63: {  	_ =	shalt  }
0x64: {  	_ =	shalt  }
0x65: {  	_ =	shalt  }
0x66: {  	_ =	shalt  }
0x67: {  	_ =	shalt  }
0x68: {  	_ =	shalt  }
0x69: {  	_ =	shalt  }
0x6a: {  	_ =	shalt  }
0x6b: {  	_ =	shalt  }
0x6c: {  	_ =	shalt  }
0x6d: {  	_ =	shalt  }
0x6e: {  	_ =	shalt  }
0x6f: {  	_ =	shalt  }
0x70: {  	_ =	shalt  }
0x71: {  	_ =	shalt  }
0x72: {  	_ =	shalt  }
0x73: {  	_ =	shalt  }
0x74: {  	_ =	shalt  }
0x75: {  	_ =	shalt  }
0x76: {  	_ =	shalt  }
0x77: {  	_ =	shalt  }
0x78: {  	_ =	shalt  }
0x79: {  	_ =	shalt  }
0x7a: {  	_ =	shalt  }
0x7b: {  	_ =	shalt  }
0x7c: {  	_ =	shalt  }
0x7d: {  	_ =	shalt  }
0x7e: {  	_ =	shalt  }
0x7f: {  	_ =	shalt  }
0x80: {  	_ =	shalt  }
0x81: {  	_ =	shalt  }
0x82: {  	_ =	shalt  }
0x83: {  	_ =	shalt  }
0x84: {  	_ =	shalt  }
0x85: {  	_ =	shalt  }
0x86: {  	_ =	shalt  }
0x87: {  	_ =	shalt  }
.Lfunc_end0:
.L_simem_size_0:
called_computation.10_lowered:
.L_overlay_start_0:
0x88: {  	s2 =	sld [smem:$0x3FD9]  }
0x89: {  	s3 =	sld [smem:$0x3FFE];
	_ =	sdelay $0x1  }
0x8a: {  	s1 =	srdreg.scid  }
0x8b: {  	s0 =	sand.u32 $0x1, s1  }
0x8c: {  	s17 =	sshll.u32 s0, $0xA;
	s2 =	sadd.s32 s3, s2  }
0x8d: {  	s2 =	sadd.s32 s2, s17  }
0x8e: {  	[smem:$0x3FA8] =	sst s2  }
0x8f: {  	_ = 	snop  }
0x90: {  	(tm) =	ssettm $0x1  }
0x91: {  	s18 =	sld [smem:$0x3FFB];
	_ =	sdelay $0x3  }
0x92: {  	_ =	strace s18  }
0x93: {  	s2 =	sld [smem:$0x3FFC];
	_ =	sdelay $0x3  }
0x94: {  	_ =	strace s2  }
0x95: {  	s2 =	sld [smem:$0x3FFD];
	_ =	sdelay $0x3  }
0x96: {  	_ =	strace s2  }
0x97: {  	_ =	strace $0x8FFFFFFF  }
0x98: {  	s19 =	sld [smem:$0x3FDB];
	_ =	sdelay $0x1  }
0x99: {  	s20 =	simm.s32 $_scs_section_size  }
0x9a: {  	s4 =	simm.s32 $_size__tile_overlayer_lowered;
	s5 =	simm.s32 $_tile_overlayer_lowered  }
0x9b: {  	s6 =	simm.s32 $0x1BFF;
	s21 =	sshll.u32 s5, $0x1;
	s3 =	sadd.s32 s20, s19  }
0x9c: {  	s22 =	simm.s32 $0x0;
	s4 =	sshll.u32 s4, $0x1;
	s5 =	sadd.s32 s21, s3  }
0x9d: {  	[timem:s22], [sflag:s6] =	dma.local [hbm:s5], s4  }
0x9e: {  	_ =	swait.ge [sflag:s6], s4  }
0x9f: {  	s4 =	ssub.s32 $0x0, s4;
	[sflag:s6] =	ssyncset.done $0x0  }
0xa0: {  	[sflag:s6] =	ssyncadd.s32 s4;
	_ =	sdelay $0x1  }
0xa1: {  	s23 =	simm.s32 $0x1B8B  }
0xa2: {  	_ =	swait.ge [sflag:s23], $0x1  }
0xa3: {  	[sflag:s23] =	ssyncset.done $0x0  }
0xa4: {  	[sflag:s23] =	ssyncadd.s32 $0xFFFFFFFF  }
0xa5: {  	s4 =	sld [smem:$0x0]  }
0xa6: {  	s5 =	sand.u32 $0xFFFFFFFE, s1  }
0xa7: {  	p0 =	sne.s32 s1, s5  }
0xa8: {  	s5 =	sshll.u32 @p0 s5, $0xE  }
0xa9: {  	s5 =	sadd.s32 @p0 $0x11B8D, s5;
	s6 =	sshll.u32 @p0 s4, $0x11  }
0xaa: {  	s5 =	sor.u32 @p0 s6, s5  }
0xab: {  	[sflag:s5] =	ssyncadd.remote.s32 @p0 $0x1;
	_ =	sdelay $0x1  }
0xac: {  	s5 =	simm.s32 @p0 $0x1B8D  }
0xad: {  	_ =	swait.eq @p0 [sflag:s5], $0x1  }
0xae: {  	[sflag:s5] =	ssyncadd.s32 @p0 $0xFFFFFFFF  }
0xaf: {  	s6 =	sshll.u32 @!p0 s1, $0xE  }
0xb0: {  	s6 =	sor.u32 @!p0 $0x4000, s6;
	s5 =	simm.s32 @!p0 $0x1B8D  }
0xb1: {  	s4 =	sshll.u32 @!p0 s4, $0x11;
	s6 =	sadd.s32 @!p0 $0x11B8D, s6;
	_ =	swait.eq @!p0 [sflag:s5], $0x1  }
0xb2: {  	s4 =	sor.u32 @!p0 s4, s6;
	[sflag:s5] =	ssyncadd.s32 @!p0 $0xFFFFFFFF  }
0xb3: {  	s25 =	simm.s32 $0x1B8E;
	s24 =	sld [smem:$0x3FFE];
	[sflag:s4] =	ssyncadd.remote.s32 @!p0 $0x1  }
0xb4: {  	s26 =	simm.s32 $execute0_lowered;
	[smem:$0x3FD2] =	sst s25  }
0xb5: {  	s5 =	sshll.u32 s26, $0x1;
	_ =	strace $0x80000049;
	[dreg:$0x1] =	wrdreg $0xFFFFFFFF  }
0xb6: {  	s28 =	simm.s32 $_size_execute0_lowered;
	s3 =	sadd.s32 s3, s5;
	[dreg:$0x0] =	wrdreg $0x0  }
0xb7: {  	s5 =	sshll.u32 s28, $0x1;
	[dreg:$0x2] =	wrdreg s3  }
0xb8: {  	[dreg:$0x3] =	wrdreg s5  }
0xb9: {  	[dreg:$0x4] =	wrdreg $0xC0  }
0xba: {  	_ =	task [dreg:s22], $0x5FFFF  }
0xbb: {  	[dreg:$0x1] =	wrdreg $0xFFFFFFFF  }
0xbc: {  	[dreg:$0x0] =	wrdreg $0x60  }
0xbd: {  	[dreg:$0x2] =	wrdreg s24  }
0xbe: {  	[dreg:$0x3] =	wrdreg $0xB  }
0xbf: {  	_ =	task.clear_ibuf [dreg:s22], $0x4FFFF;
	_ =	strace $0x90000049  }
0xc0: {  	s29 =	simm.s32 $0xB;
	_ =	strace $0x8000004B  }
0xc1: {  	_ =	swait.ge [sflag:s29], $0x1  }
0xc2: {  	[sflag:s29] =	ssyncadd.s32 $0xFFFFFFFF  }
0xc3: {  	_ =	strace $0x9000004B  }
0xc4: {  	_ =	sfence  }
0xc5: {  	s30 =	sld [smem:$0x0];
	_ =	sdelay $0x2  }
0xc6: {  	s31 =	sshll.u32 s1, $0xD;
	s1 =	sshrl.u32 s1, $0x2  }
0xc7: {  	s4 =	sand.u32 $0x4000, s31;
	s1 =	sadd.s32 s1, s30  }
0xc8: {  	s0 =	sor.u32 s4, s0;
	s1 =	sshll.u32 s1, $0x11  }
0xc9: {  	s0 =	sor.u32 s1, s0  }
0xca: {  	s0 =	sadd.s32 $0x8F2B, s0  }
0xcb: {  	[sflag:s0] =	ssyncadd.remote.s32 $0x1  }
0xcc: {  	_ =	sfence.sel $0xFFFF  }
0xcd: {  	[dreg:$0x0] =	wrdreg $0xFFFFFFFF;
	(pc) =	sbr.abs _section_cstart, $3  }
0xce: {  	[dreg:$0x1] =	wrdreg $0xFFFFFFFF  }
0xcf: {  	_ =	task.clear_ibuf [dreg:s22], $0x2FFFF;
	_ =	strace $0x9FFFFFFF  }
0xd0: {  	(tm) =	ssettm $0x7FFFFFFF  }
0xd1: {  	_ =	shalt  }
tec
execute0_lowered:
.L_overlay_start_1:
0x0: {  	(tag) =	ssettag $0x1  }
0x1: {  	s7 =	rddreg [dreg:$0x0]  }
0x2: {  	s1 =	srdreg.scid;
	s0 =	rddreg [dreg:$0x1]  }
0x3: {  	_ =	strace $0x8000004A;
	s3 =	simm.s32 $0x1;
	s5 =	simm.s32 $0x2  }
0x4: {  	s9 =	simm.s32 $0x3;
	s11 =	simm.s32 $0x0;
	s2 =	sshll.u32 s1, $0x4  }
.Ltmp0:
0x5: {  	s1 =	stileid.u32;
	s4 =	sand.u32 $0x10, s2;
	(pc) =	sbr.rel .LBB2_1-.Ltmp0, $4  }
0x6: {  	p0 =	por $0x0, $0x0;
	[sflag:s3] =	ssyncpa.u1 $0x0;
	s4 =	sor.u32 s1, s4  }
0x7: {  	s6 =	sadd.s32 $0xA00600, s7;
	[sflag:s5] =	ssyncpa.u1 $0x0;
	s4 =	smul.u32 $0xC40, s4  }
0x8: {  	s2 =	sadd.s32 $0x5600, s7;
	s7 =	sadd.s32 $0xD1E000, s7;
	[sflag:s9] =	ssyncpa.u1 $0x0  }
0x9: {  	v0 =	vimm.s32 $0x0;
	vm0 =	vmmov $0xff;
	vm1 =	vcmask $0x3F20;
	s9 =	simm.s32 $0x0;
	s8 =	sadd.s32 $0xC40, s4;
	s10 =	smov.u32 s4  }
.LBB2_8:
0xa: {  	[hbm:s15] =	stream.linear.scatter [tilespmem:s12], [sflag:$0x3], $0x800, $0x38;
	[tilespmem:$0x1C1C0] =	vst v63  }
.LBB2_9:
0xb: {  	p1 =	slt.u32 s9, $0x2;
	s11 =	sadd.s32 $0xE0, s10  }
0xc: {  	s13 =	smov.u32 s4;
	s9 =	sadd.s32 $0x1, s9;
	p2 =	slt.s32 s11, s8  }
0xd: {  	s13 =	smov.u32 @p2 s11;
	p2 =	sne.s32 s9, $0x10  }
.Ltmp1:
0xe: {  	_ = 	snop;
	(pc) =	sbr.rel @!p2 .LBB2_10-.Ltmp1, $4  }
0xf: {  	s12 =	simm.s32 @!p1 $0x3  }
0x10: {  	_ =	swait.ge @!p1 [sflag:s12], $0xE000  }
0x11: {  	p0 =	por !p0, !p0;
	[sflag:s12] =	ssyncset.done @!p1 $0x0  }
0x12: {  	s11 =	smov.u32 s10;
	s10 =	smov.u32 s13;
	[sflag:s12] =	ssyncadd.s32 @!p1 $0xFFFF2000  }
.LBB2_1:
0x13: {  	p1 =	sgt.u32 s9, $0xD  }
0x14: {  	s12 =	sxor.u32 @!p1 $0xFFFFFFFF, s9  }
0x15: {  	s12 =	sand.u32 @!p1 $0x1, s12  }
0x16: {  	s12 =	smul.u32 @!p1 $0x380, s12  }
0x17: {  	s31 =	sadd.s32 $0xFFFFFFFF, s9;
	s13 =	sshrl.u32 @!p1 s10, $0x3  }
0x18: {  	s14 =	sand.u32 @!p1 $0x7, s10;
	s13 =	sadd.s32 @!p1 s6, s13;
	s12 =	sshrl.u32 @!p1 s12, $0x2  }
0x19: {  	[tilespmem:s12], [sflag:$0x2] =	stream.linear.gather @!p1 [hbm4b:s13+s14], $0xE0, $0x38;
	[tilespmem:$0x1C1C0] =	vst v63  }
0x1a: {  	p1 =	sgt.u32 s31, $0xD  }
.Ltmp2:
0x1b: {  	_ = 	snop;
	(pc) =	sbr.rel @p1 .LBB2_9-.Ltmp2, $1  }
0x1c: {  	_ =	sdelay $0x3  }
0x1d: {  	s12 =	simm.s32 $0x1;
	s13 =	sand.u32 $0x1, s9  }
0x1e: {  	s12 =	simm.s32 @!p0 $0x0;
	s14 =	smul.u32 $0x38000, s13  }
0x1f: {  	_ =	swait.ge [sflag:s5], $0xE0;
	s12 =	smul.u32 $0x38000, s12  }
0x20: {  	s15 =	simm.s32 $0x0;
	[sflag:s5] =	ssyncset.done $0x0;
	s13 =	smul.u32 $0x380, s13  }
0x21: {  	[sflag:s5] =	ssyncadd.s32 $0xFFFFFF20;
	s14 =	sshrl.u32 s14, $0x2;
	s12 =	sshrl.u32 s12, $0x2  }
0x22: {  	s13 =	sshrl.u32 s13, $0x2;
	s14 =	sor.u32 $0x1C0, s14;
	s12 =	sor.u32 $0x1C0, s12  }
.LBB2_3:
0x23: {  	s16 =	sshll.u32 s15, $0x4  }
0x24: {  	s16 =	sand.u32 $0x3FFFFFF0, s16  }
0x25: {  	s16 =	sadd.s32 s16, s13  }
0x26: {  	v1 =	vld.msk [tilespmem:s16+$0x0 ss:$0x1], $0xffff;
	_ =	sdelay $0x4  }
0x27: {  	vm2 =	veq.s32 v1, $0x80000000;
	v2 =	vshrl.u32 v1, $0x1  }
0x28: {  	v3 =	vshrl.u32 v1, $0x9;
	v1 =	vand.u32 $0x1, v1;
	v2 =	vand.u32 $0xFF, v2  }
0x29: {  	v3 =	vand.u32 $0xFF, v3;
	vm3 =	veq.s32 v1, $0x1;
	v1 =	vmul.u32 $0xE000, v2  }
0x2a: {  	v2 =	vsel vm2, $0xFFFFFFFF, v3;
	v3 =	vsel vm3, $0xC40000, v0  }
0x2b: {  	v1 =	vadd.s32 v3, v1;
	v3 =	vshll.u32 v2, $0x8  }
0x2c: {  	v2 =	vshll.u32 v2, $0x7;
	v1 =	vsel vm2, $0xFF3B2000, v1;
	v3 =	vand.u32 $0xFFFFF800, v3  }
0x2d: {  	s31 =	sshll.u32 s15, $0xC;
	v2 =	vand.u32 $0x380, v2;
	v1 =	vadd.s32 v3, v1  }
0x2e: {  	s16 =	sand.u32 $0x3FFFF000, s31;
	v1 =	vor.u32 v2, v1  }
0x2f: {  	p1 =	por $0x1, $0x1;
	s17 =	simm.s32 $0x0;
	s16 =	sadd.s32 s16, s14;
	v1 =	vshrl.u32 v1, $0x3  }
.LBB2_4:
0x30: {  	_ =	sdelay $0x1  }
0x31: {  	s17 =	sshra.s32 s17, $0x2;
	p2 =	por p1, p1  }
.Ltmp3:
0x32: {  	s17 =	sadd.s32 s17, s16;
	(pc) =	sbr.rel @p2 .LBB2_4-.Ltmp3, $4  }
0x33: {  	[tilespmem:s17], [sflag:$0x1] =	stream.indirect_vreg.gather [hbm:s2], $0x80, v1, vm0, $0x38;
	[tilespmem:$0x1C1C0] =	vst v63  }
0x34: {  	s17 =	sadd.s32 $0x800, s17  }
0x35: {  	[tilespmem:s17], [sflag:$0x1] =	stream.indirect_vreg.gather [hbm:s2], $0x80, v1, vm1, $0x38;
	[tilespmem:$0x1C1C0] =	vst v63  }
0x36: {  	p1 =	por $0x0, $0x0;
	v1 =	vadd.s32 $0x80, v1;
	s17 =	simm.s32 $0x1000  }
0x37: {  	s15 =	sadd.s32 $0x1, s15  }
0x38: {  	p1 =	sne.s32 s15, $0xE  }
.Ltmp4:
0x39: {  	_ = 	snop;
	(pc) =	sbr.rel @p1 .LBB2_3-.Ltmp4, $1  }
0x3a: {  	_ =	sdelay $0x3  }
0x3b: {  	s13 =	sshll.u32 s11, $0x5  }
0x3c: {  	s31 =	sshll.u32 s11, $0x4;
	s13 =	sand.u32 $0xFFFFFF00, s13  }
0x3d: {  	_ =	swait.ge [sflag:s3], $0xE000;
	s11 =	sand.u32 $0x70, s31;
	s13 =	sadd.s32 s13, s7  }
0x3e: {  	s14 =	sadd.s32 $0x800, s12;
	[sflag:s3] =	ssyncset.done $0x0;
	s11 =	sadd.s32 s11, s13  }
0x3f: {  	[sflag:s3] =	ssyncadd.s32 $0xFFFF2000;
	s13 =	simm.s32 $0x100;
	s15 =	sadd.s32 $0x0, s11  }
.LBB2_7:
0x40: {  	[hbm:s15] =	stream.linear.scatter [tilespmem:s12], [sflag:$0x3], $0x800, $0x38;
	[tilespmem:$0x1C1C0] =	vst v63  }
0x41: {  	s15 =	smov.u32 s13;
	s12 =	smov.u32 s14;
	p1 =	sne.s32 s13, $0x1B00  }
.Ltmp5:
0x42: {  	s13 =	sadd.s32 $0x100, s13;
	(pc) =	sbr.rel @p1 .LBB2_7-.Ltmp5, $2  }
0x43: {  	_ =	sdelay $0x2  }
0x44: {  	s14 =	sadd.s32 $0x800, s14;
	s15 =	sadd.s32 s15, s11  }
.Ltmp6:
0x45: {  	_ = 	snop;
	(pc) =	sbr.rel .LBB2_8-.Ltmp6, $1  }
0x46: {  	_ =	sdelay $0x3  }
.LBB2_10:
0x47: {  	_ =	sfence.sel $0x180000  }
0x48: {  	s2 =	simm.s32 $0x2;
	[bflag:$0x0] =	sbarrier.arrive $0xFFFF  }
0x49: {  	s30 =	simm.s32 $0x3;
	[sflag:s2] =	ssyncpa.u1 $0x1  }
0x4a: {  	s31 =	simm.s32 $0x1;
	[sflag:s30] =	ssyncpa.u1 $0x1  }
0x4b: {  	[sflag:s31] =	ssyncpa.u1 $0x1  }
0x4c: {  	p0 =	sne.s32 s1, $0x0;
	_ =	strace $0x9000004A  }
0x4d: {  	s0 =	sadd.s32 @!p0 $0x100000, s0;
	[bflag:$0x2] =	sbarrier.arrive $0xFFFF  }
0x4e: {  	[sflag:s0] =	ssyncadd.tile.s32 @!p0 $0x1;
	_ =	shalt  }
.Lfunc_end2:
_tile_overlayer_lowered:
.L_overlay_start_2:
0x4f: {  	(tag) =	ssettag $0x2  }
0x50: {  	s0 =	rddreg [dreg:$0x0];
	s2 =	stileid.u32  }
0x51: {  	s1 =	rddreg [dreg:$0x1];
	p0 =	sne.s32 s2, $0x0  }
0x52: {  	s3 =	rddreg [dreg:$0x2];
	[bflag:$0x3] =	sbarrier.arrive $0xFFFF;
	s2 =	simm.s32 @!p0 $0x1C01  }
0x53: {  	[timem:s3], [sflag:s2] =	dma.local @!p0 [hbm:s0], s1  }
0x54: {  	s0 =	simm.s32 @!p0 $0x1  }
0x55: {  	_ =	swait.ge @!p0 [sflag:s0], s1  }
0x56: {  	s1 =	ssub.s32 @!p0 $0x0, s1;
	[sflag:s0] =	ssyncset.done @!p0 $0x0  }
0x57: {  	[sflag:s0] =	ssyncadd.s32 @!p0 s1  }
0x58: {  	[bflag:$0x3] =	sbarrier.arrive $0xFFFF  }
0x59: {  	_ =	shalt  }

// kernel: gather_offload_async_start.3
scs
__scs_entry_jumppad:
0x0: {  	(pc) =	sbr.rel $0x88, $3  }
0x1: {  	(tag) =	ssettag $0x0;
	lr =	simm.s32 $0x1  }
0x2: {  	[smem:$0x3F81] =	sst lr;
	_ =	strace $0xD0000000  }
0x3: {  	_ = 	snop  }
0x4: {  	_ = 	snop  }
0x5: {  	_ = 	snop  }
0x6: {  	_ = 	snop  }
0x7: {  	_ = 	snop  }
__scs_overlays_trampoline_lowered:
0x8: {  	[smem:$0x3F90] =	sst s0  }
0x9: {  	[smem:$0x3F91] =	sst s1  }
0xa: {  	[smem:$0x3F92] =	sst s2  }
0xb: {  	[smem:$0x3F93] =	sst s3  }
0xc: {  	[smem:$0x3F94] =	sst s4  }
0xd: {  	[smem:$0x3F95] =	sst s5  }
0xe: {  	[smem:$0x3F96] =	sst s6  }
0xf: {  	[smem:$0x3F97] =	sst s7  }
0x10: {  	[smem:$0x3F98] =	sst s8  }
0x11: {  	[smem:$0x3F99] =	sst s9;
	s0 =	simm.s32 @!p0 $0x0  }
0x12: {  	s1 =	sld [smem:$0x3F7F];
	s0 =	simm.s32 @p0 $0x1  }
0x13: {  	[smem:$0x3F9A] =	sst s0;
	s0 =	simm.s32 @!p1 $0x0  }
0x14: {  	s2 =	sld [smem:$0x3F7E];
	s0 =	simm.s32 @p1 $0x1  }
0x15: {  	[smem:$0x3F9B] =	sst s0;
	s0 =	simm.s32 @!p2 $0x0  }
0x16: {  	s3 =	sld [smem:$0x3FDB];
	s0 =	simm.s32 @p2 $0x1  }
0x17: {  	s4 =	simm.s32 $0x1BF5;
	[smem:$0x3F9D] =	sst s0  }
0x18: {  	s0 =	sld [smem:$0x3F80];
	_ =	swait.ge [sflag:s4], $0x0  }
0x19: {  	s7 =	sld [smem:$0x3F81]  }
0x1a: {  	s8 =	sadd.s32 $0xFFFFE003, lr  }
0x1b: {  	s9 =	sadd.s32 $0xFFFFFEF7, lr;
	s5 =	simm.s32 $0xFFFFFFFF;
	p2 =	slt.u32 s8, $0xFFFFF086  }
0x1c: {  	p1 =	slt.u32 s9, $0xF7A;
	s5 =	simm.s32 @!p2 $0x0  }
0x1d: {  	s5 =	simm.s32 @p1 $0x1;
	p0 =	seq.s32 s7, s2  }
0x1e: {  	s7 =	smul.u32 @!p0 $0xF7A, s2;
	p2 =	seq.s32 @!p0 s5, $0x0  }
0x1f: {  	s9 =	smul.u32 $0xF7A, s1;
	s8 =	simm.s32 @!p0 $0x1BF5;
	p2 =	por !p2, p0  }
0x20: {  	[sflag:s8] =	ssyncset.s32 @!p0 $0xFFFFF086;
	s6 =	sadd.s32 @!p0 s3, s7;
	s7 =	simm.s32 @!p0 $0x108  }
0x21: {  	s3 =	sadd.s32 s3, s9;
	s6 =	sadd.s32 @!p0 $0x88, s6;
	s7 =	simm.s32 @p2 $0x1082  }
0x22: {  	[simem:s7], [sflag:s8] =	dma.local @!p0 [hbm:s6], $0xF7A  }
0x23: {  	s9 =	sor.u32 $0xD0000000, s2;
	s6 =	simm.s32 $0x108;
	_ =	swait.ge @!p0 [sflag:s8], $0x0  }
0x24: {  	s3 =	sadd.s32 $0x88, s3;
	s6 =	simm.s32 @!p1 $0x1082;
	[sflag:s4] =	ssyncset.s32 $0xFFFFF086  }
0x25: {  	[simem:s6], [sflag:s4] =	dma.local [hbm:s3], $0xF7A  }
0x26: {  	[smem:$0x3F81] =	sst s1;
	(tag) =	ssettag s2;
	_ =	strace s9  }
0x27: {  	s1 =	sld [smem:$0x3F91]  }
0x28: {  	s2 =	sld [smem:$0x3F92]  }
0x29: {  	s4 =	sld [smem:$0x3F94]  }
0x2a: {  	p0 =	seq.s32 s5, $0x0;
	s5 =	sld [smem:$0x3F95]  }
0x2b: {  	s6 =	sld [smem:$0x3F96]  }
0x2c: {  	s7 =	sld [smem:$0x3F97]  }
0x2d: {  	s3 =	simm.s32 $0x108;
	s8 =	sld [smem:$0x3F98]  }
0x2e: {  	s3 =	simm.s32 @!p0 $0x1082;
	s9 =	sld [smem:$0x3F99]  }
0x2f: {  	lr =	sadd.s32 s0, s3;
	s0 =	sld [smem:$0x3F90]  }
0x30: {  	s3 =	sld [smem:$0x3F93]  }
0x31: {  	[smem:$0x3F9C] =	sst s10  }
0x32: {  	s10 =	sld [smem:$0x3F9A];
	_ =	sdelay $0x3  }
0x33: {  	p0 =	seq.s32 s10, $0x1;
	s10 =	sld [smem:$0x3F9C];
	_ =	sdelay $0x3  }
0x34: {  	[smem:$0x3F9C] =	sst s10  }
0x35: {  	s10 =	sld [smem:$0x3F9B];
	_ =	sdelay $0x3  }
0x36: {  	p1 =	seq.s32 s10, $0x1;
	s10 =	sld [smem:$0x3F9C];
	_ =	sdelay $0x3  }
0x37: {  	[smem:$0x3F9C] =	sst s10  }
0x38: {  	s10 =	sld [smem:$0x3F9D]  }
0x39: {  	_ = 	snop;
	(pc) =	sbr.ind lr, $3  }
0x3a: {  	_ = 	snop  }
0x3b: {  	_ = 	snop  }
0x3c: {  	p2 =	seq.s32 s10, $0x1;
	s10 =	sld [smem:$0x3F9C]  }
0x3d: {  	_ =	shalt  }
0x3e: {  	_ =	shalt  }
0x3f: {  	_ =	shalt  }
0x40: {  	_ =	shalt  }
0x41: {  	_ =	shalt  }
0x42: {  	_ =	shalt  }
0x43: {  	_ =	shalt  }
0x44: {  	_ =	shalt  }
0x45: {  	_ =	shalt  }
0x46: {  	_ =	shalt  }
0x47: {  	_ =	shalt  }
0x48: {  	_ =	shalt  }
0x49: {  	_ =	shalt  }
0x4a: {  	_ =	shalt  }
0x4b: {  	_ =	shalt  }
0x4c: {  	_ =	shalt  }
0x4d: {  	_ =	shalt  }
0x4e: {  	_ =	shalt  }
0x4f: {  	_ =	shalt  }
0x50: {  	_ =	shalt  }
0x51: {  	_ =	shalt  }
0x52: {  	_ =	shalt  }
0x53: {  	_ =	shalt  }
0x54: {  	_ =	shalt  }
0x55: {  	_ =	shalt  }
0x56: {  	_ =	shalt  }
0x57: {  	_ =	shalt  }
0x58: {  	_ =	shalt  }
0x59: {  	_ =	shalt  }
0x5a: {  	_ =	shalt  }
0x5b: {  	_ =	shalt  }
0x5c: {  	_ =	shalt  }
0x5d: {  	_ =	shalt  }
0x5e: {  	_ =	shalt  }
0x5f: {  	_ =	shalt  }
0x60: {  	_ =	shalt  }
0x61: {  	_ =	shalt  }
0x62: {  	_ =	shalt  }
0x63: {  	_ =	shalt  }
0x64: {  	_ =	shalt  }
0x65: {  	_ =	shalt  }
0x66: {  	_ =	shalt  }
0x67: {  	_ =	shalt  }
0x68: {  	_ =	shalt  }
0x69: {  	_ =	shalt  }
0x6a: {  	_ =	shalt  }
0x6b: {  	_ =	shalt  }
0x6c: {  	_ =	shalt  }
0x6d: {  	_ =	shalt  }
0x6e: {  	_ =	shalt  }
0x6f: {  	_ =	shalt  }
0x70: {  	_ =	shalt  }
0x71: {  	_ =	shalt  }
0x72: {  	_ =	shalt  }
0x73: {  	_ =	shalt  }
0x74: {  	_ =	shalt  }
0x75: {  	_ =	shalt  }
0x76: {  	_ =	shalt  }
0x77: {  	_ =	shalt  }
0x78: {  	_ =	shalt  }
0x79: {  	_ =	shalt  }
0x7a: {  	_ =	shalt  }
0x7b: {  	_ =	shalt  }
0x7c: {  	_ =	shalt  }
0x7d: {  	_ =	shalt  }
0x7e: {  	_ =	shalt  }
0x7f: {  	_ =	shalt  }
0x80: {  	_ =	shalt  }
0x81: {  	_ =	shalt  }
0x82: {  	_ =	shalt  }
0x83: {  	_ =	shalt  }
0x84: {  	_ =	shalt  }
0x85: {  	_ =	shalt  }
0x86: {  	_ =	shalt  }
0x87: {  	_ =	shalt  }
.Lfunc_end0:
.L_simem_size_0:
called_computation.11_lowered:
.L_overlay_start_0:
0x88: {  	s2 =	sld [smem:$0x3FD9]  }
0x89: {  	s3 =	sld [smem:$0x3FFE];
	_ =	sdelay $0x1  }
0x8a: {  	s1 =	srdreg.scid  }
0x8b: {  	s0 =	sand.u32 $0x1, s1  }
0x8c: {  	s16 =	sshll.u32 s0, $0xA;
	s2 =	sadd.s32 s3, s2  }
0x8d: {  	s2 =	sadd.s32 s2, s16  }
0x8e: {  	[smem:$0x3FA8] =	sst s2  }
0x8f: {  	_ = 	snop  }
0x90: {  	(tm) =	ssettm $0x1  }
0x91: {  	s17 =	sld [smem:$0x3FFB];
	_ =	sdelay $0x3  }
0x92: {  	_ =	strace s17  }
0x93: {  	s2 =	sld [smem:$0x3FFC];
	_ =	sdelay $0x3  }
0x94: {  	_ =	strace s2  }
0x95: {  	s2 =	sld [smem:$0x3FFD];
	_ =	sdelay $0x3  }
0x96: {  	_ =	strace s2  }
0x97: {  	_ =	strace $0x8FFFFFFF  }
0x98: {  	s18 =	sld [smem:$0x3FDB];
	_ =	sdelay $0x1  }
0x99: {  	s19 =	simm.s32 $_scs_section_size  }
0x9a: {  	s4 =	simm.s32 $_size__tile_overlayer_lowered;
	s5 =	simm.s32 $_tile_overlayer_lowered  }
0x9b: {  	s22 =	simm.s32 $0x1BFF;
	s21 =	sshll.u32 s5, $0x1;
	s2 =	sadd.s32 s19, s18  }
0x9c: {  	s6 =	simm.s32 $0x0;
	s20 =	sshll.u32 s4, $0x1;
	s4 =	sadd.s32 s21, s2  }
0x9d: {  	[timem:s6], [sflag:s22] =	dma.local [hbm:s4], s20  }
0x9e: {  	_ =	swait.ge [sflag:s22], s20  }
0x9f: {  	s3 =	ssub.s32 $0x0, s20;
	[sflag:s22] =	ssyncset.done $0x0  }
0xa0: {  	[sflag:s22] =	ssyncadd.s32 s3;
	_ =	sdelay $0x1  }
0xa1: {  	s23 =	simm.s32 $0x1B8B  }
0xa2: {  	_ =	swait.ge [sflag:s23], $0x1  }
0xa3: {  	[sflag:s23] =	ssyncset.done $0x0  }
0xa4: {  	s25 =	simm.s32 $0x1B8E;
	s24 =	sld [smem:$0x3FFE];
	[sflag:s23] =	ssyncadd.s32 $0xFFFFFFFF  }
0xa5: {  	s26 =	simm.s32 $execute0_lowered;
	[smem:$0x3FD2] =	sst s25  }
0xa6: {  	s4 =	sshll.u32 s26, $0x1;
	_ =	strace $0x80000046;
	[dreg:$0x1] =	wrdreg $0xFFFFFFFF  }
0xa7: {  	s28 =	simm.s32 $_size_execute0_lowered;
	s2 =	sadd.s32 s2, s4;
	[dreg:$0x0] =	wrdreg $0x0  }
0xa8: {  	s4 =	sshll.u32 s28, $0x1;
	[dreg:$0x2] =	wrdreg s2  }
0xa9: {  	[dreg:$0x3] =	wrdreg s4  }
0xaa: {  	[dreg:$0x4] =	wrdreg $0xC0  }
0xab: {  	_ =	task [dreg:s6], $0x5FFFF  }
0xac: {  	[dreg:$0x1] =	wrdreg $0xFFFFFFFF  }
0xad: {  	[dreg:$0x0] =	wrdreg $0x60  }
0xae: {  	[dreg:$0x2] =	wrdreg s24  }
0xaf: {  	[dreg:$0x3] =	wrdreg $0xC  }
0xb0: {  	_ =	task.clear_ibuf [dreg:s6], $0x4FFFF;
	_ =	strace $0x90000046  }
0xb1: {  	s29 =	simm.s32 $0xC;
	_ =	strace $0x80000048  }
0xb2: {  	_ =	swait.ge [sflag:s29], $0x1  }
0xb3: {  	[sflag:s29] =	ssyncadd.s32 $0xFFFFFFFF  }
0xb4: {  	_ =	strace $0x90000048  }
0xb5: {  	_ =	sfence  }
0xb6: {  	s30 =	sld [smem:$0x0];
	_ =	sdelay $0x2  }
0xb7: {  	s31 =	sshll.u32 s1, $0xD;
	s1 =	sshrl.u32 s1, $0x2  }
0xb8: {  	s3 =	sand.u32 $0x4000, s31;
	s1 =	sadd.s32 s1, s30  }
0xb9: {  	s0 =	sor.u32 s3, s0;
	s1 =	sshll.u32 s1, $0x11  }
0xba: {  	s0 =	sor.u32 s1, s0  }
0xbb: {  	s0 =	sadd.s32 $0x8F2B, s0  }
0xbc: {  	[sflag:s0] =	ssyncadd.remote.s32 $0x1  }
0xbd: {  	_ =	sfence.sel $0xFFFF  }
0xbe: {  	[dreg:$0x0] =	wrdreg $0xFFFFFFFF;
	(pc) =	sbr.abs _section_cstart, $3  }
0xbf: {  	[dreg:$0x1] =	wrdreg $0xFFFFFFFF  }
0xc0: {  	_ =	task.clear_ibuf [dreg:s6], $0x2FFFF;
	_ =	strace $0x9FFFFFFF  }
0xc1: {  	(tm) =	ssettm $0x7FFFFFFF  }
tec
execute0_lowered:
.L_overlay_start_1:
0x0: {  	(tag) =	ssettag $0x1  }
0x1: {  	s7 =	rddreg [dreg:$0x0]  }
0x2: {  	s1 =	srdreg.scid;
	s0 =	rddreg [dreg:$0x1]  }
0x3: {  	_ =	strace $0x80000047;
	s3 =	simm.s32 $0x1;
	s5 =	simm.s32 $0x2  }
0x4: {  	s9 =	simm.s32 $0x3;
	s11 =	simm.s32 $0x0;
	s2 =	sshll.u32 s1, $0x4  }
.Ltmp0:
0x5: {  	s1 =	stileid.u32;
	s4 =	sand.u32 $0x10, s2;
	(pc) =	sbr.rel .LBB2_1-.Ltmp0, $4  }
0x6: {  	p0 =	por $0x0, $0x0;
	[sflag:s3] =	ssyncpa.u1 $0x0;
	s4 =	sor.u32 s1, s4  }
0x7: {  	s6 =	sadd.s32 $0xA0AE00, s7;
	[sflag:s5] =	ssyncpa.u1 $0x0;
	s4 =	smul.u32 $0xC40, s4  }
0x8: {  	s2 =	sadd.s32 $0x5600, s7;
	s7 =	sadd.s32 $0xA0E000, s7;
	[sflag:s9] =	ssyncpa.u1 $0x0  }
0x9: {  	v0 =	vimm.s32 $0x0;
	vm0 =	vmmov $0xff;
	vm1 =	vcmask $0x3F20;
	s9 =	simm.s32 $0x0;
	s8 =	sadd.s32 $0xC40, s4;
	s10 =	smov.u32 s4  }
.LBB2_8:
0xa: {  	[hbm:s15] =	stream.linear.scatter [tilespmem:s12], [sflag:$0x3], $0x800, $0x38;
	[tilespmem:$0x1C1C0] =	vst v63  }
.LBB2_9:
0xb: {  	p1 =	slt.u32 s9, $0x2;
	s11 =	sadd.s32 $0xE0, s10  }
0xc: {  	s13 =	smov.u32 s4;
	s9 =	sadd.s32 $0x1, s9;
	p2 =	slt.s32 s11, s8  }
0xd: {  	s13 =	smov.u32 @p2 s11;
	p2 =	sne.s32 s9, $0x10  }
.Ltmp1:
0xe: {  	_ = 	snop;
	(pc) =	sbr.rel @!p2 .LBB2_10-.Ltmp1, $4  }
0xf: {  	s12 =	simm.s32 @!p1 $0x3  }
0x10: {  	_ =	swait.ge @!p1 [sflag:s12], $0xE000  }
0x11: {  	p0 =	por !p0, !p0;
	[sflag:s12] =	ssyncset.done @!p1 $0x0  }
0x12: {  	s11 =	smov.u32 s10;
	s10 =	smov.u32 s13;
	[sflag:s12] =	ssyncadd.s32 @!p1 $0xFFFF2000  }
.LBB2_1:
0x13: {  	p1 =	sgt.u32 s9, $0xD  }
0x14: {  	s12 =	sxor.u32 @!p1 $0xFFFFFFFF, s9  }
0x15: {  	s12 =	sand.u32 @!p1 $0x1, s12  }
0x16: {  	s12 =	smul.u32 @!p1 $0x380, s12  }
0x17: {  	s31 =	sadd.s32 $0xFFFFFFFF, s9;
	s13 =	sshrl.u32 @!p1 s10, $0x3  }
0x18: {  	s14 =	sand.u32 @!p1 $0x7, s10;
	s13 =	sadd.s32 @!p1 s6, s13;
	s12 =	sshrl.u32 @!p1 s12, $0x2  }
0x19: {  	[tilespmem:s12], [sflag:$0x2] =	stream.linear.gather @!p1 [hbm4b:s13+s14], $0xE0, $0x38;
	[tilespmem:$0x1C1C0] =	vst v63  }
0x1a: {  	p1 =	sgt.u32 s31, $0xD  }
.Ltmp2:
0x1b: {  	_ = 	snop;
	(pc) =	sbr.rel @p1 .LBB2_9-.Ltmp2, $1  }
0x1c: {  	_ =	sdelay $0x3  }
0x1d: {  	s12 =	simm.s32 $0x1;
	s13 =	sand.u32 $0x1, s9  }
0x1e: {  	s12 =	simm.s32 @!p0 $0x0;
	s14 =	smul.u32 $0x38000, s13  }
0x1f: {  	_ =	swait.ge [sflag:s5], $0xE0;
	s12 =	smul.u32 $0x38000, s12  }
0x20: {  	s15 =	simm.s32 $0x0;
	[sflag:s5] =	ssyncset.done $0x0;
	s13 =	smul.u32 $0x380, s13  }
0x21: {  	[sflag:s5] =	ssyncadd.s32 $0xFFFFFF20;
	s14 =	sshrl.u32 s14, $0x2;
	s12 =	sshrl.u32 s12, $0x2  }
0x22: {  	s13 =	sshrl.u32 s13, $0x2;
	s14 =	sor.u32 $0x1C0, s14;
	s12 =	sor.u32 $0x1C0, s12  }
.LBB2_3:
0x23: {  	s16 =	sshll.u32 s15, $0x4  }
0x24: {  	s16 =	sand.u32 $0x3FFFFFF0, s16  }
0x25: {  	s16 =	sadd.s32 s16, s13  }
0x26: {  	v1 =	vld.msk [tilespmem:s16+$0x0 ss:$0x1], $0xffff;
	_ =	sdelay $0x4  }
0x27: {  	vm2 =	veq.s32 v1, $0x80000000;
	v2 =	vshrl.u32 v1, $0x1  }
0x28: {  	v3 =	vshrl.u32 v1, $0x9;
	v1 =	vand.u32 $0x1, v1;
	v2 =	vand.u32 $0xFF, v2  }
0x29: {  	v3 =	vand.u32 $0xFF, v3;
	vm3 =	veq.s32 v1, $0x1;
	v1 =	vmul.u32 $0xE000, v2  }
0x2a: {  	v2 =	vsel vm2, $0xFFFFFFFF, v3;
	v3 =	vsel vm3, $0xC40000, v0  }
0x2b: {  	v1 =	vadd.s32 v3, v1;
	v3 =	vshll.u32 v2, $0x8  }
0x2c: {  	v2 =	vshll.u32 v2, $0x7;
	v1 =	vsel vm2, $0xFF3B2000, v1;
	v3 =	vand.u32 $0xFFFFF800, v3  }
0x2d: {  	s31 =	sshll.u32 s15, $0xC;
	v2 =	vand.u32 $0x380, v2;
	v1 =	vadd.s32 v3, v1  }
0x2e: {  	s16 =	sand.u32 $0x3FFFF000, s31;
	v1 =	vor.u32 v2, v1  }
0x2f: {  	p1 =	por $0x1, $0x1;
	s17 =	simm.s32 $0x0;
	s16 =	sadd.s32 s16, s14;
	v1 =	vshrl.u32 v1, $0x3  }
.LBB2_4:
0x30: {  	_ =	sdelay $0x1  }
0x31: {  	s17 =	sshra.s32 s17, $0x2;
	p2 =	por p1, p1  }
.Ltmp3:
0x32: {  	s17 =	sadd.s32 s17, s16;
	(pc) =	sbr.rel @p2 .LBB2_4-.Ltmp3, $4  }
0x33: {  	[tilespmem:s17], [sflag:$0x1] =	stream.indirect_vreg.gather [hbm:s2], $0x80, v1, vm0, $0x38;
	[tilespmem:$0x1C1C0] =	vst v63  }
0x34: {  	s17 =	sadd.s32 $0x800, s17  }
0x35: {  	[tilespmem:s17], [sflag:$0x1] =	stream.indirect_vreg.gather [hbm:s2], $0x80, v1, vm1, $0x38;
	[tilespmem:$0x1C1C0] =	vst v63  }
0x36: {  	p1 =	por $0x0, $0x0;
	v1 =	vadd.s32 $0x80, v1;
	s17 =	simm.s32 $0x1000  }
0x37: {  	s15 =	sadd.s32 $0x1, s15  }
0x38: {  	p1 =	sne.s32 s15, $0xE  }
.Ltmp4:
0x39: {  	_ = 	snop;
	(pc) =	sbr.rel @p1 .LBB2_3-.Ltmp4, $1  }
0x3a: {  	_ =	sdelay $0x3  }
0x3b: {  	s13 =	sshll.u32 s11, $0x5  }
0x3c: {  	s31 =	sshll.u32 s11, $0x4;
	s13 =	sand.u32 $0xFFFFFF00, s13  }
0x3d: {  	_ =	swait.ge [sflag:s3], $0xE000;
	s11 =	sand.u32 $0x70, s31;
	s13 =	sadd.s32 s13, s7  }
0x3e: {  	s14 =	sadd.s32 $0x800, s12;
	[sflag:s3] =	ssyncset.done $0x0;
	s11 =	sadd.s32 s11, s13  }
0x3f: {  	[sflag:s3] =	ssyncadd.s32 $0xFFFF2000;
	s13 =	simm.s32 $0x100;
	s15 =	sadd.s32 $0x0, s11  }
.LBB2_7:
0x40: {  	[hbm:s15] =	stream.linear.scatter [tilespmem:s12], [sflag:$0x3], $0x800, $0x38;
	[tilespmem:$0x1C1C0] =	vst v63  }
0x41: {  	s15 =	smov.u32 s13;
	s12 =	smov.u32 s14;
	p1 =	sne.s32 s13, $0x1B00  }
.Ltmp5:
0x42: {  	s13 =	sadd.s32 $0x100, s13;
	(pc) =	sbr.rel @p1 .LBB2_7-.Ltmp5, $2  }
0x43: {  	_ =	sdelay $0x2  }
0x44: {  	s14 =	sadd.s32 $0x800, s14;
	s15 =	sadd.s32 s15, s11  }
.Ltmp6:
0x45: {  	_ = 	snop;
	(pc) =	sbr.rel .LBB2_8-.Ltmp6, $1  }
0x46: {  	_ =	sdelay $0x3  }
.LBB2_10:
0x47: {  	_ =	sfence.sel $0x180000  }
0x48: {  	s2 =	simm.s32 $0x2;
	[bflag:$0x0] =	sbarrier.arrive $0xFFFF  }
0x49: {  	s30 =	simm.s32 $0x3;
	[sflag:s2] =	ssyncpa.u1 $0x1  }
0x4a: {  	s31 =	simm.s32 $0x1;
	[sflag:s30] =	ssyncpa.u1 $0x1  }
0x4b: {  	[sflag:s31] =	ssyncpa.u1 $0x1  }
0x4c: {  	p0 =	sne.s32 s1, $0x0;
	_ =	strace $0x90000047  }
0x4d: {  	s0 =	sadd.s32 @!p0 $0x100000, s0;
	[bflag:$0x2] =	sbarrier.arrive $0xFFFF  }
0x4e: {  	[sflag:s0] =	ssyncadd.tile.s32 @!p0 $0x1;
	_ =	shalt  }
.Lfunc_end2:
_tile_overlayer_lowered:
.L_overlay_start_2:
0x4f: {  	(tag) =	ssettag $0x2  }
0x50: {  	s0 =	rddreg [dreg:$0x0];
	s2 =	stileid.u32  }
0x51: {  	s1 =	rddreg [dreg:$0x1];
	p0 =	sne.s32 s2, $0x0  }
0x52: {  	s3 =	rddreg [dreg:$0x2];
	[bflag:$0x3] =	sbarrier.arrive $0xFFFF;
	s2 =	simm.s32 @!p0 $0x1C01  }
0x53: {  	[timem:s3], [sflag:s2] =	dma.local @!p0 [hbm:s0], s1  }
0x54: {  	s0 =	simm.s32 @!p0 $0x1  }
0x55: {  	_ =	swait.ge @!p0 [sflag:s0], s1  }
0x56: {  	s1 =	ssub.s32 @!p0 $0x0, s1;
	[sflag:s0] =	ssyncset.done @!p0 $0x0  }
0x57: {  	[sflag:s0] =	ssyncadd.s32 @!p0 s1  }
0x58: {  	[bflag:$0x3] =	sbarrier.arrive $0xFFFF  }
0x59: {  	_ =	shalt  }

// kernel: gather_offload_async_start
scs
__scs_entry_jumppad:
0x0: {  	(pc) =	sbr.rel $0x88, $3  }
0x1: {  	(tag) =	ssettag $0x0;
	lr =	simm.s32 $0x1  }
0x2: {  	[smem:$0x3F81] =	sst lr;
	_ =	strace $0xD0000000  }
0x3: {  	_ = 	snop  }
0x4: {  	_ = 	snop  }
0x5: {  	_ = 	snop  }
0x6: {  	_ = 	snop  }
0x7: {  	_ = 	snop  }
__scs_overlays_trampoline_lowered:
0x8: {  	[smem:$0x3F90] =	sst s0  }
0x9: {  	[smem:$0x3F91] =	sst s1  }
0xa: {  	[smem:$0x3F92] =	sst s2  }
0xb: {  	[smem:$0x3F93] =	sst s3  }
0xc: {  	[smem:$0x3F94] =	sst s4  }
0xd: {  	[smem:$0x3F95] =	sst s5  }
0xe: {  	[smem:$0x3F96] =	sst s6  }
0xf: {  	[smem:$0x3F97] =	sst s7  }
0x10: {  	[smem:$0x3F98] =	sst s8  }
0x11: {  	[smem:$0x3F99] =	sst s9;
	s0 =	simm.s32 @!p0 $0x0  }
0x12: {  	s1 =	sld [smem:$0x3F7F];
	s0 =	simm.s32 @p0 $0x1  }
0x13: {  	[smem:$0x3F9A] =	sst s0;
	s0 =	simm.s32 @!p1 $0x0  }
0x14: {  	s2 =	sld [smem:$0x3F7E];
	s0 =	simm.s32 @p1 $0x1  }
0x15: {  	[smem:$0x3F9B] =	sst s0;
	s0 =	simm.s32 @!p2 $0x0  }
0x16: {  	s3 =	sld [smem:$0x3FDB];
	s0 =	simm.s32 @p2 $0x1  }
0x17: {  	s4 =	simm.s32 $0x1BF5;
	[smem:$0x3F9D] =	sst s0  }
0x18: {  	s0 =	sld [smem:$0x3F80];
	_ =	swait.ge [sflag:s4], $0x0  }
0x19: {  	s7 =	sld [smem:$0x3F81]  }
0x1a: {  	s8 =	sadd.s32 $0xFFFFE003, lr  }
0x1b: {  	s9 =	sadd.s32 $0xFFFFFEF7, lr;
	s5 =	simm.s32 $0xFFFFFFFF;
	p2 =	slt.u32 s8, $0xFFFFF086  }
0x1c: {  	p1 =	slt.u32 s9, $0xF7A;
	s5 =	simm.s32 @!p2 $0x0  }
0x1d: {  	s5 =	simm.s32 @p1 $0x1;
	p0 =	seq.s32 s7, s2  }
0x1e: {  	s7 =	smul.u32 @!p0 $0xF7A, s2;
	p2 =	seq.s32 @!p0 s5, $0x0  }
0x1f: {  	s9 =	smul.u32 $0xF7A, s1;
	s8 =	simm.s32 @!p0 $0x1BF5;
	p2 =	por !p2, p0  }
0x20: {  	[sflag:s8] =	ssyncset.s32 @!p0 $0xFFFFF086;
	s6 =	sadd.s32 @!p0 s3, s7;
	s7 =	simm.s32 @!p0 $0x108  }
0x21: {  	s3 =	sadd.s32 s3, s9;
	s6 =	sadd.s32 @!p0 $0x88, s6;
	s7 =	simm.s32 @p2 $0x1082  }
0x22: {  	[simem:s7], [sflag:s8] =	dma.local @!p0 [hbm:s6], $0xF7A  }
0x23: {  	s9 =	sor.u32 $0xD0000000, s2;
	s6 =	simm.s32 $0x108;
	_ =	swait.ge @!p0 [sflag:s8], $0x0  }
0x24: {  	s3 =	sadd.s32 $0x88, s3;
	s6 =	simm.s32 @!p1 $0x1082;
	[sflag:s4] =	ssyncset.s32 $0xFFFFF086  }
0x25: {  	[simem:s6], [sflag:s4] =	dma.local [hbm:s3], $0xF7A  }
0x26: {  	[smem:$0x3F81] =	sst s1;
	(tag) =	ssettag s2;
	_ =	strace s9  }
0x27: {  	s1 =	sld [smem:$0x3F91]  }
0x28: {  	s2 =	sld [smem:$0x3F92]  }
0x29: {  	s4 =	sld [smem:$0x3F94]  }
0x2a: {  	p0 =	seq.s32 s5, $0x0;
	s5 =	sld [smem:$0x3F95]  }
0x2b: {  	s6 =	sld [smem:$0x3F96]  }
0x2c: {  	s7 =	sld [smem:$0x3F97]  }
0x2d: {  	s3 =	simm.s32 $0x108;
	s8 =	sld [smem:$0x3F98]  }
0x2e: {  	s3 =	simm.s32 @!p0 $0x1082;
	s9 =	sld [smem:$0x3F99]  }
0x2f: {  	lr =	sadd.s32 s0, s3;
	s0 =	sld [smem:$0x3F90]  }
0x30: {  	s3 =	sld [smem:$0x3F93]  }
0x31: {  	[smem:$0x3F9C] =	sst s10  }
0x32: {  	s10 =	sld [smem:$0x3F9A];
	_ =	sdelay $0x3  }
0x33: {  	p0 =	seq.s32 s10, $0x1;
	s10 =	sld [smem:$0x3F9C];
	_ =	sdelay $0x3  }
0x34: {  	[smem:$0x3F9C] =	sst s10  }
0x35: {  	s10 =	sld [smem:$0x3F9B];
	_ =	sdelay $0x3  }
0x36: {  	p1 =	seq.s32 s10, $0x1;
	s10 =	sld [smem:$0x3F9C];
	_ =	sdelay $0x3  }
0x37: {  	[smem:$0x3F9C] =	sst s10  }
0x38: {  	s10 =	sld [smem:$0x3F9D]  }
0x39: {  	_ = 	snop;
	(pc) =	sbr.ind lr, $3  }
0x3a: {  	_ = 	snop  }
0x3b: {  	_ = 	snop  }
0x3c: {  	p2 =	seq.s32 s10, $0x1;
	s10 =	sld [smem:$0x3F9C]  }
0x3d: {  	_ =	shalt  }
0x3e: {  	_ =	shalt  }
0x3f: {  	_ =	shalt  }
0x40: {  	_ =	shalt  }
0x41: {  	_ =	shalt  }
0x42: {  	_ =	shalt  }
0x43: {  	_ =	shalt  }
0x44: {  	_ =	shalt  }
0x45: {  	_ =	shalt  }
0x46: {  	_ =	shalt  }
0x47: {  	_ =	shalt  }
0x48: {  	_ =	shalt  }
0x49: {  	_ =	shalt  }
0x4a: {  	_ =	shalt  }
0x4b: {  	_ =	shalt  }
0x4c: {  	_ =	shalt  }
0x4d: {  	_ =	shalt  }
0x4e: {  	_ =	shalt  }
0x4f: {  	_ =	shalt  }
0x50: {  	_ =	shalt  }
0x51: {  	_ =	shalt  }
0x52: {  	_ =	shalt  }
0x53: {  	_ =	shalt  }
0x54: {  	_ =	shalt  }
0x55: {  	_ =	shalt  }
0x56: {  	_ =	shalt  }
0x57: {  	_ =	shalt  }
0x58: {  	_ =	shalt  }
0x59: {  	_ =	shalt  }
0x5a: {  	_ =	shalt  }
0x5b: {  	_ =	shalt  }
0x5c: {  	_ =	shalt  }
0x5d: {  	_ =	shalt  }
0x5e: {  	_ =	shalt  }
0x5f: {  	_ =	shalt  }
0x60: {  	_ =	shalt  }
0x61: {  	_ =	shalt  }
0x62: {  	_ =	shalt  }
0x63: {  	_ =	shalt  }
0x64: {  	_ =	shalt  }
0x65: {  	_ =	shalt  }
0x66: {  	_ =	shalt  }
0x67: {  	_ =	shalt  }
0x68: {  	_ =	shalt  }
0x69: {  	_ =	shalt  }
0x6a: {  	_ =	shalt  }
0x6b: {  	_ =	shalt  }
0x6c: {  	_ =	shalt  }
0x6d: {  	_ =	shalt  }
0x6e: {  	_ =	shalt  }
0x6f: {  	_ =	shalt  }
0x70: {  	_ =	shalt  }
0x71: {  	_ =	shalt  }
0x72: {  	_ =	shalt  }
0x73: {  	_ =	shalt  }
0x74: {  	_ =	shalt  }
0x75: {  	_ =	shalt  }
0x76: {  	_ =	shalt  }
0x77: {  	_ =	shalt  }
0x78: {  	_ =	shalt  }
0x79: {  	_ =	shalt  }
0x7a: {  	_ =	shalt  }
0x7b: {  	_ =	shalt  }
0x7c: {  	_ =	shalt  }
0x7d: {  	_ =	shalt  }
0x7e: {  	_ =	shalt  }
0x7f: {  	_ =	shalt  }
0x80: {  	_ =	shalt  }
0x81: {  	_ =	shalt  }
0x82: {  	_ =	shalt  }
0x83: {  	_ =	shalt  }
0x84: {  	_ =	shalt  }
0x85: {  	_ =	shalt  }
0x86: {  	_ =	shalt  }
0x87: {  	_ =	shalt  }
.Lfunc_end0:
.L_simem_size_0:
called_computation.8_lowered:
.L_overlay_start_0:
0x88: {  	s2 =	sld [smem:$0x3FD9]  }
0x89: {  	s3 =	sld [smem:$0x3FFE];
	_ =	sdelay $0x1  }
0x8a: {  	s1 =	srdreg.scid  }
0x8b: {  	s0 =	sand.u32 $0x1, s1  }
0x8c: {  	s17 =	sshll.u32 s0, $0xA;
	s2 =	sadd.s32 s3, s2  }
0x8d: {  	s2 =	sadd.s32 s2, s17  }
0x8e: {  	[smem:$0x3FA8] =	sst s2  }
0x8f: {  	_ = 	snop  }
0x90: {  	(tm) =	ssettm $0x1  }
0x91: {  	s18 =	sld [smem:$0x3FFB];
	_ =	sdelay $0x3  }
0x92: {  	_ =	strace s18  }
0x93: {  	s2 =	sld [smem:$0x3FFC];
	_ =	sdelay $0x3  }
0x94: {  	_ =	strace s2  }
0x95: {  	s2 =	sld [smem:$0x3FFD];
	_ =	sdelay $0x3  }
0x96: {  	_ =	strace s2  }
0x97: {  	_ =	strace $0x8FFFFFFF  }
0x98: {  	s19 =	sld [smem:$0x3FDB];
	_ =	sdelay $0x1  }
0x99: {  	s20 =	simm.s32 $_scs_section_size  }
0x9a: {  	s4 =	simm.s32 $_size__tile_overlayer_lowered;
	s5 =	simm.s32 $_tile_overlayer_lowered  }
0x9b: {  	s6 =	simm.s32 $0x1BFF;
	s21 =	sshll.u32 s5, $0x1;
	s3 =	sadd.s32 s20, s19  }
0x9c: {  	s22 =	simm.s32 $0x0;
	s4 =	sshll.u32 s4, $0x1;
	s5 =	sadd.s32 s21, s3  }
0x9d: {  	[timem:s22], [sflag:s6] =	dma.local [hbm:s5], s4  }
0x9e: {  	_ =	swait.ge [sflag:s6], s4  }
0x9f: {  	s4 =	ssub.s32 $0x0, s4;
	[sflag:s6] =	ssyncset.done $0x0  }
0xa0: {  	[sflag:s6] =	ssyncadd.s32 s4;
	_ =	sdelay $0x1  }
0xa1: {  	s23 =	simm.s32 $0x1B8B  }
0xa2: {  	_ =	swait.ge [sflag:s23], $0x1  }
0xa3: {  	[sflag:s23] =	ssyncset.done $0x0  }
0xa4: {  	[sflag:s23] =	ssyncadd.s32 $0xFFFFFFFF  }
0xa5: {  	s4 =	sld [smem:$0x0]  }
0xa6: {  	s5 =	sand.u32 $0xFFFFFFFE, s1  }
0xa7: {  	p0 =	sne.s32 s1, s5  }
0xa8: {  	s5 =	sshll.u32 @p0 s5, $0xE  }
0xa9: {  	s5 =	sadd.s32 @p0 $0x11B8D, s5;
	s6 =	sshll.u32 @p0 s4, $0x11  }
0xaa: {  	s5 =	sor.u32 @p0 s6, s5  }
0xab: {  	[sflag:s5] =	ssyncadd.remote.s32 @p0 $0x1;
	_ =	sdelay $0x1  }
0xac: {  	s5 =	simm.s32 @p0 $0x1B8D  }
0xad: {  	_ =	swait.eq @p0 [sflag:s5], $0x1  }
0xae: {  	[sflag:s5] =	ssyncadd.s32 @p0 $0xFFFFFFFF  }
0xaf: {  	s6 =	sshll.u32 @!p0 s1, $0xE  }
0xb0: {  	s6 =	sor.u32 @!p0 $0x4000, s6;
	s5 =	simm.s32 @!p0 $0x1B8D  }
0xb1: {  	s4 =	sshll.u32 @!p0 s4, $0x11;
	s6 =	sadd.s32 @!p0 $0x11B8D, s6;
	_ =	swait.eq @!p0 [sflag:s5], $0x1  }
0xb2: {  	s4 =	sor.u32 @!p0 s4, s6;
	[sflag:s5] =	ssyncadd.s32 @!p0 $0xFFFFFFFF  }
0xb3: {  	s25 =	simm.s32 $0x1B8E;
	s24 =	sld [smem:$0x3FFE];
	[sflag:s4] =	ssyncadd.remote.s32 @!p0 $0x1  }
0xb4: {  	s26 =	simm.s32 $execute0_lowered;
	[smem:$0x3FD2] =	sst s25  }
0xb5: {  	s5 =	sshll.u32 s26, $0x1;
	_ =	strace $0x8000004F;
	[dreg:$0x1] =	wrdreg $0xFFFFFFFF  }
0xb6: {  	s28 =	simm.s32 $_size_execute0_lowered;
	s3 =	sadd.s32 s3, s5;
	[dreg:$0x0] =	wrdreg $0x0  }
0xb7: {  	s5 =	sshll.u32 s28, $0x1;
	[dreg:$0x2] =	wrdreg s3  }
0xb8: {  	[dreg:$0x3] =	wrdreg s5  }
0xb9: {  	[dreg:$0x4] =	wrdreg $0xC0  }
0xba: {  	_ =	task [dreg:s22], $0x5FFFF  }
0xbb: {  	[dreg:$0x1] =	wrdreg $0xFFFFFFFF  }
0xbc: {  	[dreg:$0x0] =	wrdreg $0x60  }
0xbd: {  	[dreg:$0x2] =	wrdreg s24  }
0xbe: {  	[dreg:$0x3] =	wrdreg $0x9  }
0xbf: {  	_ =	task.clear_ibuf [dreg:s22], $0x4FFFF;
	_ =	strace $0x9000004F  }
0xc0: {  	s29 =	simm.s32 $0x9;
	_ =	strace $0x80000051  }
0xc1: {  	_ =	swait.ge [sflag:s29], $0x1  }
0xc2: {  	[sflag:s29] =	ssyncadd.s32 $0xFFFFFFFF  }
0xc3: {  	_ =	strace $0x90000051  }
0xc4: {  	_ =	sfence  }
0xc5: {  	s30 =	sld [smem:$0x0];
	_ =	sdelay $0x2  }
0xc6: {  	s31 =	sshll.u32 s1, $0xD;
	s1 =	sshrl.u32 s1, $0x2  }
0xc7: {  	s4 =	sand.u32 $0x4000, s31;
	s1 =	sadd.s32 s1, s30  }
0xc8: {  	s0 =	sor.u32 s4, s0;
	s1 =	sshll.u32 s1, $0x11  }
0xc9: {  	s0 =	sor.u32 s1, s0  }
0xca: {  	s0 =	sadd.s32 $0x8F2B, s0  }
0xcb: {  	[sflag:s0] =	ssyncadd.remote.s32 $0x1  }
0xcc: {  	_ =	sfence.sel $0xFFFF  }
0xcd: {  	[dreg:$0x0] =	wrdreg $0xFFFFFFFF;
	(pc) =	sbr.abs _section_cstart, $3  }
0xce: {  	[dreg:$0x1] =	wrdreg $0xFFFFFFFF  }
0xcf: {  	_ =	task.clear_ibuf [dreg:s22], $0x2FFFF;
	_ =	strace $0x9FFFFFFF  }
0xd0: {  	(tm) =	ssettm $0x7FFFFFFF  }
0xd1: {  	_ =	shalt  }
tec
execute0_lowered:
.L_overlay_start_1:
0x0: {  	(tag) =	ssettag $0x1  }
0x1: {  	s7 =	rddreg [dreg:$0x0]  }
0x2: {  	s1 =	srdreg.scid;
	s0 =	rddreg [dreg:$0x1]  }
0x3: {  	_ =	strace $0x80000050;
	s3 =	simm.s32 $0x1;
	s5 =	simm.s32 $0x2  }
0x4: {  	s9 =	simm.s32 $0x3;
	s11 =	simm.s32 $0x0;
	s2 =	sshll.u32 s1, $0x4  }
.Ltmp0:
0x5: {  	s1 =	stileid.u32;
	s4 =	sand.u32 $0x10, s2;
	(pc) =	sbr.rel .LBB2_1-.Ltmp0, $4  }
0x6: {  	p0 =	por $0x0, $0x0;
	[sflag:s3] =	ssyncpa.u1 $0x0;
	s4 =	sor.u32 s1, s4  }
0x7: {  	s6 =	sadd.s32 $0xA06A00, s7;
	[sflag:s5] =	ssyncpa.u1 $0x0;
	s4 =	smul.u32 $0xC40, s4  }
0x8: {  	s2 =	sadd.s32 $0x5600, s7;
	s7 =	sadd.s32 $0x133E000, s7;
	[sflag:s9] =	ssyncpa.u1 $0x0  }
0x9: {  	v0 =	vimm.s32 $0x0;
	vm0 =	vmmov $0xff;
	vm1 =	vcmask $0x3F20;
	s9 =	simm.s32 $0x0;
	s8 =	sadd.s32 $0xC40, s4;
	s10 =	smov.u32 s4  }
.LBB2_8:
0xa: {  	[hbm:s15] =	stream.linear.scatter [tilespmem:s12], [sflag:$0x3], $0x800, $0x38;
	[tilespmem:$0x1C1C0] =	vst v63  }
.LBB2_9:
0xb: {  	p1 =	slt.u32 s9, $0x2;
	s11 =	sadd.s32 $0xE0, s10  }
0xc: {  	s13 =	smov.u32 s4;
	s9 =	sadd.s32 $0x1, s9;
	p2 =	slt.s32 s11, s8  }
0xd: {  	s13 =	smov.u32 @p2 s11;
	p2 =	sne.s32 s9, $0x10  }
.Ltmp1:
0xe: {  	_ = 	snop;
	(pc) =	sbr.rel @!p2 .LBB2_10-.Ltmp1, $4  }
0xf: {  	s12 =	simm.s32 @!p1 $0x3  }
0x10: {  	_ =	swait.ge @!p1 [sflag:s12], $0xE000  }
0x11: {  	p0 =	por !p0, !p0;
	[sflag:s12] =	ssyncset.done @!p1 $0x0  }
0x12: {  	s11 =	smov.u32 s10;
	s10 =	smov.u32 s13;
	[sflag:s12] =	ssyncadd.s32 @!p1 $0xFFFF2000  }
.LBB2_1:
0x13: {  	p1 =	sgt.u32 s9, $0xD  }
0x14: {  	s12 =	sxor.u32 @!p1 $0xFFFFFFFF, s9  }
0x15: {  	s12 =	sand.u32 @!p1 $0x1, s12  }
0x16: {  	s12 =	smul.u32 @!p1 $0x380, s12  }
0x17: {  	s31 =	sadd.s32 $0xFFFFFFFF, s9;
	s13 =	sshrl.u32 @!p1 s10, $0x3  }
0x18: {  	s14 =	sand.u32 @!p1 $0x7, s10;
	s13 =	sadd.s32 @!p1 s6, s13;
	s12 =	sshrl.u32 @!p1 s12, $0x2  }
0x19: {  	[tilespmem:s12], [sflag:$0x2] =	stream.linear.gather @!p1 [hbm4b:s13+s14], $0xE0, $0x38;
	[tilespmem:$0x1C1C0] =	vst v63  }
0x1a: {  	p1 =	sgt.u32 s31, $0xD  }
.Ltmp2:
0x1b: {  	_ = 	snop;
	(pc) =	sbr.rel @p1 .LBB2_9-.Ltmp2, $1  }
0x1c: {  	_ =	sdelay $0x3  }
0x1d: {  	s12 =	simm.s32 $0x1;
	s13 =	sand.u32 $0x1, s9  }
0x1e: {  	s12 =	simm.s32 @!p0 $0x0;
	s14 =	smul.u32 $0x38000, s13  }
0x1f: {  	_ =	swait.ge [sflag:s5], $0xE0;
	s12 =	smul.u32 $0x38000, s12  }
0x20: {  	s15 =	simm.s32 $0x0;
	[sflag:s5] =	ssyncset.done $0x0;
	s13 =	smul.u32 $0x380, s13  }
0x21: {  	[sflag:s5] =	ssyncadd.s32 $0xFFFFFF20;
	s14 =	sshrl.u32 s14, $0x2;
	s12 =	sshrl.u32 s12, $0x2  }
0x22: {  	s13 =	sshrl.u32 s13, $0x2;
	s14 =	sor.u32 $0x1C0, s14;
	s12 =	sor.u32 $0x1C0, s12  }
.LBB2_3:
0x23: {  	s16 =	sshll.u32 s15, $0x4  }
0x24: {  	s16 =	sand.u32 $0x3FFFFFF0, s16  }
0x25: {  	s16 =	sadd.s32 s16, s13  }
0x26: {  	v1 =	vld.msk [tilespmem:s16+$0x0 ss:$0x1], $0xffff;
	_ =	sdelay $0x4  }
0x27: {  	vm2 =	veq.s32 v1, $0x80000000;
	v2 =	vshrl.u32 v1, $0x1  }
0x28: {  	v3 =	vshrl.u32 v1, $0x9;
	v1 =	vand.u32 $0x1, v1;
	v2 =	vand.u32 $0xFF, v2  }
0x29: {  	v3 =	vand.u32 $0xFF, v3;
	vm3 =	veq.s32 v1, $0x1;
	v1 =	vmul.u32 $0xE000, v2  }
0x2a: {  	v2 =	vsel vm2, $0xFFFFFFFF, v3;
	v3 =	vsel vm3, $0xC40000, v0  }
0x2b: {  	v1 =	vadd.s32 v3, v1;
	v3 =	vshll.u32 v2, $0x8  }
0x2c: {  	v2 =	vshll.u32 v2, $0x7;
	v1 =	vsel vm2, $0xFF3B2000, v1;
	v3 =	vand.u32 $0xFFFFF800, v3  }
0x2d: {  	s31 =	sshll.u32 s15, $0xC;
	v2 =	vand.u32 $0x380, v2;
	v1 =	vadd.s32 v3, v1  }
0x2e: {  	s16 =	sand.u32 $0x3FFFF000, s31;
	v1 =	vor.u32 v2, v1  }
0x2f: {  	p1 =	por $0x1, $0x1;
	s17 =	simm.s32 $0x0;
	s16 =	sadd.s32 s16, s14;
	v1 =	vshrl.u32 v1, $0x3  }
.LBB2_4:
0x30: {  	_ =	sdelay $0x1  }
0x31: {  	s17 =	sshra.s32 s17, $0x2;
	p2 =	por p1, p1  }
.Ltmp3:
0x32: {  	s17 =	sadd.s32 s17, s16;
	(pc) =	sbr.rel @p2 .LBB2_4-.Ltmp3, $4  }
0x33: {  	[tilespmem:s17], [sflag:$0x1] =	stream.indirect_vreg.gather [hbm:s2], $0x80, v1, vm0, $0x38;
	[tilespmem:$0x1C1C0] =	vst v63  }
0x34: {  	s17 =	sadd.s32 $0x800, s17  }
0x35: {  	[tilespmem:s17], [sflag:$0x1] =	stream.indirect_vreg.gather [hbm:s2], $0x80, v1, vm1, $0x38;
	[tilespmem:$0x1C1C0] =	vst v63  }
0x36: {  	p1 =	por $0x0, $0x0;
	v1 =	vadd.s32 $0x80, v1;
	s17 =	simm.s32 $0x1000  }
0x37: {  	s15 =	sadd.s32 $0x1, s15  }
0x38: {  	p1 =	sne.s32 s15, $0xE  }
.Ltmp4:
0x39: {  	_ = 	snop;
	(pc) =	sbr.rel @p1 .LBB2_3-.Ltmp4, $1  }
0x3a: {  	_ =	sdelay $0x3  }
0x3b: {  	s13 =	sshll.u32 s11, $0x5  }
0x3c: {  	s31 =	sshll.u32 s11, $0x4;
	s13 =	sand.u32 $0xFFFFFF00, s13  }
0x3d: {  	_ =	swait.ge [sflag:s3], $0xE000;
	s11 =	sand.u32 $0x70, s31;
	s13 =	sadd.s32 s13, s7  }
0x3e: {  	s14 =	sadd.s32 $0x800, s12;
	[sflag:s3] =	ssyncset.done $0x0;
	s11 =	sadd.s32 s11, s13  }
0x3f: {  	[sflag:s3] =	ssyncadd.s32 $0xFFFF2000;
	s13 =	simm.s32 $0x100;
	s15 =	sadd.s32 $0x0, s11  }
.LBB2_7:
0x40: {  	[hbm:s15] =	stream.linear.scatter [tilespmem:s12], [sflag:$0x3], $0x800, $0x38;
	[tilespmem:$0x1C1C0] =	vst v63  }
0x41: {  	s15 =	smov.u32 s13;
	s12 =	smov.u32 s14;
	p1 =	sne.s32 s13, $0x1B00  }
.Ltmp5:
0x42: {  	s13 =	sadd.s32 $0x100, s13;
	(pc) =	sbr.rel @p1 .LBB2_7-.Ltmp5, $2  }
0x43: {  	_ =	sdelay $0x2  }
0x44: {  	s14 =	sadd.s32 $0x800, s14;
	s15 =	sadd.s32 s15, s11  }
.Ltmp6:
0x45: {  	_ = 	snop;
	(pc) =	sbr.rel .LBB2_8-.Ltmp6, $1  }
0x46: {  	_ =	sdelay $0x3  }
.LBB2_10:
0x47: {  	_ =	sfence.sel $0x180000  }
0x48: {  	s2 =	simm.s32 $0x2;
	[bflag:$0x0] =	sbarrier.arrive $0xFFFF  }
0x49: {  	s30 =	simm.s32 $0x3;
	[sflag:s2] =	ssyncpa.u1 $0x1  }
0x4a: {  	s31 =	simm.s32 $0x1;
	[sflag:s30] =	ssyncpa.u1 $0x1  }
0x4b: {  	[sflag:s31] =	ssyncpa.u1 $0x1  }
0x4c: {  	p0 =	sne.s32 s1, $0x0;
	_ =	strace $0x90000050  }
0x4d: {  	s0 =	sadd.s32 @!p0 $0x100000, s0;
	[bflag:$0x2] =	sbarrier.arrive $0xFFFF  }
0x4e: {  	[sflag:s0] =	ssyncadd.tile.s32 @!p0 $0x1;
	_ =	shalt  }
.Lfunc_end2:
_tile_overlayer_lowered:
.L_overlay_start_2:
0x4f: {  	(tag) =	ssettag $0x2  }
0x50: {  	s0 =	rddreg [dreg:$0x0];
	s2 =	stileid.u32  }
0x51: {  	s1 =	rddreg [dreg:$0x1];
	p0 =	sne.s32 s2, $0x0  }
0x52: {  	s3 =	rddreg [dreg:$0x2];
	[bflag:$0x3] =	sbarrier.arrive $0xFFFF;
	s2 =	simm.s32 @!p0 $0x1C01  }
0x53: {  	[timem:s3], [sflag:s2] =	dma.local @!p0 [hbm:s0], s1  }
0x54: {  	s0 =	simm.s32 @!p0 $0x1  }
0x55: {  	_ =	swait.ge @!p0 [sflag:s0], s1  }
0x56: {  	s1 =	ssub.s32 @!p0 $0x0, s1;
	[sflag:s0] =	ssyncset.done @!p0 $0x0  }
0x57: {  	[sflag:s0] =	ssyncadd.s32 @!p0 s1  }
0x58: {  	[bflag:$0x3] =	sbarrier.arrive $0xFFFF  }
0x59: {  	_ =	shalt  }

// kernel: sparse-core-data-format-call.1.cloned.1.call-start
scs
called_computation.1_lowered:
.L_overlay_start_0:
0x0: {  	s1 =	sld [smem:$0x3FD9]  }
0x1: {  	s2 =	sld [smem:$0x3FFE];
	_ =	sdelay $0x1  }
0x2: {  	s3 =	srdreg.scid  }
0x3: {  	s0 =	sand.u32 $0x1, s3  }
0x4: {  	s17 =	sshll.u32 s0, $0xA;
	s1 =	sadd.s32 s2, s1  }
0x5: {  	s1 =	sadd.s32 s1, s17  }
0x6: {  	[smem:$0x3FA8] =	sst s1  }
0x7: {  	_ = 	snop  }
0x8: {  	(tm) =	ssettm $0x1  }
0x9: {  	s18 =	sld [smem:$0x3FFB];
	_ =	sdelay $0x3  }
0xa: {  	_ =	strace s18  }
0xb: {  	s1 =	sld [smem:$0x3FFC];
	_ =	sdelay $0x3  }
0xc: {  	_ =	strace s1  }
0xd: {  	s1 =	sld [smem:$0x3FFD];
	_ =	sdelay $0x3  }
0xe: {  	_ =	strace s1  }
0xf: {  	_ =	strace $0x8FFFFFFF  }
0x10: {  	s19 =	sld [smem:$0x3FDB];
	_ =	sdelay $0x1  }
0x11: {  	s20 =	simm.s32 $_scs_section_size  }
0x12: {  	s4 =	simm.s32 $_size__tile_overlayer_lowered;
	s5 =	simm.s32 $_tile_overlayer_lowered  }
0x13: {  	s23 =	simm.s32 $0x1BFF;
	s22 =	sshll.u32 s5, $0x1;
	s1 =	sadd.s32 s20, s19  }
0x14: {  	s6 =	simm.s32 $0x0;
	s21 =	sshll.u32 s4, $0x1;
	s4 =	sadd.s32 s22, s1  }
0x15: {  	[timem:s6], [sflag:s23] =	dma.local [hbm:s4], s21  }
0x16: {  	_ =	swait.ge [sflag:s23], s21  }
0x17: {  	s2 =	ssub.s32 $0x0, s21;
	[sflag:s23] =	ssyncset.done $0x0  }
0x18: {  	[sflag:s23] =	ssyncadd.s32 s2;
	_ =	sdelay $0x1  }
0x19: {  	s24 =	simm.s32 $0x1B8B  }
0x1a: {  	_ =	swait.ge [sflag:s24], $0x1  }
0x1b: {  	[sflag:s24] =	ssyncset.done $0x0  }
0x1c: {  	s26 =	simm.s32 $0x1B8E;
	s25 =	sld [smem:$0x3FFE];
	[sflag:s24] =	ssyncadd.s32 $0xFFFFFFFF  }
0x1d: {  	s27 =	simm.s32 $execute0_lowered;
	[smem:$0x3FD2] =	sst s26  }
0x1e: {  	s4 =	sshll.u32 s27, $0x1;
	_ =	strace $0x80000064;
	[dreg:$0x1] =	wrdreg $0xFFFFFFFF  }
0x1f: {  	s28 =	simm.s32 $_size_execute0_lowered;
	s1 =	sadd.s32 s1, s4;
	[dreg:$0x0] =	wrdreg $0x0  }
0x20: {  	s4 =	sshll.u32 s28, $0x1;
	[dreg:$0x2] =	wrdreg s1  }
0x21: {  	[dreg:$0x3] =	wrdreg s4  }
0x22: {  	[dreg:$0x4] =	wrdreg $0xC0  }
0x23: {  	_ =	task [dreg:s6], $0x5FFFF  }
0x24: {  	[dreg:$0x1] =	wrdreg $0xFFFFFFFF  }
0x25: {  	[dreg:$0x0] =	wrdreg $0x60  }
0x26: {  	[dreg:$0x2] =	wrdreg s25  }
0x27: {  	[dreg:$0x3] =	wrdreg $0x9  }
0x28: {  	_ =	task.clear_ibuf [dreg:s6], $0x4FFFF;
	_ =	strace $0x90000064  }
0x29: {  	s29 =	simm.s32 $0x9;
	_ =	strace $0x80000066  }
0x2a: {  	_ =	swait.ge [sflag:s29], $0x1  }
0x2b: {  	[sflag:s29] =	ssyncadd.s32 $0xFFFFFFFF  }
0x2c: {  	_ =	strace $0x90000066  }
0x2d: {  	_ =	sfence  }
0x2e: {  	s30 =	sld [smem:$0x0];
	_ =	sdelay $0x2  }
0x2f: {  	s31 =	sshll.u32 s3, $0xD;
	s3 =	sshrl.u32 s3, $0x2  }
0x30: {  	s2 =	sand.u32 $0x4000, s31;
	s1 =	sadd.s32 s3, s30  }
0x31: {  	s0 =	sor.u32 s2, s0;
	s1 =	sshll.u32 s1, $0x11  }
0x32: {  	s0 =	sor.u32 s1, s0  }
0x33: {  	s0 =	sadd.s32 $0x8F2B, s0  }
0x34: {  	[sflag:s0] =	ssyncadd.remote.s32 $0x1  }
0x35: {  	_ =	sfence.sel $0xFFFF  }
0x36: {  	[dreg:$0x0] =	wrdreg $0xFFFFFFFF;
	(pc) =	sbr.abs _section_cstart, $3  }
0x37: {  	[dreg:$0x1] =	wrdreg $0xFFFFFFFF  }
0x38: {  	_ =	task.clear_ibuf [dreg:s6], $0x2FFFF;
	_ =	strace $0x9FFFFFFF  }
0x39: {  	(tm) =	ssettm $0x7FFFFFFF  }
tec
execute0_lowered:
.L_overlay_start_1:
0x0: {  	(tag) =	ssettag $0x1  }
0x1: {  	s0 =	srdreg.scid  }
0x2: {  	s1 =	rddreg [dreg:$0x0];
	s2 =	stileid.u32;
	_ =	strace $0x80000065  }
0x3: {  	s29 =	simm.s32 $0x1;
	s31 =	simm.s32 $0x2;
	s19 =	simm.s32 $0x0  }
0x4: {  	s22 =	simm.s32 $0x0;
	s21 =	simm.s32 $0x0;
	s20 =	simm.s32 $0x0  }
0x5: {  	s10 =	simm.s32 $0x0;
	s11 =	simm.s32 $0x0;
	s13 =	simm.s32 $0x0  }
0x6: {  	s15 =	simm.s32 $0x0;
	s14 =	simm.s32 $0x0;
	s17 =	simm.s32 $0x0  }
0x7: {  	s12 =	simm.s32 $0x0;
	s0 =	sshll.u32 s0, $0x4;
	s3 =	sadd.s32 $0x5600, s1  }
.Ltmp0:
0x8: {  	s1 =	sadd.s32 $0x315600, s1;
	s30 =	sshll.u32 s2, $0x7;
	(pc) =	sbr.rel .LBB1_1-.Ltmp0, $4  }
0x9: {  	[sflag:s29] =	ssyncpa.u1 $0x0;
	s0 =	sand.u32 $0x10, s0;
	[dreg:$0x2] =	wrdreg s3  }
0xa: {  	[dreg:$0x3] =	wrdreg s1;
	s9 =	sand.u32 $0x80, s30;
	s0 =	sor.u32 s2, s0  }
0xb: {  	[sflag:s31] =	ssyncpa.u1 $0x0;
	[dreg:$0x5] =	wrdreg s9;
	s8 =	sshrl.u32 s0, $0x1  }
0xc: {  	s18 =	smov.u32 s9;
	s16 =	smov.u32 s8;
	[dreg:$0x4] =	wrdreg s8  }
.LBB1_18:
0xd: {  	s10 =	rddreg [dreg:$0x6]  }
0xe: {  	s15 =	rddreg [dreg:$0xb]  }
0xf: {  	s4 =	rddreg [dreg:$0x13]  }
0x10: {  	s5 =	rddreg [dreg:$0x15]  }
0x11: {  	s22 =	rddreg [dreg:$0x14]  }
0x12: {  	s13 =	rddreg [dreg:$0x9]  }
0x13: {  	s11 =	rddreg [dreg:$0x7]  }
0x14: {  	s26 =	rddreg [dreg:$0x3]  }
0x15: {  	s29 =	rddreg [dreg:$0x16]  }
0x16: {  	s8 =	rddreg [dreg:$0x4]  }
0x17: {  	s9 =	rddreg [dreg:$0x5]  }
0x18: {  	s12 =	rddreg [dreg:$0x8]  }
0x19: {  	s14 =	rddreg [dreg:$0xa]  }
0x1a: {  	s16 =	rddreg [dreg:$0xc]  }
0x1b: {  	s17 =	rddreg [dreg:$0xd]  }
0x1c: {  	s18 =	rddreg [dreg:$0xe]  }
0x1d: {  	s31 =	simm.s32 $0x800;
	s19 =	rddreg [dreg:$0xf];
	s0 =	sshll.u32 s10, $0x8  }
0x1e: {  	s1 =	sshll.u32 s15, $0x3;
	s2 =	sshll.u32 s10, $0x7;
	p0 =	sgt.s32 s15, $0x80  }
0x1f: {  	s3 =	smov.u32 s15;
	s23 =	sand.u32 $0x78, s15;
	s24 =	smul.u32 $0x1800, s13  }
0x20: {  	s25 =	smul.u32 $0x2A000, s11;
	s27 =	sand.u32 $0x7, s15;
	s0 =	sand.u32 $0xFFFFF800, s0  }
0x21: {  	s1 =	sand.u32 $0xFFFFFC00, s1;
	s20 =	sand.u32 $0x300, s2;
	s3 =	simm.s32 @!p0 $0x80  }
0x22: {  	p0 =	sgt.s32 s10, $0x40;
	s2 =	sand.u32 $0x80, s2;
	s28 =	sshll.u32 s27, $0x12  }
0x23: {  	s0 =	sadd.s32 s1, s0;
	s1 =	smov.u32 s10;
	s3 =	sadd.s32 s4, s3  }
0x24: {  	s2 =	sor.u32 s23, s2;
	s30 =	sor.u32 $0x400, s28;
	s0 =	sor.u32 s20, s0  }
0x25: {  	s1 =	simm.s32 @!p0 $0x40;
	s4 =	sadd.s32 $0xFFFFFF80, s3;
	s0 =	sshrl.u32 s0, $0x8  }
0x26: {  	s3 =	ssub.s32 $0x100, s3;
	s2 =	sshrl.u32 s2, $0x3;
	s21 =	smulhi.u32 $0x1555556, s0  }
0x27: {  	s20 =	rddreg [dreg:$0x10];
	s1 =	sadd.s32 s5, s1;
	p0 =	sgt.s32 s4, $0x7F  }
0x28: {  	s5 =	sadd.s32 $0xFFFFFFC0, s1;
	s3 =	simm.s32 @p0 $0x0;
	s4 =	smul.u32 $0xC0, s21  }
0x29: {  	s1 =	ssub.s32 $0xC0, s1;
	p0 =	sgt.s32 s5, $0x7F;
	s3 =	smul.u32 s3, s22  }
0x2a: {  	s1 =	simm.s32 @p0 $0x0;
	s0 =	ssub.s32 s0, s4;
	s4 =	sadd.s32 s26, s24  }
0x2b: {  	s22 =	rddreg [dreg:$0x12];
	s1 =	smul.u32 s1, s3;
	s3 =	sadd.s32 s25, s4  }
0x2c: {  	s21 =	rddreg [dreg:$0x11];
	s0 =	sshll.u32 s0, $0x5;
	s2 =	sadd.s32 s2, s3  }
0x2d: {  	s1 =	sand.u32 $0x3FFFFFFF, s1;
	s4 =	sor.u32 $0x8000, s29;
	s0 =	sadd.s32 s0, s2  }
0x2e: {  	[hbm4b:s0+s30] =	stream.strided.scatter [tilespmem:s4], [sflag:$0x2], s1, s31, s30, $0x20;
	[tilespmem:$0x10100] =	vst v63  }
.LBB1_19:
0x2f: {  	p0 =	slt.u32 s12, $0x2  }
0x30: {  	s0 =	smov.u32 s22;
	s2 =	smov.u32 s21;
	p1 =	sgt.s32 @!p0 s22, $0xF  }
0x31: {  	s4 =	smov.u32 s19;
	s1 =	sshra.s32 @!p0 s22, $0x1F;
	p1 =	por !p1, p0  }
0x32: {  	s12 =	sadd.s32 $0x1, s12;
	s1 =	sand.u32 @!p0 s1, s22;
	s0 =	simm.s32 @p1 $0xF  }
0x33: {  	s3 =	sshra.s32 @!p0 s21, $0x1F;
	p1 =	sgt.s32 @!p0 s21, $0x1B;
	s0 =	ssub.s32 @!p0 s0, s1  }
0x34: {  	p3 =	sgt.s32 @!p0 s19, $0x40;
	p1 =	por !p1, p0;
	s1 =	sadd.s32 @!p0 $0xFFFFFFF1, s0  }
0x35: {  	s2 =	simm.s32 @p1 $0x1B;
	s0 =	ssub.s32 @!p0 $0x10, s0;
	p2 =	sgt.s32 @!p0 s1, $0x0  }
0x36: {  	s1 =	sand.u32 @!p0 s3, s21;
	s3 =	sshra.s32 @!p0 s20, $0x1F;
	p1 =	por !p2, p0  }
0x37: {  	s1 =	ssub.s32 @!p0 s2, s1;
	p2 =	sgt.s32 @!p0 s20, $0x80;
	s3 =	sand.u32 @!p0 s3, s20  }
0x38: {  	s0 =	simm.s32 @!p1 $0x0;
	s2 =	sadd.s32 @!p0 $0xFFFFFFE5, s1;
	s1 =	ssub.s32 @!p0 $0x1C, s1  }
0x39: {  	p2 =	por !p2, p0;
	p1 =	sgt.s32 @!p0 s2, $0x0;
	s2 =	smov.u32 s20  }
0x3a: {  	p1 =	por !p1, p0;
	s2 =	simm.s32 @p2 $0x80;
	p2 =	por !p3, p0  }
0x3b: {  	s2 =	ssub.s32 @!p0 s2, s3;
	s3 =	sshra.s32 @!p0 s19, $0x1F;
	s4 =	simm.s32 @p2 $0x40  }
0x3c: {  	s1 =	simm.s32 @!p1 $0x0;
	s3 =	sand.u32 @!p0 s3, s19;
	s5 =	sadd.s32 @!p0 $0xFFFFFF80, s2  }
0x3d: {  	s2 =	ssub.s32 @!p0 $0x100, s2;
	s3 =	ssub.s32 @!p0 s4, s3;
	p1 =	sgt.s32 @!p0 s5, $0x7F  }
0x3e: {  	s5 =	smov.u32 s16;
	s4 =	sadd.s32 @!p0 $0xFFFFFFC0, s3;
	p1 =	por !p1, p0  }
0x3f: {  	p2 =	sgt.s32 @!p0 s4, $0x7F;
	s2 =	simm.s32 @!p1 $0x0;
	s4 =	sadd.s32 $0x80, s14  }
0x40: {  	s1 =	smul.u32 @!p0 s2, s1;
	p1 =	sgt.s32 s4, $0xBF;
	s2 =	sadd.s32 $0x10, s16  }
0x41: {  	s3 =	ssub.s32 @!p0 $0xC0, s3;
	p2 =	por !p2, p0;
	s5 =	smov.u32 @p1 s2  }
0x42: {  	s0 =	smul.u32 @!p0 s0, s1;
	p3 =	sgt.s32 s5, $0xF;
	s1 =	simm.s32 $0x1  }
0x43: {  	s22 =	smov.u32 s11;
	s3 =	simm.s32 @!p2 $0x0;
	s1 =	simm.s32 @!p3 $0x0  }
0x44: {  	s4 =	simm.s32 @p1 $0x0;
	s2 =	sadd.s32 $0x100, s18;
	s1 =	sadd.s32 s1, s17  }
0x45: {  	s0 =	smul.u32 @!p0 s3, s0;
	s3 =	smov.u32 s18;
	p1 =	sgt.s32 s1, $0x1B  }
0x46: {  	s11 =	smov.u32 s16;
	s21 =	smov.u32 s13;
	s3 =	smov.u32 @p1 s2  }
0x47: {  	s13 =	smov.u32 s17;
	s1 =	simm.s32 @p1 $0x0;
	p1 =	sgt.s32 s3, $0xDF  }
0x48: {  	s20 =	smov.u32 s15;
	s3 =	smov.u32 @p1 s9;
	p1 =	sne.s32 s12, $0x3A  }
.Ltmp1:
0x49: {  	s15 =	smov.u32 s18;
	s19 =	smov.u32 s10;
	(pc) =	sbr.rel @!p1 .LBB1_20-.Ltmp1, $4  }
0x4a: {  	s10 =	smov.u32 s14;
	s0 =	sand.u32 @!p0 $0x3FFFFFFF, s0;
	s2 =	simm.s32 @!p0 $0x2  }
0x4b: {  	s14 =	smov.u32 s4;
	s5 =	smov.u32 @p3 s8;
	_ =	swait.ge @!p0 [sflag:s2], s0  }
0x4c: {  	s16 =	smov.u32 s5;
	s0 =	ssub.s32 @!p0 $0x0, s0;
	[sflag:s2] =	ssyncset.done @!p0 $0x0  }
0x4d: {  	s17 =	smov.u32 s1;
	[sflag:s2] =	ssyncadd.s32 @!p0 s0;
	s18 =	smov.u32 s3  }
.LBB1_1:
0x4e: {  	p0 =	sgt.u32 s12, $0x37  }
.Ltmp2:
0x4f: {  	_ = 	snop;
	(pc) =	sbr.rel @p0 .LBB1_3-.Ltmp2, $1  }
0x50: {  	_ =	sdelay $0x3  }
0x51: {  	s0 =	sshll.u32 s16, $0x8;
	s1 =	sshll.u32 s14, $0x3;
	s28 =	sshll.u32 s16, $0x7  }
0x52: {  	p0 =	sgt.s32 s18, $0x60;
	s3 =	smov.u32 s18;
	s4 =	sshra.s32 s18, $0x1F  }
0x53: {  	s30 =	sshra.s32 s17, $0x1F;
	s6 =	sshra.s32 s16, $0x1F;
	s31 =	sand.u32 $0x78, s14  }
0x54: {  	s23 =	sxor.u32 $0xFFFFFFFF, s12;
	s25 =	smul.u32 $0x3800, s18;
	s26 =	sshll.u32 s17, $0x9  }
0x55: {  	s27 =	rddreg [dreg:$0x2];
	s0 =	sand.u32 $0x800, s0;
	s1 =	sand.u32 $0xC00, s1  }
0x56: {  	s2 =	sand.u32 $0x300, s28;
	s3 =	simm.s32 @!p0 $0x60;
	s29 =	sand.u32 s4, s18  }
0x57: {  	p0 =	sgt.s32 s17, $0x1B;
	s4 =	sand.u32 s30, s17;
	s6 =	sand.u32 s6, s16  }
0x58: {  	s0 =	sadd.s32 s0, s1;
	s1 =	sand.u32 $0x80, s28;
	s28 =	sand.u32 $0x7, s14  }
0x59: {  	s0 =	sor.u32 s2, s0;
	s2 =	ssub.s32 s3, s29;
	s3 =	smov.u32 s17  }
0x5a: {  	s1 =	sor.u32 s31, s1;
	s29 =	sshll.u32 s28, $0x12;
	s31 =	simm.s32 $0x1C000  }
0x5b: {  	s5 =	sadd.s32 $0xFFFFFFA0, s2;
	s3 =	simm.s32 @!p0 $0x1B;
	p0 =	sgt.s32 s16, $0xF  }
0x5c: {  	s2 =	ssub.s32 $0xE0, s2;
	s3 =	ssub.s32 s3, s4;
	s4 =	smov.u32 s16  }
0x5d: {  	s7 =	sadd.s32 $0xFFFFFFE5, s3;
	s4 =	simm.s32 @!p0 $0xF;
	p0 =	sgt.s32 s5, $0x7F  }
0x5e: {  	s3 =	ssub.s32 $0x1C, s3;
	p1 =	sgt.s32 s7, $0x0;
	s4 =	ssub.s32 s4, s6  }
0x5f: {  	s2 =	simm.s32 @p0 $0x0;
	s7 =	sshra.s32 s14, $0x1F;
	s3 =	simm.s32 @p1 $0x0  }
0x60: {  	p1 =	sgt.s32 s14, $0x80;
	s2 =	smul.u32 s2, s3;
	s3 =	smov.u32 s14  }
0x61: {  	s6 =	sadd.s32 $0xFFFFFFF1, s4;
	s5 =	sand.u32 s7, s14;
	s3 =	simm.s32 @!p1 $0x80  }
0x62: {  	s4 =	ssub.s32 $0x10, s4;
	p0 =	sgt.s32 s6, $0x0;
	s3 =	ssub.s32 s3, s5  }
0x63: {  	s0 =	sshrl.u32 s0, $0x3;
	s4 =	simm.s32 @p0 $0x0;
	s24 =	sadd.s32 $0xFFFFFF80, s3  }
0x64: {  	s2 =	smul.u32 s4, s2;
	s3 =	ssub.s32 $0x100, s3;
	p0 =	sgt.s32 s24, $0x7F  }
0x65: {  	s1 =	sshrl.u32 s1, $0x3;
	s4 =	sadd.s32 s27, s25;
	s3 =	simm.s32 @p0 $0x0  }
0x66: {  	s30 =	sor.u32 $0x80, s29;
	s2 =	smul.u32 s3, s2;
	s3 =	sadd.s32 s26, s4  }
0x67: {  	s0 =	sand.u32 $0x1E0, s0;
	s5 =	sshll.u32 s23, $0xE;
	s1 =	sadd.s32 s1, s3  }
0x68: {  	s5 =	sand.u32 $0x4000, s5;
	s2 =	sand.u32 $0x3FFFFFFF, s2;
	s0 =	sadd.s32 s0, s1  }
0x69: {  	[tilespmem:s5], [sflag:$0x1] =	stream.strided.gather [hbm4b:s0+s30], s2, s31, s30, $0x38;
	[tilespmem:$0x10100] =	vst v63  }
.LBB1_3:
0x6a: {  	p0 =	seq.s32 s12, $0x0  }
0x6b: {  	p1 =	seq.s32 @!p0 s12, $0x39  }
0x6c: {  	p0 =	por p0, p1  }
.Ltmp3:
0x6d: {  	_ = 	snop;
	(pc) =	sbr.rel @p0 .LBB1_19-.Ltmp3, $1  }
0x6e: {  	_ =	sdelay $0x3  }
0x6f: {  	[dreg:$0x12] =	wrdreg s22  }
0x70: {  	[dreg:$0x11] =	wrdreg s21  }
0x71: {  	[dreg:$0x10] =	wrdreg s20  }
0x72: {  	[dreg:$0xf] =	wrdreg s19  }
0x73: {  	[dreg:$0xe] =	wrdreg s18  }
0x74: {  	[dreg:$0xd] =	wrdreg s17  }
0x75: {  	[dreg:$0xc] =	wrdreg s16  }
0x76: {  	[dreg:$0xa] =	wrdreg s14  }
0x77: {  	s0 =	ssub.s32 $0x0, s15;
	s1 =	sshra.s32 s15, $0x1F;
	p0 =	sgt.s32 s15, $0x60  }
0x78: {  	s2 =	smov.u32 s15;
	s23 =	sshra.s32 s13, $0x1F;
	s4 =	sshra.s32 s11, $0x1F  }
0x79: {  	p2 =	sgt.s32 s10, $0x80;
	s25 =	ssub.s32 $0x0, s10;
	[dreg:$0x6] =	wrdreg s10  }
0x7a: {  	s6 =	sshra.s32 s10, $0x1F;
	[dreg:$0xb] =	wrdreg s15;
	s0 =	sand.u32 s0, s1  }
0x7b: {  	s2 =	simm.s32 @!p0 $0x60;
	p0 =	sgt.s32 s13, $0x1B;
	s1 =	smov.u32 s13  }
0x7c: {  	s4 =	sand.u32 s4, s11;
	s26 =	sand.u32 s25, s6;
	[dreg:$0x13] =	wrdreg s0  }
0x7d: {  	s0 =	sadd.s32 s0, s2;
	s1 =	simm.s32 @!p0 $0x1B;
	s2 =	sand.u32 s23, s13  }
0x7e: {  	p0 =	sgt.s32 s11, $0xF;
	s1 =	ssub.s32 s1, s2;
	s2 =	smov.u32 s11  }
0x7f: {  	s3 =	sadd.s32 $0xFFFFFFA0, s0;
	s5 =	sadd.s32 $0xFFFFFFE5, s1;
	s2 =	simm.s32 @!p0 $0xF  }
0x80: {  	p0 =	sgt.s32 s3, $0x7F;
	s1 =	ssub.s32 $0x1C, s1;
	s2 =	ssub.s32 s2, s4  }
0x81: {  	p1 =	sgt.s32 s5, $0x0;
	s4 =	smov.u32 s10;
	s24 =	sadd.s32 $0xFFFFFFF1, s2  }
0x82: {  	s4 =	simm.s32 @!p2 $0x80;
	s2 =	ssub.s32 $0x10, s2;
	p2 =	sgt.s32 s24, $0x0  }
0x83: {  	s1 =	simm.s32 @p1 $0x0;
	s3 =	sadd.s32 s26, s4;
	s2 =	simm.s32 @p2 $0x0  }
0x84: {  	s0 =	ssub.s32 $0xE0, s0;
	s4 =	sadd.s32 $0xFFFFFF80, s3;
	s2 =	smul.u32 s1, s2  }
0x85: {  	s0 =	simm.s32 @p0 $0x0;
	p0 =	sgt.s32 s4, $0x7F;
	s1 =	ssub.s32 $0x100, s3  }
0x86: {  	[dreg:$0x14] =	wrdreg s2;
	s0 =	smul.u32 s0, s2;
	s2 =	sadd.s32 $0x80, s15  }
0x87: {  	s3 =	sadd.s32 $0x1, s13;
	s1 =	simm.s32 @p0 $0x0;
	p0 =	slt.s32 s2, $0xE0  }
0x88: {  	s0 =	smul.u32 s1, s0;
	s2 =	simm.s32 @!p0 $0xE0;
	p0 =	slt.s32 s3, $0x1C  }
0x89: {  	s1 =	sadd.s32 $0x1, s11;
	s2 =	ssub.s32 s2, s15;
	s3 =	simm.s32 @!p0 $0x1C  }
0x8a: {  	p1 =	slt.s32 s1, $0x10;
	s3 =	ssub.s32 s3, s13;
	p0 =	slt.s32 s2, $0x1  }
0x8b: {  	[dreg:$0x9] =	wrdreg s13;
	s1 =	simm.s32 @!p1 $0x10;
	p1 =	slt.s32 @!p0 s3, $0x1  }
0x8c: {  	[dreg:$0x7] =	wrdreg s11;
	s28 =	ssub.s32 s1, s11;
	p1 =	por p0, p1  }
0x8d: {  	[dreg:$0x8] =	wrdreg s12;
	p2 =	slt.s32 @!p1 s28, $0x1  }
0x8e: {  	[dreg:$0x15] =	wrdreg s26;
	p1 =	por p1, p2  }
.Ltmp4:
0x8f: {  	s29 =	simm.s32 $0x1;
	[dreg:$0x17] =	wrdreg s2;
	(pc) =	sbr.rel @p1 .LBB1_18-.Ltmp4, $4  }
0x90: {  	s27 =	sand.u32 $0x3FFFFFFF, s0;
	s0 =	sand.u32 $0x1, s12;
	[dreg:$0x18] =	wrdreg s3  }
0x91: {  	s31 =	smul.u32 $0x4080, s0;
	_ =	swait.ge [sflag:s29], s27  }
0x92: {  	s30 =	ssub.s32 $0x0, s27;
	[sflag:s29] =	ssyncset.done $0x0  }
0x93: {  	[dreg:$0x16] =	wrdreg s31;
	[sflag:s29] =	ssyncadd.s32 s30  }
0x94: {  	s2 =	rddreg [dreg:$0x6]  }
0x95: {  	s1 =	sadd.s32 $0x80, s2  }
0x96: {  	p1 =	slt.s32 s1, $0xC0  }
.Ltmp5:
0x97: {  	s1 =	simm.s32 @!p1 $0xC0;
	(pc) =	sbr.rel .LBB1_6-.Ltmp5, $4  }
0x98: {  	s1 =	ssub.s32 s1, s2  }
0x99: {  	s31 =	sshll.u32 @!p0 s0, $0xE;
	s0 =	rddreg [dreg:$0x16];
	s2 =	sadd.s32 $0xF, s1  }
0x9a: {  	s0 =	sor.u32 @!p0 $0x8000, s0;
	s29 =	sand.u32 $0xFFFFFFF0, s2;
	s30 =	sand.u32 @!p0 $0xFFFFFF00, s2  }
0x9b: {  	s1 =	simm.s32 $0x0;
	p0 =	slt.s32 s2, $0x100;
	p1 =	sge.s32 s30, s29  }
.LBB1_17:
0x9c: {  	s1 =	sadd.s32 $0x1, s1;
	s2 =	rddreg [dreg:$0x17]  }
0x9d: {  	p2 =	sne.s32 s1, s2  }
.Ltmp6:
0x9e: {  	_ = 	snop;
	(pc) =	sbr.rel @!p2 .LBB1_18-.Ltmp6, $1  }
0x9f: {  	_ =	sdelay $0x3  }
.LBB1_6:
0xa0: {  	s7 =	sshrl.u32 s1, $0x4  }
0xa1: {  	s2 =	sshll.u32 s1, $0x3;
	s3 =	sand.u32 $0x78, s7  }
0xa2: {  	s4 =	sadd.s32 $0x800, s2;
	s6 =	sadd.s32 $0x1000, s2;
	s8 =	sadd.s32 $0x1800, s2  }
0xa3: {  	s24 =	sadd.s32 $0x2800, s2;
	s26 =	sadd.s32 $0x3000, s2;
	s2 =	sadd.s32 $0x3800, s2  }
0xa4: {  	s5 =	smul.u32 $0x204, s3;
	s4 =	sshrl.u32 s4, $0x7;
	s3 =	sxor.u32 $0x40, s3  }
0xa5: {  	s6 =	sshrl.u32 s6, $0x7;
	s4 =	sand.u32 $0x78, s4;
	s10 =	smul.u32 $0x204, s3  }
0xa6: {  	s8 =	sshrl.u32 s8, $0x7;
	s6 =	sand.u32 $0x78, s6;
	s4 =	smul.u32 $0x204, s4  }
0xa7: {  	s25 =	sshrl.u32 s24, $0x7;
	s8 =	sand.u32 $0x78, s8;
	s6 =	smul.u32 $0x204, s6  }
0xa8: {  	s2 =	sshrl.u32 s2, $0x7;
	s3 =	sand.u32 $0x78, s25;
	s9 =	smul.u32 $0x204, s8  }
0xa9: {  	s2 =	sand.u32 $0x78, s2;
	s11 =	smul.u32 $0x204, s3  }
0xaa: {  	s13 =	smul.u32 $0x204, s2  }
.Ltmp7:
0xab: {  	s18 =	simm.s32 $0x0;
	s8 =	sshrl.u32 s26, $0x7;
	(pc) =	sbr.rel .LBB1_7-.Ltmp7, $4  }
0xac: {  	s3 =	sshrl.u32 s5, $0x2;
	s27 =	sand.u32 $0x78, s8;
	s8 =	sand.u32 $0x7F, s1  }
0xad: {  	s25 =	sshrl.u32 s10, $0x2;
	s12 =	smul.u32 $0x204, s27;
	s2 =	sadd.s32 s8, s0  }
0xae: {  	s5 =	sshrl.u32 s4, $0x2;
	s4 =	sshrl.u32 s6, $0x2;
	s6 =	sshrl.u32 s9, $0x2  }
0xaf: {  	s22 =	sshrl.u32 s11, $0x2;
	s24 =	sshrl.u32 s13, $0x2;
	s23 =	sshrl.u32 s12, $0x2  }
.LBB1_16:
0xb0: {  	s18 =	sadd.s32 $0x1, s18;
	s9 =	rddreg [dreg:$0x18]  }
0xb1: {  	p2 =	sne.s32 s18, s9  }
.Ltmp8:
0xb2: {  	_ = 	snop;
	(pc) =	sbr.rel @!p2 .LBB1_17-.Ltmp8, $1  }
0xb3: {  	_ =	sdelay $0x3  }
.LBB1_7:
.Ltmp9:
0xb4: {  	(pc) =	sbr.rel .LBB1_8-.Ltmp9, $4  }
0xb5: {  	s10 =	sadd.s32 s1, s18  }
0xb6: {  	s9 =	sshll.u32 s10, $0x9  }
0xb7: {  	s9 =	sshra.s32 s9, $0x2  }
0xb8: {  	s19 =	simm.s32 $0x0;
	s12 =	sadd.s32 s9, s31  }
.LBB1_15:
0xb9: {  	s19 =	sadd.s32 $0x1, s19  }
0xba: {  	p2 =	sne.s32 s19, s28  }
.Ltmp10:
0xbb: {  	_ = 	snop;
	(pc) =	sbr.rel @!p2 .LBB1_16-.Ltmp10, $1  }
0xbc: {  	_ =	sdelay $0x3  }
.LBB1_8:
.Ltmp11:
0xbd: {  	(pc) =	sbr.rel @p0 .LBB1_12-.Ltmp11, $2  }
0xbe: {  	_ =	sdelay $0x2  }
0xbf: {  	s16 =	sadd.s32 s18, s19  }
0xc0: {  	s9 =	smul.u32 $0x10200, s16  }
0xc1: {  	s11 =	sshll.u32 s19, $0x7  }
0xc2: {  	s21 =	sand.u32 $0x380, s11;
	s9 =	sshra.s32 s9, $0x2  }
0xc3: {  	s20 =	sadd.s32 s21, s12;
	s14 =	sadd.s32 s9, s0  }
0xc4: {  	v0 =	vld [tilespmem:s20+$0x70];
	s26 =	sadd.s32 s3, s14  }
0xc5: {  	v3 =	vld [tilespmem:s20+$0x60];
	s13 =	sadd.s32 s5, s14;
	s15 =	sadd.s32 s4, s14;
	s17 =	sadd.s32 s6, s14  }
0xc6: {  	v1 =	vld [tilespmem:s20+$0x50];
	s11 =	sadd.s32 s22, s14;
	s21 =	sadd.s32 s8, s26;
	s26 =	sadd.s32 s25, s14  }
0xc7: {  	v2 =	vld [tilespmem:s20+$0x40];
	s27 =	sadd.s32 s24, s14;
	s9 =	sadd.s32 s8, s26;
	s26 =	sadd.s32 s23, s14  }
0xc8: {  	v4 =	vld [tilespmem:s20+$0x30];
	s14 =	sadd.s32 s8, s11;
	s11 =	sadd.s32 s8, s26;
	s26 =	sadd.s32 s8, s27  }
0xc9: {  	v5 =	vld [tilespmem:s20+$0x20];
	[tilespmem:s26+$0x0 ss:$0x81] =	vst.msk $0xffff, v0  }
0xca: {  	v6 =	vld [tilespmem:s20+$0x10];
	[tilespmem:s11+$0x0 ss:$0x81] =	vst.msk $0xffff, v3  }
0xcb: {  	v7 =	vld [tilespmem:s20+$0x0];
	[tilespmem:s14+$0x0 ss:$0x81] =	vst.msk $0xffff, v1  }
0xcc: {  	s17 =	sadd.s32 s8, s17;
	[tilespmem:s9+$0x0 ss:$0x81] =	vst.msk $0xffff, v2  }
0xcd: {  	s15 =	sadd.s32 s8, s15;
	[tilespmem:s17+$0x0 ss:$0x81] =	vst.msk $0xffff, v4  }
0xce: {  	p2 =	sgt.s32 s30, $0x100;
	s13 =	sadd.s32 s8, s13;
	[tilespmem:s15+$0x0 ss:$0x81] =	vst.msk $0xffff, v5  }
.Ltmp12:
0xcf: {  	[tilespmem:s13+$0x0 ss:$0x81] =	vst.msk $0xffff, v6;
	(pc) =	sbr.rel @!p2 .LBB1_11-.Ltmp12, $4  }
0xd0: {  	[tilespmem:s21+$0x0 ss:$0x81] =	vst.msk $0xffff, v7  }
0xd1: {  	[tilespmem:s21+$0x0 ss:$0x81] =	vst.msk $0xffff, v7  }
0xd2: {  	[tilespmem:s13+$0x0 ss:$0x81] =	vst.msk $0xffff, v6  }
0xd3: {  	s27 =	simm.s32 $0x100;
	[tilespmem:s15+$0x0 ss:$0x81] =	vst.msk $0xffff, v5  }
.LBB1_10:
0xd4: {  	v5 =	vld [tilespmem:s20+$0x70];
	[tilespmem:s17+$0x0 ss:$0x81] =	vst.msk $0xffff, v4  }
0xd5: {  	v6 =	vld [tilespmem:s20+$0x60];
	[tilespmem:s9+$0x0 ss:$0x81] =	vst.msk $0xffff, v2  }
0xd6: {  	[tilespmem:s14+$0x0 ss:$0x81] =	vst.msk $0xffff, v1;
	v1 =	vld [tilespmem:s20+$0x50]  }
0xd7: {  	v2 =	vld [tilespmem:s20+$0x40];
	[tilespmem:s11+$0x0 ss:$0x81] =	vst.msk $0xffff, v3  }
0xd8: {  	v4 =	vld [tilespmem:s20+$0x30];
	[tilespmem:s26+$0x0 ss:$0x81] =	vst.msk $0xffff, v0  }
0xd9: {  	v7 =	vld [tilespmem:s20+$0x20];
	[tilespmem:s26+$0x0 ss:$0x81] =	vst.msk $0xffff, v5;
	v0 =	vmov v5  }
0xda: {  	v5 =	vld [tilespmem:s20+$0x10];
	[tilespmem:s11+$0x0 ss:$0x81] =	vst.msk $0xffff, v6;
	v3 =	vmov v6  }
0xdb: {  	s27 =	sadd.s32 $0x100, s27;
	v6 =	vld [tilespmem:s20+$0x0];
	[tilespmem:s14+$0x0 ss:$0x81] =	vst.msk $0xffff, v1  }
0xdc: {  	p2 =	slt.s32 s27, s30;
	[tilespmem:s9+$0x0 ss:$0x81] =	vst.msk $0xffff, v2  }
0xdd: {  	[tilespmem:s17+$0x0 ss:$0x81] =	vst.msk $0xffff, v4  }
0xde: {  	[tilespmem:s15+$0x0 ss:$0x81] =	vst.msk $0xffff, v7  }
.Ltmp13:
0xdf: {  	[tilespmem:s13+$0x0 ss:$0x81] =	vst.msk $0xffff, v5;
	(pc) =	sbr.rel @p2 .LBB1_10-.Ltmp13, $4  }
0xe0: {  	[tilespmem:s21+$0x0 ss:$0x81] =	vst.msk $0xffff, v6  }
0xe1: {  	[tilespmem:s21+$0x0 ss:$0x81] =	vst.msk $0xffff, v6  }
0xe2: {  	[tilespmem:s13+$0x0 ss:$0x81] =	vst.msk $0xffff, v5  }
0xe3: {  	[tilespmem:s15+$0x0 ss:$0x81] =	vst.msk $0xffff, v7  }
.LBB1_11:
0xe4: {  	[tilespmem:s17+$0x0 ss:$0x81] =	vst.msk $0xffff, v4  }
0xe5: {  	[tilespmem:s9+$0x0 ss:$0x81] =	vst.msk $0xffff, v2  }
0xe6: {  	[tilespmem:s14+$0x0 ss:$0x81] =	vst.msk $0xffff, v1  }
0xe7: {  	[tilespmem:s11+$0x0 ss:$0x81] =	vst.msk $0xffff, v3  }
0xe8: {  	[tilespmem:s26+$0x0 ss:$0x81] =	vst.msk $0xffff, v0  }
.LBB1_12:
.Ltmp14:
0xe9: {  	(pc) =	sbr.rel @p1 .LBB1_15-.Ltmp14, $1  }
0xea: {  	_ =	sdelay $0x3  }
0xeb: {  	s9 =	sand.u32 $0x7, s19  }
0xec: {  	s9 =	sadd.s32 s9, s10  }
0xed: {  	s9 =	sshll.u32 s9, $0x9  }
0xee: {  	s9 =	sshra.s32 s9, $0x2  }
0xef: {  	s11 =	smul.u32 $0x10200, s16;
	s13 =	sadd.s32 s9, s31  }
0xf0: {  	v0 =	vmov s13  }
0xf1: {  	s27 =	sshra.s32 s11, $0x2  }
0xf2: {  	s11 =	smov.u32 s30;
	s9 =	sadd.s32 s27, s2  }
.LBB1_14:
0xf3: {  	s14 =	sadd.s32 s11, s7  }
0xf4: {  	s13 =	sand.u32 $0x70, s11;
	s11 =	sadd.s32 $0x10, s11;
	s27 =	sand.u32 $0x78, s14  }
0xf5: {  	v1 =	vld.idx.msk [tilespmem:v0+s13+$0x0 ss:$0x1], $0xffff;
	p2 =	slt.s32 s11, s29;
	s13 =	smul.u32 $0x204, s27  }
.Ltmp15:
0xf6: {  	_ = 	snop;
	(pc) =	sbr.rel @p2 .LBB1_14-.Ltmp15, $4  }
0xf7: {  	_ = 	snop  }
0xf8: {  	s13 =	sshrl.u32 s13, $0x2  }
0xf9: {  	s13 =	sadd.s32 s13, s9  }
0xfa: {  	[tilespmem:s13+$0x0 ss:$0x81] =	vst.msk $0xffff, v1  }
.Ltmp16:
0xfb: {  	_ = 	snop;
	(pc) =	sbr.rel .LBB1_15-.Ltmp16, $1  }
0xfc: {  	_ =	sdelay $0x3  }
.LBB1_20:
0xfd: {  	_ =	sfence.sel $0x180000  }
0xfe: {  	s0 =	simm.s32 $0x1;
	[bflag:$0x0] =	sbarrier.arrive $0xFFFF  }
0xff: {  	s30 =	simm.s32 $0x2;
	[sflag:s0] =	ssyncpa.u1 $0x1  }
0x100: {  	[sflag:s30] =	ssyncpa.u1 $0x1  }
0x101: {  	_ =	strace $0x90000065  }
0x102: {  	s31 =	stileid.u32;
	[bflag:$0x2] =	sbarrier.arrive $0xFFFF  }
0x103: {  	p0 =	sne.s32 s31, $0x0;
	s0 =	rddreg [dreg:$0x1]  }
0x104: {  	s0 =	sadd.s32 @!p0 $0x100000, s0  }
0x105: {  	[sflag:s0] =	ssyncadd.tile.s32 @!p0 $0x1;
	_ =	shalt  }
.Lfunc_end1:
_tile_overlayer_lowered:
.L_overlay_start_2:
0x106: {  	(tag) =	ssettag $0x2  }
0x107: {  	s0 =	rddreg [dreg:$0x0];
	s2 =	stileid.u32  }
0x108: {  	s1 =	rddreg [dreg:$0x1];
	p0 =	sne.s32 s2, $0x0  }
0x109: {  	s3 =	rddreg [dreg:$0x2];
	[bflag:$0x3] =	sbarrier.arrive $0xFFFF;
	s2 =	simm.s32 @!p0 $0x1C01  }
0x10a: {  	[timem:s3], [sflag:s2] =	dma.local @!p0 [hbm:s0], s1  }
0x10b: {  	s0 =	simm.s32 @!p0 $0x1  }
0x10c: {  	_ =	swait.ge @!p0 [sflag:s0], s1  }
0x10d: {  	s1 =	ssub.s32 @!p0 $0x0, s1;
	[sflag:s0] =	ssyncset.done @!p0 $0x0  }
0x10e: {  	[sflag:s0] =	ssyncadd.s32 @!p0 s1  }
0x10f: {  	[bflag:$0x3] =	sbarrier.arrive $0xFFFF  }
0x110: {  	_ =	shalt  }

// kernel: sparse-core-data-format-call.2.cloned.1.call-start
scs
called_computation.2_lowered:
.L_overlay_start_0:
0x0: {  	s2 =	sld [smem:$0x3FD9]  }
0x1: {  	s3 =	sld [smem:$0x3FFE];
	_ =	sdelay $0x1  }
0x2: {  	s1 =	srdreg.scid  }
0x3: {  	s0 =	sand.u32 $0x1, s1  }
0x4: {  	s18 =	sshll.u32 s0, $0xA;
	s2 =	sadd.s32 s3, s2  }
0x5: {  	s2 =	sadd.s32 s2, s18  }
0x6: {  	[smem:$0x3FA8] =	sst s2  }
0x7: {  	_ = 	snop  }
0x8: {  	s2 =	sld [smem:$0x3FD0];
	(tm) =	ssettm $0x1  }
0x9: {  	s19 =	sld [smem:$0x3FFB];
	_ =	sdelay $0x3  }
0xa: {  	_ =	strace s19  }
0xb: {  	s3 =	sld [smem:$0x3FFC];
	_ =	sdelay $0x3  }
0xc: {  	_ =	strace s3  }
0xd: {  	s3 =	sld [smem:$0x3FFD];
	_ =	sdelay $0x3  }
0xe: {  	_ =	strace s3  }
0xf: {  	_ =	strace $0x8FFFFFFF  }
0x10: {  	s20 =	sld [smem:$0x3FDB];
	_ =	sdelay $0x1  }
0x11: {  	s4 =	simm.s32 $_scs_section_size  }
0x12: {  	s5 =	simm.s32 $_size__tile_overlayer_lowered;
	s6 =	simm.s32 $_tile_overlayer_lowered  }
0x13: {  	s23 =	simm.s32 $0x1BFF;
	s22 =	sshll.u32 s6, $0x1;
	s3 =	sadd.s32 s4, s20  }
0x14: {  	s7 =	simm.s32 $0x0;
	s21 =	sshll.u32 s5, $0x1;
	s5 =	sadd.s32 s22, s3  }
0x15: {  	[timem:s7], [sflag:s23] =	dma.local [hbm:s5], s21  }
0x16: {  	_ =	swait.ge [sflag:s23], s21  }
0x17: {  	s4 =	ssub.s32 $0x0, s21;
	[sflag:s23] =	ssyncset.done $0x0  }
0x18: {  	[sflag:s23] =	ssyncadd.s32 s4;
	_ =	sdelay $0x1  }
0x19: {  	s24 =	simm.s32 $0x1B8B  }
0x1a: {  	_ =	swait.ge [sflag:s24], $0x1  }
0x1b: {  	[sflag:s24] =	ssyncset.done $0x0  }
0x1c: {  	s26 =	simm.s32 $0x1B8E;
	s25 =	sld [smem:$0x3FFE];
	[sflag:s24] =	ssyncadd.s32 $0xFFFFFFFF  }
0x1d: {  	s27 =	simm.s32 $execute0_lowered;
	[smem:$0x3FD2] =	sst s26  }
0x1e: {  	s5 =	sshll.u32 s27, $0x1;
	_ =	strace $0x80000061;
	[dreg:$0x1] =	wrdreg $0xFFFFFFFF  }
0x1f: {  	s28 =	simm.s32 $_size_execute0_lowered;
	s3 =	sadd.s32 s3, s5;
	[dreg:$0x0] =	wrdreg $0x0  }
0x20: {  	s5 =	sshll.u32 s28, $0x1;
	[dreg:$0x2] =	wrdreg s3  }
0x21: {  	[dreg:$0x3] =	wrdreg s5  }
0x22: {  	[dreg:$0x4] =	wrdreg $0xC0  }
0x23: {  	_ =	task [dreg:s7], $0x5FFFF  }
0x24: {  	[dreg:$0x1] =	wrdreg $0xFFFFFFFF  }
0x25: {  	[dreg:$0x0] =	wrdreg $0x60  }
0x26: {  	[dreg:$0x2] =	wrdreg s25  }
0x27: {  	[dreg:$0x3] =	wrdreg s2  }
0x28: {  	[dreg:$0x4] =	wrdreg $0x9  }
0x29: {  	_ =	task.clear_ibuf [dreg:s7], $0x5FFFF;
	_ =	strace $0x90000061  }
0x2a: {  	s29 =	simm.s32 $0x9;
	_ =	strace $0x80000063  }
0x2b: {  	_ =	swait.ge [sflag:s29], $0x1  }
0x2c: {  	[sflag:s29] =	ssyncadd.s32 $0xFFFFFFFF  }
0x2d: {  	_ =	strace $0x90000063  }
0x2e: {  	_ =	sfence  }
0x2f: {  	s30 =	sld [smem:$0x0];
	_ =	sdelay $0x2  }
0x30: {  	s31 =	sshll.u32 s1, $0xD;
	s1 =	sshrl.u32 s1, $0x2  }
0x31: {  	s3 =	sand.u32 $0x4000, s31;
	s1 =	sadd.s32 s1, s30  }
0x32: {  	s0 =	sor.u32 s3, s0;
	s1 =	sshll.u32 s1, $0x11  }
0x33: {  	s0 =	sor.u32 s1, s0  }
0x34: {  	s0 =	sadd.s32 $0x8F2B, s0  }
0x35: {  	[sflag:s0] =	ssyncadd.remote.s32 $0x1  }
0x36: {  	_ =	sfence.sel $0xFFFF  }
0x37: {  	[dreg:$0x0] =	wrdreg $0xFFFFFFFF;
	(pc) =	sbr.abs _section_cstart, $3  }
0x38: {  	[dreg:$0x1] =	wrdreg $0xFFFFFFFF  }
0x39: {  	_ =	task.clear_ibuf [dreg:s7], $0x2FFFF;
	_ =	strace $0x9FFFFFFF  }
0x3a: {  	(tm) =	ssettm $0x7FFFFFFF  }
0x3b: {  	_ =	shalt  }
tec
execute0_lowered:
.L_overlay_start_1:
0x0: {  	(tag) =	ssettag $0x1  }
0x1: {  	s0 =	stileid.u32;
	s4 =	rddreg [dreg:$0x0]  }
0x2: {  	s3 =	rddreg [dreg:$0x1];
	s7 =	srdreg.scid;
	s8 =	simm.s32 $0x2  }
0x3: {  	s17 =	simm.s32 $0x0;
	s9 =	simm.s32 $0xE000;
	s19 =	simm.s32 $0x0  }
0x4: {  	s18 =	simm.s32 $0x0;
	s10 =	simm.s32 $0x0;
	s1 =	sshll.u32 s0, $0x1  }
0x5: {  	s11 =	simm.s32 $0x0;
	s13 =	simm.s32 $0x0;
	s2 =	sand.u32 $0xE, s1  }
0x6: {  	s12 =	simm.s32 $0x0;
	s16 =	simm.s32 $0x0;
	s5 =	ssub.s32 $0x10, s2  }
0x7: {  	s4 =	sadd.s32 $0x5600, s4;
	s7 =	sshll.u32 s7, $0x4;
	s6 =	sand.u32 $0xE, s5  }
0x8: {  	s1 =	rddreg [dreg:$0x2];
	p0 =	sne.s32 s6, $0x0;
	s6 =	simm.s32 $0x1  }
.Ltmp0:
0x9: {  	s5 =	sshrl.u32 s5, $0x4;
	s6 =	simm.s32 @!p0 $0x0;
	(pc) =	sbr.rel .LBB1_1-.Ltmp0, $4  }
0xa: {  	_ =	strace $0x80000062;
	s7 =	sand.u32 $0x10, s7;
	s6 =	sadd.s32 s6, s5  }
0xb: {  	s7 =	sor.u32 s0, s7;
	s5 =	simm.s32 $0x1;
	s6 =	smul.u32 $0x15, s6  }
0xc: {  	s15 =	smov.u32 s2;
	s7 =	sshrl.u32 s7, $0x3;
	[sflag:s5] =	ssyncpa.u1 $0x0  }
0xd: {  	s14 =	smov.u32 s7;
	[sflag:s8] =	ssyncpa.u1 $0x0;
	s8 =	sadd.s32 $0x1, s6  }
.LBB1_7:
0xe: {  	p0 =	slt.u32 s16, $0x2  }
0xf: {  	p1 =	sgt.s32 @!p0 s19, $0x1B  }
0x10: {  	s20 =	smov.u32 s19;
	s21 =	sshra.s32 @!p0 s19, $0x1F;
	p1 =	por !p1, p0  }
0x11: {  	s19 =	sand.u32 @!p0 s21, s19;
	s20 =	simm.s32 @p1 $0x1B  }
0x12: {  	p2 =	sgt.s32 @!p0 s18, $0xE;
	s19 =	ssub.s32 @!p0 s20, s19  }
0x13: {  	p2 =	por !p2, p0;
	s20 =	sadd.s32 @!p0 $0xFFFFFFE5, s19  }
0x14: {  	s21 =	sshra.s32 @!p0 s18, $0x1F;
	s19 =	ssub.s32 @!p0 $0x1C, s19;
	p1 =	sgt.s32 @!p0 s20, $0x0  }
0x15: {  	s19 =	smul.u32 @!p0 $0xE0, s19;
	s20 =	smov.u32 s18;
	s18 =	sand.u32 @!p0 s21, s18  }
0x16: {  	s21 =	sshra.s32 @!p0 s17, $0x1F;
	s20 =	simm.s32 @p2 $0xE;
	p2 =	sgt.s32 @!p0 s17, $0xC0  }
0x17: {  	s18 =	ssub.s32 @!p0 s20, s18;
	p2 =	por !p2, p0;
	s20 =	smov.u32 s17  }
0x18: {  	s17 =	sand.u32 @!p0 s21, s17;
	s21 =	sadd.s32 @!p0 $0xFFFFFFF2, s18;
	s20 =	simm.s32 @p2 $0xC0  }
0x19: {  	p1 =	por !p1, p0;
	p2 =	sgt.s32 @!p0 s21, $0x1;
	s17 =	ssub.s32 @!p0 s20, s17  }
0x1a: {  	s18 =	ssub.s32 @!p0 $0x10, s18;
	p2 =	por !p2, p0;
	s20 =	sadd.s32 @!p0 $0xFFFFFF40, s17  }
0x1b: {  	s19 =	simm.s32 @!p1 $0x0;
	s18 =	simm.s32 @!p2 $0x0;
	p1 =	sgt.s32 @!p0 s20, $0x3F  }
0x1c: {  	s17 =	ssub.s32 @!p0 $0x100, s17;
	s18 =	smul.u32 @!p0 s18, s19;
	p1 =	por !p1, p0  }
0x1d: {  	s21 =	smov.u32 s14;
	s20 =	sadd.s32 $0x40, s12;
	s17 =	simm.s32 @!p1 $0x0  }
0x1e: {  	p1 =	sgt.s32 s20, $0xBF;
	s17 =	smul.u32 @!p0 s17, s18;
	s18 =	sadd.s32 $0x4, s14  }
0x1f: {  	s21 =	smov.u32 @p1 s18  }
0x20: {  	s22 =	smov.u32 s15;
	s18 =	sadd.s32 $0x10, s15;
	p2 =	sgt.s32 s21, $0x1B  }
0x21: {  	s23 =	simm.s32 @!p0 $0x2;
	s19 =	smov.u32 s11;
	s22 =	smov.u32 @p2 s18  }
0x22: {  	s11 =	smov.u32 s14;
	s20 =	simm.s32 @p1 $0x0;
	p1 =	sgt.s32 s22, $0xF  }
0x23: {  	s17 =	sshrl.u32 @!p0 s17, $0x1;
	s22 =	smov.u32 @p1 s2;
	p1 =	sne.s32 s16, s8  }
.Ltmp1:
0x24: {  	s17 =	sand.u32 @!p0 $0x3FFFFFF0, s17;
	s21 =	smov.u32 @p2 s7;
	(pc) =	sbr.rel @!p1 .LBB1_8-.Ltmp1, $4  }
0x25: {  	s18 =	smov.u32 s13;
	s13 =	smov.u32 s15;
	_ =	swait.ge @!p0 [sflag:s23], s17  }
0x26: {  	s24 =	ssub.s32 @!p0 $0x0, s17;
	s17 =	smov.u32 s10;
	s10 =	smov.u32 s12  }
0x27: {  	s12 =	smov.u32 s20;
	s14 =	smov.u32 s21;
	[sflag:s23] =	ssyncset.done @!p0 $0x0  }
0x28: {  	s16 =	sadd.s32 $0x1, s16;
	[sflag:s23] =	ssyncadd.s32 @!p0 s24;
	s15 =	smov.u32 s22  }
.LBB1_1:
0x29: {  	p0 =	sge.u32 s16, s6  }
0x2a: {  	s20 =	sshll.u32 @!p0 s12, $0x8;
	s21 =	sshll.u32 @!p0 s12, $0x7  }
0x2b: {  	s20 =	sand.u32 @!p0 $0xFFFFF000, s20;
	s21 =	sand.u32 @!p0 $0x700, s21  }
0x2c: {  	s20 =	sor.u32 @!p0 s21, s20  }
0x2d: {  	s20 =	sshrl.u32 @!p0 s20, $0x8  }
0x2e: {  	s21 =	smulhi.u32 @!p0 $0x1555556, s20  }
0x2f: {  	s22 =	smul.u32 @!p0 $0x15000, s15  }
0x30: {  	s21 =	smul.u32 @!p0 $0xC0, s21  }
0x31: {  	s23 =	smul.u32 @!p0 $0xC00, s14  }
0x32: {  	s20 =	ssub.s32 @!p0 s20, s21;
	s21 =	sadd.s32 @!p0 s4, s22  }
0x33: {  	s22 =	sxor.u32 @!p0 $0xFFFFFFFF, s16;
	s20 =	sshll.u32 @!p0 s20, $0x4;
	s21 =	sadd.s32 @!p0 s23, s21  }
0x34: {  	s31 =	sadd.s32 $0xFFFFFFFF, s16;
	s20 =	sadd.s32 @!p0 s20, s21;
	s21 =	sshll.u32 @!p0 s22, $0xE  }
0x35: {  	s23 =	simm.s32 @!p0 $0xA8000;
	s22 =	simm.s32 @!p0 $0x2000;
	s21 =	sand.u32 @!p0 $0x4000, s21  }
0x36: {  	[tilespmem:s21], [sflag:$0x1] =	stream.strided.gather @!p0 [hbm4b:s20+s22], $0x4000, s23, s22, $0x38;
	[tilespmem:$0x10200] =	vst v63  }
0x37: {  	p0 =	sge.u32 s31, s6  }
.Ltmp2:
0x38: {  	_ = 	snop;
	(pc) =	sbr.rel @p0 .LBB1_7-.Ltmp2, $1  }
0x39: {  	_ =	sdelay $0x3  }
0x3a: {  	s20 =	sand.u32 $0x1, s16  }
0x3b: {  	_ =	swait.ge [sflag:s5], $0x4000;
	s21 =	smul.u32 $0x10400, s20  }
0x3c: {  	[sflag:s5] =	ssyncset.done $0x0  }
0x3d: {  	[sflag:s5] =	ssyncadd.s32 $0xFFFFC000;
	s22 =	sshrl.u32 s21, $0x2  }
0x3e: {  	s21 =	sshll.u32 s20, $0xE;
	s20 =	sor.u32 $0x8000, s22;
	s22 =	simm.s32 $0x0  }
.LBB1_3:
0x3f: {  	s23 =	sshll.u32 s22, $0x7  }
0x40: {  	s24 =	sshll.u32 s22, $0x6;
	s23 =	sand.u32 $0x1800, s23  }
0x41: {  	s24 =	sand.u32 $0x380, s24;
	s23 =	sadd.s32 s23, s21  }
0x42: {  	s26 =	sadd.s32 s24, s23  }
0x43: {  	s25 =	sshll.u32 s22, $0x1;
	v0 =	vmov s26  }
0x44: {  	p0 =	por $0x1, $0x1;
	s31 =	sor.u32 $0x2, s25  }
0x45: {  	s23 =	sshrl.u32 s25, $0x1;
	s24 =	sshrl.u32 s31, $0x1;
	s25 =	simm.s32 $0x0  }
.LBB1_4:
0x46: {  	s26 =	sshll.u32 s25, $0x3  }
0x47: {  	s26 =	sand.u32 $0x3FFFFFF8, s26  }
0x48: {  	v1 =	vld.idx.msk [tilespmem:v0+s26+$0x0 ss:$0x1], $0xffff  }
0x49: {  	v2 =	vld.idx.msk [tilespmem:v0+s26+$0x2000 ss:$0x1], $0xffff  }
0x4a: {  	v3 =	vld.idx.msk [tilespmem:v0+s26+$0x10 ss:$0x1], $0xffff  }
0x4b: {  	s29 =	smul.u32 $0x104, s25;
	v4 =	vld.idx.msk [tilespmem:v0+s26+$0x2010 ss:$0x1], $0xffff  }
0x4c: {  	v5 =	vld.idx.msk [tilespmem:v0+s26+$0x20 ss:$0x1], $0xffff  }
0x4d: {  	s25 =	sshra.s32 s29, $0x2;
	v6 =	vld.idx.msk [tilespmem:v0+s26+$0x2020 ss:$0x1], $0xffff  }
0x4e: {  	v9 =	vld.idx.msk [tilespmem:v0+s26+$0x30 ss:$0x1], $0xffff;
	s25 =	sadd.s32 s25, s20;
	v7 =	vunpack.i.l.s16.s32 v1;
	v8 =	vunpack.i.l.s16.s32 v2  }
0x4f: {  	v51 =	vld.idx.msk [tilespmem:v0+s26+$0x2030 ss:$0x1], $0xffff;
	s27 =	sadd.s32 s23, s25;
	v1 =	vunpack.i.u.s16.s32 v1;
	v2 =	vunpack.i.u.s16.s32 v2;
	v7 =	vpack.i.b32.b16 v8, v7  }
0x50: {  	v10 =	vld.idx.msk [tilespmem:v0+s26+$0x40 ss:$0x1], $0xffff;
	s30 =	sadd.s32 s24, s25;
	s28 =	sadd.s32 $0x410, s25;
	v52 =	vunpack.i.l.s16.s32 v4;
	v1 =	vpack.i.b32.b16 v2, v1;
	v2 =	vunpack.i.l.s16.s32 v3;
	[tilespmem:s27+$0x0 ss:$0x41] =	vst.msk $0xffff, v7  }
0x51: {  	v53 =	vld.idx.msk [tilespmem:v0+s26+$0x2040 ss:$0x1], $0xffff;
	s31 =	sadd.s32 s23, s28;
	v2 =	vpack.i.b32.b16 v52, v2;
	[tilespmem:s30+$0x0 ss:$0x41] =	vst.msk $0xffff, v1;
	v1 =	vunpack.i.u.s16.s32 v3;
	v3 =	vunpack.i.u.s16.s32 v4  }
0x52: {  	v54 =	vld.idx.msk [tilespmem:v0+s26+$0x50 ss:$0x1], $0xffff;
	s29 =	sadd.s32 s24, s28;
	[tilespmem:s31+$0x0 ss:$0x41] =	vst.msk $0xffff, v2;
	v2 =	vunpack.i.l.s16.s32 v5;
	s30 =	sadd.s32 $0x820, s25;
	v1 =	vpack.i.b32.b16 v3, v1;
	v3 =	vunpack.i.l.s16.s32 v6  }
0x53: {  	v55 =	vunpack.i.u.s16.s32 v6;
	s31 =	sadd.s32 s23, s30;
	[tilespmem:s29+$0x0 ss:$0x41] =	vst.msk $0xffff, v1;
	v1 =	vunpack.i.u.s16.s32 v5;
	v2 =	vpack.i.b32.b16 v3, v2;
	v3 =	vld.idx.msk [tilespmem:v0+s26+$0x2050 ss:$0x1], $0xffff  }
0x54: {  	v57 =	vld.idx.msk [tilespmem:v0+s26+$0x60 ss:$0x1], $0xffff;
	v56 =	vunpack.i.l.s16.s32 v51;
	s29 =	sadd.s32 s24, s30;
	s30 =	sadd.s32 $0xC30, s25;
	[tilespmem:s31+$0x0 ss:$0x41] =	vst.msk $0xffff, v2;
	v1 =	vpack.i.b32.b16 v55, v1;
	v2 =	vunpack.i.l.s16.s32 v9  }
0x55: {  	v58 =	vld.idx.msk [tilespmem:v0+s26+$0x2060 ss:$0x1], $0xffff;
	v8 =	vunpack.i.u.s16.s32 v51;
	s31 =	sadd.s32 s23, s30;
	[tilespmem:s29+$0x0 ss:$0x41] =	vst.msk $0xffff, v1;
	v1 =	vunpack.i.u.s16.s32 v9;
	v2 =	vpack.i.b32.b16 v56, v2  }
0x56: {  	v60 =	vld.idx.msk [tilespmem:v0+s26+$0x70 ss:$0x1], $0xffff;
	v59 =	vunpack.i.l.s16.s32 v53;
	s29 =	sadd.s32 s24, s30;
	s30 =	sadd.s32 $0x1040, s25;
	[tilespmem:s31+$0x0 ss:$0x41] =	vst.msk $0xffff, v2;
	v1 =	vpack.i.b32.b16 v8, v1;
	v2 =	vunpack.i.l.s16.s32 v10  }
0x57: {  	v61 =	vld.idx.msk [tilespmem:v0+s26+$0x2070 ss:$0x1], $0xffff;
	v4 =	vunpack.i.u.s16.s32 v53;
	s31 =	sadd.s32 s23, s30;
	[tilespmem:s29+$0x0 ss:$0x41] =	vst.msk $0xffff, v1;
	v1 =	vunpack.i.u.s16.s32 v10;
	v2 =	vpack.i.b32.b16 v59, v2  }
0x58: {  	s28 =	sadd.s32 s24, s30;
	s29 =	sadd.s32 $0x1450, s25;
	[tilespmem:s31+$0x0 ss:$0x41] =	vst.msk $0xffff, v2;
	v1 =	vpack.i.b32.b16 v4, v1;
	v2 =	vunpack.i.l.s16.s32 v54;
	v62 =	vunpack.i.l.s16.s32 v3  }
0x59: {  	v3 =	vunpack.i.u.s16.s32 v3;
	s30 =	sadd.s32 s23, s29;
	[tilespmem:s28+$0x0 ss:$0x41] =	vst.msk $0xffff, v1;
	v1 =	vpack.i.b32.b16 v62, v2;
	v2 =	vunpack.i.u.s16.s32 v54  }
0x5a: {  	p1 =	por p0, p0;
	s31 =	sadd.s32 s24, s29;
	s28 =	sadd.s32 $0x1860, s25;
	[tilespmem:s30+$0x0 ss:$0x41] =	vst.msk $0xffff, v1;
	v1 =	vpack.i.b32.b16 v3, v2;
	v2 =	vunpack.i.l.s16.s32 v57;
	v3 =	vunpack.i.l.s16.s32 v58  }
.Ltmp3:
0x5b: {  	s29 =	sadd.s32 s23, s28;
	[tilespmem:s31+$0x0 ss:$0x41] =	vst.msk $0xffff, v1;
	v1 =	vpack.i.b32.b16 v3, v2;
	v2 =	vunpack.i.u.s16.s32 v57;
	v3 =	vunpack.i.u.s16.s32 v58;
	(pc) =	sbr.rel @p1 .LBB1_4-.Ltmp3, $4  }
0x5c: {  	s25 =	sadd.s32 $0x1C70, s25;
	s30 =	sadd.s32 s24, s28;
	[tilespmem:s29+$0x0 ss:$0x41] =	vst.msk $0xffff, v1;
	v1 =	vpack.i.b32.b16 v3, v2;
	v2 =	vunpack.i.l.s16.s32 v60;
	v3 =	vunpack.i.l.s16.s32 v61  }
0x5d: {  	v63 =	vunpack.i.u.s16.s32 v61;
	s31 =	sadd.s32 s23, s25;
	[tilespmem:s30+$0x0 ss:$0x41] =	vst.msk $0xffff, v1;
	v1 =	vunpack.i.u.s16.s32 v60;
	v2 =	vpack.i.b32.b16 v3, v2  }
0x5e: {  	s25 =	sadd.s32 s24, s25;
	[tilespmem:s31+$0x0 ss:$0x41] =	vst.msk $0xffff, v2;
	v1 =	vpack.i.b32.b16 v63, v1  }
0x5f: {  	p0 =	por $0x0, $0x0;
	[tilespmem:s25+$0x0 ss:$0x41] =	vst.msk $0xffff, v1;
	s25 =	simm.s32 $0x80  }
0x60: {  	p0 =	slt.u32 s22, $0x3E  }
.Ltmp4:
0x61: {  	_ = 	snop;
	(pc) =	sbr.rel @p0 .LBB1_3-.Ltmp4, $3  }
0x62: {  	_ =	sdelay $0x1  }
0x63: {  	s23 =	sadd.s32 $0x2, s22  }
0x64: {  	s22 =	smov.u32 s23  }
0x65: {  	p0 =	sgt.s32 s11, $0x1B;
	s21 =	smov.u32 s11;
	s22 =	sshra.s32 s11, $0x1F  }
0x66: {  	s21 =	simm.s32 @!p0 $0x1B;
	s22 =	sand.u32 s22, s11  }
0x67: {  	s21 =	ssub.s32 s21, s22  }
0x68: {  	p1 =	sgt.s32 s13, $0xE;
	s23 =	sshra.s32 s13, $0x1F;
	s22 =	ssub.s32 $0x1C, s21  }
0x69: {  	s24 =	sshra.s32 s10, $0x1F;
	s21 =	sadd.s32 $0xFFFFFFE5, s21;
	s22 =	smul.u32 $0xE0, s22  }
0x6a: {  	s30 =	sshll.u32 s10, $0x4;
	p0 =	sgt.s32 s21, $0x0;
	s21 =	smov.u32 s13  }
0x6b: {  	s23 =	sand.u32 s23, s13;
	s21 =	simm.s32 @!p1 $0xE;
	s22 =	simm.s32 @p0 $0x0  }
0x6c: {  	s21 =	ssub.s32 s21, s23;
	p0 =	sgt.s32 s10, $0xC0;
	s23 =	smov.u32 s10  }
0x6d: {  	s24 =	sand.u32 s24, s10;
	s25 =	sadd.s32 $0xFFFFFFF2, s21;
	s23 =	simm.s32 @!p0 $0xC0  }
0x6e: {  	s21 =	ssub.s32 $0x10, s21;
	p0 =	sgt.s32 s25, $0x1;
	s23 =	ssub.s32 s23, s24  }
0x6f: {  	s27 =	sshll.u32 s13, $0x7;
	s21 =	simm.s32 @p0 $0x0;
	s31 =	sadd.s32 $0xFFFFFF40, s23  }
0x70: {  	s21 =	smul.u32 s21, s22;
	p0 =	sgt.s32 s31, $0x3F;
	s22 =	ssub.s32 $0x100, s23  }
0x71: {  	s28 =	sshll.u32 s11, $0x8;
	s29 =	sshrl.u32 s10, $0x3;
	s22 =	simm.s32 @p0 $0x0  }
0x72: {  	s26 =	sand.u32 $0x800, s30;
	s30 =	sand.u32 $0x7, s10;
	s21 =	smul.u32 s22, s21  }
.Ltmp5:
0x73: {  	s24 =	sand.u32 $0x700, s27;
	s25 =	sand.u32 $0xF, s29;
	(pc) =	sbr.rel .LBB1_7-.Ltmp5, $4  }
0x74: {  	s23 =	sor.u32 s24, s26;
	s24 =	sshll.u32 s30, $0x12;
	s22 =	sadd.s32 s3, s28  }
0x75: {  	s23 =	sshrl.u32 s23, $0x4;
	s22 =	sadd.s32 s25, s22;
	s21 =	sshrl.u32 s21, $0x1  }
0x76: {  	s31 =	sor.u32 $0x40, s24;
	s22 =	sadd.s32 s23, s22;
	s21 =	sand.u32 $0x3FFFFFF0, s21  }
0x77: {  	[hbm4b:s22+s31] =	stream.strided.scatter [tilespmem:s20], [sflag:$0x2], s21, s9, s31, $0x18;
	[tilespmem:$0x10200] =	vst v63  }
.LBB1_8:
0x78: {  	_ =	sfence.sel $0x180000  }
0x79: {  	s2 =	simm.s32 $0x1;
	[bflag:$0x0] =	sbarrier.arrive $0xFFFF  }
0x7a: {  	s31 =	simm.s32 $0x2;
	[sflag:s2] =	ssyncpa.u1 $0x1  }
0x7b: {  	[sflag:s31] =	ssyncpa.u1 $0x1  }
0x7c: {  	p0 =	sne.s32 s0, $0x0;
	_ =	strace $0x90000062  }
0x7d: {  	s0 =	sadd.s32 @!p0 $0x100000, s1;
	[bflag:$0x2] =	sbarrier.arrive $0xFFFF  }
0x7e: {  	[sflag:s0] =	ssyncadd.tile.s32 @!p0 $0x1;
	_ =	shalt  }
.Lfunc_end1:
_tile_overlayer_lowered:
.L_overlay_start_2:
0x7f: {  	(tag) =	ssettag $0x2  }
0x80: {  	s0 =	rddreg [dreg:$0x0];
	s2 =	stileid.u32  }
0x81: {  	s1 =	rddreg [dreg:$0x1];
	p0 =	sne.s32 s2, $0x0  }
0x82: {  	s3 =	rddreg [dreg:$0x2];
	[bflag:$0x3] =	sbarrier.arrive $0xFFFF;
	s2 =	simm.s32 @!p0 $0x1C01  }
0x83: {  	[timem:s3], [sflag:s2] =	dma.local @!p0 [hbm:s0], s1  }
0x84: {  	s0 =	simm.s32 @!p0 $0x1  }
0x85: {  	_ =	swait.ge @!p0 [sflag:s0], s1  }
0x86: {  	s1 =	ssub.s32 @!p0 $0x0, s1;
	[sflag:s0] =	ssyncset.done @!p0 $0x0  }
0x87: {  	[sflag:s0] =	ssyncadd.s32 @!p0 s1  }
0x88: {  	[bflag:$0x3] =	sbarrier.arrive $0xFFFF  }
0x89: {  	_ =	shalt  }

// kernel: sparse-core-data-format-call.3.cloned.1.call-start
scs
called_computation.3_lowered:
.L_overlay_start_0:
0x0: {  	s2 =	sld [smem:$0x3FD9]  }
0x1: {  	s3 =	sld [smem:$0x3FFE];
	_ =	sdelay $0x1  }
0x2: {  	s1 =	srdreg.scid  }
0x3: {  	s0 =	sand.u32 $0x1, s1  }
0x4: {  	s18 =	sshll.u32 s0, $0xA;
	s2 =	sadd.s32 s3, s2  }
0x5: {  	s2 =	sadd.s32 s2, s18  }
0x6: {  	[smem:$0x3FA8] =	sst s2  }
0x7: {  	_ = 	snop  }
0x8: {  	s2 =	sld [smem:$0x3FD0];
	(tm) =	ssettm $0x1  }
0x9: {  	s19 =	sld [smem:$0x3FFB];
	_ =	sdelay $0x3  }
0xa: {  	_ =	strace s19  }
0xb: {  	s3 =	sld [smem:$0x3FFC];
	_ =	sdelay $0x3  }
0xc: {  	_ =	strace s3  }
0xd: {  	s3 =	sld [smem:$0x3FFD];
	_ =	sdelay $0x3  }
0xe: {  	_ =	strace s3  }
0xf: {  	_ =	strace $0x8FFFFFFF  }
0x10: {  	s20 =	sld [smem:$0x3FDB];
	_ =	sdelay $0x1  }
0x11: {  	s4 =	simm.s32 $_scs_section_size  }
0x12: {  	s5 =	simm.s32 $_size__tile_overlayer_lowered;
	s6 =	simm.s32 $_tile_overlayer_lowered  }
0x13: {  	s23 =	simm.s32 $0x1BFF;
	s22 =	sshll.u32 s6, $0x1;
	s3 =	sadd.s32 s4, s20  }
0x14: {  	s7 =	simm.s32 $0x0;
	s21 =	sshll.u32 s5, $0x1;
	s5 =	sadd.s32 s22, s3  }
0x15: {  	[timem:s7], [sflag:s23] =	dma.local [hbm:s5], s21  }
0x16: {  	_ =	swait.ge [sflag:s23], s21  }
0x17: {  	s4 =	ssub.s32 $0x0, s21;
	[sflag:s23] =	ssyncset.done $0x0  }
0x18: {  	[sflag:s23] =	ssyncadd.s32 s4;
	_ =	sdelay $0x1  }
0x19: {  	s24 =	simm.s32 $0x1B8B  }
0x1a: {  	_ =	swait.ge [sflag:s24], $0x1  }
0x1b: {  	[sflag:s24] =	ssyncset.done $0x0  }
0x1c: {  	s26 =	simm.s32 $0x1B8E;
	s25 =	sld [smem:$0x3FFE];
	[sflag:s24] =	ssyncadd.s32 $0xFFFFFFFF  }
0x1d: {  	s27 =	simm.s32 $execute0_lowered;
	[smem:$0x3FD2] =	sst s26  }
0x1e: {  	s5 =	sshll.u32 s27, $0x1;
	_ =	strace $0x8000005E;
	[dreg:$0x1] =	wrdreg $0xFFFFFFFF  }
0x1f: {  	s28 =	simm.s32 $_size_execute0_lowered;
	s3 =	sadd.s32 s3, s5;
	[dreg:$0x0] =	wrdreg $0x0  }
0x20: {  	s5 =	sshll.u32 s28, $0x1;
	[dreg:$0x2] =	wrdreg s3  }
0x21: {  	[dreg:$0x3] =	wrdreg s5  }
0x22: {  	[dreg:$0x4] =	wrdreg $0xC0  }
0x23: {  	_ =	task [dreg:s7], $0x5FFFF  }
0x24: {  	[dreg:$0x1] =	wrdreg $0xFFFFFFFF  }
0x25: {  	[dreg:$0x0] =	wrdreg $0x60  }
0x26: {  	[dreg:$0x2] =	wrdreg s2  }
0x27: {  	[dreg:$0x3] =	wrdreg s25  }
0x28: {  	[dreg:$0x4] =	wrdreg $0x9  }
0x29: {  	_ =	task.clear_ibuf [dreg:s7], $0x5FFFF;
	_ =	strace $0x9000005E  }
0x2a: {  	s29 =	simm.s32 $0x9;
	_ =	strace $0x80000060  }
0x2b: {  	_ =	swait.ge [sflag:s29], $0x1  }
0x2c: {  	[sflag:s29] =	ssyncadd.s32 $0xFFFFFFFF  }
0x2d: {  	_ =	strace $0x90000060  }
0x2e: {  	_ =	sfence  }
0x2f: {  	s30 =	sld [smem:$0x0];
	_ =	sdelay $0x2  }
0x30: {  	s31 =	sshll.u32 s1, $0xD;
	s1 =	sshrl.u32 s1, $0x2  }
0x31: {  	s3 =	sand.u32 $0x4000, s31;
	s1 =	sadd.s32 s1, s30  }
0x32: {  	s0 =	sor.u32 s3, s0;
	s1 =	sshll.u32 s1, $0x11  }
0x33: {  	s0 =	sor.u32 s1, s0  }
0x34: {  	s0 =	sadd.s32 $0x8F2B, s0  }
0x35: {  	[sflag:s0] =	ssyncadd.remote.s32 $0x1  }
0x36: {  	_ =	sfence.sel $0xFFFF  }
0x37: {  	[dreg:$0x0] =	wrdreg $0xFFFFFFFF;
	(pc) =	sbr.abs _section_cstart, $3  }
0x38: {  	[dreg:$0x1] =	wrdreg $0xFFFFFFFF  }
0x39: {  	_ =	task.clear_ibuf [dreg:s7], $0x2FFFF;
	_ =	strace $0x9FFFFFFF  }
0x3a: {  	(tm) =	ssettm $0x7FFFFFFF  }
0x3b: {  	_ =	shalt  }
tec
execute0_lowered:
.L_overlay_start_1:
0x0: {  	(tag) =	ssettag $0x1  }
0x1: {  	s1 =	srdreg.scid  }
0x2: {  	s0 =	stileid.u32;
	s3 =	rddreg [dreg:$0x0];
	s1 =	sshll.u32 s1, $0x4  }
0x3: {  	s9 =	rddreg [dreg:$0x1];
	s10 =	simm.s32 $0x2;
	s1 =	sor.u32 s0, s1  }
0x4: {  	s21 =	simm.s32 $0x0;
	s11 =	simm.s32 $0x7000;
	s1 =	sshrl.u32 s1, $0x1  }
0x5: {  	s12 =	simm.s32 $0x800;
	s19 =	simm.s32 $0x0;
	s1 =	sand.u32 $0xE, s1  }
0x6: {  	s18 =	simm.s32 $0x0;
	s2 =	sand.u32 $0x1, s0;
	s4 =	ssub.s32 $0xE0, s1  }
0x7: {  	s20 =	simm.s32 $0x0;
	s5 =	ssub.s32 $0x2, s2;
	s6 =	sand.u32 $0xE, s4  }
0x8: {  	s7 =	sshrl.u32 s5, $0x1;
	p0 =	sne.s32 s6, $0x0;
	s6 =	simm.s32 $0x1  }
0x9: {  	s5 =	sand.u32 $0x1, s5;
	s4 =	sshrl.u32 s4, $0x4;
	s6 =	simm.s32 @!p0 $0x0  }
0xa: {  	s13 =	simm.s32 $0x0;
	s5 =	sadd.s32 s5, s7;
	s6 =	sadd.s32 s6, s4  }
0xb: {  	s17 =	simm.s32 $0x0;
	s8 =	sshll.u32 s0, $0x6;
	s7 =	smul.u32 s6, s5  }
.Ltmp0:
0xc: {  	s8 =	sand.u32 $0x80, s8;
	s16 =	smov.u32 s2;
	(pc) =	sbr.rel .LBB1_1-.Ltmp0, $4  }
0xd: {  	s15 =	smov.u32 s8;
	s14 =	smov.u32 s1;
	s4 =	rddreg [dreg:$0x2]  }
0xe: {  	_ =	strace $0x8000005F;
	s6 =	simm.s32 $0x1;
	s7 =	smul.u32 $0x3, s7  }
0xf: {  	p0 =	por $0x0, $0x0;
	s5 =	sadd.s32 $0x5600, s9;
	[sflag:s6] =	ssyncpa.u1 $0x0  }
0x10: {  	s9 =	sadd.s32 $0x6200, s9;
	[sflag:s10] =	ssyncpa.u1 $0x0;
	s10 =	sadd.s32 $0x1, s7  }
.LBB1_6:
0x11: {  	s27 =	sshll.u32 s21, $0x8;
	s28 =	sshll.u32 s18, $0x4  }
0x12: {  	s30 =	sshll.u32 s21, $0x7;
	s27 =	sand.u32 $0xFFFFF000, s27;
	s28 =	sand.u32 $0xFFFFF800, s28  }
0x13: {  	s21 =	sand.u32 $0x700, s30;
	s27 =	sadd.s32 s28, s27  }
0x14: {  	s21 =	sor.u32 s21, s27  }
0x15: {  	s20 =	smul.u32 $0xA8000, s20;
	s21 =	sshrl.u32 s21, $0x8  }
0x16: {  	v2 =	vperm.xlane.i2c.b16 v2;
	v0 =	vperm.xlane.i2c.b16 v0;
	s31 =	smulhi.u32 $0x1555556, s21  }
0x17: {  	v1 =	vperm.xlane.i2c.b16 v1;
	v3 =	vperm.xlane.i2c.b16 v3;
	s19 =	smul.u32 $0xC00, s19  }
0x18: {  	[tilespmem:s25+$0x0 ss:$0x81] =	vst.msk $0xffff, v5;
	s26 =	sshra.s32 s26, $0x2;
	v62 =	vcombine.low v0, v2;
	s27 =	smul.u32 $0xC0, s31  }
0x19: {  	s29 =	sand.u32 $0x7, s18;
	[tilespmem:s25+$0x1020 ss:$0x81] =	vst.msk $0xffff, v4;
	s24 =	sadd.s32 s26, s24;
	v63 =	vcombine.low v3, v1;
	s28 =	sadd.s32 s20, s19  }
0x1a: {  	v0 =	vcombine.high v0, v2;
	s20 =	sadd.s32 s20, s9;
	[tilespmem:s24+$0x810 ss:$0x81] =	vst.msk $0xffff, v62;
	s21 =	ssub.s32 s21, s27;
	s27 =	sshrl.u32 s18, $0x3  }
0x1b: {  	v1 =	vcombine.high v3, v1;
	s26 =	sadd.s32 s5, s28;
	s19 =	sadd.s32 s19, s20;
	[tilespmem:s24+$0x0 ss:$0x81] =	vst.msk $0xffff, v63;
	s25 =	sand.u32 $0xF, s27  }
0x1c: {  	[tilespmem:s24+$0x1830 ss:$0x81] =	vst.msk $0xffff, v0;
	s18 =	sshll.u32 s29, $0x12;
	s21 =	sshll.u32 s21, $0x4;
	s26 =	sadd.s32 s25, s26  }
0x1d: {  	[tilespmem:s24+$0x1020 ss:$0x81] =	vst.msk $0xffff, v1;
	s18 =	sor.u32 $0x400, s18;
	s19 =	sadd.s32 s25, s19;
	s30 =	sadd.s32 s21, s26  }
0x1e: {  	[hbm4b:s30+s18] =	stream.strided.scatter [tilespmem:s23], [sflag:$0x2], $0x1000, s12, s18, $0x20;
	[tilespmem:$0x8080] =	vst v63  }
0x1f: {  	s31 =	sadd.s32 $0x5020, s22;
	s19 =	sadd.s32 s21, s19  }
0x20: {  	[hbm4b:s19+s18] =	stream.strided.scatter [tilespmem:s31], [sflag:$0x2], $0x1000, s12, s18, $0x20;
	[tilespmem:$0x8080] =	vst v63  }
.LBB1_7:
0x21: {  	s22 =	sadd.s32 $0x40, s13  }
0x22: {  	s18 =	sadd.s32 $0x10, s14;
	s23 =	smov.u32 s14;
	p2 =	sgt.s32 s22, $0xBF  }
0x23: {  	s23 =	smov.u32 @p2 s18  }
0x24: {  	s24 =	smov.u32 s15;
	s18 =	sadd.s32 $0x100, s15;
	p3 =	sgt.s32 s23, $0xDF  }
0x25: {  	s24 =	smov.u32 @p3 s18  }
0x26: {  	s25 =	smov.u32 s16;
	s18 =	sadd.s32 $0x2, s16;
	p4 =	sgt.s32 s24, $0xDF  }
0x27: {  	p1 =	slt.u32 s17, $0x2;
	s25 =	smov.u32 @p4 s18  }
0x28: {  	s21 =	smov.u32 s13;
	s22 =	simm.s32 @p2 $0x0;
	p2 =	sgt.s32 s25, $0x1  }
0x29: {  	s26 =	simm.s32 @!p1 $0x2;
	s25 =	smov.u32 @p2 s2;
	p2 =	sne.s32 s17, s10  }
.Ltmp1:
0x2a: {  	s19 =	smov.u32 s14;
	_ =	swait.ge @!p1 [sflag:s26], $0x2000;
	(pc) =	sbr.rel @!p2 .LBB1_8-.Ltmp1, $4  }
0x2b: {  	s20 =	smov.u32 s16;
	p0 =	por !p0, !p0;
	[sflag:s26] =	ssyncset.done @!p1 $0x0  }
0x2c: {  	s13 =	smov.u32 s22;
	s23 =	smov.u32 @p3 s1;
	[sflag:s26] =	ssyncadd.s32 @!p1 $0xFFFFE000  }
0x2d: {  	s14 =	smov.u32 s23;
	s24 =	smov.u32 @p4 s8;
	s18 =	smov.u32 s15  }
0x2e: {  	s15 =	smov.u32 s24;
	s17 =	sadd.s32 $0x1, s17;
	s16 =	smov.u32 s25  }
.LBB1_1:
0x2f: {  	p1 =	sge.u32 s17, s7  }
.Ltmp2:
0x30: {  	_ = 	snop;
	(pc) =	sbr.rel @p1 .LBB1_3-.Ltmp2, $1  }
0x31: {  	_ =	sdelay $0x3  }
0x32: {  	s22 =	sshll.u32 s14, $0x8  }
0x33: {  	s23 =	sshll.u32 s13, $0x4;
	s31 =	sshll.u32 s14, $0x7;
	p1 =	sgt.s32 s16, $0x1  }
0x34: {  	s24 =	smov.u32 s16;
	s25 =	sshra.s32 s16, $0x1F;
	s26 =	smov.u32 s15  }
0x35: {  	s27 =	sshra.s32 s15, $0x1F;
	s28 =	sshra.s32 s14, $0x1F;
	s30 =	sshra.s32 s13, $0x1F  }
0x36: {  	s22 =	sand.u32 $0xFFFFF000, s22;
	s23 =	sand.u32 $0xFFFFF800, s23;
	s24 =	simm.s32 @!p1 $0x1  }
0x37: {  	s25 =	sand.u32 s25, s16;
	p1 =	sgt.s32 s15, $0x60;
	s27 =	sand.u32 s27, s15  }
0x38: {  	s29 =	sand.u32 s28, s14;
	s22 =	sadd.s32 s22, s23;
	s25 =	sxor.u32 $0xFFFFFFFF, s25  }
0x39: {  	s23 =	sand.u32 $0x700, s31;
	s26 =	simm.s32 @!p1 $0x60;
	s25 =	sadd.s32 s25, s24  }
0x3a: {  	s22 =	sor.u32 s23, s22;
	s26 =	ssub.s32 s26, s27;
	p1 =	sgt.s32 s25, $0x0  }
0x3b: {  	s23 =	ssub.s32 $0x1, s25;
	s27 =	sadd.s32 $0xFFFFFFA0, s26;
	s24 =	ssub.s32 $0xE0, s26  }
0x3c: {  	s25 =	smov.u32 s14;
	s26 =	sand.u32 s30, s13;
	s22 =	sshrl.u32 s22, $0x8  }
0x3d: {  	s30 =	smul.u32 $0xC4000, s16;
	s23 =	simm.s32 @p1 $0x0;
	p1 =	sgt.s32 s27, $0x7F  }
0x3e: {  	s28 =	smulhi.u32 $0x124924A, s22;
	s24 =	simm.s32 @p1 $0x0;
	p1 =	sgt.s32 s14, $0xDE  }
0x3f: {  	s23 =	smul.u32 s23, s24;
	s25 =	simm.s32 @!p1 $0xDE  }
0x40: {  	p1 =	sgt.s32 s13, $0xC0;
	s24 =	ssub.s32 s25, s29;
	s25 =	smov.u32 s13  }
0x41: {  	s29 =	smul.u32 $0xE0, s28;
	s28 =	sshrl.u32 s13, $0x3;
	s31 =	sadd.s32 $0xFFFFFF22, s24  }
0x42: {  	s25 =	simm.s32 @!p1 $0xC0;
	s24 =	ssub.s32 $0xE0, s24;
	s27 =	sand.u32 $0xF, s28  }
0x43: {  	p1 =	sgt.s32 s31, $0x1;
	s25 =	ssub.s32 s25, s26;
	s22 =	ssub.s32 s22, s29  }
0x44: {  	s31 =	smul.u32 $0xE00, s15;
	s24 =	simm.s32 @p1 $0x0;
	s26 =	sadd.s32 $0xFFFFFF40, s25  }
0x45: {  	s23 =	smul.u32 s24, s23;
	p1 =	sgt.s32 s26, $0x3F;
	s24 =	ssub.s32 $0x100, s25  }
0x46: {  	s29 =	sand.u32 $0x7, s13;
	s22 =	sshll.u32 s22, $0x4;
	s24 =	simm.s32 @p1 $0x0  }
0x47: {  	s25 =	sxor.u32 $0xFFFFFFFF, s17;
	s26 =	sadd.s32 s3, s30;
	s23 =	smul.u32 s24, s23  }
0x48: {  	s25 =	sshll.u32 s25, $0xD;
	s24 =	sadd.s32 s31, s26;
	s26 =	sshll.u32 s29, $0x12  }
0x49: {  	s30 =	sand.u32 $0x2000, s25;
	s24 =	sadd.s32 s27, s24;
	s23 =	sshrl.u32 s23, $0x1  }
0x4a: {  	s31 =	sor.u32 $0x40, s26;
	s22 =	sadd.s32 s22, s24;
	s23 =	sand.u32 $0x3FFFFFFF, s23  }
0x4b: {  	[tilespmem:s30], [sflag:$0x1] =	stream.strided.gather [hbm4b:s22+s31], s23, s11, s31, $0x38;
	[tilespmem:$0x8080] =	vst v63  }
.LBB1_3:
0x4c: {  	s22 =	sadd.s32 $0xFFFFFFFF, s17  }
0x4d: {  	p1 =	sge.u32 s22, s7  }
.Ltmp3:
0x4e: {  	_ = 	snop;
	(pc) =	sbr.rel @p1 .LBB1_7-.Ltmp3, $1  }
0x4f: {  	_ =	sdelay $0x3  }
0x50: {  	p1 =	sgt.s32 s20, $0x1;
	s22 =	smov.u32 s20;
	s23 =	sshra.s32 s20, $0x1F  }
0x51: {  	s24 =	smov.u32 s18;
	s25 =	sshra.s32 s18, $0x1F;
	s29 =	sshra.s32 s19, $0x1F  }
0x52: {  	s22 =	simm.s32 @!p1 $0x1;
	s23 =	sand.u32 s23, s20;
	p1 =	sgt.s32 s18, $0x60  }
0x53: {  	s25 =	sand.u32 s25, s18;
	s23 =	sxor.u32 $0xFFFFFFFF, s23;
	s24 =	simm.s32 @!p1 $0x60  }
0x54: {  	s31 =	sshra.s32 s21, $0x1F;
	s22 =	sadd.s32 s23, s22;
	s26 =	ssub.s32 s24, s25  }
0x55: {  	p1 =	sgt.s32 s22, $0x0;
	s22 =	ssub.s32 $0x1, s22;
	s24 =	sadd.s32 $0xFFFFFFA0, s26  }
0x56: {  	s23 =	ssub.s32 $0xE0, s26;
	s22 =	simm.s32 @p1 $0x0;
	p1 =	sgt.s32 s24, $0x7F  }
0x57: {  	s24 =	smov.u32 s19;
	s23 =	simm.s32 @p1 $0x0;
	p1 =	sgt.s32 s19, $0xDE  }
0x58: {  	s30 =	sand.u32 s29, s19;
	s22 =	smul.u32 s22, s23;
	s24 =	simm.s32 @!p1 $0xDE  }
0x59: {  	p1 =	sgt.s32 s21, $0xC0;
	s23 =	ssub.s32 s24, s30;
	s24 =	smov.u32 s21  }
0x5a: {  	s25 =	sand.u32 s31, s21;
	s26 =	sadd.s32 $0xFFFFFF22, s23;
	s24 =	simm.s32 @!p1 $0xC0  }
0x5b: {  	s23 =	ssub.s32 $0xE0, s23;
	p1 =	sgt.s32 s26, $0x1;
	s24 =	ssub.s32 s24, s25  }
0x5c: {  	s23 =	simm.s32 @p1 $0x0;
	s25 =	sadd.s32 $0xFFFFFF40, s24  }
0x5d: {  	s22 =	smul.u32 s23, s22;
	p1 =	sgt.s32 s25, $0x3F;
	s23 =	ssub.s32 $0x100, s24  }
0x5e: {  	s23 =	simm.s32 @p1 $0x0  }
0x5f: {  	s22 =	smul.u32 s23, s22;
	_ =	sdelay $0x1  }
0x60: {  	s22 =	sshrl.u32 s22, $0x1  }
0x61: {  	s23 =	simm.s32 $0x1;
	s22 =	sand.u32 $0x3FFFFFFF, s22  }
0x62: {  	s23 =	simm.s32 @!p0 $0x0;
	_ =	swait.ge [sflag:s6], s22  }
0x63: {  	s29 =	sshll.u32 s23, $0xD;
	s22 =	ssub.s32 $0x0, s22;
	[sflag:s6] =	ssyncset.done $0x0  }
0x64: {  	s24 =	sor.u32 $0x20, s29;
	[sflag:s6] =	ssyncadd.s32 s22  }
0x65: {  	v0 =	vld [tilespmem:s24+$0x0]  }
0x66: {  	v1 =	vld [tilespmem:s24+$0x10]  }
0x67: {  	v2 =	vld [tilespmem:s24+$0xFFFFFFF0]  }
0x68: {  	v3 =	vld [tilespmem:s24+$0xFFFFFFE0];
	_ =	sdelay $0x2  }
0x69: {  	s30 =	smul.u32 $0x8100, s23;
	s28 =	sadd.s32 $0x40, s24  }
0x6a: {  	v1 =	vperm.xlane.i2c.b16 v1;
	v4 =	vperm.xlane.i2c.b16 v0;
	v0 =	vld [tilespmem:s28+$0x0]  }
0x6b: {  	s31 =	sand.u32 $0x1, s17;
	s22 =	sshrl.u32 s30, $0x2;
	v6 =	vperm.xlane.i2c.b16 v2;
	v2 =	vld [tilespmem:s28+$0x10];
	v7 =	vperm.xlane.i2c.b16 v3  }
0x6c: {  	s23 =	smul.u32 $0x8100, s31;
	s24 =	sor.u32 $0x4000, s22;
	v5 =	vcombine.low v4, v1;
	v8 =	vcombine.high v4, v1;
	v1 =	vld [tilespmem:s28+$0xFFFFFFF0]  }
0x6d: {  	s25 =	sadd.s32 $0x0, s24;
	v3 =	vld [tilespmem:s28+$0xFFFFFFE0]  }
0x6e: {  	s27 =	simm.s32 $0x8;
	s22 =	sshrl.u32 s23, $0x2;
	[tilespmem:s25+$0x810 ss:$0x81] =	vst.msk $0xffff, v5;
	v5 =	vcombine.low v7, v6  }
0x6f: {  	s26 =	simm.s32 $0x4;
	s23 =	sor.u32 $0x4000, s22;
	v4 =	vcombine.high v7, v6;
	s28 =	sadd.s32 $0x40, s28;
	[tilespmem:s25+$0x1830 ss:$0x81] =	vst.msk $0xffff, v8  }
.LBB1_5:
0x70: {  	v6 =	vperm.xlane.i2c.b16 v2;
	v7 =	vperm.xlane.i2c.b16 v0;
	v0 =	vld [tilespmem:s28+$0x0];
	[tilespmem:s25+$0x0 ss:$0x81] =	vst.msk $0xffff, v5;
	s29 =	smov.u32 s27;
	p1 =	sne.s32 s27, $0x1FC  }
.Ltmp4:
0x71: {  	v8 =	vperm.xlane.i2c.b16 v1;
	v2 =	vld [tilespmem:s28+$0x10];
	[tilespmem:s25+$0x1020 ss:$0x81] =	vst.msk $0xffff, v4;
	(pc) =	sbr.rel @p1 .LBB1_5-.Ltmp4, $4  }
0x72: {  	s27 =	sadd.s32 $0x4, s27;
	v4 =	vperm.xlane.i2c.b16 v3;
	s25 =	sshra.s32 s26, $0x2;
	v1 =	vld [tilespmem:s28+$0xFFFFFFF0];
	v9 =	vcombine.low v7, v6  }
0x73: {  	s26 =	smov.u32 s29;
	s25 =	sadd.s32 s25, s24;
	v6 =	vcombine.high v7, v6;
	v3 =	vld [tilespmem:s28+$0xFFFFFFE0]  }
0x74: {  	v5 =	vcombine.low v4, v8;
	v4 =	vcombine.high v4, v8;
	[tilespmem:s25+$0x810 ss:$0x81] =	vst.msk $0xffff, v9  }
0x75: {  	s28 =	sadd.s32 $0x40, s28;
	[tilespmem:s25+$0x1830 ss:$0x81] =	vst.msk $0xffff, v6  }
.Ltmp5:
0x76: {  	_ = 	snop;
	(pc) =	sbr.rel .LBB1_6-.Ltmp5, $1  }
0x77: {  	_ =	sdelay $0x3  }
.LBB1_8:
0x78: {  	_ =	sfence.sel $0x180000  }
0x79: {  	s1 =	simm.s32 $0x1;
	[bflag:$0x0] =	sbarrier.arrive $0xFFFF  }
0x7a: {  	s31 =	simm.s32 $0x2;
	[sflag:s1] =	ssyncpa.u1 $0x1  }
0x7b: {  	[sflag:s31] =	ssyncpa.u1 $0x1  }
0x7c: {  	p0 =	sne.s32 s0, $0x0;
	_ =	strace $0x9000005F  }
0x7d: {  	s0 =	sadd.s32 @!p0 $0x100000, s4;
	[bflag:$0x2] =	sbarrier.arrive $0xFFFF  }
0x7e: {  	[sflag:s0] =	ssyncadd.tile.s32 @!p0 $0x1;
	_ =	shalt  }
.Lfunc_end1:
_tile_overlayer_lowered:
.L_overlay_start_2:
0x7f: {  	(tag) =	ssettag $0x2  }
0x80: {  	s0 =	rddreg [dreg:$0x0];
	s2 =	stileid.u32  }
0x81: {  	s1 =	rddreg [dreg:$0x1];
	p0 =	sne.s32 s2, $0x0  }
0x82: {  	s3 =	rddreg [dreg:$0x2];
	[bflag:$0x3] =	sbarrier.arrive $0xFFFF;
	s2 =	simm.s32 @!p0 $0x1C01  }
0x83: {  	[timem:s3], [sflag:s2] =	dma.local @!p0 [hbm:s0], s1  }
0x84: {  	s0 =	simm.s32 @!p0 $0x1  }
0x85: {  	_ =	swait.ge @!p0 [sflag:s0], s1  }
0x86: {  	s1 =	ssub.s32 @!p0 $0x0, s1;
	[sflag:s0] =	ssyncset.done @!p0 $0x0  }
0x87: {  	[sflag:s0] =	ssyncadd.s32 @!p0 s1  }
0x88: {  	[bflag:$0x3] =	sbarrier.arrive $0xFFFF  }
0x89: {  	_ =	shalt  }

// kernel: sparse-core-data-format-call.4.cloned.1.call-start
scs
called_computation.4_lowered:
.L_overlay_start_0:
0x0: {  	s2 =	sld [smem:$0x3FD9]  }
0x1: {  	s3 =	sld [smem:$0x3FFE];
	_ =	sdelay $0x1  }
0x2: {  	s1 =	srdreg.scid  }
0x3: {  	s0 =	sand.u32 $0x1, s1  }
0x4: {  	s18 =	sshll.u32 s0, $0xA;
	s2 =	sadd.s32 s3, s2  }
0x5: {  	s2 =	sadd.s32 s2, s18  }
0x6: {  	[smem:$0x3FA8] =	sst s2  }
0x7: {  	_ = 	snop  }
0x8: {  	s2 =	sld [smem:$0x3FD0];
	(tm) =	ssettm $0x1  }
0x9: {  	s19 =	sld [smem:$0x3FFB];
	_ =	sdelay $0x3  }
0xa: {  	_ =	strace s19  }
0xb: {  	s3 =	sld [smem:$0x3FFC];
	_ =	sdelay $0x3  }
0xc: {  	_ =	strace s3  }
0xd: {  	s3 =	sld [smem:$0x3FFD];
	_ =	sdelay $0x3  }
0xe: {  	_ =	strace s3  }
0xf: {  	_ =	strace $0x8FFFFFFF  }
0x10: {  	s20 =	sld [smem:$0x3FDB];
	_ =	sdelay $0x1  }
0x11: {  	s4 =	simm.s32 $_scs_section_size  }
0x12: {  	s5 =	simm.s32 $_size__tile_overlayer_lowered;
	s6 =	simm.s32 $_tile_overlayer_lowered  }
0x13: {  	s23 =	simm.s32 $0x1BFF;
	s22 =	sshll.u32 s6, $0x1;
	s3 =	sadd.s32 s4, s20  }
0x14: {  	s7 =	simm.s32 $0x0;
	s21 =	sshll.u32 s5, $0x1;
	s5 =	sadd.s32 s22, s3  }
0x15: {  	[timem:s7], [sflag:s23] =	dma.local [hbm:s5], s21  }
0x16: {  	_ =	swait.ge [sflag:s23], s21  }
0x17: {  	s4 =	ssub.s32 $0x0, s21;
	[sflag:s23] =	ssyncset.done $0x0  }
0x18: {  	[sflag:s23] =	ssyncadd.s32 s4;
	_ =	sdelay $0x1  }
0x19: {  	s24 =	simm.s32 $0x1B8B  }
0x1a: {  	_ =	swait.ge [sflag:s24], $0x1  }
0x1b: {  	[sflag:s24] =	ssyncset.done $0x0  }
0x1c: {  	s26 =	simm.s32 $0x1B8E;
	s25 =	sld [smem:$0x3FFE];
	[sflag:s24] =	ssyncadd.s32 $0xFFFFFFFF  }
0x1d: {  	s27 =	simm.s32 $execute0_lowered;
	[smem:$0x3FD2] =	sst s26  }
0x1e: {  	s5 =	sshll.u32 s27, $0x1;
	_ =	strace $0x8000005B;
	[dreg:$0x1] =	wrdreg $0xFFFFFFFF  }
0x1f: {  	s28 =	simm.s32 $_size_execute0_lowered;
	s3 =	sadd.s32 s3, s5;
	[dreg:$0x0] =	wrdreg $0x0  }
0x20: {  	s5 =	sshll.u32 s28, $0x1;
	[dreg:$0x2] =	wrdreg s3  }
0x21: {  	[dreg:$0x3] =	wrdreg s5  }
0x22: {  	[dreg:$0x4] =	wrdreg $0xC0  }
0x23: {  	_ =	task [dreg:s7], $0x5FFFF  }
0x24: {  	[dreg:$0x1] =	wrdreg $0xFFFFFFFF  }
0x25: {  	[dreg:$0x0] =	wrdreg $0x60  }
0x26: {  	[dreg:$0x2] =	wrdreg s2  }
0x27: {  	[dreg:$0x3] =	wrdreg s25  }
0x28: {  	[dreg:$0x4] =	wrdreg $0x9  }
0x29: {  	_ =	task.clear_ibuf [dreg:s7], $0x5FFFF;
	_ =	strace $0x9000005B  }
0x2a: {  	s29 =	simm.s32 $0x9;
	_ =	strace $0x8000005D  }
0x2b: {  	_ =	swait.ge [sflag:s29], $0x1  }
0x2c: {  	[sflag:s29] =	ssyncadd.s32 $0xFFFFFFFF  }
0x2d: {  	_ =	strace $0x9000005D  }
0x2e: {  	_ =	sfence  }
0x2f: {  	s30 =	sld [smem:$0x0];
	_ =	sdelay $0x2  }
0x30: {  	s31 =	sshll.u32 s1, $0xD;
	s1 =	sshrl.u32 s1, $0x2  }
0x31: {  	s3 =	sand.u32 $0x4000, s31;
	s1 =	sadd.s32 s1, s30  }
0x32: {  	s0 =	sor.u32 s3, s0;
	s1 =	sshll.u32 s1, $0x11  }
0x33: {  	s0 =	sor.u32 s1, s0  }
0x34: {  	s0 =	sadd.s32 $0x8F2B, s0  }
0x35: {  	[sflag:s0] =	ssyncadd.remote.s32 $0x1  }
0x36: {  	_ =	sfence.sel $0xFFFF  }
0x37: {  	[dreg:$0x0] =	wrdreg $0xFFFFFFFF;
	(pc) =	sbr.abs _section_cstart, $3  }
0x38: {  	[dreg:$0x1] =	wrdreg $0xFFFFFFFF  }
0x39: {  	_ =	task.clear_ibuf [dreg:s7], $0x2FFFF;
	_ =	strace $0x9FFFFFFF  }
0x3a: {  	(tm) =	ssettm $0x7FFFFFFF  }
0x3b: {  	_ =	shalt  }
tec
execute0_lowered:
.L_overlay_start_1:
0x0: {  	(tag) =	ssettag $0x1  }
0x1: {  	s2 =	rddreg [dreg:$0x0]  }
0x2: {  	s4 =	rddreg [dreg:$0x1]  }
0x3: {  	s1 =	stileid.u32;
	s0 =	rddreg [dreg:$0x2];
	_ =	strace $0x8000005C  }
0x4: {  	s5 =	srdreg.scid;
	s8 =	simm.s32 $0x2;
	s17 =	simm.s32 $0x0  }
0x5: {  	p0 =	por $0x0, $0x0;
	s9 =	simm.s32 $0xE000;
	s18 =	simm.s32 $0x0  }
0x6: {  	s19 =	simm.s32 $0x0;
	s10 =	simm.s32 $0x0;
	s11 =	simm.s32 $0x0  }
0x7: {  	s12 =	simm.s32 $0x0;
	s13 =	simm.s32 $0x0;
	s3 =	sand.u32 $0x1, s1  }
0x8: {  	s16 =	simm.s32 $0x0;
	s5 =	sshll.u32 s5, $0x4;
	s6 =	ssub.s32 $0x2, s3  }
.Ltmp0:
0x9: {  	s7 =	sshrl.u32 s6, $0x1;
	s6 =	sand.u32 $0x1, s6;
	(pc) =	sbr.rel .LBB1_1-.Ltmp0, $4  }
0xa: {  	s4 =	sadd.s32 $0x5600, s4;
	s5 =	sand.u32 $0x10, s5;
	s6 =	sadd.s32 s6, s7  }
0xb: {  	s31 =	sor.u32 s1, s5;
	s5 =	simm.s32 $0x1;
	s6 =	smul.u32 $0x2A, s6  }
0xc: {  	s15 =	smov.u32 s3;
	s7 =	sshrl.u32 s31, $0x1;
	[sflag:s5] =	ssyncpa.u1 $0x0  }
0xd: {  	[sflag:s8] =	ssyncpa.u1 $0x0;
	s14 =	smov.u32 s7;
	s8 =	sor.u32 $0x1, s6  }
.LBB1_4:
0xe: {  	_ =	sdelay $0x3  }
0xf: {  	s26 =	sor.u32 s30, s29;
	v47 =	vld.idx.msk [tilespmem:v0+s24+$0x470 ss:$0x1], $0xffff  }
0x10: {  	v57 =	vld.idx.msk [tilespmem:v0+s26+$0x410 ss:$0x1], $0xffff  }
0x11: {  	v58 =	vld.idx.msk [tilespmem:v0+s26+$0x420 ss:$0x1], $0xffff  }
0x12: {  	v59 =	vld.idx.msk [tilespmem:v0+s26+$0x430 ss:$0x1], $0xffff  }
0x13: {  	[tilespmem:s22+$0x1860 ss:$0x41] =	vst.msk $0xffff, v8;
	v60 =	vld.idx.msk [tilespmem:v0+s26+$0x440 ss:$0x1], $0xffff  }
0x14: {  	[tilespmem:s22+$0x1C70 ss:$0x41] =	vst.msk $0xffff, v7;
	s28 =	sand.u32 $0x3B00, s26;
	v61 =	vld.idx.msk [tilespmem:v0+s26+$0x450 ss:$0x1], $0xffff  }
0x15: {  	s27 =	sand.u32 $0x80, s27;
	[tilespmem:s22+$0x2490 ss:$0x41] =	vst.msk $0xffff, v1;
	v62 =	vld.idx.msk [tilespmem:v0+s26+$0x460 ss:$0x1], $0xffff;
	s21 =	sadd.s32 s28, s21  }
0x16: {  	[tilespmem:s22+$0x28A0 ss:$0x41] =	vst.msk $0xffff, v2;
	v63 =	vld.idx.msk [tilespmem:v0+s26+$0x470 ss:$0x1], $0xffff;
	s24 =	sadd.s32 s27, s21  }
0x17: {  	[tilespmem:s22+$0x2CB0 ss:$0x41] =	vst.msk $0xffff, v3;
	v48 =	vld [tilespmem:s24+$0x400]  }
0x18: {  	[tilespmem:s22+$0x30C0 ss:$0x41] =	vst.msk $0xffff, v5;
	s29 =	sshll.u32 s11, $0x8;
	s30 =	sshll.u32 s10, $0x3;
	s25 =	sshra.s32 s25, $0x2;
	v49 =	vld [tilespmem:s24+$0x0]  }
0x19: {  	[tilespmem:s22+$0x34D0 ss:$0x41] =	vst.msk $0xffff, v4;
	p1 =	sgt.s32 s12, $0x1;
	s31 =	sand.u32 $0xFFFFF800, s29;
	s28 =	sand.u32 $0x78, s10;
	v50 =	vld [tilespmem:s24+$0x10]  }
0x1a: {  	[tilespmem:s22+$0x38E0 ss:$0x41] =	vst.msk $0xffff, v6;
	s27 =	sand.u32 $0xFFFFFC00, s30;
	s21 =	sadd.s32 s25, s23;
	s30 =	sshra.s32 s12, $0x1F;
	v51 =	vld [tilespmem:s24+$0x20]  }
0x1b: {  	s29 =	sadd.s32 s31, s27;
	v52 =	vld [tilespmem:s24+$0x30];
	s27 =	smov.u32 s12;
	s25 =	sand.u32 s30, s12;
	[tilespmem:s22+$0x3CF0 ss:$0x41] =	vst.msk $0xffff, v47  }
0x1c: {  	v53 =	vld [tilespmem:s24+$0x40];
	s22 =	sshll.u32 s11, $0x7;
	s27 =	simm.s32 @!p1 $0x1;
	s25 =	sxor.u32 $0xFFFFFFFF, s25;
	[tilespmem:s21+$0x2490 ss:$0x41] =	vst.msk $0xffff, v57  }
0x1d: {  	v54 =	vld [tilespmem:s24+$0x50];
	p1 =	sgt.s32 s11, $0xDF;
	s31 =	sand.u32 $0x300, s22;
	s25 =	sadd.s32 s25, s27;
	[tilespmem:s21+$0x28A0 ss:$0x41] =	vst.msk $0xffff, v58  }
0x1e: {  	v55 =	vld [tilespmem:s24+$0x60];
	[tilespmem:s21+$0x2CB0 ss:$0x41] =	vst.msk $0xffff, v59;
	s23 =	sor.u32 s31, s29;
	s27 =	ssub.s32 $0x1, s25;
	s29 =	sshra.s32 s11, $0x1F  }
0x1f: {  	v56 =	vld [tilespmem:s24+$0x70];
	[tilespmem:s21+$0x30C0 ss:$0x41] =	vst.msk $0xffff, v60;
	s23 =	sshrl.u32 s23, $0x8;
	s24 =	smul.u32 $0xE0, s27;
	s27 =	smov.u32 s11  }
0x20: {  	[tilespmem:s21+$0x34D0 ss:$0x41] =	vst.msk $0xffff, v61;
	s30 =	sand.u32 s29, s11;
	s27 =	simm.s32 @!p1 $0xDF;
	p1 =	sgt.s32 s25, $0x0  }
0x21: {  	[tilespmem:s21+$0x38E0 ss:$0x41] =	vst.msk $0xffff, v62;
	s24 =	simm.s32 @p1 $0x0;
	s25 =	ssub.s32 s27, s30;
	p1 =	sgt.s32 s10, $0xC0  }
0x22: {  	[tilespmem:s21+$0x3CF0 ss:$0x41] =	vst.msk $0xffff, v63;
	s27 =	smov.u32 s10;
	s30 =	sshra.s32 s10, $0x1F;
	s31 =	sadd.s32 $0xFFFFFF21, s25  }
0x23: {  	[tilespmem:s21+$0x2080 ss:$0x41] =	vst.msk $0xffff, v48;
	s27 =	simm.s32 @!p1 $0xC0;
	s25 =	ssub.s32 $0xE0, s25;
	p1 =	sgt.s32 s31, $0x0  }
0x24: {  	[tilespmem:s21+$0x0 ss:$0x41] =	vst.msk $0xffff, v49;
	s31 =	sand.u32 s30, s10;
	s30 =	smulhi.u32 $0x124924A, s23;
	s25 =	simm.s32 @p1 $0x0  }
0x25: {  	s22 =	sand.u32 $0x80, s22;
	[tilespmem:s21+$0x410 ss:$0x41] =	vst.msk $0xffff, v50;
	s27 =	ssub.s32 s27, s31;
	s24 =	smul.u32 s24, s25  }
0x26: {  	s22 =	sor.u32 s28, s22;
	[tilespmem:s21+$0x820 ss:$0x41] =	vst.msk $0xffff, v51;
	s31 =	sadd.s32 $0xFFFFFF40, s27;
	s30 =	smul.u32 $0xE0, s30  }
0x27: {  	[tilespmem:s21+$0xC30 ss:$0x41] =	vst.msk $0xffff, v52;
	s25 =	ssub.s32 $0x100, s27;
	p1 =	sgt.s32 s31, $0x3F;
	s31 =	smul.u32 $0x188000, s12  }
0x28: {  	s28 =	sand.u32 $0x7, s10;
	s22 =	sshrl.u32 s22, $0x3;
	[tilespmem:s21+$0x1040 ss:$0x41] =	vst.msk $0xffff, v53;
	s25 =	simm.s32 @p1 $0x0  }
0x29: {  	[tilespmem:s21+$0x1450 ss:$0x41] =	vst.msk $0xffff, v54;
	s23 =	ssub.s32 s23, s30;
	s24 =	smul.u32 s25, s24;
	s27 =	sadd.s32 s4, s31  }
0x2a: {  	s29 =	sshll.u32 s28, $0x12;
	[tilespmem:s21+$0x1860 ss:$0x41] =	vst.msk $0xffff, v55;
	s23 =	sshll.u32 s23, $0x5;
	s22 =	sadd.s32 s22, s27  }
0x2b: {  	[tilespmem:s21+$0x1C70 ss:$0x41] =	vst.msk $0xffff, v56;
	s31 =	sor.u32 $0x40, s29;
	s30 =	sand.u32 $0x3FFFFFE0, s24;
	s22 =	sadd.s32 s23, s22  }
0x2c: {  	[hbm4b:s22+s31] =	stream.strided.scatter [tilespmem:s20], [sflag:$0x2], s30, s9, s31, $0x18;
	[tilespmem:$0x10200] =	vst v63  }
.LBB1_5:
0x2d: {  	p1 =	slt.u32 s16, $0x2  }
0x2e: {  	s20 =	smov.u32 s19;
	p2 =	sgt.s32 @!p1 s19, $0x1;
	s21 =	sshra.s32 @!p1 s19, $0x1F  }
0x2f: {  	s22 =	sshra.s32 @!p1 s18, $0x1F;
	p3 =	sgt.s32 @!p1 s17, $0xC0;
	p2 =	por !p2, p1  }
0x30: {  	s19 =	sand.u32 @!p1 s21, s19;
	s20 =	simm.s32 @p2 $0x1;
	p2 =	sgt.s32 @!p1 s18, $0xDF  }
0x31: {  	s21 =	smov.u32 s18;
	s19 =	sxor.u32 @!p1 $0xFFFFFFFF, s19;
	p2 =	por !p2, p1  }
0x32: {  	s18 =	sand.u32 @!p1 s22, s18;
	s19 =	sadd.s32 @!p1 s19, s20;
	s21 =	simm.s32 @p2 $0xDF  }
0x33: {  	p3 =	por !p3, p1;
	p2 =	sgt.s32 @!p1 s19, $0x0;
	s18 =	ssub.s32 @!p1 s21, s18  }
0x34: {  	s19 =	ssub.s32 @!p1 $0x1, s19;
	s21 =	smov.u32 s17;
	s20 =	sadd.s32 @!p1 $0xFFFFFF21, s18  }
0x35: {  	s21 =	simm.s32 @p3 $0xC0;
	p3 =	sgt.s32 @!p1 s20, $0x0;
	s20 =	sshra.s32 @!p1 s17, $0x1F  }
0x36: {  	s19 =	smul.u32 @!p1 $0xE0, s19;
	p2 =	por !p2, p1;
	s17 =	sand.u32 @!p1 s20, s17  }
0x37: {  	s18 =	ssub.s32 @!p1 $0xE0, s18;
	p3 =	por !p3, p1;
	s17 =	ssub.s32 @!p1 s21, s17  }
0x38: {  	s19 =	simm.s32 @!p2 $0x0;
	s18 =	simm.s32 @!p3 $0x0;
	s20 =	sadd.s32 @!p1 $0xFFFFFF40, s17  }
0x39: {  	s21 =	smov.u32 s14;
	s18 =	smul.u32 @!p1 s19, s18;
	p2 =	sgt.s32 @!p1 s20, $0x3F  }
0x3a: {  	s17 =	ssub.s32 @!p1 $0x100, s17;
	s20 =	sadd.s32 $0x40, s13;
	p2 =	por !p2, p1  }
0x3b: {  	s19 =	sadd.s32 $0x10, s14;
	s17 =	simm.s32 @!p2 $0x0;
	p2 =	sgt.s32 s20, $0xBF  }
0x3c: {  	s22 =	smov.u32 s15;
	s21 =	smov.u32 @p2 s19  }
0x3d: {  	s17 =	smul.u32 @!p1 s17, s18;
	s18 =	sadd.s32 $0x2, s15;
	p3 =	sgt.s32 s21, $0xDF  }
0x3e: {  	p0 =	por !p0, !p0;
	s23 =	simm.s32 @!p1 $0x2;
	s22 =	smov.u32 @p3 s18  }
0x3f: {  	s20 =	simm.s32 @p2 $0x0;
	s19 =	smov.u32 s12;
	p2 =	sgt.s32 s22, $0x1  }
0x40: {  	s12 =	smov.u32 s15;
	s22 =	smov.u32 @p2 s3;
	p2 =	sne.s32 s16, s8  }
.Ltmp1:
0x41: {  	s17 =	sand.u32 @!p1 $0x3FFFFFE0, s17;
	s21 =	smov.u32 @p3 s7;
	(pc) =	sbr.rel @!p2 .LBB1_6-.Ltmp1, $4  }
0x42: {  	s18 =	smov.u32 s11;
	s11 =	smov.u32 s14;
	_ =	swait.ge @!p1 [sflag:s23], s17  }
0x43: {  	s24 =	ssub.s32 @!p1 $0x0, s17;
	s17 =	smov.u32 s10;
	s10 =	smov.u32 s13  }
0x44: {  	s13 =	smov.u32 s20;
	s14 =	smov.u32 s21;
	[sflag:s23] =	ssyncset.done @!p1 $0x0  }
0x45: {  	s16 =	sadd.s32 $0x1, s16;
	[sflag:s23] =	ssyncadd.s32 @!p1 s24;
	s15 =	smov.u32 s22  }
.LBB1_1:
0x46: {  	p1 =	sge.u32 s16, s6  }
0x47: {  	s20 =	sshll.u32 @!p1 s13, $0x8;
	s21 =	sshll.u32 @!p1 s13, $0x7  }
0x48: {  	s20 =	sand.u32 @!p1 $0xFFFFF800, s20;
	s21 =	sand.u32 @!p1 $0x300, s21  }
0x49: {  	s20 =	sor.u32 @!p1 s21, s20  }
0x4a: {  	s20 =	sshrl.u32 @!p1 s20, $0x8  }
0x4b: {  	s21 =	smulhi.u32 @!p1 $0x1555556, s20  }
0x4c: {  	s22 =	smul.u32 @!p1 $0x150000, s15  }
0x4d: {  	s21 =	smul.u32 @!p1 $0xC0, s21  }
0x4e: {  	s31 =	sadd.s32 $0xFFFFFFFF, s16;
	s23 =	smul.u32 @!p1 $0x1800, s14  }
0x4f: {  	s22 =	sadd.s32 @!p1 s2, s22;
	s20 =	ssub.s32 @!p1 s20, s21;
	s21 =	sshll.u32 @!p1 s13, $0x4  }
0x50: {  	s24 =	sxor.u32 @!p1 $0xFFFFFFFF, s16;
	s22 =	sadd.s32 @!p1 s23, s22;
	s21 =	sand.u32 @!p1 $0x10, s21  }
0x51: {  	s23 =	sshll.u32 @!p1 s24, $0xE;
	s20 =	sshll.u32 @!p1 s20, $0x5;
	s21 =	sadd.s32 @!p1 s21, s22  }
0x52: {  	s22 =	sand.u32 @!p1 $0x4000, s23;
	s20 =	sadd.s32 @!p1 s20, s21;
	s21 =	simm.s32 @!p1 $0x0  }
0x53: {  	[tilespmem:s22], [sflag:$0x1] =	stream.linear.gather @!p1 [hbm4b:s20+s21], $0x4000, $0x38;
	[tilespmem:$0x10200] =	vst v63  }
0x54: {  	p1 =	sge.u32 s31, s6  }
.Ltmp2:
0x55: {  	_ = 	snop;
	(pc) =	sbr.rel @p1 .LBB1_5-.Ltmp2, $1  }
0x56: {  	_ =	sdelay $0x3  }
0x57: {  	s22 =	simm.s32 $0x0  }
0x58: {  	s23 =	sand.u32 $0x3800, s22;
	s24 =	sand.u32 $0x380, s22  }
0x59: {  	s20 =	sand.u32 $0x1, s16;
	s24 =	sor.u32 s24, s23  }
0x5a: {  	_ =	swait.ge [sflag:s5], $0x4000;
	s21 =	sshll.u32 s20, $0xE;
	s23 =	sand.u32 $0x3B00, s24  }
0x5b: {  	[sflag:s5] =	ssyncset.done $0x0;
	s22 =	sand.u32 $0x80, s22;
	s23 =	sadd.s32 s23, s21  }
0x5c: {  	[sflag:s5] =	ssyncadd.s32 $0xFFFFC000;
	s26 =	sadd.s32 s22, s23  }
0x5d: {  	v4 =	vld [tilespmem:s26+$0x400]  }
0x5e: {  	s25 =	simm.s32 $0x1;
	v5 =	vld [tilespmem:s26+$0x0]  }
0x5f: {  	s25 =	simm.s32 @!p0 $0x0;
	v6 =	vld [tilespmem:s26+$0x10]  }
0x60: {  	v0 =	vmov s21;
	s31 =	smul.u32 $0x10400, s25;
	v7 =	vld [tilespmem:s26+$0x20]  }
0x61: {  	v9 =	vld [tilespmem:s26+$0x30]  }
0x62: {  	s22 =	sshrl.u32 s31, $0x2;
	v10 =	vld [tilespmem:s26+$0x40]  }
0x63: {  	s23 =	sor.u32 $0x8000, s22;
	v11 =	vld [tilespmem:s26+$0x50]  }
0x64: {  	v8 =	vld [tilespmem:s26+$0x60];
	s22 =	sadd.s32 $0x0, s23  }
0x65: {  	v1 =	vld.idx.msk [tilespmem:v0+s24+$0x410 ss:$0x1], $0xffff;
	[tilespmem:s22+$0x2080 ss:$0x41] =	vst.msk $0xffff, v4  }
0x66: {  	v2 =	vld.idx.msk [tilespmem:v0+s24+$0x420 ss:$0x1], $0xffff;
	[tilespmem:s22+$0x0 ss:$0x41] =	vst.msk $0xffff, v5  }
0x67: {  	v3 =	vld.idx.msk [tilespmem:v0+s24+$0x430 ss:$0x1], $0xffff;
	[tilespmem:s22+$0x410 ss:$0x41] =	vst.msk $0xffff, v6  }
0x68: {  	s20 =	smul.u32 $0x10400, s20;
	[tilespmem:s22+$0x820 ss:$0x41] =	vst.msk $0xffff, v7;
	v7 =	vld [tilespmem:s26+$0x70]  }
0x69: {  	s27 =	simm.s32 $0x80;
	s28 =	simm.s32 $0x8;
	[tilespmem:s22+$0xC30 ss:$0x41] =	vst.msk $0xffff, v9;
	v5 =	vld.idx.msk [tilespmem:v0+s24+$0x440 ss:$0x1], $0xffff  }
0x6a: {  	s30 =	sand.u32 $0x380, s27;
	s20 =	sshrl.u32 s20, $0x2;
	[tilespmem:s22+$0x1040 ss:$0x41] =	vst.msk $0xffff, v10;
	v4 =	vld.idx.msk [tilespmem:v0+s24+$0x450 ss:$0x1], $0xffff;
	s26 =	simm.s32 $0x100  }
0x6b: {  	s25 =	simm.s32 $0x4;
	s20 =	sor.u32 $0x8000, s20;
	[tilespmem:s22+$0x1450 ss:$0x41] =	vst.msk $0xffff, v11;
	v6 =	vld.idx.msk [tilespmem:v0+s24+$0x460 ss:$0x1], $0xffff;
	s29 =	sand.u32 $0x3800, s26  }
.LBB1_3:
0x6c: {  	p1 =	sne.s32 s28, $0xFC;
	[tilespmem:s22+$0x1860 ss:$0x41] =	vst.msk $0xffff, v8;
	v8 =	vld.idx.msk [tilespmem:v0+s24+$0x470 ss:$0x1], $0xffff;
	s24 =	sor.u32 s30, s29  }
0x6d: {  	s29 =	sand.u32 $0x3B00, s24;
	v9 =	vld.idx.msk [tilespmem:v0+s24+$0x410 ss:$0x1], $0xffff;
	[tilespmem:s22+$0x1C70 ss:$0x41] =	vst.msk $0xffff, v7  }
0x6e: {  	s30 =	sand.u32 $0x80, s27;
	s29 =	sadd.s32 s29, s21;
	v7 =	vld.idx.msk [tilespmem:v0+s24+$0x420 ss:$0x1], $0xffff;
	[tilespmem:s22+$0x2490 ss:$0x41] =	vst.msk $0xffff, v1  }
0x6f: {  	s29 =	sadd.s32 s30, s29;
	v10 =	vld.idx.msk [tilespmem:v0+s24+$0x430 ss:$0x1], $0xffff;
	[tilespmem:s22+$0x28A0 ss:$0x41] =	vst.msk $0xffff, v2  }
0x70: {  	v11 =	vld [tilespmem:s29+$0x400];
	[tilespmem:s22+$0x2CB0 ss:$0x41] =	vst.msk $0xffff, v3  }
0x71: {  	v12 =	vld [tilespmem:s29+$0x0];
	[tilespmem:s22+$0x30C0 ss:$0x41] =	vst.msk $0xffff, v5  }
0x72: {  	v5 =	vld [tilespmem:s29+$0x10];
	[tilespmem:s22+$0x34D0 ss:$0x41] =	vst.msk $0xffff, v4  }
0x73: {  	s30 =	sshra.s32 s25, $0x2;
	s25 =	smov.u32 s28;
	v1 =	vmov v9;
	v4 =	vld [tilespmem:s29+$0x20];
	[tilespmem:s22+$0x38E0 ss:$0x41] =	vst.msk $0xffff, v6  }
0x74: {  	v2 =	vmov v7;
	v6 =	vld [tilespmem:s29+$0x30];
	[tilespmem:s22+$0x3CF0 ss:$0x41] =	vst.msk $0xffff, v8;
	s22 =	sadd.s32 s30, s23  }
0x75: {  	v3 =	vmov v10;
	v9 =	vld [tilespmem:s29+$0x40];
	[tilespmem:s22+$0x2080 ss:$0x41] =	vst.msk $0xffff, v11  }
0x76: {  	[tilespmem:s22+$0x0 ss:$0x41] =	vst.msk $0xffff, v12;
	v10 =	vld [tilespmem:s29+$0x50]  }
.Ltmp3:
0x77: {  	[tilespmem:s22+$0x410 ss:$0x41] =	vst.msk $0xffff, v5;
	v8 =	vld [tilespmem:s29+$0x60];
	(pc) =	sbr.rel @p1 .LBB1_3-.Ltmp3, $4  }
0x78: {  	[tilespmem:s22+$0x820 ss:$0x41] =	vst.msk $0xffff, v4;
	v7 =	vld [tilespmem:s29+$0x70]  }
0x79: {  	[tilespmem:s22+$0xC30 ss:$0x41] =	vst.msk $0xffff, v6;
	v5 =	vld.idx.msk [tilespmem:v0+s24+$0x440 ss:$0x1], $0xffff  }
0x7a: {  	s27 =	sadd.s32 $0x80, s27;
	s26 =	sadd.s32 $0x100, s26;
	[tilespmem:s22+$0x1040 ss:$0x41] =	vst.msk $0xffff, v9;
	v4 =	vld.idx.msk [tilespmem:v0+s24+$0x450 ss:$0x1], $0xffff  }
0x7b: {  	s28 =	sadd.s32 $0x4, s28;
	s30 =	sand.u32 $0x380, s27;
	s29 =	sand.u32 $0x3800, s26;
	[tilespmem:s22+$0x1450 ss:$0x41] =	vst.msk $0xffff, v10;
	v6 =	vld.idx.msk [tilespmem:v0+s24+$0x460 ss:$0x1], $0xffff  }
.Ltmp4:
0x7c: {  	_ = 	snop;
	(pc) =	sbr.rel .LBB1_4-.Ltmp4, $1  }
0x7d: {  	_ =	sdelay $0x3  }
.LBB1_6:
0x7e: {  	_ =	sfence.sel $0x180000  }
0x7f: {  	s2 =	simm.s32 $0x1;
	[bflag:$0x0] =	sbarrier.arrive $0xFFFF  }
0x80: {  	s31 =	simm.s32 $0x2;
	[sflag:s2] =	ssyncpa.u1 $0x1  }
0x81: {  	[sflag:s31] =	ssyncpa.u1 $0x1  }
0x82: {  	p0 =	sne.s32 s1, $0x0;
	_ =	strace $0x9000005C  }
0x83: {  	s0 =	sadd.s32 @!p0 $0x100000, s0;
	[bflag:$0x2] =	sbarrier.arrive $0xFFFF  }
0x84: {  	[sflag:s0] =	ssyncadd.tile.s32 @!p0 $0x1;
	_ =	shalt  }
.Lfunc_end1:
_tile_overlayer_lowered:
.L_overlay_start_2:
0x85: {  	(tag) =	ssettag $0x2  }
0x86: {  	s0 =	rddreg [dreg:$0x0];
	s2 =	stileid.u32  }
0x87: {  	s1 =	rddreg [dreg:$0x1];
	p0 =	sne.s32 s2, $0x0  }
0x88: {  	s3 =	rddreg [dreg:$0x2];
	[bflag:$0x3] =	sbarrier.arrive $0xFFFF;
	s2 =	simm.s32 @!p0 $0x1C01  }
0x89: {  	[timem:s3], [sflag:s2] =	dma.local @!p0 [hbm:s0], s1  }
0x8a: {  	s0 =	simm.s32 @!p0 $0x1  }
0x8b: {  	_ =	swait.ge @!p0 [sflag:s0], s1  }
0x8c: {  	s1 =	ssub.s32 @!p0 $0x0, s1;
	[sflag:s0] =	ssyncset.done @!p0 $0x0  }
0x8d: {  	[sflag:s0] =	ssyncadd.s32 @!p0 s1  }
0x8e: {  	[bflag:$0x3] =	sbarrier.arrive $0xFFFF  }
0x8f: {  	_ =	shalt  }

// kernel: sparse-core-data-format-call.5.cloned.1.call-start
scs
called_computation.5_lowered:
.L_overlay_start_0:
0x0: {  	s1 =	sld [smem:$0x3FD9]  }
0x1: {  	s2 =	sld [smem:$0x3FFE];
	_ =	sdelay $0x1  }
0x2: {  	s3 =	srdreg.scid  }
0x3: {  	s0 =	sand.u32 $0x1, s3  }
0x4: {  	s17 =	sshll.u32 s0, $0xA;
	s1 =	sadd.s32 s2, s1  }
0x5: {  	s1 =	sadd.s32 s1, s17  }
0x6: {  	[smem:$0x3FA8] =	sst s1  }
0x7: {  	_ = 	snop  }
0x8: {  	(tm) =	ssettm $0x1  }
0x9: {  	s18 =	sld [smem:$0x3FFB];
	_ =	sdelay $0x3  }
0xa: {  	_ =	strace s18  }
0xb: {  	s1 =	sld [smem:$0x3FFC];
	_ =	sdelay $0x3  }
0xc: {  	_ =	strace s1  }
0xd: {  	s1 =	sld [smem:$0x3FFD];
	_ =	sdelay $0x3  }
0xe: {  	_ =	strace s1  }
0xf: {  	_ =	strace $0x8FFFFFFF  }
0x10: {  	s19 =	sld [smem:$0x3FDB];
	_ =	sdelay $0x1  }
0x11: {  	s20 =	simm.s32 $_scs_section_size  }
0x12: {  	s4 =	simm.s32 $_size__tile_overlayer_lowered;
	s5 =	simm.s32 $_tile_overlayer_lowered  }
0x13: {  	s23 =	simm.s32 $0x1BFF;
	s22 =	sshll.u32 s5, $0x1;
	s1 =	sadd.s32 s20, s19  }
0x14: {  	s6 =	simm.s32 $0x0;
	s21 =	sshll.u32 s4, $0x1;
	s4 =	sadd.s32 s22, s1  }
0x15: {  	[timem:s6], [sflag:s23] =	dma.local [hbm:s4], s21  }
0x16: {  	_ =	swait.ge [sflag:s23], s21  }
0x17: {  	s2 =	ssub.s32 $0x0, s21;
	[sflag:s23] =	ssyncset.done $0x0  }
0x18: {  	[sflag:s23] =	ssyncadd.s32 s2;
	_ =	sdelay $0x1  }
0x19: {  	s24 =	simm.s32 $0x1B8B  }
0x1a: {  	_ =	swait.ge [sflag:s24], $0x1  }
0x1b: {  	[sflag:s24] =	ssyncset.done $0x0  }
0x1c: {  	s26 =	simm.s32 $0x1B8E;
	s25 =	sld [smem:$0x3FFE];
	[sflag:s24] =	ssyncadd.s32 $0xFFFFFFFF  }
0x1d: {  	s27 =	simm.s32 $execute0_lowered;
	[smem:$0x3FD2] =	sst s26  }
0x1e: {  	s4 =	sshll.u32 s27, $0x1;
	_ =	strace $0x80000058;
	[dreg:$0x1] =	wrdreg $0xFFFFFFFF  }
0x1f: {  	s28 =	simm.s32 $_size_execute0_lowered;
	s1 =	sadd.s32 s1, s4;
	[dreg:$0x0] =	wrdreg $0x0  }
0x20: {  	s4 =	sshll.u32 s28, $0x1;
	[dreg:$0x2] =	wrdreg s1  }
0x21: {  	[dreg:$0x3] =	wrdreg s4  }
0x22: {  	[dreg:$0x4] =	wrdreg $0xC0  }
0x23: {  	_ =	task [dreg:s6], $0x5FFFF  }
0x24: {  	[dreg:$0x1] =	wrdreg $0xFFFFFFFF  }
0x25: {  	[dreg:$0x0] =	wrdreg $0x60  }
0x26: {  	[dreg:$0x2] =	wrdreg s25  }
0x27: {  	[dreg:$0x3] =	wrdreg $0x9  }
0x28: {  	_ =	task.clear_ibuf [dreg:s6], $0x4FFFF;
	_ =	strace $0x90000058  }
0x29: {  	s29 =	simm.s32 $0x9;
	_ =	strace $0x8000005A  }
0x2a: {  	_ =	swait.ge [sflag:s29], $0x1  }
0x2b: {  	[sflag:s29] =	ssyncadd.s32 $0xFFFFFFFF  }
0x2c: {  	_ =	strace $0x9000005A  }
0x2d: {  	_ =	sfence  }
0x2e: {  	s30 =	sld [smem:$0x0];
	_ =	sdelay $0x2  }
0x2f: {  	s31 =	sshll.u32 s3, $0xD;
	s3 =	sshrl.u32 s3, $0x2  }
0x30: {  	s2 =	sand.u32 $0x4000, s31;
	s1 =	sadd.s32 s3, s30  }
0x31: {  	s0 =	sor.u32 s2, s0;
	s1 =	sshll.u32 s1, $0x11  }
0x32: {  	s0 =	sor.u32 s1, s0  }
0x33: {  	s0 =	sadd.s32 $0x8F2B, s0  }
0x34: {  	[sflag:s0] =	ssyncadd.remote.s32 $0x1  }
0x35: {  	_ =	sfence.sel $0xFFFF  }
0x36: {  	[dreg:$0x0] =	wrdreg $0xFFFFFFFF;
	(pc) =	sbr.abs _section_cstart, $3  }
0x37: {  	[dreg:$0x1] =	wrdreg $0xFFFFFFFF  }
0x38: {  	_ =	task.clear_ibuf [dreg:s6], $0x2FFFF;
	_ =	strace $0x9FFFFFFF  }
0x39: {  	(tm) =	ssettm $0x7FFFFFFF  }
tec
execute0_lowered:
.L_overlay_start_1:
0x0: {  	(tag) =	ssettag $0x1  }
0x1: {  	s0 =	srdreg.scid  }
0x2: {  	s1 =	rddreg [dreg:$0x0];
	s2 =	stileid.u32;
	_ =	strace $0x80000059  }
0x3: {  	s29 =	simm.s32 $0x1;
	s31 =	simm.s32 $0x2;
	s19 =	simm.s32 $0x0  }
0x4: {  	s22 =	simm.s32 $0x0;
	s21 =	simm.s32 $0x0;
	s20 =	simm.s32 $0x0  }
0x5: {  	s10 =	simm.s32 $0x0;
	s11 =	simm.s32 $0x0;
	s13 =	simm.s32 $0x0  }
0x6: {  	s15 =	simm.s32 $0x0;
	s14 =	simm.s32 $0x0;
	s17 =	simm.s32 $0x0  }
0x7: {  	s12 =	simm.s32 $0x0;
	s0 =	sshll.u32 s0, $0x4;
	s3 =	sadd.s32 $0x5600, s1  }
.Ltmp0:
0x8: {  	s1 =	sadd.s32 $0x331600, s1;
	s30 =	sshll.u32 s2, $0x7;
	(pc) =	sbr.rel .LBB1_1-.Ltmp0, $4  }
0x9: {  	[sflag:s29] =	ssyncpa.u1 $0x0;
	s0 =	sand.u32 $0x10, s0;
	[dreg:$0x2] =	wrdreg s3  }
0xa: {  	[dreg:$0x3] =	wrdreg s1;
	s9 =	sand.u32 $0x80, s30;
	s0 =	sor.u32 s2, s0  }
0xb: {  	[sflag:s31] =	ssyncpa.u1 $0x0;
	[dreg:$0x5] =	wrdreg s9;
	s8 =	sshrl.u32 s0, $0x1  }
0xc: {  	s18 =	smov.u32 s9;
	s16 =	smov.u32 s8;
	[dreg:$0x4] =	wrdreg s8  }
.LBB1_18:
0xd: {  	s10 =	rddreg [dreg:$0x6]  }
0xe: {  	s15 =	rddreg [dreg:$0xb]  }
0xf: {  	s4 =	rddreg [dreg:$0x13]  }
0x10: {  	s5 =	rddreg [dreg:$0x15]  }
0x11: {  	s22 =	rddreg [dreg:$0x14]  }
0x12: {  	s13 =	rddreg [dreg:$0x9]  }
0x13: {  	s11 =	rddreg [dreg:$0x7]  }
0x14: {  	s26 =	rddreg [dreg:$0x3]  }
0x15: {  	s29 =	rddreg [dreg:$0x16]  }
0x16: {  	s8 =	rddreg [dreg:$0x4]  }
0x17: {  	s9 =	rddreg [dreg:$0x5]  }
0x18: {  	s12 =	rddreg [dreg:$0x8]  }
0x19: {  	s14 =	rddreg [dreg:$0xa]  }
0x1a: {  	s16 =	rddreg [dreg:$0xc]  }
0x1b: {  	s17 =	rddreg [dreg:$0xd]  }
0x1c: {  	s18 =	rddreg [dreg:$0xe]  }
0x1d: {  	s31 =	simm.s32 $0x800;
	s19 =	rddreg [dreg:$0xf];
	s0 =	sshll.u32 s10, $0x8  }
0x1e: {  	s1 =	sshll.u32 s15, $0x3;
	s2 =	sshll.u32 s10, $0x7;
	p0 =	sgt.s32 s15, $0x80  }
0x1f: {  	s3 =	smov.u32 s15;
	s23 =	sand.u32 $0x78, s15;
	s24 =	smul.u32 $0x1800, s13  }
0x20: {  	s25 =	smul.u32 $0x2B800, s11;
	s27 =	sand.u32 $0x7, s15;
	s0 =	sand.u32 $0xFFFFF800, s0  }
0x21: {  	s1 =	sand.u32 $0xFFFFFC00, s1;
	s20 =	sand.u32 $0x300, s2;
	s3 =	simm.s32 @!p0 $0x80  }
0x22: {  	p0 =	sgt.s32 s10, $0x40;
	s2 =	sand.u32 $0x80, s2;
	s28 =	sshll.u32 s27, $0x12  }
0x23: {  	s0 =	sadd.s32 s1, s0;
	s1 =	smov.u32 s10;
	s3 =	sadd.s32 s4, s3  }
0x24: {  	s2 =	sor.u32 s23, s2;
	s30 =	sor.u32 $0x400, s28;
	s0 =	sor.u32 s20, s0  }
0x25: {  	s1 =	simm.s32 @!p0 $0x40;
	s4 =	sadd.s32 $0xFFFFFF80, s3;
	s0 =	sshrl.u32 s0, $0x8  }
0x26: {  	s3 =	ssub.s32 $0x100, s3;
	s2 =	sshrl.u32 s2, $0x3;
	s21 =	smulhi.u32 $0x1555556, s0  }
0x27: {  	s20 =	rddreg [dreg:$0x10];
	s1 =	sadd.s32 s5, s1;
	p0 =	sgt.s32 s4, $0x7F  }
0x28: {  	s5 =	sadd.s32 $0xFFFFFFC0, s1;
	s3 =	simm.s32 @p0 $0x0;
	s4 =	smul.u32 $0xC0, s21  }
0x29: {  	s1 =	ssub.s32 $0xC0, s1;
	p0 =	sgt.s32 s5, $0x7F;
	s3 =	smul.u32 s3, s22  }
0x2a: {  	s1 =	simm.s32 @p0 $0x0;
	s0 =	ssub.s32 s0, s4;
	s4 =	sadd.s32 s26, s24  }
0x2b: {  	s22 =	rddreg [dreg:$0x12];
	s1 =	smul.u32 s1, s3;
	s3 =	sadd.s32 s25, s4  }
0x2c: {  	s21 =	rddreg [dreg:$0x11];
	s0 =	sshll.u32 s0, $0x5;
	s2 =	sadd.s32 s2, s3  }
0x2d: {  	s1 =	sand.u32 $0x3FFFFFFF, s1;
	s4 =	sor.u32 $0x8000, s29;
	s0 =	sadd.s32 s0, s2  }
0x2e: {  	[hbm4b:s0+s30] =	stream.strided.scatter [tilespmem:s4], [sflag:$0x2], s1, s31, s30, $0x20;
	[tilespmem:$0x10100] =	vst v63  }
.LBB1_19:
0x2f: {  	p0 =	slt.u32 s12, $0x2  }
0x30: {  	s0 =	smov.u32 s22;
	s2 =	smov.u32 s21;
	p1 =	sgt.s32 @!p0 s22, $0xF  }
0x31: {  	s4 =	smov.u32 s19;
	s1 =	sshra.s32 @!p0 s22, $0x1F;
	p1 =	por !p1, p0  }
0x32: {  	s12 =	sadd.s32 $0x1, s12;
	s1 =	sand.u32 @!p0 s1, s22;
	s0 =	simm.s32 @p1 $0xF  }
0x33: {  	s3 =	sshra.s32 @!p0 s21, $0x1F;
	p1 =	sgt.s32 @!p0 s21, $0x1C;
	s0 =	ssub.s32 @!p0 s0, s1  }
0x34: {  	p3 =	sgt.s32 @!p0 s19, $0x40;
	p1 =	por !p1, p0;
	s1 =	sadd.s32 @!p0 $0xFFFFFFF1, s0  }
0x35: {  	s2 =	simm.s32 @p1 $0x1C;
	s0 =	ssub.s32 @!p0 $0x10, s0;
	p2 =	sgt.s32 @!p0 s1, $0x0  }
0x36: {  	s1 =	sand.u32 @!p0 s3, s21;
	s3 =	sshra.s32 @!p0 s20, $0x1F;
	p1 =	por !p2, p0  }
0x37: {  	s1 =	ssub.s32 @!p0 s2, s1;
	p2 =	sgt.s32 @!p0 s20, $0x80;
	s3 =	sand.u32 @!p0 s3, s20  }
0x38: {  	s0 =	simm.s32 @!p1 $0x0;
	s2 =	sadd.s32 @!p0 $0xFFFFFFE4, s1;
	s1 =	ssub.s32 @!p0 $0x1D, s1  }
0x39: {  	p2 =	por !p2, p0;
	p1 =	sgt.s32 @!p0 s2, $0x0;
	s2 =	smov.u32 s20  }
0x3a: {  	p1 =	por !p1, p0;
	s2 =	simm.s32 @p2 $0x80;
	p2 =	por !p3, p0  }
0x3b: {  	s2 =	ssub.s32 @!p0 s2, s3;
	s3 =	sshra.s32 @!p0 s19, $0x1F;
	s4 =	simm.s32 @p2 $0x40  }
0x3c: {  	s1 =	simm.s32 @!p1 $0x0;
	s3 =	sand.u32 @!p0 s3, s19;
	s5 =	sadd.s32 @!p0 $0xFFFFFF80, s2  }
0x3d: {  	s2 =	ssub.s32 @!p0 $0x100, s2;
	s3 =	ssub.s32 @!p0 s4, s3;
	p1 =	sgt.s32 @!p0 s5, $0x7F  }
0x3e: {  	s5 =	smov.u32 s16;
	s4 =	sadd.s32 @!p0 $0xFFFFFFC0, s3;
	p1 =	por !p1, p0  }
0x3f: {  	p2 =	sgt.s32 @!p0 s4, $0x7F;
	s2 =	simm.s32 @!p1 $0x0;
	s4 =	sadd.s32 $0x80, s14  }
0x40: {  	s1 =	smul.u32 @!p0 s2, s1;
	p1 =	sgt.s32 s4, $0xBF;
	s2 =	sadd.s32 $0x10, s16  }
0x41: {  	s3 =	ssub.s32 @!p0 $0xC0, s3;
	p2 =	por !p2, p0;
	s5 =	smov.u32 @p1 s2  }
0x42: {  	s0 =	smul.u32 @!p0 s0, s1;
	p3 =	sgt.s32 s5, $0xF;
	s1 =	simm.s32 $0x1  }
0x43: {  	s22 =	smov.u32 s11;
	s3 =	simm.s32 @!p2 $0x0;
	s1 =	simm.s32 @!p3 $0x0  }
0x44: {  	s4 =	simm.s32 @p1 $0x0;
	s2 =	sadd.s32 $0x100, s18;
	s1 =	sadd.s32 s1, s17  }
0x45: {  	s0 =	smul.u32 @!p0 s3, s0;
	s3 =	smov.u32 s18;
	p1 =	sgt.s32 s1, $0x1C  }
0x46: {  	s11 =	smov.u32 s16;
	s21 =	smov.u32 s13;
	s3 =	smov.u32 @p1 s2  }
0x47: {  	s13 =	smov.u32 s17;
	s1 =	simm.s32 @p1 $0x0;
	p1 =	sgt.s32 s3, $0xDF  }
0x48: {  	s20 =	smov.u32 s15;
	s3 =	smov.u32 @p1 s9;
	p1 =	sne.s32 s12, $0x3C  }
.Ltmp1:
0x49: {  	s15 =	smov.u32 s18;
	s19 =	smov.u32 s10;
	(pc) =	sbr.rel @!p1 .LBB1_20-.Ltmp1, $4  }
0x4a: {  	s10 =	smov.u32 s14;
	s0 =	sand.u32 @!p0 $0x3FFFFFFF, s0;
	s2 =	simm.s32 @!p0 $0x2  }
0x4b: {  	s14 =	smov.u32 s4;
	s5 =	smov.u32 @p3 s8;
	_ =	swait.ge @!p0 [sflag:s2], s0  }
0x4c: {  	s16 =	smov.u32 s5;
	s0 =	ssub.s32 @!p0 $0x0, s0;
	[sflag:s2] =	ssyncset.done @!p0 $0x0  }
0x4d: {  	s17 =	smov.u32 s1;
	[sflag:s2] =	ssyncadd.s32 @!p0 s0;
	s18 =	smov.u32 s3  }
.LBB1_1:
0x4e: {  	p0 =	sgt.u32 s12, $0x39  }
.Ltmp2:
0x4f: {  	_ = 	snop;
	(pc) =	sbr.rel @p0 .LBB1_3-.Ltmp2, $1  }
0x50: {  	_ =	sdelay $0x3  }
0x51: {  	s0 =	sshll.u32 s16, $0x8;
	s1 =	sshll.u32 s14, $0x3;
	s28 =	sshll.u32 s16, $0x7  }
0x52: {  	p0 =	sgt.s32 s18, $0x60;
	s3 =	smov.u32 s18;
	s4 =	sshra.s32 s18, $0x1F  }
0x53: {  	s30 =	sshra.s32 s17, $0x1F;
	s6 =	sshra.s32 s16, $0x1F;
	s31 =	sand.u32 $0x78, s14  }
0x54: {  	s23 =	sxor.u32 $0xFFFFFFFF, s12;
	s25 =	smul.u32 $0x3A00, s18;
	s26 =	sshll.u32 s17, $0x9  }
0x55: {  	s27 =	rddreg [dreg:$0x2];
	s0 =	sand.u32 $0x800, s0;
	s1 =	sand.u32 $0xC00, s1  }
0x56: {  	s2 =	sand.u32 $0x300, s28;
	s3 =	simm.s32 @!p0 $0x60;
	s29 =	sand.u32 s4, s18  }
0x57: {  	p0 =	sgt.s32 s17, $0x1C;
	s4 =	sand.u32 s30, s17;
	s6 =	sand.u32 s6, s16  }
0x58: {  	s0 =	sadd.s32 s0, s1;
	s1 =	sand.u32 $0x80, s28;
	s28 =	sand.u32 $0x7, s14  }
0x59: {  	s0 =	sor.u32 s2, s0;
	s2 =	ssub.s32 s3, s29;
	s3 =	smov.u32 s17  }
0x5a: {  	s1 =	sor.u32 s31, s1;
	s29 =	sshll.u32 s28, $0x12;
	s31 =	simm.s32 $0x1D000  }
0x5b: {  	s5 =	sadd.s32 $0xFFFFFFA0, s2;
	s3 =	simm.s32 @!p0 $0x1C;
	p0 =	sgt.s32 s16, $0xF  }
0x5c: {  	s2 =	ssub.s32 $0xE0, s2;
	s3 =	ssub.s32 s3, s4;
	s4 =	smov.u32 s16  }
0x5d: {  	s7 =	sadd.s32 $0xFFFFFFE4, s3;
	s4 =	simm.s32 @!p0 $0xF;
	p0 =	sgt.s32 s5, $0x7F  }
0x5e: {  	s3 =	ssub.s32 $0x1D, s3;
	p1 =	sgt.s32 s7, $0x0;
	s4 =	ssub.s32 s4, s6  }
0x5f: {  	s2 =	simm.s32 @p0 $0x0;
	s7 =	sshra.s32 s14, $0x1F;
	s3 =	simm.s32 @p1 $0x0  }
0x60: {  	p1 =	sgt.s32 s14, $0x80;
	s2 =	smul.u32 s2, s3;
	s3 =	smov.u32 s14  }
0x61: {  	s6 =	sadd.s32 $0xFFFFFFF1, s4;
	s5 =	sand.u32 s7, s14;
	s3 =	simm.s32 @!p1 $0x80  }
0x62: {  	s4 =	ssub.s32 $0x10, s4;
	p0 =	sgt.s32 s6, $0x0;
	s3 =	ssub.s32 s3, s5  }
0x63: {  	s0 =	sshrl.u32 s0, $0x3;
	s4 =	simm.s32 @p0 $0x0;
	s24 =	sadd.s32 $0xFFFFFF80, s3  }
0x64: {  	s2 =	smul.u32 s4, s2;
	s3 =	ssub.s32 $0x100, s3;
	p0 =	sgt.s32 s24, $0x7F  }
0x65: {  	s1 =	sshrl.u32 s1, $0x3;
	s4 =	sadd.s32 s27, s25;
	s3 =	simm.s32 @p0 $0x0  }
0x66: {  	s30 =	sor.u32 $0x80, s29;
	s2 =	smul.u32 s3, s2;
	s3 =	sadd.s32 s26, s4  }
0x67: {  	s0 =	sand.u32 $0x1E0, s0;
	s5 =	sshll.u32 s23, $0xE;
	s1 =	sadd.s32 s1, s3  }
0x68: {  	s5 =	sand.u32 $0x4000, s5;
	s2 =	sand.u32 $0x3FFFFFFF, s2;
	s0 =	sadd.s32 s0, s1  }
0x69: {  	[tilespmem:s5], [sflag:$0x1] =	stream.strided.gather [hbm4b:s0+s30], s2, s31, s30, $0x38;
	[tilespmem:$0x10100] =	vst v63  }
.LBB1_3:
0x6a: {  	p0 =	seq.s32 s12, $0x0  }
0x6b: {  	p1 =	seq.s32 @!p0 s12, $0x3B  }
0x6c: {  	p0 =	por p0, p1  }
.Ltmp3:
0x6d: {  	_ = 	snop;
	(pc) =	sbr.rel @p0 .LBB1_19-.Ltmp3, $1  }
0x6e: {  	_ =	sdelay $0x3  }
0x6f: {  	[dreg:$0x12] =	wrdreg s22  }
0x70: {  	[dreg:$0x11] =	wrdreg s21  }
0x71: {  	[dreg:$0x10] =	wrdreg s20  }
0x72: {  	[dreg:$0xf] =	wrdreg s19  }
0x73: {  	[dreg:$0xe] =	wrdreg s18  }
0x74: {  	[dreg:$0xd] =	wrdreg s17  }
0x75: {  	[dreg:$0xc] =	wrdreg s16  }
0x76: {  	[dreg:$0xa] =	wrdreg s14  }
0x77: {  	s0 =	ssub.s32 $0x0, s15;
	s1 =	sshra.s32 s15, $0x1F;
	p0 =	sgt.s32 s15, $0x60  }
0x78: {  	s2 =	smov.u32 s15;
	s23 =	sshra.s32 s13, $0x1F;
	s4 =	sshra.s32 s11, $0x1F  }
0x79: {  	p2 =	sgt.s32 s10, $0x80;
	s25 =	ssub.s32 $0x0, s10;
	[dreg:$0x6] =	wrdreg s10  }
0x7a: {  	s6 =	sshra.s32 s10, $0x1F;
	[dreg:$0xb] =	wrdreg s15;
	s0 =	sand.u32 s0, s1  }
0x7b: {  	s2 =	simm.s32 @!p0 $0x60;
	p0 =	sgt.s32 s13, $0x1C;
	s1 =	smov.u32 s13  }
0x7c: {  	s4 =	sand.u32 s4, s11;
	s26 =	sand.u32 s25, s6;
	[dreg:$0x13] =	wrdreg s0  }
0x7d: {  	s0 =	sadd.s32 s0, s2;
	s1 =	simm.s32 @!p0 $0x1C;
	s2 =	sand.u32 s23, s13  }
0x7e: {  	p0 =	sgt.s32 s11, $0xF;
	s1 =	ssub.s32 s1, s2;
	s2 =	smov.u32 s11  }
0x7f: {  	s3 =	sadd.s32 $0xFFFFFFA0, s0;
	s5 =	sadd.s32 $0xFFFFFFE4, s1;
	s2 =	simm.s32 @!p0 $0xF  }
0x80: {  	p0 =	sgt.s32 s3, $0x7F;
	s1 =	ssub.s32 $0x1D, s1;
	s2 =	ssub.s32 s2, s4  }
0x81: {  	p1 =	sgt.s32 s5, $0x0;
	s4 =	smov.u32 s10;
	s24 =	sadd.s32 $0xFFFFFFF1, s2  }
0x82: {  	s4 =	simm.s32 @!p2 $0x80;
	s2 =	ssub.s32 $0x10, s2;
	p2 =	sgt.s32 s24, $0x0  }
0x83: {  	s1 =	simm.s32 @p1 $0x0;
	s3 =	sadd.s32 s26, s4;
	s2 =	simm.s32 @p2 $0x0  }
0x84: {  	s0 =	ssub.s32 $0xE0, s0;
	s4 =	sadd.s32 $0xFFFFFF80, s3;
	s2 =	smul.u32 s1, s2  }
0x85: {  	s0 =	simm.s32 @p0 $0x0;
	p0 =	sgt.s32 s4, $0x7F;
	s1 =	ssub.s32 $0x100, s3  }
0x86: {  	[dreg:$0x14] =	wrdreg s2;
	s0 =	smul.u32 s0, s2;
	s2 =	sadd.s32 $0x80, s15  }
0x87: {  	s3 =	sadd.s32 $0x1, s13;
	s1 =	simm.s32 @p0 $0x0;
	p0 =	slt.s32 s2, $0xE0  }
0x88: {  	s0 =	smul.u32 s1, s0;
	s2 =	simm.s32 @!p0 $0xE0;
	p0 =	slt.s32 s3, $0x1D  }
0x89: {  	s1 =	sadd.s32 $0x1, s11;
	s2 =	ssub.s32 s2, s15;
	s3 =	simm.s32 @!p0 $0x1D  }
0x8a: {  	p1 =	slt.s32 s1, $0x10;
	s3 =	ssub.s32 s3, s13;
	p0 =	slt.s32 s2, $0x1  }
0x8b: {  	[dreg:$0x9] =	wrdreg s13;
	s1 =	simm.s32 @!p1 $0x10;
	p1 =	slt.s32 @!p0 s3, $0x1  }
0x8c: {  	[dreg:$0x7] =	wrdreg s11;
	s28 =	ssub.s32 s1, s11;
	p1 =	por p0, p1  }
0x8d: {  	[dreg:$0x8] =	wrdreg s12;
	p2 =	slt.s32 @!p1 s28, $0x1  }
0x8e: {  	[dreg:$0x15] =	wrdreg s26;
	p1 =	por p1, p2  }
.Ltmp4:
0x8f: {  	s29 =	simm.s32 $0x1;
	[dreg:$0x17] =	wrdreg s2;
	(pc) =	sbr.rel @p1 .LBB1_18-.Ltmp4, $4  }
0x90: {  	s27 =	sand.u32 $0x3FFFFFFF, s0;
	s0 =	sand.u32 $0x1, s12;
	[dreg:$0x18] =	wrdreg s3  }
0x91: {  	s31 =	smul.u32 $0x4080, s0;
	_ =	swait.ge [sflag:s29], s27  }
0x92: {  	s30 =	ssub.s32 $0x0, s27;
	[sflag:s29] =	ssyncset.done $0x0  }
0x93: {  	[dreg:$0x16] =	wrdreg s31;
	[sflag:s29] =	ssyncadd.s32 s30  }
0x94: {  	s2 =	rddreg [dreg:$0x6]  }
0x95: {  	s1 =	sadd.s32 $0x80, s2  }
0x96: {  	p1 =	slt.s32 s1, $0xC0  }
.Ltmp5:
0x97: {  	s1 =	simm.s32 @!p1 $0xC0;
	(pc) =	sbr.rel .LBB1_6-.Ltmp5, $4  }
0x98: {  	s1 =	ssub.s32 s1, s2  }
0x99: {  	s31 =	sshll.u32 @!p0 s0, $0xE;
	s0 =	rddreg [dreg:$0x16];
	s2 =	sadd.s32 $0xF, s1  }
0x9a: {  	s0 =	sor.u32 @!p0 $0x8000, s0;
	s29 =	sand.u32 $0xFFFFFFF0, s2;
	s30 =	sand.u32 @!p0 $0xFFFFFF00, s2  }
0x9b: {  	s1 =	simm.s32 $0x0;
	p0 =	slt.s32 s2, $0x100;
	p1 =	sge.s32 s30, s29  }
.LBB1_17:
0x9c: {  	s1 =	sadd.s32 $0x1, s1;
	s2 =	rddreg [dreg:$0x17]  }
0x9d: {  	p2 =	sne.s32 s1, s2  }
.Ltmp6:
0x9e: {  	_ = 	snop;
	(pc) =	sbr.rel @!p2 .LBB1_18-.Ltmp6, $1  }
0x9f: {  	_ =	sdelay $0x3  }
.LBB1_6:
0xa0: {  	s7 =	sshrl.u32 s1, $0x4  }
0xa1: {  	s2 =	sshll.u32 s1, $0x3;
	s3 =	sand.u32 $0x78, s7  }
0xa2: {  	s4 =	sadd.s32 $0x800, s2;
	s6 =	sadd.s32 $0x1000, s2;
	s8 =	sadd.s32 $0x1800, s2  }
0xa3: {  	s24 =	sadd.s32 $0x2800, s2;
	s26 =	sadd.s32 $0x3000, s2;
	s2 =	sadd.s32 $0x3800, s2  }
0xa4: {  	s5 =	smul.u32 $0x204, s3;
	s4 =	sshrl.u32 s4, $0x7;
	s3 =	sxor.u32 $0x40, s3  }
0xa5: {  	s6 =	sshrl.u32 s6, $0x7;
	s4 =	sand.u32 $0x78, s4;
	s10 =	smul.u32 $0x204, s3  }
0xa6: {  	s8 =	sshrl.u32 s8, $0x7;
	s6 =	sand.u32 $0x78, s6;
	s4 =	smul.u32 $0x204, s4  }
0xa7: {  	s25 =	sshrl.u32 s24, $0x7;
	s8 =	sand.u32 $0x78, s8;
	s6 =	smul.u32 $0x204, s6  }
0xa8: {  	s2 =	sshrl.u32 s2, $0x7;
	s3 =	sand.u32 $0x78, s25;
	s9 =	smul.u32 $0x204, s8  }
0xa9: {  	s2 =	sand.u32 $0x78, s2;
	s11 =	smul.u32 $0x204, s3  }
0xaa: {  	s13 =	smul.u32 $0x204, s2  }
.Ltmp7:
0xab: {  	s18 =	simm.s32 $0x0;
	s8 =	sshrl.u32 s26, $0x7;
	(pc) =	sbr.rel .LBB1_7-.Ltmp7, $4  }
0xac: {  	s3 =	sshrl.u32 s5, $0x2;
	s27 =	sand.u32 $0x78, s8;
	s8 =	sand.u32 $0x7F, s1  }
0xad: {  	s25 =	sshrl.u32 s10, $0x2;
	s12 =	smul.u32 $0x204, s27;
	s2 =	sadd.s32 s8, s0  }
0xae: {  	s5 =	sshrl.u32 s4, $0x2;
	s4 =	sshrl.u32 s6, $0x2;
	s6 =	sshrl.u32 s9, $0x2  }
0xaf: {  	s22 =	sshrl.u32 s11, $0x2;
	s24 =	sshrl.u32 s13, $0x2;
	s23 =	sshrl.u32 s12, $0x2  }
.LBB1_16:
0xb0: {  	s18 =	sadd.s32 $0x1, s18;
	s9 =	rddreg [dreg:$0x18]  }
0xb1: {  	p2 =	sne.s32 s18, s9  }
.Ltmp8:
0xb2: {  	_ = 	snop;
	(pc) =	sbr.rel @!p2 .LBB1_17-.Ltmp8, $1  }
0xb3: {  	_ =	sdelay $0x3  }
.LBB1_7:
.Ltmp9:
0xb4: {  	(pc) =	sbr.rel .LBB1_8-.Ltmp9, $4  }
0xb5: {  	s10 =	sadd.s32 s1, s18  }
0xb6: {  	s9 =	sshll.u32 s10, $0x9  }
0xb7: {  	s9 =	sshra.s32 s9, $0x2  }
0xb8: {  	s19 =	simm.s32 $0x0;
	s12 =	sadd.s32 s9, s31  }
.LBB1_15:
0xb9: {  	s19 =	sadd.s32 $0x1, s19  }
0xba: {  	p2 =	sne.s32 s19, s28  }
.Ltmp10:
0xbb: {  	_ = 	snop;
	(pc) =	sbr.rel @!p2 .LBB1_16-.Ltmp10, $1  }
0xbc: {  	_ =	sdelay $0x3  }
.LBB1_8:
.Ltmp11:
0xbd: {  	(pc) =	sbr.rel @p0 .LBB1_12-.Ltmp11, $2  }
0xbe: {  	_ =	sdelay $0x2  }
0xbf: {  	s16 =	sadd.s32 s18, s19  }
0xc0: {  	s9 =	smul.u32 $0x10200, s16  }
0xc1: {  	s11 =	sshll.u32 s19, $0x7  }
0xc2: {  	s21 =	sand.u32 $0x380, s11;
	s9 =	sshra.s32 s9, $0x2  }
0xc3: {  	s20 =	sadd.s32 s21, s12;
	s14 =	sadd.s32 s9, s0  }
0xc4: {  	v0 =	vld [tilespmem:s20+$0x70];
	s26 =	sadd.s32 s3, s14  }
0xc5: {  	v3 =	vld [tilespmem:s20+$0x60];
	s13 =	sadd.s32 s5, s14;
	s15 =	sadd.s32 s4, s14;
	s17 =	sadd.s32 s6, s14  }
0xc6: {  	v1 =	vld [tilespmem:s20+$0x50];
	s11 =	sadd.s32 s22, s14;
	s21 =	sadd.s32 s8, s26;
	s26 =	sadd.s32 s25, s14  }
0xc7: {  	v2 =	vld [tilespmem:s20+$0x40];
	s27 =	sadd.s32 s24, s14;
	s9 =	sadd.s32 s8, s26;
	s26 =	sadd.s32 s23, s14  }
0xc8: {  	v4 =	vld [tilespmem:s20+$0x30];
	s14 =	sadd.s32 s8, s11;
	s11 =	sadd.s32 s8, s26;
	s26 =	sadd.s32 s8, s27  }
0xc9: {  	v5 =	vld [tilespmem:s20+$0x20];
	[tilespmem:s26+$0x0 ss:$0x81] =	vst.msk $0xffff, v0  }
0xca: {  	v6 =	vld [tilespmem:s20+$0x10];
	[tilespmem:s11+$0x0 ss:$0x81] =	vst.msk $0xffff, v3  }
0xcb: {  	v7 =	vld [tilespmem:s20+$0x0];
	[tilespmem:s14+$0x0 ss:$0x81] =	vst.msk $0xffff, v1  }
0xcc: {  	s17 =	sadd.s32 s8, s17;
	[tilespmem:s9+$0x0 ss:$0x81] =	vst.msk $0xffff, v2  }
0xcd: {  	s15 =	sadd.s32 s8, s15;
	[tilespmem:s17+$0x0 ss:$0x81] =	vst.msk $0xffff, v4  }
0xce: {  	p2 =	sgt.s32 s30, $0x100;
	s13 =	sadd.s32 s8, s13;
	[tilespmem:s15+$0x0 ss:$0x81] =	vst.msk $0xffff, v5  }
.Ltmp12:
0xcf: {  	[tilespmem:s13+$0x0 ss:$0x81] =	vst.msk $0xffff, v6;
	(pc) =	sbr.rel @!p2 .LBB1_11-.Ltmp12, $4  }
0xd0: {  	[tilespmem:s21+$0x0 ss:$0x81] =	vst.msk $0xffff, v7  }
0xd1: {  	[tilespmem:s21+$0x0 ss:$0x81] =	vst.msk $0xffff, v7  }
0xd2: {  	[tilespmem:s13+$0x0 ss:$0x81] =	vst.msk $0xffff, v6  }
0xd3: {  	s27 =	simm.s32 $0x100;
	[tilespmem:s15+$0x0 ss:$0x81] =	vst.msk $0xffff, v5  }
.LBB1_10:
0xd4: {  	v5 =	vld [tilespmem:s20+$0x70];
	[tilespmem:s17+$0x0 ss:$0x81] =	vst.msk $0xffff, v4  }
0xd5: {  	v6 =	vld [tilespmem:s20+$0x60];
	[tilespmem:s9+$0x0 ss:$0x81] =	vst.msk $0xffff, v2  }
0xd6: {  	[tilespmem:s14+$0x0 ss:$0x81] =	vst.msk $0xffff, v1;
	v1 =	vld [tilespmem:s20+$0x50]  }
0xd7: {  	v2 =	vld [tilespmem:s20+$0x40];
	[tilespmem:s11+$0x0 ss:$0x81] =	vst.msk $0xffff, v3  }
0xd8: {  	v4 =	vld [tilespmem:s20+$0x30];
	[tilespmem:s26+$0x0 ss:$0x81] =	vst.msk $0xffff, v0  }
0xd9: {  	v7 =	vld [tilespmem:s20+$0x20];
	[tilespmem:s26+$0x0 ss:$0x81] =	vst.msk $0xffff, v5;
	v0 =	vmov v5  }
0xda: {  	v5 =	vld [tilespmem:s20+$0x10];
	[tilespmem:s11+$0x0 ss:$0x81] =	vst.msk $0xffff, v6;
	v3 =	vmov v6  }
0xdb: {  	s27 =	sadd.s32 $0x100, s27;
	v6 =	vld [tilespmem:s20+$0x0];
	[tilespmem:s14+$0x0 ss:$0x81] =	vst.msk $0xffff, v1  }
0xdc: {  	p2 =	slt.s32 s27, s30;
	[tilespmem:s9+$0x0 ss:$0x81] =	vst.msk $0xffff, v2  }
0xdd: {  	[tilespmem:s17+$0x0 ss:$0x81] =	vst.msk $0xffff, v4  }
0xde: {  	[tilespmem:s15+$0x0 ss:$0x81] =	vst.msk $0xffff, v7  }
.Ltmp13:
0xdf: {  	[tilespmem:s13+$0x0 ss:$0x81] =	vst.msk $0xffff, v5;
	(pc) =	sbr.rel @p2 .LBB1_10-.Ltmp13, $4  }
0xe0: {  	[tilespmem:s21+$0x0 ss:$0x81] =	vst.msk $0xffff, v6  }
0xe1: {  	[tilespmem:s21+$0x0 ss:$0x81] =	vst.msk $0xffff, v6  }
0xe2: {  	[tilespmem:s13+$0x0 ss:$0x81] =	vst.msk $0xffff, v5  }
0xe3: {  	[tilespmem:s15+$0x0 ss:$0x81] =	vst.msk $0xffff, v7  }
.LBB1_11:
0xe4: {  	[tilespmem:s17+$0x0 ss:$0x81] =	vst.msk $0xffff, v4  }
0xe5: {  	[tilespmem:s9+$0x0 ss:$0x81] =	vst.msk $0xffff, v2  }
0xe6: {  	[tilespmem:s14+$0x0 ss:$0x81] =	vst.msk $0xffff, v1  }
0xe7: {  	[tilespmem:s11+$0x0 ss:$0x81] =	vst.msk $0xffff, v3  }
0xe8: {  	[tilespmem:s26+$0x0 ss:$0x81] =	vst.msk $0xffff, v0  }
.LBB1_12:
.Ltmp14:
0xe9: {  	(pc) =	sbr.rel @p1 .LBB1_15-.Ltmp14, $1  }
0xea: {  	_ =	sdelay $0x3  }
0xeb: {  	s9 =	sand.u32 $0x7, s19  }
0xec: {  	s9 =	sadd.s32 s9, s10  }
0xed: {  	s9 =	sshll.u32 s9, $0x9  }
0xee: {  	s9 =	sshra.s32 s9, $0x2  }
0xef: {  	s11 =	smul.u32 $0x10200, s16;
	s13 =	sadd.s32 s9, s31  }
0xf0: {  	v0 =	vmov s13  }
0xf1: {  	s27 =	sshra.s32 s11, $0x2  }
0xf2: {  	s11 =	smov.u32 s30;
	s9 =	sadd.s32 s27, s2  }
.LBB1_14:
0xf3: {  	s14 =	sadd.s32 s11, s7  }
0xf4: {  	s13 =	sand.u32 $0x70, s11;
	s11 =	sadd.s32 $0x10, s11;
	s27 =	sand.u32 $0x78, s14  }
0xf5: {  	v1 =	vld.idx.msk [tilespmem:v0+s13+$0x0 ss:$0x1], $0xffff;
	p2 =	slt.s32 s11, s29;
	s13 =	smul.u32 $0x204, s27  }
.Ltmp15:
0xf6: {  	_ = 	snop;
	(pc) =	sbr.rel @p2 .LBB1_14-.Ltmp15, $4  }
0xf7: {  	_ = 	snop  }
0xf8: {  	s13 =	sshrl.u32 s13, $0x2  }
0xf9: {  	s13 =	sadd.s32 s13, s9  }
0xfa: {  	[tilespmem:s13+$0x0 ss:$0x81] =	vst.msk $0xffff, v1  }
.Ltmp16:
0xfb: {  	_ = 	snop;
	(pc) =	sbr.rel .LBB1_15-.Ltmp16, $1  }
0xfc: {  	_ =	sdelay $0x3  }
.LBB1_20:
0xfd: {  	_ =	sfence.sel $0x180000  }
0xfe: {  	s0 =	simm.s32 $0x1;
	[bflag:$0x0] =	sbarrier.arrive $0xFFFF  }
0xff: {  	s30 =	simm.s32 $0x2;
	[sflag:s0] =	ssyncpa.u1 $0x1  }
0x100: {  	[sflag:s30] =	ssyncpa.u1 $0x1  }
0x101: {  	_ =	strace $0x90000059  }
0x102: {  	s31 =	stileid.u32;
	[bflag:$0x2] =	sbarrier.arrive $0xFFFF  }
0x103: {  	p0 =	sne.s32 s31, $0x0;
	s0 =	rddreg [dreg:$0x1]  }
0x104: {  	s0 =	sadd.s32 @!p0 $0x100000, s0  }
0x105: {  	[sflag:s0] =	ssyncadd.tile.s32 @!p0 $0x1;
	_ =	shalt  }
.Lfunc_end1:
_tile_overlayer_lowered:
.L_overlay_start_2:
0x106: {  	(tag) =	ssettag $0x2  }
0x107: {  	s0 =	rddreg [dreg:$0x0];
	s2 =	stileid.u32  }
0x108: {  	s1 =	rddreg [dreg:$0x1];
	p0 =	sne.s32 s2, $0x0  }
0x109: {  	s3 =	rddreg [dreg:$0x2];
	[bflag:$0x3] =	sbarrier.arrive $0xFFFF;
	s2 =	simm.s32 @!p0 $0x1C01  }
0x10a: {  	[timem:s3], [sflag:s2] =	dma.local @!p0 [hbm:s0], s1  }
0x10b: {  	s0 =	simm.s32 @!p0 $0x1  }
0x10c: {  	_ =	swait.ge @!p0 [sflag:s0], s1  }
0x10d: {  	s1 =	ssub.s32 @!p0 $0x0, s1;
	[sflag:s0] =	ssyncset.done @!p0 $0x0  }
0x10e: {  	[sflag:s0] =	ssyncadd.s32 @!p0 s1  }
0x10f: {  	[bflag:$0x3] =	sbarrier.arrive $0xFFFF  }
0x110: {  	_ =	shalt  }

// kernel: sparse-core-data-format-call.6.cloned.1.call-start
scs
called_computation.6_lowered:
.L_overlay_start_0:
0x0: {  	s2 =	sld [smem:$0x3FD9]  }
0x1: {  	s3 =	sld [smem:$0x3FFE];
	_ =	sdelay $0x1  }
0x2: {  	s1 =	srdreg.scid  }
0x3: {  	s0 =	sand.u32 $0x1, s1  }
0x4: {  	s18 =	sshll.u32 s0, $0xA;
	s2 =	sadd.s32 s3, s2  }
0x5: {  	s2 =	sadd.s32 s2, s18  }
0x6: {  	[smem:$0x3FA8] =	sst s2  }
0x7: {  	_ = 	snop  }
0x8: {  	s2 =	sld [smem:$0x3FD0];
	(tm) =	ssettm $0x1  }
0x9: {  	s19 =	sld [smem:$0x3FFB];
	_ =	sdelay $0x3  }
0xa: {  	_ =	strace s19  }
0xb: {  	s3 =	sld [smem:$0x3FFC];
	_ =	sdelay $0x3  }
0xc: {  	_ =	strace s3  }
0xd: {  	s3 =	sld [smem:$0x3FFD];
	_ =	sdelay $0x3  }
0xe: {  	_ =	strace s3  }
0xf: {  	_ =	strace $0x8FFFFFFF  }
0x10: {  	s20 =	sld [smem:$0x3FDB];
	_ =	sdelay $0x1  }
0x11: {  	s4 =	simm.s32 $_scs_section_size  }
0x12: {  	s5 =	simm.s32 $_size__tile_overlayer_lowered;
	s6 =	simm.s32 $_tile_overlayer_lowered  }
0x13: {  	s23 =	simm.s32 $0x1BFF;
	s22 =	sshll.u32 s6, $0x1;
	s3 =	sadd.s32 s4, s20  }
0x14: {  	s7 =	simm.s32 $0x0;
	s21 =	sshll.u32 s5, $0x1;
	s5 =	sadd.s32 s22, s3  }
0x15: {  	[timem:s7], [sflag:s23] =	dma.local [hbm:s5], s21  }
0x16: {  	_ =	swait.ge [sflag:s23], s21  }
0x17: {  	s4 =	ssub.s32 $0x0, s21;
	[sflag:s23] =	ssyncset.done $0x0  }
0x18: {  	[sflag:s23] =	ssyncadd.s32 s4;
	_ =	sdelay $0x1  }
0x19: {  	s24 =	simm.s32 $0x1B8B  }
0x1a: {  	_ =	swait.ge [sflag:s24], $0x1  }
0x1b: {  	[sflag:s24] =	ssyncset.done $0x0  }
0x1c: {  	s26 =	simm.s32 $0x1B8E;
	s25 =	sld [smem:$0x3FFE];
	[sflag:s24] =	ssyncadd.s32 $0xFFFFFFFF  }
0x1d: {  	s27 =	simm.s32 $execute0_lowered;
	[smem:$0x3FD2] =	sst s26  }
0x1e: {  	s5 =	sshll.u32 s27, $0x1;
	_ =	strace $0x80000052;
	[dreg:$0x1] =	wrdreg $0xFFFFFFFF  }
0x1f: {  	s28 =	simm.s32 $_size_execute0_lowered;
	s3 =	sadd.s32 s3, s5;
	[dreg:$0x0] =	wrdreg $0x0  }
0x20: {  	s5 =	sshll.u32 s28, $0x1;
	[dreg:$0x2] =	wrdreg s3  }
0x21: {  	[dreg:$0x3] =	wrdreg s5  }
0x22: {  	[dreg:$0x4] =	wrdreg $0xC0  }
0x23: {  	_ =	task [dreg:s7], $0x5FFFF  }
0x24: {  	[dreg:$0x1] =	wrdreg $0xFFFFFFFF  }
0x25: {  	[dreg:$0x0] =	wrdreg $0x60  }
0x26: {  	[dreg:$0x2] =	wrdreg s25  }
0x27: {  	[dreg:$0x3] =	wrdreg s2  }
0x28: {  	[dreg:$0x4] =	wrdreg $0x9  }
0x29: {  	_ =	task.clear_ibuf [dreg:s7], $0x5FFFF;
	_ =	strace $0x90000052  }
0x2a: {  	s29 =	simm.s32 $0x9;
	_ =	strace $0x80000054  }
0x2b: {  	_ =	swait.ge [sflag:s29], $0x1  }
0x2c: {  	[sflag:s29] =	ssyncadd.s32 $0xFFFFFFFF  }
0x2d: {  	_ =	strace $0x90000054  }
0x2e: {  	_ =	sfence  }
0x2f: {  	s30 =	sld [smem:$0x0];
	_ =	sdelay $0x2  }
0x30: {  	s31 =	sshll.u32 s1, $0xD;
	s1 =	sshrl.u32 s1, $0x2  }
0x31: {  	s3 =	sand.u32 $0x4000, s31;
	s1 =	sadd.s32 s1, s30  }
0x32: {  	s0 =	sor.u32 s3, s0;
	s1 =	sshll.u32 s1, $0x11  }
0x33: {  	s0 =	sor.u32 s1, s0  }
0x34: {  	s0 =	sadd.s32 $0x8F2B, s0  }
0x35: {  	[sflag:s0] =	ssyncadd.remote.s32 $0x1  }
0x36: {  	_ =	sfence.sel $0xFFFF  }
0x37: {  	[dreg:$0x0] =	wrdreg $0xFFFFFFFF;
	(pc) =	sbr.abs _section_cstart, $3  }
0x38: {  	[dreg:$0x1] =	wrdreg $0xFFFFFFFF  }
0x39: {  	_ =	task.clear_ibuf [dreg:s7], $0x2FFFF;
	_ =	strace $0x9FFFFFFF  }
0x3a: {  	(tm) =	ssettm $0x7FFFFFFF  }
0x3b: {  	_ =	shalt  }
tec
execute0_lowered:
.L_overlay_start_1:
0x0: {  	(tag) =	ssettag $0x1  }
0x1: {  	s0 =	stileid.u32  }
0x2: {  	s1 =	srdreg.scid;
	s8 =	rddreg [dreg:$0x0];
	s31 =	simm.s32 $0x2  }
0x3: {  	s20 =	simm.s32 $0x0;
	s10 =	simm.s32 $0xF800;
	s23 =	simm.s32 $0x0  }
0x4: {  	s21 =	simm.s32 $0x0;
	s2 =	sshll.u32 s1, $0x4;
	s1 =	sand.u32 $0x6, s0  }
0x5: {  	s3 =	sand.u32 $0x10, s2;
	s2 =	sand.u32 $0x1, s0;
	s4 =	ssub.s32 $0x8, s1  }
0x6: {  	s3 =	sor.u32 s0, s3;
	s5 =	ssub.s32 $0x2, s2;
	s6 =	sand.u32 $0x6, s4  }
0x7: {  	s9 =	sshrl.u32 s4, $0x3;
	p0 =	sne.s32 s6, $0x0;
	s6 =	simm.s32 $0x1  }
0x8: {  	s7 =	sshrl.u32 s5, $0x1;
	s5 =	sand.u32 $0x1, s5;
	s6 =	simm.s32 @!p0 $0x0  }
0x9: {  	s4 =	sshrl.u32 s3, $0x3;
	s29 =	sadd.s32 s5, s7;
	s30 =	sadd.s32 s6, s9  }
0xa: {  	p0 =	seq.s32 s4, $0x3;
	s6 =	simm.s32 $0x7;
	s7 =	smul.u32 s30, s29  }
0xb: {  	s22 =	simm.s32 $0x0;
	s11 =	simm.s32 $0x0;
	s6 =	simm.s32 @!p0 $0x8  }
0xc: {  	s12 =	simm.s32 $0x0;
	s13 =	simm.s32 $0x0;
	s7 =	smul.u32 s6, s7  }
.Ltmp0:
0xd: {  	s15 =	simm.s32 $0x0;
	s14 =	simm.s32 $0x0;
	(pc) =	sbr.rel .LBB1_1-.Ltmp0, $4  }
0xe: {  	s19 =	simm.s32 $0x0;
	s8 =	sadd.s32 $0x5600, s8;
	s5 =	rddreg [dreg:$0x1]  }
0xf: {  	_ =	strace $0x80000053;
	s6 =	simm.s32 $0x1;
	s7 =	smul.u32 $0x3, s7  }
0x10: {  	s17 =	smov.u32 s1;
	s18 =	smov.u32 s2;
	[sflag:s6] =	ssyncpa.u1 $0x0  }
0x11: {  	s16 =	smov.u32 s4;
	[sflag:s31] =	ssyncpa.u1 $0x0;
	s9 =	sadd.s32 $0x1, s7  }
.LBB1_7:
0x12: {  	p0 =	slt.u32 s19, $0x2;
	s0 =	smov.u32 s23  }
0x13: {  	s24 =	smov.u32 s16;
	s25 =	smov.u32 s17;
	p1 =	sgt.s32 @!p0 s23, $0x1E  }
0x14: {  	s3 =	sshra.s32 @!p0 s23, $0x1F;
	p2 =	sgt.s32 @!p0 s21, $0x6;
	p1 =	por !p1, p0  }
0x15: {  	s3 =	sand.u32 @!p0 s3, s23;
	p2 =	por !p2, p0;
	s0 =	simm.s32 @p1 $0x1E  }
0x16: {  	p1 =	sgt.s32 @!p0 s22, $0x1;
	s0 =	ssub.s32 @!p0 s0, s3;
	s3 =	sshra.s32 @!p0 s22, $0x1F  }
0x17: {  	p1 =	por !p1, p0;
	s23 =	sadd.s32 @!p0 $0xFFFFFFE2, s0;
	s3 =	sand.u32 @!p0 s3, s22  }
0x18: {  	s22 =	simm.s32 @p1 $0x1;
	s0 =	ssub.s32 @!p0 $0x1F, s0;
	s3 =	sxor.u32 @!p0 $0xFFFFFFFF, s3  }
0x19: {  	p1 =	sgt.s32 @!p0 s23, $0x0;
	s3 =	sadd.s32 @!p0 s3, s22;
	s22 =	smov.u32 s21  }
0x1a: {  	s23 =	sshra.s32 @!p0 s21, $0x1F;
	s22 =	simm.s32 @p2 $0x6;
	p2 =	sgt.s32 @!p0 s3, $0x0  }
0x1b: {  	s21 =	sand.u32 @!p0 s23, s21;
	s3 =	ssub.s32 @!p0 $0x1, s3;
	p2 =	por !p2, p0  }
0x1c: {  	s21 =	ssub.s32 @!p0 s22, s21;
	s3 =	simm.s32 @!p2 $0x0;
	p2 =	sgt.s32 @!p0 s20, $0xC0  }
0x1d: {  	s23 =	smov.u32 s20;
	s22 =	sadd.s32 @!p0 $0xFFFFFFFA, s21;
	p2 =	por !p2, p0  }
0x1e: {  	s23 =	simm.s32 @p2 $0xC0;
	p2 =	sgt.s32 @!p0 s22, $0x1;
	s22 =	sshra.s32 @!p0 s20, $0x1F  }
0x1f: {  	s21 =	ssub.s32 @!p0 $0x8, s21;
	p2 =	por !p2, p0;
	s20 =	sand.u32 @!p0 s22, s20  }
0x20: {  	s0 =	smul.u32 @!p0 $0xE0, s0;
	s21 =	simm.s32 @!p2 $0x0;
	s20 =	ssub.s32 @!p0 s23, s20  }
0x21: {  	p1 =	por !p1, p0;
	s22 =	sadd.s32 @!p0 $0xFFFFFF40, s20;
	s3 =	smul.u32 @!p0 s3, s21  }
0x22: {  	s0 =	simm.s32 @!p1 $0x0;
	s20 =	ssub.s32 @!p0 $0x100, s20;
	p1 =	sgt.s32 @!p0 s22, $0x3F  }
0x23: {  	p1 =	por !p1, p0;
	s0 =	smul.u32 @!p0 s0, s3;
	s3 =	sadd.s32 $0x40, s14  }
0x24: {  	s21 =	sadd.s32 $0x4, s16;
	s20 =	simm.s32 @!p1 $0x0;
	p1 =	sgt.s32 s3, $0xBF  }
0x25: {  	s26 =	smov.u32 s18;
	s27 =	simm.s32 @!p0 $0x2;
	s24 =	smov.u32 @p1 s21  }
0x26: {  	s0 =	smul.u32 @!p0 s20, s0;
	s20 =	sadd.s32 $0x8, s17;
	p2 =	sgt.s32 s24, $0x1E  }
0x27: {  	s23 =	smov.u32 s12;
	s12 =	smov.u32 s16;
	s25 =	smov.u32 @p2 s20  }
0x28: {  	s3 =	simm.s32 @p1 $0x0;
	s20 =	sadd.s32 $0x2, s18;
	p1 =	sgt.s32 s25, $0x7  }
0x29: {  	s22 =	smov.u32 s15;
	s15 =	smov.u32 s18;
	s26 =	smov.u32 @p1 s20  }
0x2a: {  	s21 =	smov.u32 s13;
	s25 =	smov.u32 @p1 s1;
	p1 =	sgt.s32 s26, $0x1  }
0x2b: {  	s0 =	sshrl.u32 @!p0 s0, $0x1;
	s26 =	smov.u32 @p1 s2;
	p1 =	sne.s32 s19, s9  }
.Ltmp1:
0x2c: {  	s24 =	smov.u32 @p2 s4;
	s0 =	sand.u32 @!p0 $0x3FFFFFF0, s0;
	(pc) =	sbr.rel @!p1 .LBB1_8-.Ltmp1, $4  }
0x2d: {  	s13 =	smov.u32 s17;
	s16 =	smov.u32 s24;
	_ =	swait.ge @!p0 [sflag:s27], s0  }
0x2e: {  	s0 =	ssub.s32 @!p0 $0x0, s0;
	s20 =	smov.u32 s11;
	s11 =	smov.u32 s14  }
0x2f: {  	s14 =	smov.u32 s3;
	[sflag:s27] =	ssyncset.done @!p0 $0x0;
	s17 =	smov.u32 s25  }
0x30: {  	s19 =	sadd.s32 $0x1, s19;
	[sflag:s27] =	ssyncadd.s32 @!p0 s0;
	s18 =	smov.u32 s26  }
.LBB1_1:
0x31: {  	p0 =	sge.u32 s19, s7  }
0x32: {  	s24 =	sshll.u32 @!p0 s14, $0x8;
	s25 =	sshll.u32 @!p0 s14, $0x7  }
0x33: {  	s24 =	sand.u32 @!p0 $0xFFFFF800, s24;
	s25 =	sand.u32 @!p0 $0x300, s25  }
0x34: {  	s24 =	sor.u32 @!p0 s25, s24  }
0x35: {  	s26 =	smul.u32 @!p0 $0xBA000, s18;
	s24 =	sshrl.u32 @!p0 s24, $0x8  }
0x36: {  	s25 =	smulhi.u32 @!p0 $0x1555556, s24  }
0x37: {  	s27 =	smul.u32 @!p0 $0x17400, s17  }
0x38: {  	s25 =	smul.u32 @!p0 $0xC0, s25  }
0x39: {  	s28 =	smul.u32 @!p0 $0xC00, s16;
	s26 =	sadd.s32 @!p0 s8, s26  }
0x3a: {  	s24 =	ssub.s32 @!p0 s24, s25;
	s25 =	sadd.s32 @!p0 s27, s26  }
0x3b: {  	s26 =	sxor.u32 @!p0 $0xFFFFFFFF, s19;
	s24 =	sshll.u32 @!p0 s24, $0x4;
	s25 =	sadd.s32 @!p0 s28, s25  }
0x3c: {  	s31 =	sadd.s32 $0xFFFFFFFF, s19;
	s24 =	sadd.s32 @!p0 s24, s25;
	s25 =	sshll.u32 @!p0 s26, $0xE  }
0x3d: {  	s27 =	simm.s32 @!p0 $0xBA000;
	s26 =	simm.s32 @!p0 $0x2000;
	s25 =	sand.u32 @!p0 $0x4000, s25  }
0x3e: {  	[tilespmem:s25], [sflag:$0x1] =	stream.strided.gather @!p0 [hbm4b:s24+s26], $0x4000, s27, s26, $0x38;
	[tilespmem:$0x10200] =	vst v63  }
0x3f: {  	p0 =	sge.u32 s31, s7  }
.Ltmp2:
0x40: {  	_ = 	snop;
	(pc) =	sbr.rel @p0 .LBB1_7-.Ltmp2, $1  }
0x41: {  	_ =	sdelay $0x3  }
0x42: {  	s24 =	sand.u32 $0x1, s19  }
0x43: {  	_ =	swait.ge [sflag:s6], $0x4000;
	s25 =	smul.u32 $0x10400, s24  }
0x44: {  	[sflag:s6] =	ssyncset.done $0x0  }
0x45: {  	[sflag:s6] =	ssyncadd.s32 $0xFFFFC000;
	s26 =	sshrl.u32 s25, $0x2  }
0x46: {  	s25 =	sshll.u32 s24, $0xE;
	s24 =	sor.u32 $0x8000, s26;
	s26 =	simm.s32 $0x0  }
.LBB1_3:
0x47: {  	s27 =	sshll.u32 s26, $0x7  }
0x48: {  	s28 =	sshll.u32 s26, $0x6;
	s27 =	sand.u32 $0x1C00, s27  }
0x49: {  	s28 =	sand.u32 $0x180, s28;
	s29 =	sadd.s32 s27, s25  }
0x4a: {  	s29 =	sadd.s32 s28, s29  }
0x4b: {  	s27 =	sshll.u32 s26, $0x1;
	v0 =	vmov s29  }
0x4c: {  	s28 =	sor.u32 $0x2, s27  }
0x4d: {  	p0 =	por $0x1, $0x1;
	s28 =	sshrl.u32 s28, $0x1;
	s29 =	simm.s32 $0x0  }
.LBB1_4:
0x4e: {  	s30 =	sshll.u32 s29, $0x2  }
0x4f: {  	s31 =	sand.u32 $0x3FFFFFFC, s30  }
0x50: {  	v1 =	vld.idx.msk [tilespmem:v0+s31+$0x0 ss:$0x1], $0xffff  }
0x51: {  	v2 =	vld.idx.msk [tilespmem:v0+s31+$0x2000 ss:$0x1], $0xffff  }
0x52: {  	v3 =	vld.idx.msk [tilespmem:v0+s31+$0x10 ss:$0x1], $0xffff  }
0x53: {  	s29 =	smul.u32 $0x104, s29;
	v4 =	vld.idx.msk [tilespmem:v0+s31+$0x2010 ss:$0x1], $0xffff  }
0x54: {  	v5 =	vld.idx.msk [tilespmem:v0+s31+$0x20 ss:$0x1], $0xffff  }
0x55: {  	s29 =	sshra.s32 s29, $0x2;
	v6 =	vld.idx.msk [tilespmem:v0+s31+$0x2020 ss:$0x1], $0xffff  }
0x56: {  	v9 =	vld.idx.msk [tilespmem:v0+s31+$0x30 ss:$0x1], $0xffff;
	s30 =	sadd.s32 s29, s24;
	s29 =	sshrl.u32 s27, $0x1;
	v7 =	vunpack.i.l.s16.s32 v1;
	v8 =	vunpack.i.l.s16.s32 v2  }
0x57: {  	v51 =	vld.idx.msk [tilespmem:v0+s31+$0x2030 ss:$0x1], $0xffff;
	s3 =	sadd.s32 s29, s30;
	v1 =	vunpack.i.u.s16.s32 v1;
	v2 =	vunpack.i.u.s16.s32 v2;
	v7 =	vpack.i.b32.b16 v8, v7  }
0x58: {  	v10 =	vld.idx.msk [tilespmem:v0+s31+$0x40 ss:$0x1], $0xffff;
	s0 =	sadd.s32 $0x410, s30;
	v52 =	vunpack.i.l.s16.s32 v4;
	v1 =	vpack.i.b32.b16 v2, v1;
	v2 =	vunpack.i.l.s16.s32 v3;
	[tilespmem:s3+$0x0 ss:$0x41] =	vst.msk $0xffff, v7;
	s3 =	sadd.s32 s28, s30  }
0x59: {  	v53 =	vld.idx.msk [tilespmem:v0+s31+$0x2040 ss:$0x1], $0xffff;
	v2 =	vpack.i.b32.b16 v52, v2;
	[tilespmem:s3+$0x0 ss:$0x41] =	vst.msk $0xffff, v1;
	v1 =	vunpack.i.u.s16.s32 v3;
	v3 =	vunpack.i.u.s16.s32 v4;
	s3 =	sadd.s32 s29, s0  }
0x5a: {  	v54 =	vld.idx.msk [tilespmem:v0+s31+$0x50 ss:$0x1], $0xffff;
	s0 =	sadd.s32 s28, s0;
	[tilespmem:s3+$0x0 ss:$0x41] =	vst.msk $0xffff, v2;
	v1 =	vpack.i.b32.b16 v3, v1;
	v2 =	vunpack.i.l.s16.s32 v5;
	v3 =	vunpack.i.l.s16.s32 v6;
	s3 =	sadd.s32 $0x820, s30  }
0x5b: {  	v55 =	vunpack.i.u.s16.s32 v6;
	[tilespmem:s0+$0x0 ss:$0x41] =	vst.msk $0xffff, v1;
	v1 =	vunpack.i.u.s16.s32 v5;
	v2 =	vpack.i.b32.b16 v3, v2;
	s0 =	sadd.s32 s29, s3;
	v3 =	vld.idx.msk [tilespmem:v0+s31+$0x2050 ss:$0x1], $0xffff  }
0x5c: {  	v57 =	vld.idx.msk [tilespmem:v0+s31+$0x60 ss:$0x1], $0xffff;
	v56 =	vunpack.i.l.s16.s32 v51;
	[tilespmem:s0+$0x0 ss:$0x41] =	vst.msk $0xffff, v2;
	v1 =	vpack.i.b32.b16 v55, v1;
	s0 =	sadd.s32 s28, s3;
	v2 =	vunpack.i.l.s16.s32 v9;
	s3 =	sadd.s32 $0xC30, s30  }
0x5d: {  	v58 =	vld.idx.msk [tilespmem:v0+s31+$0x2060 ss:$0x1], $0xffff;
	v8 =	vunpack.i.u.s16.s32 v51;
	[tilespmem:s0+$0x0 ss:$0x41] =	vst.msk $0xffff, v1;
	v1 =	vunpack.i.u.s16.s32 v9;
	v2 =	vpack.i.b32.b16 v56, v2;
	s0 =	sadd.s32 s29, s3  }
0x5e: {  	v60 =	vld.idx.msk [tilespmem:v0+s31+$0x70 ss:$0x1], $0xffff;
	v59 =	vunpack.i.l.s16.s32 v53;
	[tilespmem:s0+$0x0 ss:$0x41] =	vst.msk $0xffff, v2;
	v1 =	vpack.i.b32.b16 v8, v1;
	s0 =	sadd.s32 s28, s3;
	v2 =	vunpack.i.l.s16.s32 v10;
	s3 =	sadd.s32 $0x1040, s30  }
0x5f: {  	v61 =	vld.idx.msk [tilespmem:v0+s31+$0x2070 ss:$0x1], $0xffff;
	v4 =	vunpack.i.u.s16.s32 v53;
	[tilespmem:s0+$0x0 ss:$0x41] =	vst.msk $0xffff, v1;
	v1 =	vunpack.i.u.s16.s32 v10;
	v2 =	vpack.i.b32.b16 v59, v2;
	s0 =	sadd.s32 s29, s3  }
0x60: {  	s31 =	sadd.s32 s28, s3;
	s3 =	sadd.s32 $0x1450, s30;
	[tilespmem:s0+$0x0 ss:$0x41] =	vst.msk $0xffff, v2;
	v1 =	vpack.i.b32.b16 v4, v1;
	v2 =	vunpack.i.l.s16.s32 v54;
	v62 =	vunpack.i.l.s16.s32 v3  }
0x61: {  	v3 =	vunpack.i.u.s16.s32 v3;
	[tilespmem:s31+$0x0 ss:$0x41] =	vst.msk $0xffff, v1;
	v1 =	vpack.i.b32.b16 v62, v2;
	v2 =	vunpack.i.u.s16.s32 v54;
	s31 =	sadd.s32 s29, s3  }
0x62: {  	p1 =	por p0, p0;
	[tilespmem:s31+$0x0 ss:$0x41] =	vst.msk $0xffff, v1;
	v1 =	vpack.i.b32.b16 v3, v2;
	s31 =	sadd.s32 s28, s3;
	v2 =	vunpack.i.l.s16.s32 v57;
	v3 =	vunpack.i.l.s16.s32 v58;
	s3 =	sadd.s32 $0x1860, s30  }
.Ltmp3:
0x63: {  	[tilespmem:s31+$0x0 ss:$0x41] =	vst.msk $0xffff, v1;
	v1 =	vpack.i.b32.b16 v3, v2;
	v2 =	vunpack.i.u.s16.s32 v57;
	v3 =	vunpack.i.u.s16.s32 v58;
	s31 =	sadd.s32 s29, s3;
	(pc) =	sbr.rel @p1 .LBB1_4-.Ltmp3, $4  }
0x64: {  	s3 =	sadd.s32 s28, s3;
	[tilespmem:s31+$0x0 ss:$0x41] =	vst.msk $0xffff, v1;
	v1 =	vpack.i.b32.b16 v3, v2;
	v2 =	vunpack.i.l.s16.s32 v60;
	v3 =	vunpack.i.l.s16.s32 v61;
	s31 =	sadd.s32 $0x1C70, s30  }
0x65: {  	v63 =	vunpack.i.u.s16.s32 v61;
	[tilespmem:s3+$0x0 ss:$0x41] =	vst.msk $0xffff, v1;
	v1 =	vunpack.i.u.s16.s32 v60;
	v2 =	vpack.i.b32.b16 v3, v2;
	s30 =	sadd.s32 s29, s31  }
0x66: {  	s31 =	sadd.s32 s28, s31;
	[tilespmem:s30+$0x0 ss:$0x41] =	vst.msk $0xffff, v2;
	v1 =	vpack.i.b32.b16 v63, v1  }
0x67: {  	p0 =	por $0x0, $0x0;
	s29 =	simm.s32 $0x80;
	[tilespmem:s31+$0x0 ss:$0x41] =	vst.msk $0xffff, v1  }
0x68: {  	p0 =	slt.u32 s26, $0x3E  }
.Ltmp4:
0x69: {  	_ = 	snop;
	(pc) =	sbr.rel @p0 .LBB1_3-.Ltmp4, $3  }
0x6a: {  	_ =	sdelay $0x1  }
0x6b: {  	s0 =	sadd.s32 $0x2, s26  }
0x6c: {  	s26 =	smov.u32 s0  }
0x6d: {  	p0 =	sgt.s32 s12, $0x1E  }
0x6e: {  	s0 =	smov.u32 s12;
	s3 =	smov.u32 s15;
	s25 =	sshra.s32 s12, $0x1F  }
0x6f: {  	s26 =	sshra.s32 s15, $0x1F;
	s27 =	smov.u32 s13;
	s28 =	sshra.s32 s13, $0x1F  }
0x70: {  	s31 =	sshll.u32 s11, $0x3;
	s0 =	simm.s32 @!p0 $0x1E;
	p0 =	sgt.s32 s15, $0x1  }
0x71: {  	s26 =	sand.u32 s26, s15;
	s28 =	sand.u32 s28, s13;
	s25 =	sand.u32 s25, s12  }
0x72: {  	s3 =	simm.s32 @!p0 $0x1;
	p0 =	sgt.s32 s13, $0x6;
	s26 =	sxor.u32 $0xFFFFFFFF, s26  }
0x73: {  	s0 =	ssub.s32 s0, s25;
	s25 =	smov.u32 s11;
	s27 =	simm.s32 @!p0 $0x6  }
0x74: {  	s3 =	sadd.s32 s26, s3;
	s29 =	sadd.s32 $0xFFFFFFE2, s0;
	s0 =	ssub.s32 $0x1F, s0  }
0x75: {  	s30 =	ssub.s32 s27, s28;
	p0 =	sgt.s32 s3, $0x0;
	s3 =	ssub.s32 $0x1, s3  }
0x76: {  	s0 =	smul.u32 $0xE0, s0;
	s27 =	sadd.s32 $0xFFFFFFFA, s30;
	s3 =	simm.s32 @p0 $0x0  }
0x77: {  	s26 =	ssub.s32 $0x8, s30;
	s30 =	sshra.s32 s11, $0x1F;
	p0 =	sgt.s32 s27, $0x1  }
0x78: {  	s27 =	sand.u32 $0x400, s31;
	s26 =	simm.s32 @p0 $0x0;
	p0 =	sgt.s32 s11, $0xC0  }
0x79: {  	s28 =	sand.u32 s30, s11;
	s31 =	sshll.u32 s13, $0x7;
	s25 =	simm.s32 @!p0 $0xC0  }
0x7a: {  	p0 =	sgt.s32 s29, $0x0;
	s3 =	smul.u32 s3, s26;
	s25 =	ssub.s32 s25, s28  }
0x7b: {  	s29 =	sand.u32 $0x300, s31;
	s0 =	simm.s32 @p0 $0x0;
	s30 =	sadd.s32 $0xFFFFFF40, s25  }
0x7c: {  	s25 =	ssub.s32 $0x100, s25;
	s0 =	smul.u32 s0, s3;
	p0 =	sgt.s32 s30, $0x3F  }
0x7d: {  	s26 =	sshll.u32 s15, $0x7;
	s31 =	sor.u32 s29, s27;
	s25 =	simm.s32 @p0 $0x0  }
0x7e: {  	s28 =	sshll.u32 s12, $0x8;
	s29 =	sshrl.u32 s11, $0x3;
	s0 =	smul.u32 s25, s0  }
.Ltmp5:
0x7f: {  	s3 =	sshrl.u32 s31, $0x4;
	s25 =	sadd.s32 s5, s26;
	(pc) =	sbr.rel .LBB1_7-.Ltmp5, $4  }
0x80: {  	s27 =	sand.u32 $0xF, s29;
	s30 =	sand.u32 $0x7, s11;
	s25 =	sadd.s32 s28, s25  }
0x81: {  	s26 =	sshll.u32 s30, $0x12;
	s0 =	sshrl.u32 s0, $0x1;
	s25 =	sadd.s32 s27, s25  }
0x82: {  	s31 =	sor.u32 $0x40, s26;
	s0 =	sand.u32 $0x3FFFFFF0, s0;
	s3 =	sadd.s32 s3, s25  }
0x83: {  	[hbm4b:s3+s31] =	stream.strided.scatter [tilespmem:s24], [sflag:$0x2], s0, s10, s31, $0x18;
	[tilespmem:$0x10200] =	vst v63  }
.LBB1_8:
0x84: {  	_ =	sfence.sel $0x180000  }
0x85: {  	s0 =	simm.s32 $0x1;
	[bflag:$0x0] =	sbarrier.arrive $0xFFFF  }
0x86: {  	s30 =	simm.s32 $0x2;
	[sflag:s0] =	ssyncpa.u1 $0x1  }
0x87: {  	[sflag:s30] =	ssyncpa.u1 $0x1  }
0x88: {  	_ =	strace $0x90000053  }
0x89: {  	s31 =	stileid.u32;
	[bflag:$0x2] =	sbarrier.arrive $0xFFFF  }
0x8a: {  	p0 =	sne.s32 s31, $0x0;
	s0 =	rddreg [dreg:$0x2]  }
0x8b: {  	s0 =	sadd.s32 @!p0 $0x100000, s0  }
0x8c: {  	[sflag:s0] =	ssyncadd.tile.s32 @!p0 $0x1;
	_ =	shalt  }
.Lfunc_end1:
_tile_overlayer_lowered:
.L_overlay_start_2:
0x8d: {  	(tag) =	ssettag $0x2  }
0x8e: {  	s0 =	rddreg [dreg:$0x0];
	s2 =	stileid.u32  }
0x8f: {  	s1 =	rddreg [dreg:$0x1];
	p0 =	sne.s32 s2, $0x0  }
0x90: {  	s3 =	rddreg [dreg:$0x2];
	[bflag:$0x3] =	sbarrier.arrive $0xFFFF;
	s2 =	simm.s32 @!p0 $0x1C01  }
0x91: {  	[timem:s3], [sflag:s2] =	dma.local @!p0 [hbm:s0], s1  }
0x92: {  	s0 =	simm.s32 @!p0 $0x1  }
0x93: {  	_ =	swait.ge @!p0 [sflag:s0], s1  }
0x94: {  	s1 =	ssub.s32 @!p0 $0x0, s1;
	[sflag:s0] =	ssyncset.done @!p0 $0x0  }
0x95: {  	[sflag:s0] =	ssyncadd.s32 @!p0 s1  }
0x96: {  	[bflag:$0x3] =	sbarrier.arrive $0xFFFF  }
0x97: {  	_ =	shalt  }

// kernel: sparse-core-data-format-call.7.cloned.1.call-start
scs
called_computation.7_lowered:
.L_overlay_start_0:
0x0: {  	s2 =	sld [smem:$0x3FD9]  }
0x1: {  	s3 =	sld [smem:$0x3FFE];
	_ =	sdelay $0x1  }
0x2: {  	s1 =	srdreg.scid  }
0x3: {  	s0 =	sand.u32 $0x1, s1  }
0x4: {  	s18 =	sshll.u32 s0, $0xA;
	s2 =	sadd.s32 s3, s2  }
0x5: {  	s2 =	sadd.s32 s2, s18  }
0x6: {  	[smem:$0x3FA8] =	sst s2  }
0x7: {  	_ = 	snop  }
0x8: {  	(tm) =	ssettm $0x1  }
0x9: {  	s19 =	sld [smem:$0x3FFB];
	_ =	sdelay $0x3  }
0xa: {  	_ =	strace s19  }
0xb: {  	s2 =	sld [smem:$0x3FFC];
	_ =	sdelay $0x3  }
0xc: {  	_ =	strace s2  }
0xd: {  	s2 =	sld [smem:$0x3FFD];
	_ =	sdelay $0x3  }
0xe: {  	_ =	strace s2  }
0xf: {  	_ =	strace $0x8FFFFFFF  }
0x10: {  	s20 =	sld [smem:$0x3FDB];
	_ =	sdelay $0x1  }
0x11: {  	s21 =	simm.s32 $_scs_section_size  }
0x12: {  	s4 =	simm.s32 $_size__tile_overlayer_lowered;
	s5 =	simm.s32 $_tile_overlayer_lowered  }
0x13: {  	s6 =	simm.s32 $0x1BFF;
	s22 =	sshll.u32 s5, $0x1;
	s3 =	sadd.s32 s21, s20  }
0x14: {  	s23 =	simm.s32 $0x0;
	s4 =	sshll.u32 s4, $0x1;
	s5 =	sadd.s32 s22, s3  }
0x15: {  	[timem:s23], [sflag:s6] =	dma.local [hbm:s5], s4  }
0x16: {  	_ =	swait.ge [sflag:s6], s4  }
0x17: {  	s4 =	ssub.s32 $0x0, s4;
	[sflag:s6] =	ssyncset.done $0x0  }
0x18: {  	[sflag:s6] =	ssyncadd.s32 s4;
	_ =	sdelay $0x1  }
0x19: {  	s24 =	simm.s32 $0x1B8B  }
0x1a: {  	_ =	swait.ge [sflag:s24], $0x1  }
0x1b: {  	[sflag:s24] =	ssyncset.done $0x0  }
0x1c: {  	[sflag:s24] =	ssyncadd.s32 $0xFFFFFFFF  }
0x1d: {  	s4 =	sld [smem:$0x0]  }
0x1e: {  	s5 =	sand.u32 $0xFFFFFFFE, s1  }
0x1f: {  	p0 =	sne.s32 s1, s5  }
0x20: {  	s5 =	sshll.u32 @p0 s5, $0xE  }
0x21: {  	s5 =	sadd.s32 @p0 $0x11B8D, s5;
	s6 =	sshll.u32 @p0 s4, $0x11  }
0x22: {  	s5 =	sor.u32 @p0 s6, s5  }
0x23: {  	[sflag:s5] =	ssyncadd.remote.s32 @p0 $0x1;
	_ =	sdelay $0x1  }
0x24: {  	s5 =	simm.s32 @p0 $0x1B8D  }
0x25: {  	_ =	swait.eq @p0 [sflag:s5], $0x1  }
0x26: {  	[sflag:s5] =	ssyncadd.s32 @p0 $0xFFFFFFFF  }
0x27: {  	s6 =	sshll.u32 @!p0 s1, $0xE  }
0x28: {  	s6 =	sor.u32 @!p0 $0x4000, s6;
	s5 =	simm.s32 @!p0 $0x1B8D  }
0x29: {  	s4 =	sshll.u32 @!p0 s4, $0x11;
	s6 =	sadd.s32 @!p0 $0x11B8D, s6;
	_ =	swait.eq @!p0 [sflag:s5], $0x1  }
0x2a: {  	s4 =	sor.u32 @!p0 s4, s6;
	[sflag:s5] =	ssyncadd.s32 @!p0 $0xFFFFFFFF  }
0x2b: {  	s26 =	simm.s32 $0x1B8E;
	s25 =	sld [smem:$0x3FFE];
	[sflag:s4] =	ssyncadd.remote.s32 @!p0 $0x1  }
0x2c: {  	s27 =	simm.s32 $execute0_lowered;
	[smem:$0x3FD2] =	sst s26  }
0x2d: {  	s5 =	sshll.u32 s27, $0x1;
	_ =	strace $0x80000055;
	[dreg:$0x1] =	wrdreg $0xFFFFFFFF  }
0x2e: {  	s28 =	simm.s32 $_size_execute0_lowered;
	s3 =	sadd.s32 s3, s5;
	[dreg:$0x0] =	wrdreg $0x0  }
0x2f: {  	s5 =	sshll.u32 s28, $0x1;
	[dreg:$0x2] =	wrdreg s3  }
0x30: {  	[dreg:$0x3] =	wrdreg s5  }
0x31: {  	[dreg:$0x4] =	wrdreg $0xC0  }
0x32: {  	_ =	task [dreg:s23], $0x5FFFF  }
0x33: {  	[dreg:$0x1] =	wrdreg $0xFFFFFFFF  }
0x34: {  	[dreg:$0x0] =	wrdreg $0x60  }
0x35: {  	[dreg:$0x2] =	wrdreg s25  }
0x36: {  	[dreg:$0x3] =	wrdreg $0xA  }
0x37: {  	_ =	task.clear_ibuf [dreg:s23], $0x4FFFF;
	_ =	strace $0x90000055  }
0x38: {  	s29 =	simm.s32 $0xA;
	_ =	strace $0x80000057  }
0x39: {  	_ =	swait.ge [sflag:s29], $0x1  }
0x3a: {  	[sflag:s29] =	ssyncadd.s32 $0xFFFFFFFF  }
0x3b: {  	_ =	strace $0x90000057  }
0x3c: {  	_ =	sfence  }
0x3d: {  	s30 =	sld [smem:$0x0];
	_ =	sdelay $0x2  }
0x3e: {  	s31 =	sshll.u32 s1, $0xD;
	s1 =	sshrl.u32 s1, $0x2  }
0x3f: {  	s4 =	sand.u32 $0x4000, s31;
	s1 =	sadd.s32 s1, s30  }
0x40: {  	s0 =	sor.u32 s4, s0;
	s1 =	sshll.u32 s1, $0x11  }
0x41: {  	s0 =	sor.u32 s1, s0  }
0x42: {  	s0 =	sadd.s32 $0x8F2B, s0  }
0x43: {  	[sflag:s0] =	ssyncadd.remote.s32 $0x1  }
0x44: {  	_ =	sfence.sel $0xFFFF  }
0x45: {  	[dreg:$0x0] =	wrdreg $0xFFFFFFFF;
	(pc) =	sbr.abs _section_cstart, $3  }
0x46: {  	[dreg:$0x1] =	wrdreg $0xFFFFFFFF  }
0x47: {  	_ =	task.clear_ibuf [dreg:s23], $0x2FFFF;
	_ =	strace $0x9FFFFFFF  }
0x48: {  	(tm) =	ssettm $0x7FFFFFFF  }
0x49: {  	_ =	shalt  }
tec
execute0_lowered:
.L_overlay_start_1:
0x0: {  	(tag) =	ssettag $0x1  }
0x1: {  	s1 =	rddreg [dreg:$0x0]  }
0x2: {  	s0 =	rddreg [dreg:$0x1];
	s2 =	srdreg.scid;
	_ =	strace $0x80000056  }
0x3: {  	s4 =	simm.s32 $0x1;
	s7 =	simm.s32 $0x2;
	s16 =	simm.s32 $0x0  }
0x4: {  	p0 =	por $0x0, $0x0;
	s8 =	simm.s32 $0x1D000;
	s18 =	simm.s32 $0x0  }
0x5: {  	s17 =	simm.s32 $0x0;
	s9 =	simm.s32 $0x0;
	s10 =	simm.s32 $0x0  }
.Ltmp0:
0x6: {  	s11 =	simm.s32 $0x0;
	s2 =	sand.u32 $0x1, s2;
	(pc) =	sbr.rel .LBB1_1-.Ltmp0, $4  }
0x7: {  	s12 =	simm.s32 $0x0;
	s14 =	stileid.u32;
	s5 =	sxor.u32 $0xF, s2  }
0x8: {  	s15 =	simm.s32 $0x0;
	s3 =	sadd.s32 $0x179600, s1;
	s5 =	smul.u32 $0x3, s5  }
0x9: {  	[sflag:s4] =	ssyncpa.u1 $0x0;
	s6 =	sadd.s32 $0x431600, s1;
	s1 =	stileid.u32  }
0xa: {  	[sflag:s7] =	ssyncpa.u1 $0x0;
	s13 =	smov.u32 s2;
	s7 =	sadd.s32 $0x1, s5  }
.LBB1_4:
0xb: {  	_ =	sdelay $0x3  }
0xc: {  	s26 =	sor.u32 s29, s28;
	v47 =	vld.idx.msk [tilespmem:v0+s21+$0x470 ss:$0x1], $0xffff  }
0xd: {  	v57 =	vld.idx.msk [tilespmem:v0+s26+$0x410 ss:$0x1], $0xffff  }
0xe: {  	v58 =	vld.idx.msk [tilespmem:v0+s26+$0x420 ss:$0x1], $0xffff  }
0xf: {  	v59 =	vld.idx.msk [tilespmem:v0+s26+$0x430 ss:$0x1], $0xffff  }
0x10: {  	v60 =	vld.idx.msk [tilespmem:v0+s26+$0x440 ss:$0x1], $0xffff  }
0x11: {  	s27 =	sand.u32 $0x3B00, s26;
	v61 =	vld.idx.msk [tilespmem:v0+s26+$0x450 ss:$0x1], $0xffff  }
0x12: {  	[tilespmem:s23+$0x1860 ss:$0x41] =	vst.msk $0xffff, v8;
	s25 =	sand.u32 $0x80, s25;
	v62 =	vld.idx.msk [tilespmem:v0+s26+$0x460 ss:$0x1], $0xffff;
	s20 =	sadd.s32 s27, s20  }
0x13: {  	[tilespmem:s23+$0x1C70 ss:$0x41] =	vst.msk $0xffff, v7;
	v63 =	vld.idx.msk [tilespmem:v0+s26+$0x470 ss:$0x1], $0xffff;
	s25 =	sadd.s32 s25, s20  }
0x14: {  	[tilespmem:s23+$0x2490 ss:$0x41] =	vst.msk $0xffff, v1;
	v48 =	vld [tilespmem:s25+$0x400]  }
0x15: {  	[tilespmem:s23+$0x28A0 ss:$0x41] =	vst.msk $0xffff, v2;
	v49 =	vld [tilespmem:s25+$0x0]  }
0x16: {  	[tilespmem:s23+$0x2CB0 ss:$0x41] =	vst.msk $0xffff, v3;
	v50 =	vld [tilespmem:s25+$0x10]  }
0x17: {  	[tilespmem:s23+$0x30C0 ss:$0x41] =	vst.msk $0xffff, v4;
	v51 =	vld [tilespmem:s25+$0x20]  }
0x18: {  	[tilespmem:s23+$0x34D0 ss:$0x41] =	vst.msk $0xffff, v5;
	s29 =	sshra.s32 s24, $0x2;
	s21 =	sand.u32 $0x78, s9;
	s30 =	sshll.u32 s11, $0x8;
	v52 =	vld [tilespmem:s25+$0x30]  }
0x19: {  	[tilespmem:s23+$0x38E0 ss:$0x41] =	vst.msk $0xffff, v6;
	p1 =	sgt.s32 s10, $0x1C;
	s31 =	sshra.s32 s10, $0x1F;
	s28 =	sshll.u32 s9, $0x3;
	v53 =	vld [tilespmem:s25+$0x40]  }
0x1a: {  	s24 =	sand.u32 s31, s10;
	s27 =	sand.u32 $0xC00, s28;
	s20 =	sadd.s32 s29, s22;
	v54 =	vld [tilespmem:s25+$0x50];
	[tilespmem:s23+$0x3CF0 ss:$0x41] =	vst.msk $0xffff, v47  }
0x1b: {  	s28 =	sand.u32 $0x7, s9;
	s22 =	sand.u32 $0x800, s30;
	s29 =	sshra.s32 s11, $0x1F;
	v55 =	vld [tilespmem:s25+$0x60];
	[tilespmem:s20+$0x2490 ss:$0x41] =	vst.msk $0xffff, v57  }
0x1c: {  	s22 =	sadd.s32 s22, s27;
	v56 =	vld [tilespmem:s25+$0x70];
	s25 =	smov.u32 s11;
	s23 =	smov.u32 s10;
	[tilespmem:s20+$0x28A0 ss:$0x41] =	vst.msk $0xffff, v58  }
0x1d: {  	s30 =	sand.u32 s29, s11;
	s29 =	sshra.s32 s9, $0x1F;
	s23 =	simm.s32 @!p1 $0x1C;
	[tilespmem:s20+$0x2CB0 ss:$0x41] =	vst.msk $0xffff, v59  }
0x1e: {  	s27 =	sshll.u32 s10, $0x9;
	p1 =	sgt.s32 s11, $0xF;
	[tilespmem:s20+$0x30C0 ss:$0x41] =	vst.msk $0xffff, v60;
	s23 =	ssub.s32 s23, s24  }
0x1f: {  	[tilespmem:s20+$0x34D0 ss:$0x41] =	vst.msk $0xffff, v61;
	s25 =	simm.s32 @!p1 $0xF;
	s24 =	sadd.s32 $0xFFFFFFE4, s23;
	s23 =	ssub.s32 $0x1D, s23  }
0x20: {  	[tilespmem:s20+$0x38E0 ss:$0x41] =	vst.msk $0xffff, v62;
	s23 =	smul.u32 $0xE0, s23;
	p1 =	sgt.s32 s24, $0x0;
	s24 =	ssub.s32 s25, s30  }
0x21: {  	[tilespmem:s20+$0x3CF0 ss:$0x41] =	vst.msk $0xffff, v63;
	s25 =	smov.u32 s9;
	s30 =	sand.u32 s29, s9;
	s31 =	sadd.s32 $0xFFFFFFF1, s24  }
0x22: {  	[tilespmem:s20+$0x2080 ss:$0x41] =	vst.msk $0xffff, v48;
	s24 =	ssub.s32 $0x10, s24;
	s23 =	simm.s32 @p1 $0x0;
	p1 =	sgt.s32 s9, $0xC0  }
0x23: {  	[tilespmem:s20+$0x0 ss:$0x41] =	vst.msk $0xffff, v49;
	s25 =	simm.s32 @!p1 $0xC0;
	p1 =	sgt.s32 s31, $0x0;
	s31 =	sshll.u32 s11, $0x7  }
0x24: {  	[tilespmem:s20+$0x410 ss:$0x41] =	vst.msk $0xffff, v50;
	s24 =	simm.s32 @p1 $0x0;
	s25 =	ssub.s32 s25, s30;
	s29 =	sand.u32 $0x300, s31  }
0x25: {  	[tilespmem:s20+$0x820 ss:$0x41] =	vst.msk $0xffff, v51;
	s31 =	sand.u32 $0x80, s31;
	s23 =	smul.u32 s24, s23;
	s30 =	sadd.s32 $0xFFFFFF40, s25  }
0x26: {  	[tilespmem:s20+$0xC30 ss:$0x41] =	vst.msk $0xffff, v52;
	s24 =	ssub.s32 $0x100, s25;
	s22 =	sor.u32 s29, s22;
	p1 =	sgt.s32 s30, $0x3F  }
0x27: {  	[tilespmem:s20+$0x1040 ss:$0x41] =	vst.msk $0xffff, v53;
	s21 =	sor.u32 s31, s21;
	s22 =	sshrl.u32 s22, $0x3;
	s24 =	simm.s32 @p1 $0x0  }
0x28: {  	[tilespmem:s20+$0x1450 ss:$0x41] =	vst.msk $0xffff, v54;
	s21 =	sshrl.u32 s21, $0x3;
	s23 =	smul.u32 s24, s23;
	s24 =	sadd.s32 s6, s27  }
0x29: {  	[tilespmem:s20+$0x1860 ss:$0x41] =	vst.msk $0xffff, v55;
	s29 =	sshll.u32 s28, $0x12;
	s22 =	sand.u32 $0x1E0, s22;
	s21 =	sadd.s32 s21, s24  }
0x2a: {  	[tilespmem:s20+$0x1C70 ss:$0x41] =	vst.msk $0xffff, v56;
	s31 =	sor.u32 $0x40, s29;
	s30 =	sand.u32 $0x3FFFFFE0, s23;
	s21 =	sadd.s32 s22, s21  }
0x2b: {  	[hbm4b:s21+s31] =	stream.strided.scatter [tilespmem:s19], [sflag:$0x2], s30, s8, s31, $0x18;
	[tilespmem:$0x10200] =	vst v63  }
.LBB1_5:
0x2c: {  	p1 =	slt.u32 s15, $0x2  }
0x2d: {  	s19 =	smov.u32 s18;
	p2 =	sgt.s32 @!p1 s18, $0x1C;
	s20 =	sshra.s32 @!p1 s18, $0x1F  }
0x2e: {  	p3 =	sgt.s32 @!p1 s16, $0xC0;
	p2 =	por !p2, p1;
	s18 =	sand.u32 @!p1 s20, s18  }
0x2f: {  	s20 =	sshra.s32 @!p1 s17, $0x1F;
	s19 =	simm.s32 @p2 $0x1C;
	p2 =	sgt.s32 @!p1 s17, $0xF  }
0x30: {  	s18 =	ssub.s32 @!p1 s19, s18;
	p2 =	por !p2, p1;
	s19 =	smov.u32 s17  }
0x31: {  	p3 =	por !p3, p1;
	s17 =	sand.u32 @!p1 s20, s17;
	s19 =	simm.s32 @p2 $0xF  }
0x32: {  	s20 =	sadd.s32 @!p1 $0xFFFFFFE4, s18;
	s18 =	ssub.s32 @!p1 $0x1D, s18;
	s17 =	ssub.s32 @!p1 s19, s17  }
0x33: {  	p2 =	sgt.s32 @!p1 s20, $0x0;
	s20 =	smov.u32 s16;
	s19 =	sadd.s32 @!p1 $0xFFFFFFF1, s17  }
0x34: {  	s20 =	simm.s32 @p3 $0xC0;
	p3 =	sgt.s32 @!p1 s19, $0x0;
	s19 =	sshra.s32 @!p1 s16, $0x1F  }
0x35: {  	s18 =	smul.u32 @!p1 $0xE0, s18;
	p2 =	por !p2, p1;
	s16 =	sand.u32 @!p1 s19, s16  }
0x36: {  	s17 =	ssub.s32 @!p1 $0x10, s17;
	p3 =	por !p3, p1;
	s16 =	ssub.s32 @!p1 s20, s16  }
0x37: {  	s18 =	simm.s32 @!p2 $0x0;
	s17 =	simm.s32 @!p3 $0x0;
	s19 =	sadd.s32 @!p1 $0xFFFFFF40, s16  }
0x38: {  	s20 =	smov.u32 s13;
	s17 =	smul.u32 @!p1 s17, s18;
	p2 =	sgt.s32 @!p1 s19, $0x3F  }
0x39: {  	s16 =	ssub.s32 @!p1 $0x100, s16;
	s19 =	sadd.s32 $0x40, s12;
	p2 =	por !p2, p1  }
0x3a: {  	s18 =	sadd.s32 $0x2, s13;
	s16 =	simm.s32 @!p2 $0x0;
	p2 =	sgt.s32 s19, $0xBF  }
0x3b: {  	s21 =	smov.u32 s14;
	s20 =	smov.u32 @p2 s18  }
0x3c: {  	s16 =	smul.u32 @!p1 s16, s17;
	s17 =	sadd.s32 $0x10, s14;
	p3 =	sgt.s32 s20, $0x1C  }
0x3d: {  	p0 =	por !p0, !p0;
	s22 =	simm.s32 @!p1 $0x2;
	s21 =	smov.u32 @p3 s17  }
0x3e: {  	s19 =	simm.s32 @p2 $0x0;
	s18 =	smov.u32 s10;
	p2 =	sgt.s32 s21, $0xF  }
0x3f: {  	s10 =	smov.u32 s13;
	s21 =	smov.u32 @p2 s1;
	p2 =	sne.s32 s15, s7  }
.Ltmp1:
0x40: {  	s16 =	sand.u32 @!p1 $0x3FFFFFE0, s16;
	s20 =	smov.u32 @p3 s2;
	(pc) =	sbr.rel @!p2 .LBB1_6-.Ltmp1, $4  }
0x41: {  	s17 =	smov.u32 s11;
	s11 =	smov.u32 s14;
	_ =	swait.ge @!p1 [sflag:s22], s16  }
0x42: {  	s23 =	ssub.s32 @!p1 $0x0, s16;
	s16 =	smov.u32 s9;
	s9 =	smov.u32 s12  }
0x43: {  	s12 =	smov.u32 s19;
	s13 =	smov.u32 s20;
	[sflag:s22] =	ssyncset.done @!p1 $0x0  }
0x44: {  	s15 =	sadd.s32 $0x1, s15;
	[sflag:s22] =	ssyncadd.s32 @!p1 s23;
	s14 =	smov.u32 s21  }
.LBB1_1:
0x45: {  	p1 =	sge.u32 s15, s5  }
0x46: {  	s19 =	sshll.u32 @!p1 s12, $0x8;
	s20 =	sshll.u32 @!p1 s12, $0x7  }
0x47: {  	s19 =	sand.u32 @!p1 $0xFFFFF800, s19;
	s20 =	sand.u32 @!p1 $0x300, s20  }
0x48: {  	s19 =	sor.u32 @!p1 s20, s19  }
0x49: {  	s19 =	sshrl.u32 @!p1 s19, $0x8  }
0x4a: {  	s20 =	smulhi.u32 @!p1 $0x1555556, s19  }
0x4b: {  	s21 =	smul.u32 @!p1 $0x2B800, s14  }
0x4c: {  	s20 =	smul.u32 @!p1 $0xC0, s20  }
0x4d: {  	s31 =	sadd.s32 $0xFFFFFFFF, s15;
	s22 =	smul.u32 @!p1 $0x1800, s13  }
0x4e: {  	s21 =	sadd.s32 @!p1 s3, s21;
	s19 =	ssub.s32 @!p1 s19, s20;
	s20 =	sshll.u32 @!p1 s12, $0x4  }
0x4f: {  	s23 =	sxor.u32 @!p1 $0xFFFFFFFF, s15;
	s21 =	sadd.s32 @!p1 s22, s21;
	s20 =	sand.u32 @!p1 $0x10, s20  }
0x50: {  	s22 =	sshll.u32 @!p1 s23, $0xE;
	s19 =	sshll.u32 @!p1 s19, $0x5;
	s20 =	sadd.s32 @!p1 s20, s21  }
0x51: {  	s21 =	sand.u32 @!p1 $0x4000, s22;
	s19 =	sadd.s32 @!p1 s19, s20;
	s20 =	simm.s32 @!p1 $0x0  }
0x52: {  	[tilespmem:s21], [sflag:$0x1] =	stream.linear.gather @!p1 [hbm4b:s19+s20], $0x4000, $0x38;
	[tilespmem:$0x10200] =	vst v63  }
0x53: {  	p1 =	sge.u32 s31, s5  }
.Ltmp2:
0x54: {  	_ = 	snop;
	(pc) =	sbr.rel @p1 .LBB1_5-.Ltmp2, $1  }
0x55: {  	_ =	sdelay $0x3  }
0x56: {  	s22 =	simm.s32 $0x0  }
0x57: {  	s21 =	sand.u32 $0x3800, s22;
	s23 =	sand.u32 $0x380, s22  }
0x58: {  	s19 =	sand.u32 $0x1, s15;
	s21 =	sor.u32 s23, s21  }
0x59: {  	_ =	swait.ge [sflag:s4], $0x4000;
	s20 =	sshll.u32 s19, $0xE;
	s23 =	sand.u32 $0x3B00, s21  }
0x5a: {  	[sflag:s4] =	ssyncset.done $0x0;
	s22 =	sand.u32 $0x80, s22;
	s23 =	sadd.s32 s23, s20  }
0x5b: {  	[sflag:s4] =	ssyncadd.s32 $0xFFFFC000;
	s25 =	sadd.s32 s22, s23  }
0x5c: {  	v4 =	vld [tilespmem:s25+$0x400]  }
0x5d: {  	s24 =	simm.s32 $0x1;
	v5 =	vld [tilespmem:s25+$0x0]  }
0x5e: {  	s24 =	simm.s32 @!p0 $0x0;
	v6 =	vld [tilespmem:s25+$0x10]  }
0x5f: {  	v0 =	vmov s20;
	s31 =	smul.u32 $0x10400, s24;
	v7 =	vld [tilespmem:s25+$0x20]  }
0x60: {  	v9 =	vld [tilespmem:s25+$0x30]  }
0x61: {  	s22 =	sshrl.u32 s31, $0x2;
	v10 =	vld [tilespmem:s25+$0x40]  }
0x62: {  	s22 =	sor.u32 $0x8000, s22;
	v11 =	vld [tilespmem:s25+$0x50]  }
0x63: {  	v8 =	vld [tilespmem:s25+$0x60];
	s23 =	sadd.s32 $0x0, s22  }
0x64: {  	v1 =	vld.idx.msk [tilespmem:v0+s21+$0x410 ss:$0x1], $0xffff;
	[tilespmem:s23+$0x2080 ss:$0x41] =	vst.msk $0xffff, v4  }
0x65: {  	v2 =	vld.idx.msk [tilespmem:v0+s21+$0x420 ss:$0x1], $0xffff;
	[tilespmem:s23+$0x0 ss:$0x41] =	vst.msk $0xffff, v5  }
0x66: {  	v3 =	vld.idx.msk [tilespmem:v0+s21+$0x430 ss:$0x1], $0xffff;
	[tilespmem:s23+$0x410 ss:$0x41] =	vst.msk $0xffff, v6  }
0x67: {  	s19 =	smul.u32 $0x10400, s19;
	[tilespmem:s23+$0x820 ss:$0x41] =	vst.msk $0xffff, v7;
	v7 =	vld [tilespmem:s25+$0x70]  }
0x68: {  	s26 =	simm.s32 $0x100;
	s27 =	simm.s32 $0x8;
	[tilespmem:s23+$0xC30 ss:$0x41] =	vst.msk $0xffff, v9;
	v4 =	vld.idx.msk [tilespmem:v0+s21+$0x440 ss:$0x1], $0xffff  }
0x69: {  	s28 =	sand.u32 $0x3800, s26;
	s19 =	sshrl.u32 s19, $0x2;
	[tilespmem:s23+$0x1040 ss:$0x41] =	vst.msk $0xffff, v10;
	v5 =	vld.idx.msk [tilespmem:v0+s21+$0x450 ss:$0x1], $0xffff;
	s25 =	simm.s32 $0x80  }
0x6a: {  	s24 =	simm.s32 $0x4;
	s19 =	sor.u32 $0x8000, s19;
	[tilespmem:s23+$0x1450 ss:$0x41] =	vst.msk $0xffff, v11;
	v6 =	vld.idx.msk [tilespmem:v0+s21+$0x460 ss:$0x1], $0xffff;
	s29 =	sand.u32 $0x380, s25  }
.LBB1_3:
0x6b: {  	p1 =	sne.s32 s27, $0xFC;
	[tilespmem:s23+$0x1860 ss:$0x41] =	vst.msk $0xffff, v8;
	v8 =	vld.idx.msk [tilespmem:v0+s21+$0x470 ss:$0x1], $0xffff;
	s21 =	sor.u32 s29, s28  }
0x6c: {  	s28 =	sand.u32 $0x3B00, s21;
	v9 =	vld.idx.msk [tilespmem:v0+s21+$0x410 ss:$0x1], $0xffff;
	[tilespmem:s23+$0x1C70 ss:$0x41] =	vst.msk $0xffff, v7  }
0x6d: {  	s29 =	sand.u32 $0x80, s25;
	s28 =	sadd.s32 s28, s20;
	v7 =	vld.idx.msk [tilespmem:v0+s21+$0x420 ss:$0x1], $0xffff;
	[tilespmem:s23+$0x2490 ss:$0x41] =	vst.msk $0xffff, v1  }
0x6e: {  	s28 =	sadd.s32 s29, s28;
	v10 =	vld.idx.msk [tilespmem:v0+s21+$0x430 ss:$0x1], $0xffff;
	[tilespmem:s23+$0x28A0 ss:$0x41] =	vst.msk $0xffff, v2  }
0x6f: {  	v11 =	vld [tilespmem:s28+$0x400];
	[tilespmem:s23+$0x2CB0 ss:$0x41] =	vst.msk $0xffff, v3  }
0x70: {  	v12 =	vld [tilespmem:s28+$0x0];
	[tilespmem:s23+$0x30C0 ss:$0x41] =	vst.msk $0xffff, v4  }
0x71: {  	v4 =	vld [tilespmem:s28+$0x10];
	[tilespmem:s23+$0x34D0 ss:$0x41] =	vst.msk $0xffff, v5  }
0x72: {  	s29 =	sshra.s32 s24, $0x2;
	s24 =	smov.u32 s27;
	v1 =	vmov v9;
	v5 =	vld [tilespmem:s28+$0x20];
	[tilespmem:s23+$0x38E0 ss:$0x41] =	vst.msk $0xffff, v6  }
0x73: {  	v2 =	vmov v7;
	v6 =	vld [tilespmem:s28+$0x30];
	[tilespmem:s23+$0x3CF0 ss:$0x41] =	vst.msk $0xffff, v8;
	s23 =	sadd.s32 s29, s22  }
0x74: {  	v3 =	vmov v10;
	v9 =	vld [tilespmem:s28+$0x40];
	[tilespmem:s23+$0x2080 ss:$0x41] =	vst.msk $0xffff, v11  }
0x75: {  	[tilespmem:s23+$0x0 ss:$0x41] =	vst.msk $0xffff, v12;
	v10 =	vld [tilespmem:s28+$0x50]  }
.Ltmp3:
0x76: {  	[tilespmem:s23+$0x410 ss:$0x41] =	vst.msk $0xffff, v4;
	v8 =	vld [tilespmem:s28+$0x60];
	(pc) =	sbr.rel @p1 .LBB1_3-.Ltmp3, $4  }
0x77: {  	[tilespmem:s23+$0x820 ss:$0x41] =	vst.msk $0xffff, v5;
	v7 =	vld [tilespmem:s28+$0x70]  }
0x78: {  	[tilespmem:s23+$0xC30 ss:$0x41] =	vst.msk $0xffff, v6;
	v4 =	vld.idx.msk [tilespmem:v0+s21+$0x440 ss:$0x1], $0xffff  }
0x79: {  	s25 =	sadd.s32 $0x80, s25;
	s26 =	sadd.s32 $0x100, s26;
	[tilespmem:s23+$0x1040 ss:$0x41] =	vst.msk $0xffff, v9;
	v5 =	vld.idx.msk [tilespmem:v0+s21+$0x450 ss:$0x1], $0xffff  }
0x7a: {  	s27 =	sadd.s32 $0x4, s27;
	s29 =	sand.u32 $0x380, s25;
	s28 =	sand.u32 $0x3800, s26;
	[tilespmem:s23+$0x1450 ss:$0x41] =	vst.msk $0xffff, v10;
	v6 =	vld.idx.msk [tilespmem:v0+s21+$0x460 ss:$0x1], $0xffff  }
.Ltmp4:
0x7b: {  	_ = 	snop;
	(pc) =	sbr.rel .LBB1_4-.Ltmp4, $1  }
0x7c: {  	_ =	sdelay $0x3  }
.LBB1_6:
0x7d: {  	_ =	sfence.sel $0x180000  }
0x7e: {  	s2 =	simm.s32 $0x1;
	[bflag:$0x0] =	sbarrier.arrive $0xFFFF  }
0x7f: {  	s31 =	simm.s32 $0x2;
	[sflag:s2] =	ssyncpa.u1 $0x1  }
0x80: {  	[sflag:s31] =	ssyncpa.u1 $0x1  }
0x81: {  	p0 =	sne.s32 s1, $0x0;
	_ =	strace $0x90000056  }
0x82: {  	s0 =	sadd.s32 @!p0 $0x100000, s0;
	[bflag:$0x2] =	sbarrier.arrive $0xFFFF  }
0x83: {  	[sflag:s0] =	ssyncadd.tile.s32 @!p0 $0x1;
	_ =	shalt  }
.Lfunc_end1:
_tile_overlayer_lowered:
.L_overlay_start_2:
0x84: {  	(tag) =	ssettag $0x2  }
0x85: {  	s0 =	rddreg [dreg:$0x0];
	s2 =	stileid.u32  }
0x86: {  	s1 =	rddreg [dreg:$0x1];
	p0 =	sne.s32 s2, $0x0  }
0x87: {  	s3 =	rddreg [dreg:$0x2];
	[bflag:$0x3] =	sbarrier.arrive $0xFFFF;
	s2 =	simm.s32 @!p0 $0x1C01  }
0x88: {  	[timem:s3], [sflag:s2] =	dma.local @!p0 [hbm:s0], s1  }
0x89: {  	s0 =	simm.s32 @!p0 $0x1  }
0x8a: {  	_ =	swait.ge @!p0 [sflag:s0], s1  }
0x8b: {  	s1 =	ssub.s32 @!p0 $0x0, s1;
	[sflag:s0] =	ssyncset.done @!p0 $0x0  }
0x8c: {  	[sflag:s0] =	ssyncadd.s32 @!p0 s1  }
0x8d: {  	[bflag:$0x3] =	sbarrier.arrive $0xFFFF  }
0x8e: {  	_ =	shalt  }

// kernel: sparse-core-data-format-call.cloned.1.call-start
scs
called_computation_lowered:
.L_overlay_start_0:
0x0: {  	s2 =	sld [smem:$0x3FD9]  }
0x1: {  	s3 =	sld [smem:$0x3FFE];
	_ =	sdelay $0x1  }
0x2: {  	s1 =	srdreg.scid  }
0x3: {  	s0 =	sand.u32 $0x1, s1  }
0x4: {  	s18 =	sshll.u32 s0, $0xA;
	s2 =	sadd.s32 s3, s2  }
0x5: {  	s2 =	sadd.s32 s2, s18  }
0x6: {  	[smem:$0x3FA8] =	sst s2  }
0x7: {  	_ = 	snop  }
0x8: {  	s2 =	sld [smem:$0x3FD0];
	(tm) =	ssettm $0x1  }
0x9: {  	s19 =	sld [smem:$0x3FFB];
	_ =	sdelay $0x3  }
0xa: {  	_ =	strace s19  }
0xb: {  	s3 =	sld [smem:$0x3FFC];
	_ =	sdelay $0x3  }
0xc: {  	_ =	strace s3  }
0xd: {  	s3 =	sld [smem:$0x3FFD];
	_ =	sdelay $0x3  }
0xe: {  	_ =	strace s3  }
0xf: {  	_ =	strace $0x8FFFFFFF  }
0x10: {  	s20 =	sld [smem:$0x3FDB];
	_ =	sdelay $0x1  }
0x11: {  	s4 =	simm.s32 $_scs_section_size  }
0x12: {  	s5 =	simm.s32 $_size__tile_overlayer_lowered;
	s6 =	simm.s32 $_tile_overlayer_lowered  }
0x13: {  	s23 =	simm.s32 $0x1BFF;
	s22 =	sshll.u32 s6, $0x1;
	s3 =	sadd.s32 s4, s20  }
0x14: {  	s7 =	simm.s32 $0x0;
	s21 =	sshll.u32 s5, $0x1;
	s5 =	sadd.s32 s22, s3  }
0x15: {  	[timem:s7], [sflag:s23] =	dma.local [hbm:s5], s21  }
0x16: {  	_ =	swait.ge [sflag:s23], s21  }
0x17: {  	s4 =	ssub.s32 $0x0, s21;
	[sflag:s23] =	ssyncset.done $0x0  }
0x18: {  	[sflag:s23] =	ssyncadd.s32 s4;
	_ =	sdelay $0x1  }
0x19: {  	s24 =	simm.s32 $0x1B8B  }
0x1a: {  	_ =	swait.ge [sflag:s24], $0x1  }
0x1b: {  	[sflag:s24] =	ssyncset.done $0x0  }
0x1c: {  	s26 =	simm.s32 $0x1B8E;
	s25 =	sld [smem:$0x3FFE];
	[sflag:s24] =	ssyncadd.s32 $0xFFFFFFFF  }
0x1d: {  	s27 =	simm.s32 $execute0_lowered;
	[smem:$0x3FD2] =	sst s26  }
0x1e: {  	s5 =	sshll.u32 s27, $0x1;
	_ =	strace $0x80000067;
	[dreg:$0x1] =	wrdreg $0xFFFFFFFF  }
0x1f: {  	s28 =	simm.s32 $_size_execute0_lowered;
	s3 =	sadd.s32 s3, s5;
	[dreg:$0x0] =	wrdreg $0x0  }
0x20: {  	s5 =	sshll.u32 s28, $0x1;
	[dreg:$0x2] =	wrdreg s3  }
0x21: {  	[dreg:$0x3] =	wrdreg s5  }
0x22: {  	[dreg:$0x4] =	wrdreg $0xC0  }
0x23: {  	_ =	task [dreg:s7], $0x5FFFF  }
0x24: {  	[dreg:$0x1] =	wrdreg $0xFFFFFFFF  }
0x25: {  	[dreg:$0x0] =	wrdreg $0x60  }
0x26: {  	[dreg:$0x2] =	wrdreg s25  }
0x27: {  	[dreg:$0x3] =	wrdreg s2  }
0x28: {  	[dreg:$0x4] =	wrdreg $0x9  }
0x29: {  	_ =	task.clear_ibuf [dreg:s7], $0x5FFFF;
	_ =	strace $0x90000067  }
0x2a: {  	s29 =	simm.s32 $0x9;
	_ =	strace $0x80000069  }
0x2b: {  	_ =	swait.ge [sflag:s29], $0x1  }
0x2c: {  	[sflag:s29] =	ssyncadd.s32 $0xFFFFFFFF  }
0x2d: {  	_ =	strace $0x90000069  }
0x2e: {  	_ =	sfence  }
0x2f: {  	s30 =	sld [smem:$0x0];
	_ =	sdelay $0x2  }
0x30: {  	s31 =	sshll.u32 s1, $0xD;
	s1 =	sshrl.u32 s1, $0x2  }
0x31: {  	s3 =	sand.u32 $0x4000, s31;
	s1 =	sadd.s32 s1, s30  }
0x32: {  	s0 =	sor.u32 s3, s0;
	s1 =	sshll.u32 s1, $0x11  }
0x33: {  	s0 =	sor.u32 s1, s0  }
0x34: {  	s0 =	sadd.s32 $0x8F2B, s0  }
0x35: {  	[sflag:s0] =	ssyncadd.remote.s32 $0x1  }
0x36: {  	_ =	sfence.sel $0xFFFF  }
0x37: {  	[dreg:$0x0] =	wrdreg $0xFFFFFFFF;
	(pc) =	sbr.abs _section_cstart, $3  }
0x38: {  	[dreg:$0x1] =	wrdreg $0xFFFFFFFF  }
0x39: {  	_ =	task.clear_ibuf [dreg:s7], $0x2FFFF;
	_ =	strace $0x9FFFFFFF  }
0x3a: {  	(tm) =	ssettm $0x7FFFFFFF  }
0x3b: {  	_ =	shalt  }
tec
execute0_lowered:
.L_overlay_start_1:
0x0: {  	(tag) =	ssettag $0x1  }
0x1: {  	s0 =	rddreg [dreg:$0x0]  }
0x2: {  	s4 =	stileid.u32;
	s1 =	srdreg.scid  }
0x3: {  	_ =	strace $0x80000068;
	s29 =	simm.s32 $0x1;
	s31 =	simm.s32 $0x2  }
0x4: {  	s22 =	simm.s32 $0x0;
	s24 =	simm.s32 $0x0;
	s23 =	simm.s32 $0x0  }
0x5: {  	s25 =	simm.s32 $0x0;
	s13 =	simm.s32 $0x0;
	s14 =	simm.s32 $0x0  }
0x6: {  	s15 =	simm.s32 $0x0;
	s17 =	simm.s32 $0x0;
	s16 =	simm.s32 $0x0  }
0x7: {  	s8 =	sand.u32 $0x1, s4;
	s1 =	sshll.u32 s1, $0x4;
	s0 =	sadd.s32 $0x315600, s0  }
0x8: {  	s30 =	sshll.u32 s4, $0x6;
	[sflag:s29] =	ssyncpa.u1 $0x0;
	s2 =	ssub.s32 $0x2, s8  }
0x9: {  	s1 =	sand.u32 $0x10, s1;
	[dreg:$0x4] =	wrdreg s0;
	s11 =	sand.u32 $0x80, s30  }
0xa: {  	[dreg:$0x3] =	wrdreg s8;
	s3 =	sshrl.u32 s2, $0x1;
	s2 =	sand.u32 $0x1, s2  }
.Ltmp0:
0xb: {  	s27 =	sor.u32 s4, s1;
	s28 =	sadd.s32 s2, s3;
	(pc) =	sbr.rel .LBB1_1-.Ltmp0, $4  }
0xc: {  	[dreg:$0x7] =	wrdreg s11;
	s9 =	sshrl.u32 s27, $0x2;
	s10 =	smul.u32 $0x30, s28  }
0xd: {  	s21 =	simm.s32 $0x0;
	[sflag:s31] =	ssyncpa.u1 $0x0;
	[dreg:$0x5] =	wrdreg s9  }
0xe: {  	s20 =	smov.u32 s8;
	s12 =	sor.u32 $0x1, s10;
	[dreg:$0x6] =	wrdreg s10  }
0xf: {  	s19 =	smov.u32 s11;
	s18 =	smov.u32 s9;
	[dreg:$0x8] =	wrdreg s12  }
.LBB1_18:
0x10: {  	s13 =	rddreg [dreg:$0x9]  }
0x11: {  	s15 =	rddreg [dreg:$0xb]  }
0x12: {  	s4 =	rddreg [dreg:$0x18]  }
0x13: {  	s19 =	rddreg [dreg:$0x19]  }
0x14: {  	s20 =	rddreg [dreg:$0x16]  }
0x15: {  	s22 =	rddreg [dreg:$0x17]  }
0x16: {  	s17 =	rddreg [dreg:$0xd]  }
0x17: {  	s14 =	rddreg [dreg:$0xa]  }
0x18: {  	s26 =	rddreg [dreg:$0x1]  }
0x19: {  	s29 =	rddreg [dreg:$0x1a]  }
0x1a: {  	s8 =	rddreg [dreg:$0x3]  }
0x1b: {  	s9 =	rddreg [dreg:$0x5]  }
0x1c: {  	s10 =	rddreg [dreg:$0x6]  }
0x1d: {  	s11 =	rddreg [dreg:$0x7]  }
0x1e: {  	s12 =	rddreg [dreg:$0x8]  }
0x1f: {  	s31 =	simm.s32 $0x800;
	s16 =	rddreg [dreg:$0xc];
	s0 =	sshll.u32 s13, $0x8  }
0x20: {  	p0 =	sgt.s32 s15, $0x80;
	s1 =	smov.u32 s15;
	s2 =	sshll.u32 s15, $0x3  }
0x21: {  	s3 =	sshll.u32 s13, $0x7;
	s23 =	sand.u32 $0x78, s15;
	s24 =	smul.u32 $0x150000, s17  }
0x22: {  	s25 =	smul.u32 $0x1C00, s14;
	s27 =	sand.u32 $0x7, s15;
	s0 =	sand.u32 $0xFFFFF800, s0  }
0x23: {  	s1 =	simm.s32 @!p0 $0x80;
	s2 =	sand.u32 $0xFFFFFC00, s2;
	s18 =	sand.u32 $0x300, s3  }
0x24: {  	p0 =	sgt.s32 s13, $0x60;
	s3 =	sand.u32 $0x80, s3;
	s28 =	sshll.u32 s27, $0x12  }
0x25: {  	s1 =	sadd.s32 s4, s1;
	s0 =	sadd.s32 s2, s0;
	s30 =	sor.u32 $0x400, s28  }
0x26: {  	s4 =	sadd.s32 $0xFFFFFF80, s1;
	s1 =	ssub.s32 $0x100, s1;
	s0 =	sor.u32 s18, s0  }
0x27: {  	s18 =	rddreg [dreg:$0xe];
	p1 =	sgt.s32 s4, $0x7F;
	s4 =	smov.u32 s13  }
0x28: {  	s0 =	sshrl.u32 s0, $0x8;
	s4 =	simm.s32 @!p0 $0x60;
	s1 =	simm.s32 @p1 $0x0  }
0x29: {  	s21 =	smulhi.u32 $0x124924A, s0;
	s2 =	sadd.s32 s19, s4;
	s19 =	rddreg [dreg:$0xf]  }
0x2a: {  	s1 =	smul.u32 s20, s1;
	s20 =	rddreg [dreg:$0x10];
	s5 =	sadd.s32 $0xFFFFFFA0, s2  }
0x2b: {  	s2 =	ssub.s32 $0xE0, s2;
	s4 =	smul.u32 $0xE0, s21;
	s21 =	rddreg [dreg:$0x11]  }
0x2c: {  	p0 =	sgt.s32 s5, $0x7F;
	s1 =	smul.u32 s22, s1;
	s22 =	rddreg [dreg:$0x12]  }
0x2d: {  	s2 =	simm.s32 @p0 $0x0;
	s0 =	ssub.s32 s0, s4;
	s4 =	sadd.s32 s26, s24  }
0x2e: {  	s24 =	rddreg [dreg:$0x14];
	s1 =	smul.u32 s2, s1;
	s2 =	sor.u32 s23, s3  }
0x2f: {  	s3 =	sadd.s32 s25, s4;
	s0 =	sshll.u32 s0, $0x5;
	s2 =	sshrl.u32 s2, $0x3  }
0x30: {  	s4 =	sor.u32 $0x8000, s29;
	s23 =	rddreg [dreg:$0x13];
	s2 =	sadd.s32 s2, s3  }
0x31: {  	s25 =	rddreg [dreg:$0x15];
	s1 =	sand.u32 $0x3FFFFFFF, s1;
	s0 =	sadd.s32 s0, s2  }
0x32: {  	[hbm4b:s0+s30] =	stream.strided.scatter [tilespmem:s4], [sflag:$0x2], s1, s31, s30, $0x20;
	[tilespmem:$0x10100] =	vst v63  }
.LBB1_19:
0x33: {  	p0 =	slt.u32 s21, $0x2  }
0x34: {  	s1 =	smov.u32 s25;
	p1 =	sgt.s32 @!p0 s25, $0x1;
	s0 =	sshra.s32 @!p0 s25, $0x1F  }
0x35: {  	s2 =	sshra.s32 @!p0 s24, $0x1F;
	s3 =	sshra.s32 @!p0 s23, $0x1F;
	s4 =	sshra.s32 @!p0 s22, $0x1F  }
0x36: {  	p1 =	por !p1, p0;
	s0 =	sand.u32 @!p0 s0, s25;
	s2 =	sand.u32 @!p0 s2, s24  }
0x37: {  	s3 =	sand.u32 @!p0 s3, s23;
	s4 =	sand.u32 @!p0 s4, s22;
	s25 =	smov.u32 s17  }
0x38: {  	s1 =	simm.s32 @p1 $0x1;
	s0 =	sxor.u32 @!p0 $0xFFFFFFFF, s0;
	p1 =	sgt.s32 @!p0 s24, $0xBF  }
0x39: {  	s0 =	sadd.s32 @!p0 s0, s1;
	p1 =	por !p1, p0;
	s1 =	smov.u32 s24  }
0x3a: {  	s17 =	smov.u32 s20;
	p2 =	sgt.s32 @!p0 s0, $0x0;
	s1 =	simm.s32 @p1 $0xBF  }
0x3b: {  	s0 =	ssub.s32 @!p0 $0x1, s0;
	p1 =	por !p2, p0;
	s1 =	ssub.s32 @!p0 s1, s2  }
0x3c: {  	s0 =	simm.s32 @!p1 $0x0;
	s2 =	sadd.s32 @!p0 $0xFFFFFF41, s1;
	p1 =	sgt.s32 @!p0 s23, $0x80  }
0x3d: {  	p2 =	sgt.s32 @!p0 s2, $0x0;
	p1 =	por !p1, p0;
	s2 =	smov.u32 s23  }
0x3e: {  	s1 =	ssub.s32 @!p0 $0xC0, s1;
	s2 =	simm.s32 @p1 $0x80;
	p1 =	sgt.s32 @!p0 s22, $0x60  }
0x3f: {  	p2 =	por !p2, p0;
	s2 =	ssub.s32 @!p0 s2, s3;
	p1 =	por !p1, p0  }
0x40: {  	s3 =	smov.u32 s22;
	s1 =	simm.s32 @!p2 $0x0;
	s5 =	sadd.s32 @!p0 $0xFFFFFF80, s2  }
0x41: {  	s3 =	simm.s32 @p1 $0x60;
	s2 =	ssub.s32 @!p0 $0x100, s2;
	p1 =	sgt.s32 @!p0 s5, $0x7F  }
0x42: {  	s3 =	ssub.s32 @!p0 s3, s4;
	s5 =	smov.u32 s18;
	p1 =	por !p1, p0  }
0x43: {  	s4 =	sadd.s32 @!p0 $0xFFFFFFA0, s3;
	s3 =	ssub.s32 @!p0 $0xE0, s3;
	s2 =	simm.s32 @!p1 $0x0  }
0x44: {  	p1 =	sgt.s32 @!p0 s4, $0x7F;
	s0 =	smul.u32 @!p0 s0, s2;
	s2 =	sadd.s32 $0x80, s16  }
0x45: {  	s4 =	sadd.s32 $0x8, s18;
	p1 =	por !p1, p0;
	p2 =	sgt.s32 s2, $0xDF  }
0x46: {  	s3 =	simm.s32 @!p1 $0x0;
	s0 =	smul.u32 @!p0 s1, s0;
	s5 =	smov.u32 @p2 s4  }
0x47: {  	s1 =	sadd.s32 $0x100, s19;
	s4 =	smov.u32 s19;
	p1 =	sgt.s32 s5, $0xBF  }
0x48: {  	s2 =	simm.s32 @p2 $0x0;
	s0 =	smul.u32 @!p0 s3, s0;
	s4 =	smov.u32 @p1 s1  }
0x49: {  	s1 =	sadd.s32 $0x2, s20;
	s3 =	smov.u32 s20;
	p2 =	sgt.s32 s4, $0xDF  }
0x4a: {  	s24 =	smov.u32 s14;
	s14 =	smov.u32 s18;
	s3 =	smov.u32 @p2 s1  }
0x4b: {  	s23 =	smov.u32 s15;
	s5 =	smov.u32 @p1 s9;
	p1 =	sgt.s32 s3, $0x1  }
0x4c: {  	s15 =	smov.u32 s19;
	s3 =	smov.u32 @p1 s8;
	p1 =	sne.s32 s21, s12  }
.Ltmp1:
0x4d: {  	s22 =	smov.u32 s13;
	s13 =	smov.u32 s16;
	(pc) =	sbr.rel @!p1 .LBB1_20-.Ltmp1, $4  }
0x4e: {  	s16 =	smov.u32 s2;
	s0 =	sand.u32 @!p0 $0x3FFFFFFF, s0;
	s1 =	simm.s32 @!p0 $0x2  }
0x4f: {  	s18 =	smov.u32 s5;
	s4 =	smov.u32 @p2 s11;
	_ =	swait.ge @!p0 [sflag:s1], s0  }
0x50: {  	s0 =	ssub.s32 @!p0 $0x0, s0;
	s19 =	smov.u32 s4;
	[sflag:s1] =	ssyncset.done @!p0 $0x0  }
0x51: {  	s21 =	sadd.s32 $0x1, s21;
	[sflag:s1] =	ssyncadd.s32 @!p0 s0;
	s20 =	smov.u32 s3  }
.LBB1_1:
0x52: {  	p0 =	sge.u32 s21, s10  }
.Ltmp2:
0x53: {  	_ = 	snop;
	(pc) =	sbr.rel @p0 .LBB1_3-.Ltmp2, $1  }
0x54: {  	_ =	sdelay $0x3  }
0x55: {  	s0 =	sand.u32 $0x78, s16;
	s1 =	sshll.u32 s18, $0x8;
	s2 =	sshll.u32 s16, $0x3  }
0x56: {  	s3 =	sshll.u32 s18, $0x7;
	p0 =	sgt.s32 s20, $0x1;
	s6 =	sshra.s32 s20, $0x1F  }
0x57: {  	s4 =	smov.u32 s19;
	s26 =	sshra.s32 s18, $0x1F;
	s28 =	sshra.s32 s16, $0x1F  }
0x58: {  	s29 =	sxor.u32 $0xFFFFFFFF, s21;
	s31 =	smul.u32 $0x150000, s20;
	s1 =	sand.u32 $0xFFFFF800, s1  }
0x59: {  	s2 =	sand.u32 $0xFFFFFC00, s2;
	s5 =	sand.u32 $0x300, s3;
	s3 =	sand.u32 $0x80, s3  }
0x5a: {  	s27 =	sand.u32 s26, s18;
	s1 =	sadd.s32 s1, s2;
	s0 =	sor.u32 s0, s3  }
0x5b: {  	s2 =	smov.u32 s20;
	s3 =	sand.u32 s6, s20;
	s1 =	sor.u32 s5, s1  }
0x5c: {  	s2 =	simm.s32 @!p0 $0x1;
	p0 =	sgt.s32 s19, $0x60;
	s5 =	sshra.s32 s19, $0x1F  }
0x5d: {  	s3 =	sxor.u32 $0xFFFFFFFF, s3;
	s0 =	sshrl.u32 s0, $0x3;
	s1 =	sshrl.u32 s1, $0x8  }
0x5e: {  	s4 =	simm.s32 @!p0 $0x60;
	s5 =	sand.u32 s5, s19;
	s2 =	sadd.s32 s3, s2  }
0x5f: {  	s6 =	smulhi.u32 $0x1555556, s1;
	s7 =	ssub.s32 s4, s5;
	p0 =	sgt.s32 s2, $0x0  }
0x60: {  	s2 =	ssub.s32 $0x1, s2;
	s5 =	sand.u32 s28, s16;
	s4 =	sadd.s32 $0xFFFFFFA0, s7  }
0x61: {  	s2 =	simm.s32 @p0 $0x0;
	s3 =	ssub.s32 $0xE0, s7;
	p0 =	sgt.s32 s4, $0x7F  }
0x62: {  	s28 =	sand.u32 $0x7, s16;
	s6 =	smul.u32 $0xC0, s6;
	s3 =	simm.s32 @p0 $0x0  }
0x63: {  	s4 =	smov.u32 s18;
	p0 =	sgt.s32 s18, $0xBF;
	s2 =	smul.u32 s2, s3  }
0x64: {  	s4 =	simm.s32 @!p0 $0xBF;
	p0 =	sgt.s32 s16, $0x80;
	s1 =	ssub.s32 s1, s6  }
0x65: {  	s3 =	ssub.s32 s4, s27;
	s4 =	smov.u32 s16;
	s27 =	rddreg [dreg:$0x4]  }
0x66: {  	s1 =	sshll.u32 s1, $0x5;
	s7 =	sadd.s32 $0xFFFFFF41, s3;
	s4 =	simm.s32 @!p0 $0x80  }
0x67: {  	s3 =	ssub.s32 $0xC0, s3;
	p0 =	sgt.s32 s7, $0x0;
	s4 =	ssub.s32 s4, s5  }
0x68: {  	s7 =	smul.u32 $0x1800, s19;
	s3 =	simm.s32 @p0 $0x0;
	s30 =	sadd.s32 $0xFFFFFF80, s4  }
0x69: {  	s2 =	smul.u32 s3, s2;
	p0 =	sgt.s32 s30, $0x7F;
	s3 =	ssub.s32 $0x100, s4  }
0x6a: {  	s5 =	sshll.u32 s29, $0xE;
	s4 =	sadd.s32 s27, s31;
	s3 =	simm.s32 @p0 $0x0  }
0x6b: {  	s29 =	sshll.u32 s28, $0x12;
	s4 =	sadd.s32 s7, s4;
	s2 =	smul.u32 s3, s2  }
0x6c: {  	s26 =	sand.u32 $0x4000, s5;
	s30 =	sor.u32 $0x80, s29;
	s0 =	sadd.s32 s0, s4  }
0x6d: {  	s31 =	simm.s32 $0xC000;
	s0 =	sadd.s32 s1, s0;
	s2 =	sand.u32 $0x3FFFFFFF, s2  }
0x6e: {  	[tilespmem:s26], [sflag:$0x1] =	stream.strided.gather [hbm4b:s0+s30], s2, s31, s30, $0x38;
	[tilespmem:$0x10100] =	vst v63  }
.LBB1_3:
0x6f: {  	s0 =	sadd.s32 $0xFFFFFFFF, s21  }
0x70: {  	p0 =	sge.u32 s0, s10  }
.Ltmp3:
0x71: {  	_ = 	snop;
	(pc) =	sbr.rel @p0 .LBB1_19-.Ltmp3, $1  }
0x72: {  	_ =	sdelay $0x3  }
0x73: {  	[dreg:$0x15] =	wrdreg s25  }
0x74: {  	[dreg:$0x14] =	wrdreg s24  }
0x75: {  	[dreg:$0x13] =	wrdreg s23  }
0x76: {  	[dreg:$0x12] =	wrdreg s22  }
0x77: {  	[dreg:$0x10] =	wrdreg s20  }
0x78: {  	[dreg:$0xf] =	wrdreg s19  }
0x79: {  	[dreg:$0xe] =	wrdreg s18  }
0x7a: {  	[dreg:$0xc] =	wrdreg s16;
	s0 =	sshra.s32 s17, $0x1F;
	p0 =	sgt.s32 s17, $0x1  }
0x7b: {  	s1 =	smov.u32 s17;
	s16 =	ssub.s32 $0x0, s15;
	s2 =	sshra.s32 s15, $0x1F  }
0x7c: {  	p1 =	sgt.s32 s14, $0xBF;
	s3 =	smov.u32 s14;
	[dreg:$0x9] =	wrdreg s13  }
0x7d: {  	s4 =	sshra.s32 s14, $0x1F;
	p2 =	sgt.s32 s15, $0x60;
	[dreg:$0xd] =	wrdreg s17  }
0x7e: {  	s5 =	smov.u32 s15;
	s23 =	ssub.s32 $0x0, s13;
	[dreg:$0xb] =	wrdreg s15  }
0x7f: {  	s24 =	sshra.s32 s13, $0x1F;
	[dreg:$0xa] =	wrdreg s14;
	s0 =	sand.u32 s0, s17  }
0x80: {  	s1 =	simm.s32 @!p0 $0x1;
	s3 =	simm.s32 @!p1 $0xBF;
	s4 =	sand.u32 s4, s14  }
0x81: {  	s2 =	sand.u32 s16, s2;
	s5 =	simm.s32 @!p2 $0x60;
	p1 =	sgt.s32 s13, $0x80  }
0x82: {  	s25 =	sand.u32 s23, s24;
	s0 =	sxor.u32 $0xFFFFFFFF, s0;
	s18 =	ssub.s32 s3, s4  }
0x83: {  	[dreg:$0x18] =	wrdreg s2;
	s19 =	sadd.s32 s2, s5;
	s5 =	smov.u32 s13  }
0x84: {  	s2 =	sadd.s32 $0x1, s17;
	s0 =	sadd.s32 s0, s1;
	s20 =	sadd.s32 $0xFFFFFF41, s18  }
0x85: {  	s22 =	sadd.s32 $0xFFFFFFA0, s19;
	s7 =	ssub.s32 $0xC0, s18;
	s5 =	simm.s32 @!p1 $0x80  }
0x86: {  	p0 =	sgt.s32 s0, $0x0;
	s6 =	ssub.s32 $0x1, s0;
	p1 =	sgt.s32 s22, $0x7F  }
0x87: {  	s1 =	sadd.s32 s25, s5;
	s6 =	simm.s32 @p0 $0x0;
	p0 =	sgt.s32 s20, $0x0  }
0x88: {  	s0 =	ssub.s32 $0xE0, s19;
	s26 =	sadd.s32 $0xFFFFFF80, s1;
	s7 =	simm.s32 @p0 $0x0  }
0x89: {  	s1 =	ssub.s32 $0x100, s1;
	p0 =	sgt.s32 s26, $0x7F;
	s27 =	smul.u32 s6, s7  }
0x8a: {  	s0 =	simm.s32 @p1 $0x0;
	s1 =	simm.s32 @p0 $0x0;
	p0 =	slt.s32 s2, $0x2  }
0x8b: {  	s3 =	sadd.s32 $0x80, s15;
	s2 =	simm.s32 @!p0 $0x2;
	s0 =	smul.u32 s0, s27  }
0x8c: {  	[dreg:$0x11] =	wrdreg s21;
	p0 =	slt.s32 s3, $0xE0;
	s2 =	ssub.s32 s2, s17  }
0x8d: {  	s3 =	simm.s32 @!p0 $0xE0;
	s0 =	smul.u32 s1, s0;
	s1 =	sadd.s32 $0x1, s14  }
0x8e: {  	s3 =	ssub.s32 s3, s15;
	p0 =	slt.s32 s2, $0x1;
	p1 =	slt.s32 s1, $0xC0  }
0x8f: {  	[dreg:$0x19] =	wrdreg s25;
	s1 =	simm.s32 @!p1 $0xC0;
	p1 =	slt.s32 @!p0 s3, $0x1  }
0x90: {  	s28 =	sand.u32 $0x3FFFFFFF, s0;
	s0 =	ssub.s32 s1, s14;
	p1 =	por p0, p1  }
0x91: {  	[dreg:$0x16] =	wrdreg s6;
	p2 =	slt.s32 @!p1 s0, $0x1  }
0x92: {  	[dreg:$0x17] =	wrdreg s7;
	p1 =	por p1, p2  }
.Ltmp4:
0x93: {  	[dreg:$0x1b] =	wrdreg s2;
	(pc) =	sbr.rel @p1 .LBB1_18-.Ltmp4, $4  }
0x94: {  	s29 =	simm.s32 $0x1;
	[dreg:$0x1c] =	wrdreg s3;
	s3 =	sand.u32 $0x1, s21  }
0x95: {  	_ =	swait.ge [sflag:s29], s28;
	s31 =	smul.u32 $0x4080, s3  }
0x96: {  	s30 =	ssub.s32 $0x0, s28;
	[sflag:s29] =	ssyncset.done $0x0  }
0x97: {  	[sflag:s29] =	ssyncadd.s32 s30;
	[dreg:$0x1a] =	wrdreg s31  }
0x98: {  	s2 =	rddreg [dreg:$0x9]  }
0x99: {  	s1 =	sadd.s32 $0x80, s2  }
0x9a: {  	p1 =	slt.s32 s1, $0xE0  }
.Ltmp5:
0x9b: {  	s1 =	simm.s32 @!p1 $0xE0;
	(pc) =	sbr.rel .LBB1_6-.Ltmp5, $4  }
0x9c: {  	s3 =	sshll.u32 @!p0 s3, $0xE;
	s1 =	ssub.s32 s1, s2  }
0x9d: {  	s4 =	simm.s32 $0x0;
	[dreg:$0x1d] =	wrdreg s3;
	s5 =	sadd.s32 $0xF, s1  }
0x9e: {  	s3 =	rddreg [dreg:$0x1a];
	s1 =	sand.u32 $0xFFFFFFF0, s5;
	s2 =	sand.u32 @!p0 $0xFFFFFF00, s5  }
0x9f: {  	s11 =	sor.u32 @!p0 $0x8000, s3;
	p0 =	slt.s32 s5, $0x100;
	p1 =	sge.s32 s2, s1  }
.LBB1_17:
0xa0: {  	s4 =	sadd.s32 $0x1, s4;
	s3 =	rddreg [dreg:$0x1b]  }
0xa1: {  	p2 =	sne.s32 s4, s3  }
.Ltmp6:
0xa2: {  	_ = 	snop;
	(pc) =	sbr.rel @!p2 .LBB1_18-.Ltmp6, $1  }
0xa3: {  	_ =	sdelay $0x3  }
.LBB1_6:
.Ltmp7:
0xa4: {  	(pc) =	sbr.rel .LBB1_7-.Ltmp7, $4  }
0xa5: {  	_ = 	snop  }
0xa6: {  	s3 =	sshll.u32 s4, $0x10  }
0xa7: {  	s5 =	rddreg [dreg:$0x1d];
	s3 =	sshra.s32 s3, $0x2  }
0xa8: {  	s9 =	simm.s32 $0x0;
	s6 =	sadd.s32 s3, s5  }
.LBB1_16:
0xa9: {  	s9 =	sadd.s32 $0x1, s9;
	s3 =	rddreg [dreg:$0x1c]  }
0xaa: {  	p2 =	sne.s32 s9, s3  }
.Ltmp8:
0xab: {  	_ = 	snop;
	(pc) =	sbr.rel @!p2 .LBB1_17-.Ltmp8, $1  }
0xac: {  	_ =	sdelay $0x3  }
.LBB1_7:
0xad: {  	s5 =	sshrl.u32 s9, $0x4;
	s3 =	sshll.u32 s9, $0x3;
	s7 =	sshll.u32 s9, $0x9  }
0xae: {  	s8 =	sand.u32 $0x78, s5;
	s10 =	sadd.s32 $0x800, s3;
	s13 =	sadd.s32 $0x1000, s3  }
0xaf: {  	s14 =	sadd.s32 $0x1800, s3;
	s15 =	sadd.s32 $0x2800, s3;
	s31 =	sadd.s32 $0x3000, s3  }
0xb0: {  	s12 =	smul.u32 $0x204, s8;
	s10 =	sshrl.u32 s10, $0x7;
	s8 =	sxor.u32 $0x40, s8  }
0xb1: {  	s13 =	sshrl.u32 s13, $0x7;
	s10 =	sand.u32 $0x78, s10;
	s16 =	smul.u32 $0x204, s8  }
0xb2: {  	s14 =	sshrl.u32 s14, $0x7;
	s13 =	sand.u32 $0x78, s13;
	s10 =	smul.u32 $0x204, s10  }
0xb3: {  	s30 =	sshrl.u32 s15, $0x7;
	s14 =	sand.u32 $0x78, s14;
	s13 =	smul.u32 $0x204, s13  }
0xb4: {  	s15 =	sshrl.u32 s31, $0x7;
	s8 =	sand.u32 $0x78, s30;
	s14 =	smul.u32 $0x204, s14  }
0xb5: {  	s3 =	sadd.s32 $0x3800, s3;
	s15 =	sand.u32 $0x78, s15;
	s17 =	smul.u32 $0x204, s8  }
0xb6: {  	s29 =	simm.s32 $0x0;
	s3 =	sshrl.u32 s3, $0x7;
	s15 =	smul.u32 $0x204, s15  }
.Ltmp9:
0xb7: {  	s7 =	sshra.s32 s7, $0x2;
	s18 =	sand.u32 $0x78, s3;
	(pc) =	sbr.rel .LBB1_8-.Ltmp9, $4  }
0xb8: {  	s3 =	sadd.s32 s7, s6;
	s8 =	sand.u32 $0x7F, s9;
	s18 =	smul.u32 $0x204, s18  }
0xb9: {  	s27 =	sshrl.u32 s12, $0x2;
	s7 =	sadd.s32 s8, s11;
	s21 =	sshrl.u32 s16, $0x2  }
0xba: {  	s28 =	sshrl.u32 s10, $0x2;
	s25 =	sshrl.u32 s13, $0x2;
	s26 =	sshrl.u32 s14, $0x2  }
0xbb: {  	s13 =	sshrl.u32 s17, $0x2;
	s16 =	sshrl.u32 s15, $0x2;
	s22 =	sshrl.u32 s18, $0x2  }
.LBB1_15:
0xbc: {  	s29 =	sadd.s32 $0x1, s29  }
0xbd: {  	p2 =	sne.s32 s29, s0  }
.Ltmp10:
0xbe: {  	_ = 	snop;
	(pc) =	sbr.rel @!p2 .LBB1_16-.Ltmp10, $1  }
0xbf: {  	_ =	sdelay $0x3  }
.LBB1_8:
.Ltmp11:
0xc0: {  	(pc) =	sbr.rel @p0 .LBB1_12-.Ltmp11, $2  }
0xc1: {  	_ =	sdelay $0x2  }
0xc2: {  	s23 =	sshll.u32 s29, $0x7;
	s24 =	sadd.s32 s4, s29  }
0xc3: {  	s12 =	sand.u32 $0x380, s23  }
0xc4: {  	s10 =	smul.u32 $0x10200, s24;
	s15 =	sadd.s32 s12, s3  }
0xc5: {  	v3 =	vld [tilespmem:s15+$0x60]  }
0xc6: {  	s10 =	sshra.s32 s10, $0x2;
	v2 =	vld [tilespmem:s15+$0x40]  }
0xc7: {  	v4 =	vld [tilespmem:s15+$0x30];
	s10 =	sadd.s32 s10, s11  }
0xc8: {  	v5 =	vld [tilespmem:s15+$0x20];
	s14 =	sadd.s32 s27, s10;
	s17 =	sadd.s32 s28, s10;
	s30 =	sadd.s32 s16, s10  }
0xc9: {  	v6 =	vld [tilespmem:s15+$0x10];
	s19 =	sadd.s32 s8, s17;
	s17 =	sadd.s32 s21, s10;
	s30 =	sadd.s32 s8, s30  }
0xca: {  	v7 =	vld [tilespmem:s15+$0x0];
	s18 =	sadd.s32 s8, s14;
	s14 =	sadd.s32 s26, s10;
	s17 =	sadd.s32 s8, s17;
	[tilespmem:s30+$0x0 ss:$0x81] =	vst.msk $0xffff, v3  }
0xcb: {  	s20 =	sadd.s32 s25, s10;
	s12 =	sadd.s32 s8, s14;
	[tilespmem:s17+$0x0 ss:$0x81] =	vst.msk $0xffff, v2  }
0xcc: {  	s20 =	sadd.s32 s8, s20;
	[tilespmem:s12+$0x0 ss:$0x81] =	vst.msk $0xffff, v4  }
0xcd: {  	[tilespmem:s20+$0x0 ss:$0x81] =	vst.msk $0xffff, v5  }
0xce: {  	v0 =	vld [tilespmem:s15+$0x70];
	[tilespmem:s19+$0x0 ss:$0x81] =	vst.msk $0xffff, v6  }
0xcf: {  	p2 =	sgt.s32 s2, $0x100;
	v1 =	vld [tilespmem:s15+$0x50];
	[tilespmem:s18+$0x0 ss:$0x81] =	vst.msk $0xffff, v7  }
.Ltmp12:
0xd0: {  	[tilespmem:s18+$0x0 ss:$0x81] =	vst.msk $0xffff, v7;
	(pc) =	sbr.rel @!p2 .LBB1_11-.Ltmp12, $4  }
0xd1: {  	s14 =	sadd.s32 s13, s10;
	s10 =	sadd.s32 s22, s10;
	[tilespmem:s19+$0x0 ss:$0x81] =	vst.msk $0xffff, v6  }
0xd2: {  	s10 =	sadd.s32 s8, s10;
	[tilespmem:s20+$0x0 ss:$0x81] =	vst.msk $0xffff, v5  }
0xd3: {  	s14 =	sadd.s32 s8, s14;
	[tilespmem:s10+$0x0 ss:$0x81] =	vst.msk $0xffff, v0  }
0xd4: {  	s31 =	simm.s32 $0x100;
	[tilespmem:s14+$0x0 ss:$0x81] =	vst.msk $0xffff, v1  }
.LBB1_10:
0xd5: {  	v5 =	vld [tilespmem:s15+$0x70];
	[tilespmem:s12+$0x0 ss:$0x81] =	vst.msk $0xffff, v4  }
0xd6: {  	v6 =	vld [tilespmem:s15+$0x60];
	[tilespmem:s17+$0x0 ss:$0x81] =	vst.msk $0xffff, v2  }
0xd7: {  	[tilespmem:s14+$0x0 ss:$0x81] =	vst.msk $0xffff, v1;
	v1 =	vld [tilespmem:s15+$0x50]  }
0xd8: {  	v2 =	vld [tilespmem:s15+$0x40];
	[tilespmem:s30+$0x0 ss:$0x81] =	vst.msk $0xffff, v3  }
0xd9: {  	v4 =	vld [tilespmem:s15+$0x30];
	[tilespmem:s10+$0x0 ss:$0x81] =	vst.msk $0xffff, v0  }
0xda: {  	v7 =	vld [tilespmem:s15+$0x20];
	[tilespmem:s10+$0x0 ss:$0x81] =	vst.msk $0xffff, v5;
	v0 =	vmov v5  }
0xdb: {  	v5 =	vld [tilespmem:s15+$0x10];
	[tilespmem:s30+$0x0 ss:$0x81] =	vst.msk $0xffff, v6;
	v3 =	vmov v6  }
0xdc: {  	s31 =	sadd.s32 $0x100, s31;
	v6 =	vld [tilespmem:s15+$0x0];
	[tilespmem:s14+$0x0 ss:$0x81] =	vst.msk $0xffff, v1  }
0xdd: {  	p2 =	slt.s32 s31, s2;
	[tilespmem:s17+$0x0 ss:$0x81] =	vst.msk $0xffff, v2  }
0xde: {  	[tilespmem:s12+$0x0 ss:$0x81] =	vst.msk $0xffff, v4  }
0xdf: {  	[tilespmem:s20+$0x0 ss:$0x81] =	vst.msk $0xffff, v7  }
.Ltmp13:
0xe0: {  	[tilespmem:s19+$0x0 ss:$0x81] =	vst.msk $0xffff, v5;
	(pc) =	sbr.rel @p2 .LBB1_10-.Ltmp13, $4  }
0xe1: {  	[tilespmem:s18+$0x0 ss:$0x81] =	vst.msk $0xffff, v6  }
0xe2: {  	[tilespmem:s18+$0x0 ss:$0x81] =	vst.msk $0xffff, v6  }
0xe3: {  	[tilespmem:s19+$0x0 ss:$0x81] =	vst.msk $0xffff, v5  }
0xe4: {  	[tilespmem:s20+$0x0 ss:$0x81] =	vst.msk $0xffff, v7  }
.LBB1_11:
0xe5: {  	[tilespmem:s12+$0x0 ss:$0x81] =	vst.msk $0xffff, v4  }
0xe6: {  	[tilespmem:s17+$0x0 ss:$0x81] =	vst.msk $0xffff, v2  }
0xe7: {  	[tilespmem:s14+$0x0 ss:$0x81] =	vst.msk $0xffff, v1  }
0xe8: {  	[tilespmem:s30+$0x0 ss:$0x81] =	vst.msk $0xffff, v3  }
0xe9: {  	[tilespmem:s10+$0x0 ss:$0x81] =	vst.msk $0xffff, v0  }
.LBB1_12:
.Ltmp14:
0xea: {  	(pc) =	sbr.rel @p1 .LBB1_15-.Ltmp14, $1  }
0xeb: {  	_ =	sdelay $0x3  }
0xec: {  	s12 =	sand.u32 $0x380, s23  }
0xed: {  	s10 =	smul.u32 $0x10200, s24;
	s12 =	sadd.s32 s12, s3  }
0xee: {  	v0 =	vmov s12  }
0xef: {  	s10 =	sshra.s32 s10, $0x2  }
0xf0: {  	s12 =	smov.u32 s2;
	s10 =	sadd.s32 s10, s7  }
.LBB1_14:
0xf1: {  	s15 =	sadd.s32 s12, s5  }
0xf2: {  	s14 =	sand.u32 $0x70, s12;
	s12 =	sadd.s32 $0x10, s12;
	s31 =	sand.u32 $0x78, s15  }
0xf3: {  	v1 =	vld.idx.msk [tilespmem:v0+s14+$0x0 ss:$0x1], $0xffff;
	p2 =	slt.s32 s12, s1;
	s14 =	smul.u32 $0x204, s31  }
.Ltmp15:
0xf4: {  	_ = 	snop;
	(pc) =	sbr.rel @p2 .LBB1_14-.Ltmp15, $4  }
0xf5: {  	_ = 	snop  }
0xf6: {  	s14 =	sshrl.u32 s14, $0x2  }
0xf7: {  	s14 =	sadd.s32 s14, s10  }
0xf8: {  	[tilespmem:s14+$0x0 ss:$0x81] =	vst.msk $0xffff, v1  }
.Ltmp16:
0xf9: {  	_ = 	snop;
	(pc) =	sbr.rel .LBB1_15-.Ltmp16, $1  }
0xfa: {  	_ =	sdelay $0x3  }
.LBB1_20:
0xfb: {  	_ =	sfence.sel $0x180000  }
0xfc: {  	s0 =	simm.s32 $0x1;
	[bflag:$0x0] =	sbarrier.arrive $0xFFFF  }
0xfd: {  	s30 =	simm.s32 $0x2;
	[sflag:s0] =	ssyncpa.u1 $0x1  }
0xfe: {  	[sflag:s30] =	ssyncpa.u1 $0x1  }
0xff: {  	_ =	strace $0x90000068  }
0x100: {  	s31 =	stileid.u32;
	[bflag:$0x2] =	sbarrier.arrive $0xFFFF  }
0x101: {  	p0 =	sne.s32 s31, $0x0;
	s0 =	rddreg [dreg:$0x2]  }
0x102: {  	s0 =	sadd.s32 @!p0 $0x100000, s0  }
0x103: {  	[sflag:s0] =	ssyncadd.tile.s32 @!p0 $0x1;
	_ =	shalt  }
.Lfunc_end1:
_tile_overlayer_lowered:
.L_overlay_start_2:
0x104: {  	(tag) =	ssettag $0x2  }
0x105: {  	s0 =	rddreg [dreg:$0x0];
	s2 =	stileid.u32  }
0x106: {  	s1 =	rddreg [dreg:$0x1];
	p0 =	sne.s32 s2, $0x0  }
0x107: {  	s3 =	rddreg [dreg:$0x2];
	[bflag:$0x3] =	sbarrier.arrive $0xFFFF;
	s2 =	simm.s32 @!p0 $0x1C01  }
0x108: {  	[timem:s3], [sflag:s2] =	dma.local @!p0 [hbm:s0], s1  }
0x109: {  	s0 =	simm.s32 @!p0 $0x1  }
0x10a: {  	_ =	swait.ge @!p0 [sflag:s0], s1  }
0x10b: {  	s1 =	ssub.s32 @!p0 $0x0, s1;
	[sflag:s0] =	ssyncset.done @!p0 $0x0  }
0x10c: {  	[sflag:s0] =	ssyncadd.s32 @!p0 s1  }
0x10d: {  	[bflag:$0x3] =	sbarrier.arrive $0xFFFF  }
0x10e: {  	_ =	shalt  }

</sc_bundles>
